<compile_context>
chip_gen: v7x
topology: tpu7x:2x2x1
jax: 0.10.2.dev20260603
libtpu: 0.0.44.dev20260713+nightly
codegen_flags: <defaults>
</compile_context>

<pallas_src>
import functools

import jax

jax.config.update('jax_default_matmul_precision', 'highest')
import jax.numpy as jnp
from jax import lax
from jax.experimental import pallas as pl
from jax.experimental.pallas import tpu as pltpu
from jax.experimental.pallas import tpu_sc as plsc

N_NODES = 10000
N_EDGES = 320000
N_GRAPHS = 64
HID = 128
EDGE_DIM = 2
OUT_DIM = 256
EPS = 1e-5

NC = 2
NS = 16
NW = NC * NS
EPT = N_EDGES // NW
K = 80
NCHUNK = EPT // K
PAD = 10240
RPT = PAD // NS

def _mesh():
    return plsc.VectorSubcoreMesh(core_axis_name="c", subcore_axis_name="s",
                                  num_cores=NC, num_subcores=NS)

_HI = lax.Precision.HIGHEST


def _dot(a, b):
    return lax.dot_general(a, b, (((1,), (0,)), ((), ())), precision=_HI,
                           preferred_element_type=jnp.float32)


def _sc_agg_body(t_hbm, src_hbm, dst_hbm, out_hbm, src_v, dst_v, rows_v,
                 acc_sh, sem):
    cid = lax.axis_index("c")
    sid = lax.axis_index("s")
    wid = sid * NC + cid

    def _zr(r, carry):
        for j in range(HID // 16):
            rows_v[r, pl.ds(16 * j, 16)] = jnp.zeros((16,), jnp.float32)
        return carry
    lax.fori_loop(0, K, _zr, 0)

    pltpu.sync_copy(src_hbm.at[wid], src_v)
    pltpu.sync_copy(dst_hbm.at[wid], dst_v)
    for j in range(RPT // K):
        pltpu.sync_copy(rows_v, acc_sh.at[pl.ds(sid * RPT + j * K, K)])
    plsc.subcore_barrier()

    def _chunk(i, carry):
        pltpu.async_copy(t_hbm.at[src_v.at[i]], rows_v, sem).wait()
        pltpu.sync_copy(rows_v, acc_sh.at[dst_v.at[i]], add=True)
        return carry
    lax.fori_loop(0, NCHUNK, _chunk, 0)

    plsc.subcore_barrier()
    pltpu.sync_copy(acc_sh.at[pl.ds(sid * RPT, RPT)],
                    out_hbm.at[cid, pl.ds(sid * RPT, RPT)])


def _make_sc_agg(interpret=False):
    return pl.kernel(
        _sc_agg_body,
        out_type=jax.ShapeDtypeStruct((NC, PAD, HID), jnp.float32),
        mesh=_mesh(),
        scratch_types=[
            pltpu.VMEM((NCHUNK, K), jnp.int32),
            pltpu.VMEM((NCHUNK, K), jnp.int32),
            pltpu.VMEM((K, HID), jnp.float32),
            pltpu.VMEM_SHARED((PAD, HID), jnp.float32),
            pltpu.SemaphoreType.DMA,
        ],
        interpret=interpret,
    )


_sc_agg = None


def _sc_eacnt_body(ea_hbm, dst_hbm, out_hbm, dst_v, stage_v, acc_sh, sem):
    cid = lax.axis_index("c")
    sid = lax.axis_index("s")
    wid = sid * NC + cid

    def _zr(r, carry):
        for j in range(HID // 16):
            stage_v[r, pl.ds(16 * j, 16)] = jnp.zeros((16,), jnp.float32)
        return carry
    lax.fori_loop(0, K, _zr, 0)

    pltpu.sync_copy(dst_hbm.at[wid], dst_v)
    for j in range(RPT // K):
        pltpu.sync_copy(stage_v, acc_sh.at[pl.ds(sid * RPT + j * K, K)])
    plsc.subcore_barrier()

    def _chunk(i, carry):
        pltpu.sync_copy(ea_hbm.at[wid * NCHUNK + i], stage_v)
        pltpu.sync_copy(stage_v, acc_sh.at[dst_v.at[i]], add=True)
        return carry
    lax.fori_loop(0, NCHUNK, _chunk, 0)

    plsc.subcore_barrier()
    pltpu.sync_copy(acc_sh.at[pl.ds(sid * RPT, RPT)],
                    out_hbm.at[cid, pl.ds(sid * RPT, RPT)])


def _make_sc_eacnt(interpret=False):
    return pl.kernel(
        _sc_eacnt_body,
        out_type=jax.ShapeDtypeStruct((NC, PAD, HID), jnp.float32),
        mesh=_mesh(),
        scratch_types=[
            pltpu.VMEM((NCHUNK, K), jnp.int32),
            pltpu.VMEM((K, HID), jnp.float32),
            pltpu.VMEM_SHARED((PAD, HID), jnp.float32),
            pltpu.SemaphoreType.DMA,
        ],
        interpret=interpret,
    )


_sc_eacnt = None


def _prep_body(x_ref, wx_ref, wr_ref, br_ref, t_ref, res_ref):
    x = x_ref[...]
    t_ref[...] = _dot(x, wx_ref[...])
    res_ref[...] = _dot(x, wr_ref[...]) + br_ref[...]


_prep_call = pl.pallas_call(
    _prep_body,
    out_shape=(jax.ShapeDtypeStruct((N_NODES, HID), jnp.float32),
               jax.ShapeDtypeStruct((N_NODES, HID), jnp.float32)),
)


def _upd_body(s2_ref, eac_ref, wet_ref, be_ref, wnt_ref, bn_ref, upd_ref):
    S = s2_ref[0, :N_NODES, :] + s2_ref[1, :N_NODES, :]
    eac = eac_ref[0, :N_NODES, :] + eac_ref[1, :N_NODES, :]
    eagg = eac[:, 0:2]
    cnt = eac[:, 2:3]
    inv = 1.0 / jnp.maximum(cnt, 1.0)
    aggr = (S + _dot(eagg, wet_ref[...]) + cnt * be_ref[...]) * inv
    upd_ref[...] = _dot(aggr, wnt_ref[...]) + bn_ref[...]


_upd_call = pl.pallas_call(
    _upd_body,
    out_shape=jax.ShapeDtypeStruct((N_NODES, HID), jnp.float32),
)


def _bnrelu_body(has_next, upd_ref, res_ref, gam_ref, bet_ref, *rest):
    if has_next:
        wxn_ref, h_ref, t_ref = rest
    else:
        (h_ref,) = rest
    upd = upd_ref[...]
    mu = jnp.mean(upd, axis=0, keepdims=True)
    var = jnp.mean((upd - mu) ** 2, axis=0, keepdims=True)
    out = (upd - mu) / jnp.sqrt(var + EPS) * gam_ref[...] + bet_ref[...]
    h = jnp.maximum(out + res_ref[...], 0.0)
    h_ref[...] = h
    if has_next:
        t_ref[...] = _dot(h, wxn_ref[...])


_bnrelu_call_mid = pl.pallas_call(
    functools.partial(_bnrelu_body, True),
    out_shape=(jax.ShapeDtypeStruct((N_NODES, HID), jnp.float32),
               jax.ShapeDtypeStruct((N_NODES, HID), jnp.float32)),
)

_bnrelu_call_last = pl.pallas_call(
    functools.partial(_bnrelu_body, False),
    out_shape=jax.ShapeDtypeStruct((N_NODES, HID), jnp.float32),
)


def _readout_body(h_ref, b_ref, w1_ref, b1_ref, g1_ref, be1_ref, w2_ref,
                  b2_ref, out_ref, mxs_ref):
    h = h_ref[...]
    b = b_ref[...]
    gids = lax.broadcasted_iota(jnp.int32, (1, N_GRAPHS), 1)
    mask = (b == gids).astype(jnp.float32)
    sums = lax.dot_general(mask, h, (((0,), (0,)), ((), ())), precision=_HI,
                           preferred_element_type=jnp.float32)
    gcnt = jnp.sum(mask, axis=0)[:, None]
    mean = sums / jnp.maximum(gcnt, 1.0)

    def _gmax(g, carry):
        row = jnp.max(jnp.where(b == g, h, -jnp.inf), axis=0)
        mxs_ref[pl.ds(g, 1), :] = row[None, :]
        return carry
    lax.fori_loop(0, N_GRAPHS, _gmax, 0)
    mx = jnp.where(gcnt > 0, mxs_ref[...], 0.0)

    g = jnp.concatenate([mean, mx], axis=1)
    g = _dot(g, w1_ref[...]) + b1_ref[...]
    mu = jnp.mean(g, axis=0, keepdims=True)
    var = jnp.mean((g - mu) ** 2, axis=0, keepdims=True)
    g = (g - mu) / jnp.sqrt(var + EPS) * g1_ref[...] + be1_ref[...]
    g = jnp.maximum(g, 0.0)
    g = _dot(g, w2_ref[...]) + b2_ref[...]
    nrm = jnp.sqrt(jnp.sum(g * g, axis=1, keepdims=True))
    out_ref[...] = g / jnp.maximum(nrm, 1e-12)


_readout_call = pl.pallas_call(
    _readout_body,
    out_shape=jax.ShapeDtypeStruct((N_GRAPHS, OUT_DIM), jnp.float32),
    scratch_shapes=[pltpu.VMEM((N_GRAPHS, HID), jnp.float32)],
)


def kernel(x, edge_index, edge_attr, batch, params):
    src = jnp.reshape(edge_index[0], (NW, NCHUNK, K))
    dst = jnp.reshape(edge_index[1], (NW, NCHUNK, K))
    ear = jnp.reshape(
        jnp.concatenate([edge_attr,
                         jnp.ones((N_EDGES, 1), jnp.float32),
                         jnp.zeros((N_EDGES, HID - 3), jnp.float32)], axis=1),
        (NW * NCHUNK, K, HID))
    convs = params['convs']

    global _sc_agg, _sc_eacnt
    if _sc_agg is None:
        _sc_agg = _make_sc_agg()
    if _sc_eacnt is None:
        _sc_eacnt = _make_sc_eacnt()

    p0 = convs[0]
    t, res = _prep_call(x, p0['We'][:, :4].T, p0['Wr'].T,
                        p0['br'].reshape(1, HID))
    eac2 = _sc_eacnt(ear, dst)[:, :, :4]

    for l in range(8):
        p = convs[l]
        in_c = p['We'].shape[1] - EDGE_DIM
        S2 = _sc_agg(t, src, dst)
        upd = _upd_call(S2, eac2,
                        p['We'][:, in_c:].T, p['be'].reshape(1, HID),
                        p['Wn'].T, p['bn'].reshape(1, HID))
        args = (upd, res, p['gamma'].reshape(1, HID), p['beta'].reshape(1, HID))
        if l < 7:
            wxn = convs[l + 1]['We'][:, :HID].T
            h, t = _bnrelu_call_mid(*args, wxn)
            res = h
        else:
            h = _bnrelu_call_last(*args)

    return _readout_call(h, batch.reshape(N_NODES, 1),
                         params['fc1W'].T, params['fc1b'].reshape(1, HID),
                         params['bn1g'].reshape(1, HID),
                         params['bn1b'].reshape(1, HID),
                         params['fc2W'].T, params['fc2b'].reshape(1, OUT_DIM))

# --- scband reference (transcript-rebuilt; emitter-appended) ---
"""Pipeline reference for scband-fingerprint-descriptor-gnn-13469017441128 (READ-ONLY COPY).

The authoritative reference and input builder live on the scoring server;
editing this copy changes nothing except your own understanding.
"""

import jax, jax.numpy as jnp
import numpy as np

N_NODES = 10000
N_EDGES = 320000
N_GRAPHS = 64
HID = 128
EDGE_DIM = 2
OUT_DIM = 256
EPS = 1e-5


def _linear(key, in_dim, out_dim):
    k1, k2 = jax.random.split(key)
    lim = 1.0 / np.sqrt(in_dim)
    W = jax.random.uniform(k1, (out_dim, in_dim), minval=-lim, maxval=lim, dtype=jnp.float32)
    b = jax.random.uniform(k2, (out_dim,), minval=-lim, maxval=lim, dtype=jnp.float32)
    return W, b


def _make_params(key):
    in_dims = [4] + [HID] * 7
    convs = []
    for in_c in in_dims:
        key, k1, k2, k3 = jax.random.split(key, 4)
        We, be = _linear(k1, in_c + EDGE_DIM, HID)
        Wn, bn = _linear(k2, HID, HID)
        p = {'We': We, 'be': be, 'Wn': Wn, 'bn': bn,
             'gamma': jnp.ones((HID,), jnp.float32), 'beta': jnp.zeros((HID,), jnp.float32)}
        if in_c != HID:
            Wr, br = _linear(k3, in_c, HID)
            p['Wr'] = Wr
            p['br'] = br
        convs.append(p)
    key, k1, k2 = jax.random.split(key, 3)
    fc1W, fc1b = _linear(k1, 2 * HID, HID)
    fc2W, fc2b = _linear(k2, HID, OUT_DIM)
    return {'convs': convs, 'fc1W': fc1W, 'fc1b': fc1b,
            'bn1g': jnp.ones((HID,), jnp.float32), 'bn1b': jnp.zeros((HID,), jnp.float32),
            'fc2W': fc2W, 'fc2b': fc2b}


def setup_inputs(seed: int = 0):
    key = jax.random.key(seed)
    k0, k1, k2, k3, k4 = jax.random.split(key, 5)
    x = jax.random.normal(k0, (N_NODES, 4), dtype=jnp.float32)
    edge_index = jax.random.randint(k1, (2, N_EDGES), 0, N_NODES, dtype=jnp.int32)
    edge_attr = jax.random.normal(k2, (N_EDGES, EDGE_DIM), dtype=jnp.float32)
    batch = jnp.sort(jax.random.randint(k3, (N_NODES,), 0, N_GRAPHS, dtype=jnp.int32))
    params = _make_params(k4)
    return {'x': x, 'edge_index': edge_index, 'edge_attr': edge_attr, 'batch': batch, 'params': params}


def _bn(x, g, b):
    mu = jnp.mean(x, axis=0, keepdims=True)
    var = jnp.var(x, axis=0, keepdims=True)
    return (x - mu) / jnp.sqrt(var + EPS) * g + b


def _conv(x, edge_index, edge_attr, p):
    src = edge_index[0]
    dst = edge_index[1]
    comb = jnp.concatenate([x[src], edge_attr], axis=1)
    msg = comb @ p['We'].T + p['be']
    s = jax.ops.segment_sum(msg, dst, num_segments=N_NODES)
    cnt = jax.ops.segment_sum(jnp.ones((dst.shape[0], 1), jnp.float32), dst, num_segments=N_NODES)
    aggr = s / jnp.maximum(cnt, 1.0)
    upd = aggr @ p['Wn'].T + p['bn']
    out = _bn(upd, p['gamma'], p['beta'])
    res = x @ p['Wr'].T + p['br'] if 'Wr' in p else x
    return jax.nn.relu(out + res)


def _forward(x, edge_index, edge_attr, batch, params):
    h = x
    for p in params['convs']:
        h = _conv(h, edge_index, edge_attr, p)
    s = jax.ops.segment_sum(h, batch, num_segments=N_GRAPHS)
    cnt = jax.ops.segment_sum(jnp.ones((h.shape[0], 1), jnp.float32), batch, num_segments=N_GRAPHS)
    mean = s / jnp.maximum(cnt, 1.0)
    mx = jax.ops.segment_max(h, batch, num_segments=N_GRAPHS)
    mx = jnp.where(cnt > 0, mx, 0.0)
    g = jnp.concatenate([mean, mx], axis=1)
    g = jax.nn.relu(_bn(g @ params['fc1W'].T + params['fc1b'], params['bn1g'], params['bn1b']))
    g = g @ params['fc2W'].T + params['fc2b']
    norm = jnp.maximum(jnp.linalg.norm(g, axis=1, keepdims=True), 1e-12)
    return g / norm


def reference(x, edge_index, edge_attr, batch, params):
    return _forward(x, edge_index, edge_attr, batch, params)

if __name__ == "__main__":
    import jax
    _d = setup_inputs()
    print(jax.jit(kernel)(*tuple(_d.values())))

</pallas_src>

<mosaic_0001>
#map = affine_map<(d0, d1) -> (0, 0, 0)>
module attributes {stable_mosaic.version = 14 : i64} {
  func.func @_sc_eacnt_body(%arg0: i32, %arg1: i32, %arg2: memref<4000x80x128xf32, #tpu.memory_space<hbm>>, %arg3: memref<32x125x80xi32, #tpu.memory_space<hbm>>, %arg4: memref<2x10240x128xf32, #tpu.memory_space<hbm>>, %arg5: memref<125x80xi32, #tpu.memory_space<vmem>>, %arg6: memref<80x128xf32, #tpu.memory_space<vmem>>, %arg7: memref<10240x128xf32, #tpu.memory_space<vmem_shared>>, %arg8: memref<!tpu.dma_semaphore, #tpu.memory_space<semaphore_mem>>) attributes {dimension_semantics = [#tpu.dimension_semantics<core_parallel>, #tpu.dimension_semantics<subcore_parallel>], iteration_bounds = array<i64: 2, 16>, scalar_prefetch = 0 : i64, scratch_operands = 4 : i64, tpu.core_type = #tpu.core_type<sc_vector_subcore>, window_params = [{transform_indices = #map}, {transform_indices = #map}, {transform_indices = #map}]} {
    %mul3A = arith.constant 2 : i32
    %mul3A_0 = arith.muli %arg1, %mul3A : i32
    %add3A = arith.addi %mul3A_0, %arg0 : i32
    %scan3A = arith.constant 0 : i32
    %scan3A_1 = arith.constant 0 : i32
    %scan3A_2 = arith.constant 80 : i32
    %scan3A_3 = arith.addi %scan3A_1, %scan3A_2 : i32
    %scan3A_4 = arith.constant 1 : i32
    scf.for %scan3A_49 = %scan3A_1 to %scan3A_3 step %scan3A_4  : i32 {
      %broadcast_in_dim3A = arith.constant 0.000000e+00 : f32
      %broadcast_in_dim3A_50 = vector.broadcast %broadcast_in_dim3A : f32 to vector<16xf32>
      %swap3A = arith.index_cast %scan3A_49 : i32 to index
      %swap3A_51 = arith.constant 0 : index
      %swap3A_52 = tpu.vector_load %arg6[%swap3A, %swap3A_51] {strides = array<i32>} : memref<80x128xf32, #tpu.memory_space<vmem>>, vector<1x16xf32>,
      %swap3A_53 = vector.shape_cast %swap3A_52 : vector<1x16xf32> to vector<16xf32>
      %swap3A_54 = vector.shape_cast %broadcast_in_dim3A_50 : vector<16xf32> to vector<1x16xf32>
      tpu.vector_store %arg6[%swap3A, %swap3A_51], %swap3A_54 {strides = array<i32>} : memref<80x128xf32, #tpu.memory_space<vmem>>, vector<1x16xf32>,
      %broadcast_in_dim3A_55 = arith.constant 0.000000e+00 : f32
      %broadcast_in_dim3A_56 = vector.broadcast %broadcast_in_dim3A_55 : f32 to vector<16xf32>
      %swap3A_57 = arith.index_cast %scan3A_49 : i32 to index
      %swap3A_58 = arith.constant 16 : index
      %swap3A_59 = tpu.vector_load %arg6[%swap3A_57, %swap3A_58] {strides = array<i32>} : memref<80x128xf32, #tpu.memory_space<vmem>>, vector<1x16xf32>,
      %swap3A_60 = vector.shape_cast %swap3A_59 : vector<1x16xf32> to vector<16xf32>
      %swap3A_61 = vector.shape_cast %broadcast_in_dim3A_56 : vector<16xf32> to vector<1x16xf32>
      tpu.vector_store %arg6[%swap3A_57, %swap3A_58], %swap3A_61 {strides = array<i32>} : memref<80x128xf32, #tpu.memory_space<vmem>>, vector<1x16xf32>,
      %broadcast_in_dim3A_62 = arith.constant 0.000000e+00 : f32
      %broadcast_in_dim3A_63 = vector.broadcast %broadcast_in_dim3A_62 : f32 to vector<16xf32>
      %swap3A_64 = arith.index_cast %scan3A_49 : i32 to index
      %swap3A_65 = arith.constant 32 : index
      %swap3A_66 = tpu.vector_load %arg6[%swap3A_64, %swap3A_65] {strides = array<i32>} : memref<80x128xf32, #tpu.memory_space<vmem>>, vector<1x16xf32>,
      %swap3A_67 = vector.shape_cast %swap3A_66 : vector<1x16xf32> to vector<16xf32>
      %swap3A_68 = vector.shape_cast %broadcast_in_dim3A_63 : vector<16xf32> to vector<1x16xf32>
      tpu.vector_store %arg6[%swap3A_64, %swap3A_65], %swap3A_68 {strides = array<i32>} : memref<80x128xf32, #tpu.memory_space<vmem>>, vector<1x16xf32>,
      %broadcast_in_dim3A_69 = arith.constant 0.000000e+00 : f32
      %broadcast_in_dim3A_70 = vector.broadcast %broadcast_in_dim3A_69 : f32 to vector<16xf32>
      %swap3A_71 = arith.index_cast %scan3A_49 : i32 to index
      %swap3A_72 = arith.constant 48 : index
      %swap3A_73 = tpu.vector_load %arg6[%swap3A_71, %swap3A_72] {strides = array<i32>} : memref<80x128xf32, #tpu.memory_space<vmem>>, vector<1x16xf32>,
      %swap3A_74 = vector.shape_cast %swap3A_73 : vector<1x16xf32> to vector<16xf32>
      %swap3A_75 = vector.shape_cast %broadcast_in_dim3A_70 : vector<16xf32> to vector<1x16xf32>
      tpu.vector_store %arg6[%swap3A_71, %swap3A_72], %swap3A_75 {strides = array<i32>} : memref<80x128xf32, #tpu.memory_space<vmem>>, vector<1x16xf32>,
      %broadcast_in_dim3A_76 = arith.constant 0.000000e+00 : f32
      %broadcast_in_dim3A_77 = vector.broadcast %broadcast_in_dim3A_76 : f32 to vector<16xf32>
      %swap3A_78 = arith.index_cast %scan3A_49 : i32 to index
      %swap3A_79 = arith.constant 64 : index
      %swap3A_80 = tpu.vector_load %arg6[%swap3A_78, %swap3A_79] {strides = array<i32>} : memref<80x128xf32, #tpu.memory_space<vmem>>, vector<1x16xf32>,
      %swap3A_81 = vector.shape_cast %swap3A_80 : vector<1x16xf32> to vector<16xf32>
      %swap3A_82 = vector.shape_cast %broadcast_in_dim3A_77 : vector<16xf32> to vector<1x16xf32>
      tpu.vector_store %arg6[%swap3A_78, %swap3A_79], %swap3A_82 {strides = array<i32>} : memref<80x128xf32, #tpu.memory_space<vmem>>, vector<1x16xf32>,
      %broadcast_in_dim3A_83 = arith.constant 0.000000e+00 : f32
      %broadcast_in_dim3A_84 = vector.broadcast %broadcast_in_dim3A_83 : f32 to vector<16xf32>
      %swap3A_85 = arith.index_cast %scan3A_49 : i32 to index
      %swap3A_86 = arith.constant 80 : index
      %swap3A_87 = tpu.vector_load %arg6[%swap3A_85, %swap3A_86] {strides = array<i32>} : memref<80x128xf32, #tpu.memory_space<vmem>>, vector<1x16xf32>,
      %swap3A_88 = vector.shape_cast %swap3A_87 : vector<1x16xf32> to vector<16xf32>
      %swap3A_89 = vector.shape_cast %broadcast_in_dim3A_84 : vector<16xf32> to vector<1x16xf32>
      tpu.vector_store %arg6[%swap3A_85, %swap3A_86], %swap3A_89 {strides = array<i32>} : memref<80x128xf32, #tpu.memory_space<vmem>>, vector<1x16xf32>,
      %broadcast_in_dim3A_90 = arith.constant 0.000000e+00 : f32
      %broadcast_in_dim3A_91 = vector.broadcast %broadcast_in_dim3A_90 : f32 to vector<16xf32>
      %swap3A_92 = arith.index_cast %scan3A_49 : i32 to index
      %swap3A_93 = arith.constant 96 : index
      %swap3A_94 = tpu.vector_load %arg6[%swap3A_92, %swap3A_93] {strides = array<i32>} : memref<80x128xf32, #tpu.memory_space<vmem>>, vector<1x16xf32>,
      %swap3A_95 = vector.shape_cast %swap3A_94 : vector<1x16xf32> to vector<16xf32>
      %swap3A_96 = vector.shape_cast %broadcast_in_dim3A_91 : vector<16xf32> to vector<1x16xf32>
      tpu.vector_store %arg6[%swap3A_92, %swap3A_93], %swap3A_96 {strides = array<i32>} : memref<80x128xf32, #tpu.memory_space<vmem>>, vector<1x16xf32>,
      %broadcast_in_dim3A_97 = arith.constant 0.000000e+00 : f32
      %broadcast_in_dim3A_98 = vector.broadcast %broadcast_in_dim3A_97 : f32 to vector<16xf32>
      %swap3A_99 = arith.index_cast %scan3A_49 : i32 to index
      %swap3A_100 = arith.constant 112 : index
      %swap3A_101 = tpu.vector_load %arg6[%swap3A_99, %swap3A_100] {strides = array<i32>} : memref<80x128xf32, #tpu.memory_space<vmem>>, vector<1x16xf32>,
      %swap3A_102 = vector.shape_cast %swap3A_101 : vector<1x16xf32> to vector<16xf32>
      %swap3A_103 = vector.shape_cast %broadcast_in_dim3A_98 : vector<16xf32> to vector<1x16xf32>
      tpu.vector_store %arg6[%swap3A_99, %swap3A_100], %swap3A_103 {strides = array<i32>} : memref<80x128xf32, #tpu.memory_space<vmem>>, vector<1x16xf32>,
    }
    %scan3A_5 = arith.constant 80 : i32
    "tpu.region"() ({
      %run_scoped3A = tpu.sem_alloc : memref<!tpu.dma_semaphore, #tpu.memory_space<semaphore_mem>>
      %dma_start3A = arith.constant 0 : i32
      %dma_start3A_49 = arith.constant 0 : i32
      %dma_start3A_50 = tpu.memref_slice %arg3[%add3A, %dma_start3A, %dma_start3A_49] : memref<32x125x80xi32, #tpu.memory_space<hbm>> -> memref<1x125x80xi32, #tpu.memory_space<hbm>>
      %dma_start3A_51 = tpu.memref_squeeze %dma_start3A_50 : memref<1x125x80xi32, #tpu.memory_space<hbm>> -> memref<125x80xi32, #tpu.memory_space<hbm>>
      %dma_start3A_52 = arith.constant 0 : i32
      %dma_start3A_53 = arith.constant 0 : i32
      %dma_start3A_54 = tpu.memref_slice %arg3[%add3A, %dma_start3A_52, %dma_start3A_53] : memref<32x125x80xi32, #tpu.memory_space<hbm>> -> memref<1x125x80xi32, #tpu.memory_space<hbm>>
      %dma_start3A_55 = tpu.memref_squeeze %dma_start3A_54 : memref<1x125x80xi32, #tpu.memory_space<hbm>> -> memref<125x80xi32, #tpu.memory_space<hbm>>
      tpu.enqueue_dma source(%dma_start3A_55 : memref<125x80xi32, #tpu.memory_space<hbm>>) target(%arg5 : memref<125x80xi32, #tpu.memory_space<vmem>>) target_semaphore(%run_scoped3A : memref<!tpu.dma_semaphore, #tpu.memory_space<semaphore_mem>>)
      %dma_wait3A = arith.constant 0 : i32
      %dma_wait3A_56 = arith.constant 0 : i32
      %dma_wait3A_57 = tpu.memref_slice %arg3[%add3A, %dma_wait3A, %dma_wait3A_56] : memref<32x125x80xi32, #tpu.memory_space<hbm>> -> memref<1x125x80xi32, #tpu.memory_space<hbm>>
      %dma_wait3A_58 = tpu.memref_squeeze %dma_wait3A_57 : memref<1x125x80xi32, #tpu.memory_space<hbm>> -> memref<125x80xi32, #tpu.memory_space<hbm>>
      %dma_wait3A_59 = arith.constant 0 : i32
      %dma_wait3A_60 = arith.constant 0 : i32
      %dma_wait3A_61 = tpu.memref_slice %arg3[%add3A, %dma_wait3A_59, %dma_wait3A_60] : memref<32x125x80xi32, #tpu.memory_space<hbm>> -> memref<1x125x80xi32, #tpu.memory_space<hbm>>
      %dma_wait3A_62 = tpu.memref_squeeze %dma_wait3A_61 : memref<1x125x80xi32, #tpu.memory_space<hbm>> -> memref<125x80xi32, #tpu.memory_space<hbm>>
      tpu.wait_dma2 semaphore(%run_scoped3A : memref<!tpu.dma_semaphore, #tpu.memory_space<semaphore_mem>>) src(%dma_wait3A_62 : memref<125x80xi32, #tpu.memory_space<hbm>>) dst(%arg5 : memref<125x80xi32, #tpu.memory_space<vmem>>)
      tpu.yield
    }) : () -> ()
    %mul3A_6 = arith.constant 640 : i32
    %mul3A_7 = arith.muli %arg1, %mul3A_6 : i32
    %add3A_8 = arith.constant 0 : i32
    %add3A_9 = arith.addi %mul3A_7, %add3A_8 : i32
    "tpu.region"() ({
      %run_scoped3A = tpu.sem_alloc : memref<!tpu.dma_semaphore, #tpu.memory_space<semaphore_mem>>
      %dma_start3A = arith.constant 0 : i32
      %dma_start3A_49 = tpu.memref_slice %arg7[%add3A_9, %dma_start3A] : memref<10240x128xf32, #tpu.memory_space<vmem_shared>> -> memref<80x128xf32, #tpu.memory_space<vmem_shared>>
      %dma_start3A_50 = arith.constant 0 : i32
      %dma_start3A_51 = tpu.memref_slice %arg7[%add3A_9, %dma_start3A_50] : memref<10240x128xf32, #tpu.memory_space<vmem_shared>> -> memref<80x128xf32, #tpu.memory_space<vmem_shared>>
      tpu.enqueue_dma source(%arg6 : memref<80x128xf32, #tpu.memory_space<vmem>>) target(%dma_start3A_51 : memref<80x128xf32, #tpu.memory_space<vmem_shared>>) target_semaphore(%run_scoped3A : memref<!tpu.dma_semaphore, #tpu.memory_space<semaphore_mem>>)
      %dma_wait3A = arith.constant 0 : i32
      %dma_wait3A_52 = tpu.memref_slice %arg7[%add3A_9, %dma_wait3A] : memref<10240x128xf32, #tpu.memory_space<vmem_shared>> -> memref<80x128xf32, #tpu.memory_space<vmem_shared>>
      %dma_wait3A_53 = arith.constant 0 : i32
      %dma_wait3A_54 = tpu.memref_slice %arg7[%add3A_9, %dma_wait3A_53] : memref<10240x128xf32, #tpu.memory_space<vmem_shared>> -> memref<80x128xf32, #tpu.memory_space<vmem_shared>>
      tpu.wait_dma2 semaphore(%run_scoped3A : memref<!tpu.dma_semaphore, #tpu.memory_space<semaphore_mem>>) src(%arg6 : memref<80x128xf32, #tpu.memory_space<vmem>>) dst(%dma_wait3A_54 : memref<80x128xf32, #tpu.memory_space<vmem_shared>>)
      tpu.yield
    }) : () -> ()
    %mul3A_10 = arith.constant 640 : i32
    %mul3A_11 = arith.muli %arg1, %mul3A_10 : i32
    %add3A_12 = arith.constant 80 : i32
    %add3A_13 = arith.addi %mul3A_11, %add3A_12 : i32
    "tpu.region"() ({
      %run_scoped3A = tpu.sem_alloc : memref<!tpu.dma_semaphore, #tpu.memory_space<semaphore_mem>>
      %dma_start3A = arith.constant 0 : i32
      %dma_start3A_49 = tpu.memref_slice %arg7[%add3A_13, %dma_start3A] : memref<10240x128xf32, #tpu.memory_space<vmem_shared>> -> memref<80x128xf32, #tpu.memory_space<vmem_shared>>
      %dma_start3A_50 = arith.constant 0 : i32
      %dma_start3A_51 = tpu.memref_slice %arg7[%add3A_13, %dma_start3A_50] : memref<10240x128xf32, #tpu.memory_space<vmem_shared>> -> memref<80x128xf32, #tpu.memory_space<vmem_shared>>
      tpu.enqueue_dma source(%arg6 : memref<80x128xf32, #tpu.memory_space<vmem>>) target(%dma_start3A_51 : memref<80x128xf32, #tpu.memory_space<vmem_shared>>) target_semaphore(%run_scoped3A : memref<!tpu.dma_semaphore, #tpu.memory_space<semaphore_mem>>)
      %dma_wait3A = arith.constant 0 : i32
      %dma_wait3A_52 = tpu.memref_slice %arg7[%add3A_13, %dma_wait3A] : memref<10240x128xf32, #tpu.memory_space<vmem_shared>> -> memref<80x128xf32, #tpu.memory_space<vmem_shared>>
      %dma_wait3A_53 = arith.constant 0 : i32
      %dma_wait3A_54 = tpu.memref_slice %arg7[%add3A_13, %dma_wait3A_53] : memref<10240x128xf32, #tpu.memory_space<vmem_shared>> -> memref<80x128xf32, #tpu.memory_space<vmem_shared>>
      tpu.wait_dma2 semaphore(%run_scoped3A : memref<!tpu.dma_semaphore, #tpu.memory_space<semaphore_mem>>) src(%arg6 : memref<80x128xf32, #tpu.memory_space<vmem>>) dst(%dma_wait3A_54 : memref<80x128xf32, #tpu.memory_space<vmem_shared>>)
      tpu.yield
    }) : () -> ()
    %mul3A_14 = arith.constant 640 : i32
    %mul3A_15 = arith.muli %arg1, %mul3A_14 : i32
    %add3A_16 = arith.constant 160 : i32
    %add3A_17 = arith.addi %mul3A_15, %add3A_16 : i32
    "tpu.region"() ({
      %run_scoped3A = tpu.sem_alloc : memref<!tpu.dma_semaphore, #tpu.memory_space<semaphore_mem>>
      %dma_start3A = arith.constant 0 : i32
      %dma_start3A_49 = tpu.memref_slice %arg7[%add3A_17, %dma_start3A] : memref<10240x128xf32, #tpu.memory_space<vmem_shared>> -> memref<80x128xf32, #tpu.memory_space<vmem_shared>>
      %dma_start3A_50 = arith.constant 0 : i32
      %dma_start3A_51 = tpu.memref_slice %arg7[%add3A_17, %dma_start3A_50] : memref<10240x128xf32, #tpu.memory_space<vmem_shared>> -> memref<80x128xf32, #tpu.memory_space<vmem_shared>>
      tpu.enqueue_dma source(%arg6 : memref<80x128xf32, #tpu.memory_space<vmem>>) target(%dma_start3A_51 : memref<80x128xf32, #tpu.memory_space<vmem_shared>>) target_semaphore(%run_scoped3A : memref<!tpu.dma_semaphore, #tpu.memory_space<semaphore_mem>>)
      %dma_wait3A = arith.constant 0 : i32
      %dma_wait3A_52 = tpu.memref_slice %arg7[%add3A_17, %dma_wait3A] : memref<10240x128xf32, #tpu.memory_space<vmem_shared>> -> memref<80x128xf32, #tpu.memory_space<vmem_shared>>
      %dma_wait3A_53 = arith.constant 0 : i32
      %dma_wait3A_54 = tpu.memref_slice %arg7[%add3A_17, %dma_wait3A_53] : memref<10240x128xf32, #tpu.memory_space<vmem_shared>> -> memref<80x128xf32, #tpu.memory_space<vmem_shared>>
      tpu.wait_dma2 semaphore(%run_scoped3A : memref<!tpu.dma_semaphore, #tpu.memory_space<semaphore_mem>>) src(%arg6 : memref<80x128xf32, #tpu.memory_space<vmem>>) dst(%dma_wait3A_54 : memref<80x128xf32, #tpu.memory_space<vmem_shared>>)
      tpu.yield
    }) : () -> ()
    %mul3A_18 = arith.constant 640 : i32
    %mul3A_19 = arith.muli %arg1, %mul3A_18 : i32
    %add3A_20 = arith.constant 240 : i32
    %add3A_21 = arith.addi %mul3A_19, %add3A_20 : i32
    "tpu.region"() ({
      %run_scoped3A = tpu.sem_alloc : memref<!tpu.dma_semaphore, #tpu.memory_space<semaphore_mem>>
      %dma_start3A = arith.constant 0 : i32
      %dma_start3A_49 = tpu.memref_slice %arg7[%add3A_21, %dma_start3A] : memref<10240x128xf32, #tpu.memory_space<vmem_shared>> -> memref<80x128xf32, #tpu.memory_space<vmem_shared>>
      %dma_start3A_50 = arith.constant 0 : i32
      %dma_start3A_51 = tpu.memref_slice %arg7[%add3A_21, %dma_start3A_50] : memref<10240x128xf32, #tpu.memory_space<vmem_shared>> -> memref<80x128xf32, #tpu.memory_space<vmem_shared>>
      tpu.enqueue_dma source(%arg6 : memref<80x128xf32, #tpu.memory_space<vmem>>) target(%dma_start3A_51 : memref<80x128xf32, #tpu.memory_space<vmem_shared>>) target_semaphore(%run_scoped3A : memref<!tpu.dma_semaphore, #tpu.memory_space<semaphore_mem>>)
      %dma_wait3A = arith.constant 0 : i32
      %dma_wait3A_52 = tpu.memref_slice %arg7[%add3A_21, %dma_wait3A] : memref<10240x128xf32, #tpu.memory_space<vmem_shared>> -> memref<80x128xf32, #tpu.memory_space<vmem_shared>>
      %dma_wait3A_53 = arith.constant 0 : i32
      %dma_wait3A_54 = tpu.memref_slice %arg7[%add3A_21, %dma_wait3A_53] : memref<10240x128xf32, #tpu.memory_space<vmem_shared>> -> memref<80x128xf32, #tpu.memory_space<vmem_shared>>
      tpu.wait_dma2 semaphore(%run_scoped3A : memref<!tpu.dma_semaphore, #tpu.memory_space<semaphore_mem>>) src(%arg6 : memref<80x128xf32, #tpu.memory_space<vmem>>) dst(%dma_wait3A_54 : memref<80x128xf32, #tpu.memory_space<vmem_shared>>)
      tpu.yield
    }) : () -> ()
    %mul3A_22 = arith.constant 640 : i32
    %mul3A_23 = arith.muli %arg1, %mul3A_22 : i32
    %add3A_24 = arith.constant 320 : i32
    %add3A_25 = arith.addi %mul3A_23, %add3A_24 : i32
    "tpu.region"() ({
      %run_scoped3A = tpu.sem_alloc : memref<!tpu.dma_semaphore, #tpu.memory_space<semaphore_mem>>
      %dma_start3A = arith.constant 0 : i32
      %dma_start3A_49 = tpu.memref_slice %arg7[%add3A_25, %dma_start3A] : memref<10240x128xf32, #tpu.memory_space<vmem_shared>> -> memref<80x128xf32, #tpu.memory_space<vmem_shared>>
      %dma_start3A_50 = arith.constant 0 : i32
      %dma_start3A_51 = tpu.memref_slice %arg7[%add3A_25, %dma_start3A_50] : memref<10240x128xf32, #tpu.memory_space<vmem_shared>> -> memref<80x128xf32, #tpu.memory_space<vmem_shared>>
      tpu.enqueue_dma source(%arg6 : memref<80x128xf32, #tpu.memory_space<vmem>>) target(%dma_start3A_51 : memref<80x128xf32, #tpu.memory_space<vmem_shared>>) target_semaphore(%run_scoped3A : memref<!tpu.dma_semaphore, #tpu.memory_space<semaphore_mem>>)
      %dma_wait3A = arith.constant 0 : i32
      %dma_wait3A_52 = tpu.memref_slice %arg7[%add3A_25, %dma_wait3A] : memref<10240x128xf32, #tpu.memory_space<vmem_shared>> -> memref<80x128xf32, #tpu.memory_space<vmem_shared>>
      %dma_wait3A_53 = arith.constant 0 : i32
      %dma_wait3A_54 = tpu.memref_slice %arg7[%add3A_25, %dma_wait3A_53] : memref<10240x128xf32, #tpu.memory_space<vmem_shared>> -> memref<80x128xf32, #tpu.memory_space<vmem_shared>>
      tpu.wait_dma2 semaphore(%run_scoped3A : memref<!tpu.dma_semaphore, #tpu.memory_space<semaphore_mem>>) src(%arg6 : memref<80x128xf32, #tpu.memory_space<vmem>>) dst(%dma_wait3A_54 : memref<80x128xf32, #tpu.memory_space<vmem_shared>>)
      tpu.yield
    }) : () -> ()
    %mul3A_26 = arith.constant 640 : i32
    %mul3A_27 = arith.muli %arg1, %mul3A_26 : i32
    %add3A_28 = arith.constant 400 : i32
    %add3A_29 = arith.addi %mul3A_27, %add3A_28 : i32
    "tpu.region"() ({
      %run_scoped3A = tpu.sem_alloc : memref<!tpu.dma_semaphore, #tpu.memory_space<semaphore_mem>>
      %dma_start3A = arith.constant 0 : i32
      %dma_start3A_49 = tpu.memref_slice %arg7[%add3A_29, %dma_start3A] : memref<10240x128xf32, #tpu.memory_space<vmem_shared>> -> memref<80x128xf32, #tpu.memory_space<vmem_shared>>
      %dma_start3A_50 = arith.constant 0 : i32
      %dma_start3A_51 = tpu.memref_slice %arg7[%add3A_29, %dma_start3A_50] : memref<10240x128xf32, #tpu.memory_space<vmem_shared>> -> memref<80x128xf32, #tpu.memory_space<vmem_shared>>
      tpu.enqueue_dma source(%arg6 : memref<80x128xf32, #tpu.memory_space<vmem>>) target(%dma_start3A_51 : memref<80x128xf32, #tpu.memory_space<vmem_shared>>) target_semaphore(%run_scoped3A : memref<!tpu.dma_semaphore, #tpu.memory_space<semaphore_mem>>)
      %dma_wait3A = arith.constant 0 : i32
      %dma_wait3A_52 = tpu.memref_slice %arg7[%add3A_29, %dma_wait3A] : memref<10240x128xf32, #tpu.memory_space<vmem_shared>> -> memref<80x128xf32, #tpu.memory_space<vmem_shared>>
      %dma_wait3A_53 = arith.constant 0 : i32
      %dma_wait3A_54 = tpu.memref_slice %arg7[%add3A_29, %dma_wait3A_53] : memref<10240x128xf32, #tpu.memory_space<vmem_shared>> -> memref<80x128xf32, #tpu.memory_space<vmem_shared>>
      tpu.wait_dma2 semaphore(%run_scoped3A : memref<!tpu.dma_semaphore, #tpu.memory_space<semaphore_mem>>) src(%arg6 : memref<80x128xf32, #tpu.memory_space<vmem>>) dst(%dma_wait3A_54 : memref<80x128xf32, #tpu.memory_space<vmem_shared>>)
      tpu.yield
    }) : () -> ()
    %mul3A_30 = arith.constant 640 : i32
    %mul3A_31 = arith.muli %arg1, %mul3A_30 : i32
    %add3A_32 = arith.constant 480 : i32
    %add3A_33 = arith.addi %mul3A_31, %add3A_32 : i32
    "tpu.region"() ({
      %run_scoped3A = tpu.sem_alloc : memref<!tpu.dma_semaphore, #tpu.memory_space<semaphore_mem>>
      %dma_start3A = arith.constant 0 : i32
      %dma_start3A_49 = tpu.memref_slice %arg7[%add3A_33, %dma_start3A] : memref<10240x128xf32, #tpu.memory_space<vmem_shared>> -> memref<80x128xf32, #tpu.memory_space<vmem_shared>>
      %dma_start3A_50 = arith.constant 0 : i32
      %dma_start3A_51 = tpu.memref_slice %arg7[%add3A_33, %dma_start3A_50] : memref<10240x128xf32, #tpu.memory_space<vmem_shared>> -> memref<80x128xf32, #tpu.memory_space<vmem_shared>>
      tpu.enqueue_dma source(%arg6 : memref<80x128xf32, #tpu.memory_space<vmem>>) target(%dma_start3A_51 : memref<80x128xf32, #tpu.memory_space<vmem_shared>>) target_semaphore(%run_scoped3A : memref<!tpu.dma_semaphore, #tpu.memory_space<semaphore_mem>>)
      %dma_wait3A = arith.constant 0 : i32
      %dma_wait3A_52 = tpu.memref_slice %arg7[%add3A_33, %dma_wait3A] : memref<10240x128xf32, #tpu.memory_space<vmem_shared>> -> memref<80x128xf32, #tpu.memory_space<vmem_shared>>
      %dma_wait3A_53 = arith.constant 0 : i32
      %dma_wait3A_54 = tpu.memref_slice %arg7[%add3A_33, %dma_wait3A_53] : memref<10240x128xf32, #tpu.memory_space<vmem_shared>> -> memref<80x128xf32, #tpu.memory_space<vmem_shared>>
      tpu.wait_dma2 semaphore(%run_scoped3A : memref<!tpu.dma_semaphore, #tpu.memory_space<semaphore_mem>>) src(%arg6 : memref<80x128xf32, #tpu.memory_space<vmem>>) dst(%dma_wait3A_54 : memref<80x128xf32, #tpu.memory_space<vmem_shared>>)
      tpu.yield
    }) : () -> ()
    %mul3A_34 = arith.constant 640 : i32
    %mul3A_35 = arith.muli %arg1, %mul3A_34 : i32
    %add3A_36 = arith.constant 560 : i32
    %add3A_37 = arith.addi %mul3A_35, %add3A_36 : i32
    "tpu.region"() ({
      %run_scoped3A = tpu.sem_alloc : memref<!tpu.dma_semaphore, #tpu.memory_space<semaphore_mem>>
      %dma_start3A = arith.constant 0 : i32
      %dma_start3A_49 = tpu.memref_slice %arg7[%add3A_37, %dma_start3A] : memref<10240x128xf32, #tpu.memory_space<vmem_shared>> -> memref<80x128xf32, #tpu.memory_space<vmem_shared>>
      %dma_start3A_50 = arith.constant 0 : i32
      %dma_start3A_51 = tpu.memref_slice %arg7[%add3A_37, %dma_start3A_50] : memref<10240x128xf32, #tpu.memory_space<vmem_shared>> -> memref<80x128xf32, #tpu.memory_space<vmem_shared>>
      tpu.enqueue_dma source(%arg6 : memref<80x128xf32, #tpu.memory_space<vmem>>) target(%dma_start3A_51 : memref<80x128xf32, #tpu.memory_space<vmem_shared>>) target_semaphore(%run_scoped3A : memref<!tpu.dma_semaphore, #tpu.memory_space<semaphore_mem>>)
      %dma_wait3A = arith.constant 0 : i32
      %dma_wait3A_52 = tpu.memref_slice %arg7[%add3A_37, %dma_wait3A] : memref<10240x128xf32, #tpu.memory_space<vmem_shared>> -> memref<80x128xf32, #tpu.memory_space<vmem_shared>>
      %dma_wait3A_53 = arith.constant 0 : i32
      %dma_wait3A_54 = tpu.memref_slice %arg7[%add3A_37, %dma_wait3A_53] : memref<10240x128xf32, #tpu.memory_space<vmem_shared>> -> memref<80x128xf32, #tpu.memory_space<vmem_shared>>
      tpu.wait_dma2 semaphore(%run_scoped3A : memref<!tpu.dma_semaphore, #tpu.memory_space<semaphore_mem>>) src(%arg6 : memref<80x128xf32, #tpu.memory_space<vmem>>) dst(%dma_wait3A_54 : memref<80x128xf32, #tpu.memory_space<vmem_shared>>)
      tpu.yield
    }) : () -> ()
    %barrier3A = arith.constant 0 : index
    tpu.barrier barrier_id(%barrier3A)
    %scan3A_38 = arith.constant 0 : i32
    %scan3A_39 = arith.constant 0 : i32
    %scan3A_40 = arith.constant 125 : i32
    %scan3A_41 = arith.addi %scan3A_39, %scan3A_40 : i32
    %scan3A_42 = arith.constant 1 : i32
    scf.for %scan3A_49 = %scan3A_39 to %scan3A_41 step %scan3A_42  : i32 {
      %mul3A_50 = arith.constant 125 : i32
      %mul3A_51 = arith.muli %add3A, %mul3A_50 : i32
      %add3A_52 = arith.addi %mul3A_51, %scan3A_49 : i32
      "tpu.region"() ({
        %run_scoped3A = tpu.sem_alloc : memref<!tpu.dma_semaphore, #tpu.memory_space<semaphore_mem>>
        %dma_start3A = arith.constant 0 : i32
        %dma_start3A_53 = arith.constant 0 : i32
        %dma_start3A_54 = tpu.memref_slice %arg2[%add3A_52, %dma_start3A, %dma_start3A_53] : memref<4000x80x128xf32, #tpu.memory_space<hbm>> -> memref<1x80x128xf32, #tpu.memory_space<hbm>>
        %dma_start3A_55 = tpu.memref_squeeze %dma_start3A_54 : memref<1x80x128xf32, #tpu.memory_space<hbm>> -> memref<80x128xf32, #tpu.memory_space<hbm>>
        %dma_start3A_56 = arith.constant 0 : i32
        %dma_start3A_57 = arith.constant 0 : i32
        %dma_start3A_58 = tpu.memref_slice %arg2[%add3A_52, %dma_start3A_56, %dma_start3A_57] : memref<4000x80x128xf32, #tpu.memory_space<hbm>> -> memref<1x80x128xf32, #tpu.memory_space<hbm>>
        %dma_start3A_59 = tpu.memref_squeeze %dma_start3A_58 : memref<1x80x128xf32, #tpu.memory_space<hbm>> -> memref<80x128xf32, #tpu.memory_space<hbm>>
        tpu.enqueue_dma source(%dma_start3A_59 : memref<80x128xf32, #tpu.memory_space<hbm>>) target(%arg6 : memref<80x128xf32, #tpu.memory_space<vmem>>) target_semaphore(%run_scoped3A : memref<!tpu.dma_semaphore, #tpu.memory_space<semaphore_mem>>)
        %dma_wait3A = arith.constant 0 : i32
        %dma_wait3A_60 = arith.constant 0 : i32
        %dma_wait3A_61 = tpu.memref_slice %arg2[%add3A_52, %dma_wait3A, %dma_wait3A_60] : memref<4000x80x128xf32, #tpu.memory_space<hbm>> -> memref<1x80x128xf32, #tpu.memory_space<hbm>>
        %dma_wait3A_62 = tpu.memref_squeeze %dma_wait3A_61 : memref<1x80x128xf32, #tpu.memory_space<hbm>> -> memref<80x128xf32, #tpu.memory_space<hbm>>
        %dma_wait3A_63 = arith.constant 0 : i32
        %dma_wait3A_64 = arith.constant 0 : i32
        %dma_wait3A_65 = tpu.memref_slice %arg2[%add3A_52, %dma_wait3A_63, %dma_wait3A_64] : memref<4000x80x128xf32, #tpu.memory_space<hbm>> -> memref<1x80x128xf32, #tpu.memory_space<hbm>>
        %dma_wait3A_66 = tpu.memref_squeeze %dma_wait3A_65 : memref<1x80x128xf32, #tpu.memory_space<hbm>> -> memref<80x128xf32, #tpu.memory_space<hbm>>
        tpu.wait_dma2 semaphore(%run_scoped3A : memref<!tpu.dma_semaphore, #tpu.memory_space<semaphore_mem>>) src(%dma_wait3A_66 : memref<80x128xf32, #tpu.memory_space<hbm>>) dst(%arg6 : memref<80x128xf32, #tpu.memory_space<vmem>>)
        tpu.yield
      }) : () -> ()
      "tpu.region"() ({
        %run_scoped3A = tpu.sem_alloc : memref<!tpu.dma_semaphore, #tpu.memory_space<semaphore_mem>>
        %dma_start3A = arith.constant 0 : i32
        %dma_start3A_53 = tpu.memref_slice %arg5[%scan3A_49, %dma_start3A] : memref<125x80xi32, #tpu.memory_space<vmem>> -> memref<1x80xi32, #tpu.memory_space<vmem>>
        %dma_start3A_54 = tpu.memref_squeeze %dma_start3A_53 : memref<1x80xi32, #tpu.memory_space<vmem>> -> memref<80xi32, #tpu.memory_space<vmem>>
        %dma_start3A_55 = arith.constant 0 : i32
        %dma_start3A_56 = arith.constant 0 : i32
        %dma_start3A_57 = tpu.memref_slice %arg7[%dma_start3A_55, %dma_start3A_56] : memref<10240x128xf32, #tpu.memory_space<vmem_shared>> -> memref<10240x128xf32, #tpu.memory_space<vmem_shared>>
        tpu.enqueue_indirect_dma source(%arg6 : memref<80x128xf32, #tpu.memory_space<vmem>>) target(%dma_start3A_57 : memref<10240x128xf32, #tpu.memory_space<vmem_shared>>) offsets(%dma_start3A_54 : memref<80xi32, #tpu.memory_space<vmem>>) semaphore(%run_scoped3A : memref<!tpu.dma_semaphore, #tpu.memory_space<semaphore_mem>>) {add = true}
        %dma_wait3A = arith.constant 0 : i32
        %dma_wait3A_58 = tpu.memref_slice %arg5[%scan3A_49, %dma_wait3A] : memref<125x80xi32, #tpu.memory_space<vmem>> -> memref<1x80xi32, #tpu.memory_space<vmem>>
        %dma_wait3A_59 = tpu.memref_squeeze %dma_wait3A_58 : memref<1x80xi32, #tpu.memory_space<vmem>> -> memref<80xi32, #tpu.memory_space<vmem>>
        %dma_wait3A_60 = arith.constant 0 : i32
        %dma_wait3A_61 = arith.constant 0 : i32
        %dma_wait3A_62 = tpu.memref_slice %arg7[%dma_wait3A_60, %dma_wait3A_61] : memref<10240x128xf32, #tpu.memory_space<vmem_shared>> -> memref<10240x128xf32, #tpu.memory_space<vmem_shared>>
        tpu.wait_indirect_dma semaphore(%run_scoped3A : memref<!tpu.dma_semaphore, #tpu.memory_space<semaphore_mem>>) src(%arg6 : memref<80x128xf32, #tpu.memory_space<vmem>>) dst(%dma_wait3A_62 : memref<10240x128xf32, #tpu.memory_space<vmem_shared>>)
        tpu.yield
      }) : () -> ()
    }
    %scan3A_43 = arith.constant 125 : i32
    %barrier3A_44 = arith.constant 0 : index
    tpu.barrier barrier_id(%barrier3A_44)
    %mul3A_45 = arith.constant 640 : i32
    %mul3A_46 = arith.muli %arg1, %mul3A_45 : i32
    %mul3A_47 = arith.constant 640 : i32
    %mul3A_48 = arith.muli %arg1, %mul3A_47 : i32
    "tpu.region"() ({
      %run_scoped3A = tpu.sem_alloc : memref<!tpu.dma_semaphore, #tpu.memory_space<semaphore_mem>>
      %dma_start3A = arith.constant 0 : i32
      %dma_start3A_49 = tpu.memref_slice %arg4[%arg0, %mul3A_48, %dma_start3A] : memref<2x10240x128xf32, #tpu.memory_space<hbm>> -> memref<1x640x128xf32, #tpu.memory_space<hbm>>
      %dma_start3A_50 = tpu.memref_squeeze %dma_start3A_49 : memref<1x640x128xf32, #tpu.memory_space<hbm>> -> memref<640x128xf32, #tpu.memory_space<hbm>>
      %dma_start3A_51 = arith.constant 0 : i32
      %dma_start3A_52 = tpu.memref_slice %arg7[%mul3A_46, %dma_start3A_51] : memref<10240x128xf32, #tpu.memory_space<vmem_shared>> -> memref<640x128xf32, #tpu.memory_space<vmem_shared>>
      tpu.enqueue_dma source(%dma_start3A_52 : memref<640x128xf32, #tpu.memory_space<vmem_shared>>) target(%dma_start3A_50 : memref<640x128xf32, #tpu.memory_space<hbm>>) target_semaphore(%run_scoped3A : memref<!tpu.dma_semaphore, #tpu.memory_space<semaphore_mem>>)
      %dma_wait3A = arith.constant 0 : i32
      %dma_wait3A_53 = tpu.memref_slice %arg4[%arg0, %mul3A_48, %dma_wait3A] : memref<2x10240x128xf32, #tpu.memory_space<hbm>> -> memref<1x640x128xf32, #tpu.memory_space<hbm>>
      %dma_wait3A_54 = tpu.memref_squeeze %dma_wait3A_53 : memref<1x640x128xf32, #tpu.memory_space<hbm>> -> memref<640x128xf32, #tpu.memory_space<hbm>>
      %dma_wait3A_55 = arith.constant 0 : i32
      %dma_wait3A_56 = tpu.memref_slice %arg7[%mul3A_46, %dma_wait3A_55] : memref<10240x128xf32, #tpu.memory_space<vmem_shared>> -> memref<640x128xf32, #tpu.memory_space<vmem_shared>>
      tpu.wait_dma2 semaphore(%run_scoped3A : memref<!tpu.dma_semaphore, #tpu.memory_space<semaphore_mem>>) src(%dma_wait3A_56 : memref<640x128xf32, #tpu.memory_space<vmem_shared>>) dst(%dma_wait3A_54 : memref<640x128xf32, #tpu.memory_space<hbm>>)
      tpu.yield
    }) : () -> ()
    return
  }
}

#map = affine_map<(d0, d1) -> (0, 0)>
#map1 = affine_map<(d0, d1) -> (0, 0, 0)>
module attributes {stable_mosaic.version = 14 : i64} {
  func.func @_sc_agg_body(%arg0: i32, %arg1: i32, %arg2: memref<10000x128xf32, #tpu.memory_space<hbm>>, %arg3: memref<32x125x80xi32, #tpu.memory_space<hbm>>, %arg4: memref<32x125x80xi32, #tpu.memory_space<hbm>>, %arg5: memref<2x10240x128xf32, #tpu.memory_space<hbm>>, %arg6: memref<125x80xi32, #tpu.memory_space<vmem>>, %arg7: memref<125x80xi32, #tpu.memory_space<vmem>>, %arg8: memref<80x128xf32, #tpu.memory_space<vmem>>, %arg9: memref<10240x128xf32, #tpu.memory_space<vmem_shared>>, %arg10: memref<!tpu.dma_semaphore, #tpu.memory_space<semaphore_mem>>) attributes {dimension_semantics = [#tpu.dimension_semantics<core_parallel>, #tpu.dimension_semantics<subcore_parallel>], iteration_bounds = array<i64: 2, 16>, scalar_prefetch = 0 : i64, scratch_operands = 5 : i64, tpu.core_type = #tpu.core_type<sc_vector_subcore>, window_params = [{transform_indices = #map}, {transform_indices = #map1}, {transform_indices = #map1}, {transform_indices = #map1}]} {
    %mul3A = arith.constant 2 : i32
    %mul3A_0 = arith.muli %arg1, %mul3A : i32
    %add3A = arith.addi %mul3A_0, %arg0 : i32
    %scan3A = arith.constant 0 : i32
    %scan3A_1 = arith.constant 0 : i32
    %scan3A_2 = arith.constant 80 : i32
    %scan3A_3 = arith.addi %scan3A_1, %scan3A_2 : i32
    %scan3A_4 = arith.constant 1 : i32
    scf.for %scan3A_49 = %scan3A_1 to %scan3A_3 step %scan3A_4  : i32 {
      %broadcast_in_dim3A = arith.constant 0.000000e+00 : f32
      %broadcast_in_dim3A_50 = vector.broadcast %broadcast_in_dim3A : f32 to vector<16xf32>
      %swap3A = arith.index_cast %scan3A_49 : i32 to index
      %swap3A_51 = arith.constant 0 : index
      %swap3A_52 = tpu.vector_load %arg8[%swap3A, %swap3A_51] {strides = array<i32>} : memref<80x128xf32, #tpu.memory_space<vmem>>, vector<1x16xf32>,
      %swap3A_53 = vector.shape_cast %swap3A_52 : vector<1x16xf32> to vector<16xf32>
      %swap3A_54 = vector.shape_cast %broadcast_in_dim3A_50 : vector<16xf32> to vector<1x16xf32>
      tpu.vector_store %arg8[%swap3A, %swap3A_51], %swap3A_54 {strides = array<i32>} : memref<80x128xf32, #tpu.memory_space<vmem>>, vector<1x16xf32>,
      %broadcast_in_dim3A_55 = arith.constant 0.000000e+00 : f32
      %broadcast_in_dim3A_56 = vector.broadcast %broadcast_in_dim3A_55 : f32 to vector<16xf32>
      %swap3A_57 = arith.index_cast %scan3A_49 : i32 to index
      %swap3A_58 = arith.constant 16 : index
      %swap3A_59 = tpu.vector_load %arg8[%swap3A_57, %swap3A_58] {strides = array<i32>} : memref<80x128xf32, #tpu.memory_space<vmem>>, vector<1x16xf32>,
      %swap3A_60 = vector.shape_cast %swap3A_59 : vector<1x16xf32> to vector<16xf32>
      %swap3A_61 = vector.shape_cast %broadcast_in_dim3A_56 : vector<16xf32> to vector<1x16xf32>
      tpu.vector_store %arg8[%swap3A_57, %swap3A_58], %swap3A_61 {strides = array<i32>} : memref<80x128xf32, #tpu.memory_space<vmem>>, vector<1x16xf32>,
      %broadcast_in_dim3A_62 = arith.constant 0.000000e+00 : f32
      %broadcast_in_dim3A_63 = vector.broadcast %broadcast_in_dim3A_62 : f32 to vector<16xf32>
      %swap3A_64 = arith.index_cast %scan3A_49 : i32 to index
      %swap3A_65 = arith.constant 32 : index
      %swap3A_66 = tpu.vector_load %arg8[%swap3A_64, %swap3A_65] {strides = array<i32>} : memref<80x128xf32, #tpu.memory_space<vmem>>, vector<1x16xf32>,
      %swap3A_67 = vector.shape_cast %swap3A_66 : vector<1x16xf32> to vector<16xf32>
      %swap3A_68 = vector.shape_cast %broadcast_in_dim3A_63 : vector<16xf32> to vector<1x16xf32>
      tpu.vector_store %arg8[%swap3A_64, %swap3A_65], %swap3A_68 {strides = array<i32>} : memref<80x128xf32, #tpu.memory_space<vmem>>, vector<1x16xf32>,
      %broadcast_in_dim3A_69 = arith.constant 0.000000e+00 : f32
      %broadcast_in_dim3A_70 = vector.broadcast %broadcast_in_dim3A_69 : f32 to vector<16xf32>
      %swap3A_71 = arith.index_cast %scan3A_49 : i32 to index
      %swap3A_72 = arith.constant 48 : index
      %swap3A_73 = tpu.vector_load %arg8[%swap3A_71, %swap3A_72] {strides = array<i32>} : memref<80x128xf32, #tpu.memory_space<vmem>>, vector<1x16xf32>,
      %swap3A_74 = vector.shape_cast %swap3A_73 : vector<1x16xf32> to vector<16xf32>
      %swap3A_75 = vector.shape_cast %broadcast_in_dim3A_70 : vector<16xf32> to vector<1x16xf32>
      tpu.vector_store %arg8[%swap3A_71, %swap3A_72], %swap3A_75 {strides = array<i32>} : memref<80x128xf32, #tpu.memory_space<vmem>>, vector<1x16xf32>,
      %broadcast_in_dim3A_76 = arith.constant 0.000000e+00 : f32
      %broadcast_in_dim3A_77 = vector.broadcast %broadcast_in_dim3A_76 : f32 to vector<16xf32>
      %swap3A_78 = arith.index_cast %scan3A_49 : i32 to index
      %swap3A_79 = arith.constant 64 : index
      %swap3A_80 = tpu.vector_load %arg8[%swap3A_78, %swap3A_79] {strides = array<i32>} : memref<80x128xf32, #tpu.memory_space<vmem>>, vector<1x16xf32>,
      %swap3A_81 = vector.shape_cast %swap3A_80 : vector<1x16xf32> to vector<16xf32>
      %swap3A_82 = vector.shape_cast %broadcast_in_dim3A_77 : vector<16xf32> to vector<1x16xf32>
      tpu.vector_store %arg8[%swap3A_78, %swap3A_79], %swap3A_82 {strides = array<i32>} : memref<80x128xf32, #tpu.memory_space<vmem>>, vector<1x16xf32>,
      %broadcast_in_dim3A_83 = arith.constant 0.000000e+00 : f32
      %broadcast_in_dim3A_84 = vector.broadcast %broadcast_in_dim3A_83 : f32 to vector<16xf32>
      %swap3A_85 = arith.index_cast %scan3A_49 : i32 to index
      %swap3A_86 = arith.constant 80 : index
      %swap3A_87 = tpu.vector_load %arg8[%swap3A_85, %swap3A_86] {strides = array<i32>} : memref<80x128xf32, #tpu.memory_space<vmem>>, vector<1x16xf32>,
      %swap3A_88 = vector.shape_cast %swap3A_87 : vector<1x16xf32> to vector<16xf32>
      %swap3A_89 = vector.shape_cast %broadcast_in_dim3A_84 : vector<16xf32> to vector<1x16xf32>
      tpu.vector_store %arg8[%swap3A_85, %swap3A_86], %swap3A_89 {strides = array<i32>} : memref<80x128xf32, #tpu.memory_space<vmem>>, vector<1x16xf32>,
      %broadcast_in_dim3A_90 = arith.constant 0.000000e+00 : f32
      %broadcast_in_dim3A_91 = vector.broadcast %broadcast_in_dim3A_90 : f32 to vector<16xf32>
      %swap3A_92 = arith.index_cast %scan3A_49 : i32 to index
      %swap3A_93 = arith.constant 96 : index
      %swap3A_94 = tpu.vector_load %arg8[%swap3A_92, %swap3A_93] {strides = array<i32>} : memref<80x128xf32, #tpu.memory_space<vmem>>, vector<1x16xf32>,
      %swap3A_95 = vector.shape_cast %swap3A_94 : vector<1x16xf32> to vector<16xf32>
      %swap3A_96 = vector.shape_cast %broadcast_in_dim3A_91 : vector<16xf32> to vector<1x16xf32>
      tpu.vector_store %arg8[%swap3A_92, %swap3A_93], %swap3A_96 {strides = array<i32>} : memref<80x128xf32, #tpu.memory_space<vmem>>, vector<1x16xf32>,
      %broadcast_in_dim3A_97 = arith.constant 0.000000e+00 : f32
      %broadcast_in_dim3A_98 = vector.broadcast %broadcast_in_dim3A_97 : f32 to vector<16xf32>
      %swap3A_99 = arith.index_cast %scan3A_49 : i32 to index
      %swap3A_100 = arith.constant 112 : index
      %swap3A_101 = tpu.vector_load %arg8[%swap3A_99, %swap3A_100] {strides = array<i32>} : memref<80x128xf32, #tpu.memory_space<vmem>>, vector<1x16xf32>,
      %swap3A_102 = vector.shape_cast %swap3A_101 : vector<1x16xf32> to vector<16xf32>
      %swap3A_103 = vector.shape_cast %broadcast_in_dim3A_98 : vector<16xf32> to vector<1x16xf32>
      tpu.vector_store %arg8[%swap3A_99, %swap3A_100], %swap3A_103 {strides = array<i32>} : memref<80x128xf32, #tpu.memory_space<vmem>>, vector<1x16xf32>,
    }
    %scan3A_5 = arith.constant 80 : i32
    "tpu.region"() ({
      %run_scoped3A = tpu.sem_alloc : memref<!tpu.dma_semaphore, #tpu.memory_space<semaphore_mem>>
      %dma_start3A = arith.constant 0 : i32
      %dma_start3A_49 = arith.constant 0 : i32
      %dma_start3A_50 = tpu.memref_slice %arg3[%add3A, %dma_start3A, %dma_start3A_49] : memref<32x125x80xi32, #tpu.memory_space<hbm>> -> memref<1x125x80xi32, #tpu.memory_space<hbm>>
      %dma_start3A_51 = tpu.memref_squeeze %dma_start3A_50 : memref<1x125x80xi32, #tpu.memory_space<hbm>> -> memref<125x80xi32, #tpu.memory_space<hbm>>
      %dma_start3A_52 = arith.constant 0 : i32
      %dma_start3A_53 = arith.constant 0 : i32
      %dma_start3A_54 = tpu.memref_slice %arg3[%add3A, %dma_start3A_52, %dma_start3A_53] : memref<32x125x80xi32, #tpu.memory_space<hbm>> -> memref<1x125x80xi32, #tpu.memory_space<hbm>>
      %dma_start3A_55 = tpu.memref_squeeze %dma_start3A_54 : memref<1x125x80xi32, #tpu.memory_space<hbm>> -> memref<125x80xi32, #tpu.memory_space<hbm>>
      tpu.enqueue_dma source(%dma_start3A_55 : memref<125x80xi32, #tpu.memory_space<hbm>>) target(%arg6 : memref<125x80xi32, #tpu.memory_space<vmem>>) target_semaphore(%run_scoped3A : memref<!tpu.dma_semaphore, #tpu.memory_space<semaphore_mem>>)
      %dma_wait3A = arith.constant 0 : i32
      %dma_wait3A_56 = arith.constant 0 : i32
      %dma_wait3A_57 = tpu.memref_slice %arg3[%add3A, %dma_wait3A, %dma_wait3A_56] : memref<32x125x80xi32, #tpu.memory_space<hbm>> -> memref<1x125x80xi32, #tpu.memory_space<hbm>>
      %dma_wait3A_58 = tpu.memref_squeeze %dma_wait3A_57 : memref<1x125x80xi32, #tpu.memory_space<hbm>> -> memref<125x80xi32, #tpu.memory_space<hbm>>
      %dma_wait3A_59 = arith.constant 0 : i32
      %dma_wait3A_60 = arith.constant 0 : i32
      %dma_wait3A_61 = tpu.memref_slice %arg3[%add3A, %dma_wait3A_59, %dma_wait3A_60] : memref<32x125x80xi32, #tpu.memory_space<hbm>> -> memref<1x125x80xi32, #tpu.memory_space<hbm>>
      %dma_wait3A_62 = tpu.memref_squeeze %dma_wait3A_61 : memref<1x125x80xi32, #tpu.memory_space<hbm>> -> memref<125x80xi32, #tpu.memory_space<hbm>>
      tpu.wait_dma2 semaphore(%run_scoped3A : memref<!tpu.dma_semaphore, #tpu.memory_space<semaphore_mem>>) src(%dma_wait3A_62 : memref<125x80xi32, #tpu.memory_space<hbm>>) dst(%arg6 : memref<125x80xi32, #tpu.memory_space<vmem>>)
      tpu.yield
    }) : () -> ()
    "tpu.region"() ({
      %run_scoped3A = tpu.sem_alloc : memref<!tpu.dma_semaphore, #tpu.memory_space<semaphore_mem>>
      %dma_start3A = arith.constant 0 : i32
      %dma_start3A_49 = arith.constant 0 : i32
      %dma_start3A_50 = tpu.memref_slice %arg4[%add3A, %dma_start3A, %dma_start3A_49] : memref<32x125x80xi32, #tpu.memory_space<hbm>> -> memref<1x125x80xi32, #tpu.memory_space<hbm>>
      %dma_start3A_51 = tpu.memref_squeeze %dma_start3A_50 : memref<1x125x80xi32, #tpu.memory_space<hbm>> -> memref<125x80xi32, #tpu.memory_space<hbm>>
      %dma_start3A_52 = arith.constant 0 : i32
      %dma_start3A_53 = arith.constant 0 : i32
      %dma_start3A_54 = tpu.memref_slice %arg4[%add3A, %dma_start3A_52, %dma_start3A_53] : memref<32x125x80xi32, #tpu.memory_space<hbm>> -> memref<1x125x80xi32, #tpu.memory_space<hbm>>
      %dma_start3A_55 = tpu.memref_squeeze %dma_start3A_54 : memref<1x125x80xi32, #tpu.memory_space<hbm>> -> memref<125x80xi32, #tpu.memory_space<hbm>>
      tpu.enqueue_dma source(%dma_start3A_55 : memref<125x80xi32, #tpu.memory_space<hbm>>) target(%arg7 : memref<125x80xi32, #tpu.memory_space<vmem>>) target_semaphore(%run_scoped3A : memref<!tpu.dma_semaphore, #tpu.memory_space<semaphore_mem>>)
      %dma_wait3A = arith.constant 0 : i32
      %dma_wait3A_56 = arith.constant 0 : i32
      %dma_wait3A_57 = tpu.memref_slice %arg4[%add3A, %dma_wait3A, %dma_wait3A_56] : memref<32x125x80xi32, #tpu.memory_space<hbm>> -> memref<1x125x80xi32, #tpu.memory_space<hbm>>
      %dma_wait3A_58 = tpu.memref_squeeze %dma_wait3A_57 : memref<1x125x80xi32, #tpu.memory_space<hbm>> -> memref<125x80xi32, #tpu.memory_space<hbm>>
      %dma_wait3A_59 = arith.constant 0 : i32
      %dma_wait3A_60 = arith.constant 0 : i32
      %dma_wait3A_61 = tpu.memref_slice %arg4[%add3A, %dma_wait3A_59, %dma_wait3A_60] : memref<32x125x80xi32, #tpu.memory_space<hbm>> -> memref<1x125x80xi32, #tpu.memory_space<hbm>>
      %dma_wait3A_62 = tpu.memref_squeeze %dma_wait3A_61 : memref<1x125x80xi32, #tpu.memory_space<hbm>> -> memref<125x80xi32, #tpu.memory_space<hbm>>
      tpu.wait_dma2 semaphore(%run_scoped3A : memref<!tpu.dma_semaphore, #tpu.memory_space<semaphore_mem>>) src(%dma_wait3A_62 : memref<125x80xi32, #tpu.memory_space<hbm>>) dst(%arg7 : memref<125x80xi32, #tpu.memory_space<vmem>>)
      tpu.yield
    }) : () -> ()
    %mul3A_6 = arith.constant 640 : i32
    %mul3A_7 = arith.muli %arg1, %mul3A_6 : i32
    %add3A_8 = arith.constant 0 : i32
    %add3A_9 = arith.addi %mul3A_7, %add3A_8 : i32
    "tpu.region"() ({
      %run_scoped3A = tpu.sem_alloc : memref<!tpu.dma_semaphore, #tpu.memory_space<semaphore_mem>>
      %dma_start3A = arith.constant 0 : i32
      %dma_start3A_49 = tpu.memref_slice %arg9[%add3A_9, %dma_start3A] : memref<10240x128xf32, #tpu.memory_space<vmem_shared>> -> memref<80x128xf32, #tpu.memory_space<vmem_shared>>
      %dma_start3A_50 = arith.constant 0 : i32
      %dma_start3A_51 = tpu.memref_slice %arg9[%add3A_9, %dma_start3A_50] : memref<10240x128xf32, #tpu.memory_space<vmem_shared>> -> memref<80x128xf32, #tpu.memory_space<vmem_shared>>
      tpu.enqueue_dma source(%arg8 : memref<80x128xf32, #tpu.memory_space<vmem>>) target(%dma_start3A_51 : memref<80x128xf32, #tpu.memory_space<vmem_shared>>) target_semaphore(%run_scoped3A : memref<!tpu.dma_semaphore, #tpu.memory_space<semaphore_mem>>)
      %dma_wait3A = arith.constant 0 : i32
      %dma_wait3A_52 = tpu.memref_slice %arg9[%add3A_9, %dma_wait3A] : memref<10240x128xf32, #tpu.memory_space<vmem_shared>> -> memref<80x128xf32, #tpu.memory_space<vmem_shared>>
      %dma_wait3A_53 = arith.constant 0 : i32
      %dma_wait3A_54 = tpu.memref_slice %arg9[%add3A_9, %dma_wait3A_53] : memref<10240x128xf32, #tpu.memory_space<vmem_shared>> -> memref<80x128xf32, #tpu.memory_space<vmem_shared>>
      tpu.wait_dma2 semaphore(%run_scoped3A : memref<!tpu.dma_semaphore, #tpu.memory_space<semaphore_mem>>) src(%arg8 : memref<80x128xf32, #tpu.memory_space<vmem>>) dst(%dma_wait3A_54 : memref<80x128xf32, #tpu.memory_space<vmem_shared>>)
      tpu.yield
    }) : () -> ()
    %mul3A_10 = arith.constant 640 : i32
    %mul3A_11 = arith.muli %arg1, %mul3A_10 : i32
    %add3A_12 = arith.constant 80 : i32
    %add3A_13 = arith.addi %mul3A_11, %add3A_12 : i32
    "tpu.region"() ({
      %run_scoped3A = tpu.sem_alloc : memref<!tpu.dma_semaphore, #tpu.memory_space<semaphore_mem>>
      %dma_start3A = arith.constant 0 : i32
      %dma_start3A_49 = tpu.memref_slice %arg9[%add3A_13, %dma_start3A] : memref<10240x128xf32, #tpu.memory_space<vmem_shared>> -> memref<80x128xf32, #tpu.memory_space<vmem_shared>>
      %dma_start3A_50 = arith.constant 0 : i32
      %dma_start3A_51 = tpu.memref_slice %arg9[%add3A_13, %dma_start3A_50] : memref<10240x128xf32, #tpu.memory_space<vmem_shared>> -> memref<80x128xf32, #tpu.memory_space<vmem_shared>>
      tpu.enqueue_dma source(%arg8 : memref<80x128xf32, #tpu.memory_space<vmem>>) target(%dma_start3A_51 : memref<80x128xf32, #tpu.memory_space<vmem_shared>>) target_semaphore(%run_scoped3A : memref<!tpu.dma_semaphore, #tpu.memory_space<semaphore_mem>>)
      %dma_wait3A = arith.constant 0 : i32
      %dma_wait3A_52 = tpu.memref_slice %arg9[%add3A_13, %dma_wait3A] : memref<10240x128xf32, #tpu.memory_space<vmem_shared>> -> memref<80x128xf32, #tpu.memory_space<vmem_shared>>
      %dma_wait3A_53 = arith.constant 0 : i32
      %dma_wait3A_54 = tpu.memref_slice %arg9[%add3A_13, %dma_wait3A_53] : memref<10240x128xf32, #tpu.memory_space<vmem_shared>> -> memref<80x128xf32, #tpu.memory_space<vmem_shared>>
      tpu.wait_dma2 semaphore(%run_scoped3A : memref<!tpu.dma_semaphore, #tpu.memory_space<semaphore_mem>>) src(%arg8 : memref<80x128xf32, #tpu.memory_space<vmem>>) dst(%dma_wait3A_54 : memref<80x128xf32, #tpu.memory_space<vmem_shared>>)
      tpu.yield
    }) : () -> ()
    %mul3A_14 = arith.constant 640 : i32
    %mul3A_15 = arith.muli %arg1, %mul3A_14 : i32
    %add3A_16 = arith.constant 160 : i32
    %add3A_17 = arith.addi %mul3A_15, %add3A_16 : i32
    "tpu.region"() ({
      %run_scoped3A = tpu.sem_alloc : memref<!tpu.dma_semaphore, #tpu.memory_space<semaphore_mem>>
      %dma_start3A = arith.constant 0 : i32
      %dma_start3A_49 = tpu.memref_slice %arg9[%add3A_17, %dma_start3A] : memref<10240x128xf32, #tpu.memory_space<vmem_shared>> -> memref<80x128xf32, #tpu.memory_space<vmem_shared>>
      %dma_start3A_50 = arith.constant 0 : i32
      %dma_start3A_51 = tpu.memref_slice %arg9[%add3A_17, %dma_start3A_50] : memref<10240x128xf32, #tpu.memory_space<vmem_shared>> -> memref<80x128xf32, #tpu.memory_space<vmem_shared>>
      tpu.enqueue_dma source(%arg8 : memref<80x128xf32, #tpu.memory_space<vmem>>) target(%dma_start3A_51 : memref<80x128xf32, #tpu.memory_space<vmem_shared>>) target_semaphore(%run_scoped3A : memref<!tpu.dma_semaphore, #tpu.memory_space<semaphore_mem>>)
      %dma_wait3A = arith.constant 0 : i32
      %dma_wait3A_52 = tpu.memref_slice %arg9[%add3A_17, %dma_wait3A] : memref<10240x128xf32, #tpu.memory_space<vmem_shared>> -> memref<80x128xf32, #tpu.memory_space<vmem_shared>>
      %dma_wait3A_53 = arith.constant 0 : i32
      %dma_wait3A_54 = tpu.memref_slice %arg9[%add3A_17, %dma_wait3A_53] : memref<10240x128xf32, #tpu.memory_space<vmem_shared>> -> memref<80x128xf32, #tpu.memory_space<vmem_shared>>
      tpu.wait_dma2 semaphore(%run_scoped3A : memref<!tpu.dma_semaphore, #tpu.memory_space<semaphore_mem>>) src(%arg8 : memref<80x128xf32, #tpu.memory_space<vmem>>) dst(%dma_wait3A_54 : memref<80x128xf32, #tpu.memory_space<vmem_shared>>)
      tpu.yield
    }) : () -> ()
    %mul3A_18 = arith.constant 640 : i32
    %mul3A_19 = arith.muli %arg1, %mul3A_18 : i32
    %add3A_20 = arith.constant 240 : i32
    %add3A_21 = arith.addi %mul3A_19, %add3A_20 : i32
    "tpu.region"() ({
      %run_scoped3A = tpu.sem_alloc : memref<!tpu.dma_semaphore, #tpu.memory_space<semaphore_mem>>
      %dma_start3A = arith.constant 0 : i32
      %dma_start3A_49 = tpu.memref_slice %arg9[%add3A_21, %dma_start3A] : memref<10240x128xf32, #tpu.memory_space<vmem_shared>> -> memref<80x128xf32, #tpu.memory_space<vmem_shared>>
      %dma_start3A_50 = arith.constant 0 : i32
      %dma_start3A_51 = tpu.memref_slice %arg9[%add3A_21, %dma_start3A_50] : memref<10240x128xf32, #tpu.memory_space<vmem_shared>> -> memref<80x128xf32, #tpu.memory_space<vmem_shared>>
      tpu.enqueue_dma source(%arg8 : memref<80x128xf32, #tpu.memory_space<vmem>>) target(%dma_start3A_51 : memref<80x128xf32, #tpu.memory_space<vmem_shared>>) target_semaphore(%run_scoped3A : memref<!tpu.dma_semaphore, #tpu.memory_space<semaphore_mem>>)
      %dma_wait3A = arith.constant 0 : i32
      %dma_wait3A_52 = tpu.memref_slice %arg9[%add3A_21, %dma_wait3A] : memref<10240x128xf32, #tpu.memory_space<vmem_shared>> -> memref<80x128xf32, #tpu.memory_space<vmem_shared>>
      %dma_wait3A_53 = arith.constant 0 : i32
      %dma_wait3A_54 = tpu.memref_slice %arg9[%add3A_21, %dma_wait3A_53] : memref<10240x128xf32, #tpu.memory_space<vmem_shared>> -> memref<80x128xf32, #tpu.memory_space<vmem_shared>>
      tpu.wait_dma2 semaphore(%run_scoped3A : memref<!tpu.dma_semaphore, #tpu.memory_space<semaphore_mem>>) src(%arg8 : memref<80x128xf32, #tpu.memory_space<vmem>>) dst(%dma_wait3A_54 : memref<80x128xf32, #tpu.memory_space<vmem_shared>>)
      tpu.yield
    }) : () -> ()
    %mul3A_22 = arith.constant 640 : i32
    %mul3A_23 = arith.muli %arg1, %mul3A_22 : i32
    %add3A_24 = arith.constant 320 : i32
    %add3A_25 = arith.addi %mul3A_23, %add3A_24 : i32
    "tpu.region"() ({
      %run_scoped3A = tpu.sem_alloc : memref<!tpu.dma_semaphore, #tpu.memory_space<semaphore_mem>>
      %dma_start3A = arith.constant 0 : i32
      %dma_start3A_49 = tpu.memref_slice %arg9[%add3A_25, %dma_start3A] : memref<10240x128xf32, #tpu.memory_space<vmem_shared>> -> memref<80x128xf32, #tpu.memory_space<vmem_shared>>
      %dma_start3A_50 = arith.constant 0 : i32
      %dma_start3A_51 = tpu.memref_slice %arg9[%add3A_25, %dma_start3A_50] : memref<10240x128xf32, #tpu.memory_space<vmem_shared>> -> memref<80x128xf32, #tpu.memory_space<vmem_shared>>
      tpu.enqueue_dma source(%arg8 : memref<80x128xf32, #tpu.memory_space<vmem>>) target(%dma_start3A_51 : memref<80x128xf32, #tpu.memory_space<vmem_shared>>) target_semaphore(%run_scoped3A : memref<!tpu.dma_semaphore, #tpu.memory_space<semaphore_mem>>)
      %dma_wait3A = arith.constant 0 : i32
      %dma_wait3A_52 = tpu.memref_slice %arg9[%add3A_25, %dma_wait3A] : memref<10240x128xf32, #tpu.memory_space<vmem_shared>> -> memref<80x128xf32, #tpu.memory_space<vmem_shared>>
      %dma_wait3A_53 = arith.constant 0 : i32
      %dma_wait3A_54 = tpu.memref_slice %arg9[%add3A_25, %dma_wait3A_53] : memref<10240x128xf32, #tpu.memory_space<vmem_shared>> -> memref<80x128xf32, #tpu.memory_space<vmem_shared>>
      tpu.wait_dma2 semaphore(%run_scoped3A : memref<!tpu.dma_semaphore, #tpu.memory_space<semaphore_mem>>) src(%arg8 : memref<80x128xf32, #tpu.memory_space<vmem>>) dst(%dma_wait3A_54 : memref<80x128xf32, #tpu.memory_space<vmem_shared>>)
      tpu.yield
    }) : () -> ()
    %mul3A_26 = arith.constant 640 : i32
    %mul3A_27 = arith.muli %arg1, %mul3A_26 : i32
    %add3A_28 = arith.constant 400 : i32
    %add3A_29 = arith.addi %mul3A_27, %add3A_28 : i32
    "tpu.region"() ({
      %run_scoped3A = tpu.sem_alloc : memref<!tpu.dma_semaphore, #tpu.memory_space<semaphore_mem>>
      %dma_start3A = arith.constant 0 : i32
      %dma_start3A_49 = tpu.memref_slice %arg9[%add3A_29, %dma_start3A] : memref<10240x128xf32, #tpu.memory_space<vmem_shared>> -> memref<80x128xf32, #tpu.memory_space<vmem_shared>>
      %dma_start3A_50 = arith.constant 0 : i32
      %dma_start3A_51 = tpu.memref_slice %arg9[%add3A_29, %dma_start3A_50] : memref<10240x128xf32, #tpu.memory_space<vmem_shared>> -> memref<80x128xf32, #tpu.memory_space<vmem_shared>>
      tpu.enqueue_dma source(%arg8 : memref<80x128xf32, #tpu.memory_space<vmem>>) target(%dma_start3A_51 : memref<80x128xf32, #tpu.memory_space<vmem_shared>>) target_semaphore(%run_scoped3A : memref<!tpu.dma_semaphore, #tpu.memory_space<semaphore_mem>>)
      %dma_wait3A = arith.constant 0 : i32
      %dma_wait3A_52 = tpu.memref_slice %arg9[%add3A_29, %dma_wait3A] : memref<10240x128xf32, #tpu.memory_space<vmem_shared>> -> memref<80x128xf32, #tpu.memory_space<vmem_shared>>
      %dma_wait3A_53 = arith.constant 0 : i32
      %dma_wait3A_54 = tpu.memref_slice %arg9[%add3A_29, %dma_wait3A_53] : memref<10240x128xf32, #tpu.memory_space<vmem_shared>> -> memref<80x128xf32, #tpu.memory_space<vmem_shared>>
      tpu.wait_dma2 semaphore(%run_scoped3A : memref<!tpu.dma_semaphore, #tpu.memory_space<semaphore_mem>>) src(%arg8 : memref<80x128xf32, #tpu.memory_space<vmem>>) dst(%dma_wait3A_54 : memref<80x128xf32, #tpu.memory_space<vmem_shared>>)
      tpu.yield
    }) : () -> ()
    %mul3A_30 = arith.constant 640 : i32
    %mul3A_31 = arith.muli %arg1, %mul3A_30 : i32
    %add3A_32 = arith.constant 480 : i32
    %add3A_33 = arith.addi %mul3A_31, %add3A_32 : i32
    "tpu.region"() ({
      %run_scoped3A = tpu.sem_alloc : memref<!tpu.dma_semaphore, #tpu.memory_space<semaphore_mem>>
      %dma_start3A = arith.constant 0 : i32
      %dma_start3A_49 = tpu.memref_slice %arg9[%add3A_33, %dma_start3A] : memref<10240x128xf32, #tpu.memory_space<vmem_shared>> -> memref<80x128xf32, #tpu.memory_space<vmem_shared>>
      %dma_start3A_50 = arith.constant 0 : i32
      %dma_start3A_51 = tpu.memref_slice %arg9[%add3A_33, %dma_start3A_50] : memref<10240x128xf32, #tpu.memory_space<vmem_shared>> -> memref<80x128xf32, #tpu.memory_space<vmem_shared>>
      tpu.enqueue_dma source(%arg8 : memref<80x128xf32, #tpu.memory_space<vmem>>) target(%dma_start3A_51 : memref<80x128xf32, #tpu.memory_space<vmem_shared>>) target_semaphore(%run_scoped3A : memref<!tpu.dma_semaphore, #tpu.memory_space<semaphore_mem>>)
      %dma_wait3A = arith.constant 0 : i32
      %dma_wait3A_52 = tpu.memref_slice %arg9[%add3A_33, %dma_wait3A] : memref<10240x128xf32, #tpu.memory_space<vmem_shared>> -> memref<80x128xf32, #tpu.memory_space<vmem_shared>>
      %dma_wait3A_53 = arith.constant 0 : i32
      %dma_wait3A_54 = tpu.memref_slice %arg9[%add3A_33, %dma_wait3A_53] : memref<10240x128xf32, #tpu.memory_space<vmem_shared>> -> memref<80x128xf32, #tpu.memory_space<vmem_shared>>
      tpu.wait_dma2 semaphore(%run_scoped3A : memref<!tpu.dma_semaphore, #tpu.memory_space<semaphore_mem>>) src(%arg8 : memref<80x128xf32, #tpu.memory_space<vmem>>) dst(%dma_wait3A_54 : memref<80x128xf32, #tpu.memory_space<vmem_shared>>)
      tpu.yield
    }) : () -> ()
    %mul3A_34 = arith.constant 640 : i32
    %mul3A_35 = arith.muli %arg1, %mul3A_34 : i32
    %add3A_36 = arith.constant 560 : i32
    %add3A_37 = arith.addi %mul3A_35, %add3A_36 : i32
    "tpu.region"() ({
      %run_scoped3A = tpu.sem_alloc : memref<!tpu.dma_semaphore, #tpu.memory_space<semaphore_mem>>
      %dma_start3A = arith.constant 0 : i32
      %dma_start3A_49 = tpu.memref_slice %arg9[%add3A_37, %dma_start3A] : memref<10240x128xf32, #tpu.memory_space<vmem_shared>> -> memref<80x128xf32, #tpu.memory_space<vmem_shared>>
      %dma_start3A_50 = arith.constant 0 : i32
      %dma_start3A_51 = tpu.memref_slice %arg9[%add3A_37, %dma_start3A_50] : memref<10240x128xf32, #tpu.memory_space<vmem_shared>> -> memref<80x128xf32, #tpu.memory_space<vmem_shared>>
      tpu.enqueue_dma source(%arg8 : memref<80x128xf32, #tpu.memory_space<vmem>>) target(%dma_start3A_51 : memref<80x128xf32, #tpu.memory_space<vmem_shared>>) target_semaphore(%run_scoped3A : memref<!tpu.dma_semaphore, #tpu.memory_space<semaphore_mem>>)
      %dma_wait3A = arith.constant 0 : i32
      %dma_wait3A_52 = tpu.memref_slice %arg9[%add3A_37, %dma_wait3A] : memref<10240x128xf32, #tpu.memory_space<vmem_shared>> -> memref<80x128xf32, #tpu.memory_space<vmem_shared>>
      %dma_wait3A_53 = arith.constant 0 : i32
      %dma_wait3A_54 = tpu.memref_slice %arg9[%add3A_37, %dma_wait3A_53] : memref<10240x128xf32, #tpu.memory_space<vmem_shared>> -> memref<80x128xf32, #tpu.memory_space<vmem_shared>>
      tpu.wait_dma2 semaphore(%run_scoped3A : memref<!tpu.dma_semaphore, #tpu.memory_space<semaphore_mem>>) src(%arg8 : memref<80x128xf32, #tpu.memory_space<vmem>>) dst(%dma_wait3A_54 : memref<80x128xf32, #tpu.memory_space<vmem_shared>>)
      tpu.yield
    }) : () -> ()
    %barrier3A = arith.constant 0 : index
    tpu.barrier barrier_id(%barrier3A)
    %scan3A_38 = arith.constant 0 : i32
    %scan3A_39 = arith.constant 0 : i32
    %scan3A_40 = arith.constant 125 : i32
    %scan3A_41 = arith.addi %scan3A_39, %scan3A_40 : i32
    %scan3A_42 = arith.constant 1 : i32
    scf.for %scan3A_49 = %scan3A_39 to %scan3A_41 step %scan3A_42  : i32 {
      %dma_start3A = arith.constant 0 : i32
      %dma_start3A_50 = tpu.memref_slice %arg6[%scan3A_49, %dma_start3A] : memref<125x80xi32, #tpu.memory_space<vmem>> -> memref<1x80xi32, #tpu.memory_space<vmem>>
      %dma_start3A_51 = tpu.memref_squeeze %dma_start3A_50 : memref<1x80xi32, #tpu.memory_space<vmem>> -> memref<80xi32, #tpu.memory_space<vmem>>
      %dma_start3A_52 = arith.constant 0 : i32
      %dma_start3A_53 = arith.constant 0 : i32
      %dma_start3A_54 = tpu.memref_slice %arg2[%dma_start3A_52, %dma_start3A_53] : memref<10000x128xf32, #tpu.memory_space<hbm>> -> memref<10000x128xf32, #tpu.memory_space<hbm>>
      tpu.enqueue_indirect_dma source(%dma_start3A_54 : memref<10000x128xf32, #tpu.memory_space<hbm>>) target(%arg8 : memref<80x128xf32, #tpu.memory_space<vmem>>) offsets(%dma_start3A_51 : memref<80xi32, #tpu.memory_space<vmem>>) semaphore(%arg10 : memref<!tpu.dma_semaphore, #tpu.memory_space<semaphore_mem>>)
      %dma_wait3A = arith.constant 0 : i32
      %dma_wait3A_55 = tpu.memref_slice %arg6[%scan3A_49, %dma_wait3A] : memref<125x80xi32, #tpu.memory_space<vmem>> -> memref<1x80xi32, #tpu.memory_space<vmem>>
      %dma_wait3A_56 = tpu.memref_squeeze %dma_wait3A_55 : memref<1x80xi32, #tpu.memory_space<vmem>> -> memref<80xi32, #tpu.memory_space<vmem>>
      %dma_wait3A_57 = arith.constant 0 : i32
      %dma_wait3A_58 = arith.constant 0 : i32
      %dma_wait3A_59 = tpu.memref_slice %arg2[%dma_wait3A_57, %dma_wait3A_58] : memref<10000x128xf32, #tpu.memory_space<hbm>> -> memref<10000x128xf32, #tpu.memory_space<hbm>>
      tpu.wait_indirect_dma semaphore(%arg10 : memref<!tpu.dma_semaphore, #tpu.memory_space<semaphore_mem>>) src(%dma_wait3A_59 : memref<10000x128xf32, #tpu.memory_space<hbm>>) dst(%arg8 : memref<80x128xf32, #tpu.memory_space<vmem>>)
      "tpu.region"() ({
        %run_scoped3A = tpu.sem_alloc : memref<!tpu.dma_semaphore, #tpu.memory_space<semaphore_mem>>
        %dma_start3A_60 = arith.constant 0 : i32
        %dma_start3A_61 = tpu.memref_slice %arg7[%scan3A_49, %dma_start3A_60] : memref<125x80xi32, #tpu.memory_space<vmem>> -> memref<1x80xi32, #tpu.memory_space<vmem>>
        %dma_start3A_62 = tpu.memref_squeeze %dma_start3A_61 : memref<1x80xi32, #tpu.memory_space<vmem>> -> memref<80xi32, #tpu.memory_space<vmem>>
        %dma_start3A_63 = arith.constant 0 : i32
        %dma_start3A_64 = arith.constant 0 : i32
        %dma_start3A_65 = tpu.memref_slice %arg9[%dma_start3A_63, %dma_start3A_64] : memref<10240x128xf32, #tpu.memory_space<vmem_shared>> -> memref<10240x128xf32, #tpu.memory_space<vmem_shared>>
        tpu.enqueue_indirect_dma source(%arg8 : memref<80x128xf32, #tpu.memory_space<vmem>>) target(%dma_start3A_65 : memref<10240x128xf32, #tpu.memory_space<vmem_shared>>) offsets(%dma_start3A_62 : memref<80xi32, #tpu.memory_space<vmem>>) semaphore(%run_scoped3A : memref<!tpu.dma_semaphore, #tpu.memory_space<semaphore_mem>>) {add = true}
        %dma_wait3A_66 = arith.constant 0 : i32
        %dma_wait3A_67 = tpu.memref_slice %arg7[%scan3A_49, %dma_wait3A_66] : memref<125x80xi32, #tpu.memory_space<vmem>> -> memref<1x80xi32, #tpu.memory_space<vmem>>
        %dma_wait3A_68 = tpu.memref_squeeze %dma_wait3A_67 : memref<1x80xi32, #tpu.memory_space<vmem>> -> memref<80xi32, #tpu.memory_space<vmem>>
        %dma_wait3A_69 = arith.constant 0 : i32
        %dma_wait3A_70 = arith.constant 0 : i32
        %dma_wait3A_71 = tpu.memref_slice %arg9[%dma_wait3A_69, %dma_wait3A_70] : memref<10240x128xf32, #tpu.memory_space<vmem_shared>> -> memref<10240x128xf32, #tpu.memory_space<vmem_shared>>
        tpu.wait_indirect_dma semaphore(%run_scoped3A : memref<!tpu.dma_semaphore, #tpu.memory_space<semaphore_mem>>) src(%arg8 : memref<80x128xf32, #tpu.memory_space<vmem>>) dst(%dma_wait3A_71 : memref<10240x128xf32, #tpu.memory_space<vmem_shared>>)
        tpu.yield
      }) : () -> ()
    }
    %scan3A_43 = arith.constant 125 : i32
    %barrier3A_44 = arith.constant 0 : index
    tpu.barrier barrier_id(%barrier3A_44)
    %mul3A_45 = arith.constant 640 : i32
    %mul3A_46 = arith.muli %arg1, %mul3A_45 : i32
    %mul3A_47 = arith.constant 640 : i32
    %mul3A_48 = arith.muli %arg1, %mul3A_47 : i32
    "tpu.region"() ({
      %run_scoped3A = tpu.sem_alloc : memref<!tpu.dma_semaphore, #tpu.memory_space<semaphore_mem>>
      %dma_start3A = arith.constant 0 : i32
      %dma_start3A_49 = tpu.memref_slice %arg5[%arg0, %mul3A_48, %dma_start3A] : memref<2x10240x128xf32, #tpu.memory_space<hbm>> -> memref<1x640x128xf32, #tpu.memory_space<hbm>>
      %dma_start3A_50 = tpu.memref_squeeze %dma_start3A_49 : memref<1x640x128xf32, #tpu.memory_space<hbm>> -> memref<640x128xf32, #tpu.memory_space<hbm>>
      %dma_start3A_51 = arith.constant 0 : i32
      %dma_start3A_52 = tpu.memref_slice %arg9[%mul3A_46, %dma_start3A_51] : memref<10240x128xf32, #tpu.memory_space<vmem_shared>> -> memref<640x128xf32, #tpu.memory_space<vmem_shared>>
      tpu.enqueue_dma source(%dma_start3A_52 : memref<640x128xf32, #tpu.memory_space<vmem_shared>>) target(%dma_start3A_50 : memref<640x128xf32, #tpu.memory_space<hbm>>) target_semaphore(%run_scoped3A : memref<!tpu.dma_semaphore, #tpu.memory_space<semaphore_mem>>)
      %dma_wait3A = arith.constant 0 : i32
      %dma_wait3A_53 = tpu.memref_slice %arg5[%arg0, %mul3A_48, %dma_wait3A] : memref<2x10240x128xf32, #tpu.memory_space<hbm>> -> memref<1x640x128xf32, #tpu.memory_space<hbm>>
      %dma_wait3A_54 = tpu.memref_squeeze %dma_wait3A_53 : memref<1x640x128xf32, #tpu.memory_space<hbm>> -> memref<640x128xf32, #tpu.memory_space<hbm>>
      %dma_wait3A_55 = arith.constant 0 : i32
      %dma_wait3A_56 = tpu.memref_slice %arg9[%mul3A_46, %dma_wait3A_55] : memref<10240x128xf32, #tpu.memory_space<vmem_shared>> -> memref<640x128xf32, #tpu.memory_space<vmem_shared>>
      tpu.wait_dma2 semaphore(%run_scoped3A : memref<!tpu.dma_semaphore, #tpu.memory_space<semaphore_mem>>) src(%dma_wait3A_56 : memref<640x128xf32, #tpu.memory_space<vmem_shared>>) dst(%dma_wait3A_54 : memref<640x128xf32, #tpu.memory_space<hbm>>)
      tpu.yield
    }) : () -> ()
    return
  }
}

#map = affine_map<(d0, d1) -> (0, 0)>
#map1 = affine_map<(d0, d1) -> (0, 0, 0)>
module attributes {stable_mosaic.version = 14 : i64} {
  func.func @_sc_agg_body(%arg0: i32, %arg1: i32, %arg2: memref<10000x128xf32, #tpu.memory_space<hbm>>, %arg3: memref<32x125x80xi32, #tpu.memory_space<hbm>>, %arg4: memref<32x125x80xi32, #tpu.memory_space<hbm>>, %arg5: memref<2x10240x128xf32, #tpu.memory_space<hbm>>, %arg6: memref<125x80xi32, #tpu.memory_space<vmem>>, %arg7: memref<125x80xi32, #tpu.memory_space<vmem>>, %arg8: memref<80x128xf32, #tpu.memory_space<vmem>>, %arg9: memref<10240x128xf32, #tpu.memory_space<vmem_shared>>, %arg10: memref<!tpu.dma_semaphore, #tpu.memory_space<semaphore_mem>>) attributes {dimension_semantics = [#tpu.dimension_semantics<core_parallel>, #tpu.dimension_semantics<subcore_parallel>], iteration_bounds = array<i64: 2, 16>, scalar_prefetch = 0 : i64, scratch_operands = 5 : i64, tpu.core_type = #tpu.core_type<sc_vector_subcore>, window_params = [{transform_indices = #map}, {transform_indices = #map1}, {transform_indices = #map1}, {transform_indices = #map1}]} {
    %mul3A = arith.constant 2 : i32
    %mul3A_0 = arith.muli %arg1, %mul3A : i32
    %add3A = arith.addi %mul3A_0, %arg0 : i32
    %scan3A = arith.constant 0 : i32
    %scan3A_1 = arith.constant 0 : i32
    %scan3A_2 = arith.constant 80 : i32
    %scan3A_3 = arith.addi %scan3A_1, %scan3A_2 : i32
    %scan3A_4 = arith.constant 1 : i32
    scf.for %scan3A_49 = %scan3A_1 to %scan3A_3 step %scan3A_4  : i32 {
      %broadcast_in_dim3A = arith.constant 0.000000e+00 : f32
      %broadcast_in_dim3A_50 = vector.broadcast %broadcast_in_dim3A : f32 to vector<16xf32>
      %swap3A = arith.index_cast %scan3A_49 : i32 to index
      %swap3A_51 = arith.constant 0 : index
      %swap3A_52 = tpu.vector_load %arg8[%swap3A, %swap3A_51] {strides = array<i32>} : memref<80x128xf32, #tpu.memory_space<vmem>>, vector<1x16xf32>,
      %swap3A_53 = vector.shape_cast %swap3A_52 : vector<1x16xf32> to vector<16xf32>
      %swap3A_54 = vector.shape_cast %broadcast_in_dim3A_50 : vector<16xf32> to vector<1x16xf32>
      tpu.vector_store %arg8[%swap3A, %swap3A_51], %swap3A_54 {strides = array<i32>} : memref<80x128xf32, #tpu.memory_space<vmem>>, vector<1x16xf32>,
      %broadcast_in_dim3A_55 = arith.constant 0.000000e+00 : f32
      %broadcast_in_dim3A_56 = vector.broadcast %broadcast_in_dim3A_55 : f32 to vector<16xf32>
      %swap3A_57 = arith.index_cast %scan3A_49 : i32 to index
      %swap3A_58 = arith.constant 16 : index
      %swap3A_59 = tpu.vector_load %arg8[%swap3A_57, %swap3A_58] {strides = array<i32>} : memref<80x128xf32, #tpu.memory_space<vmem>>, vector<1x16xf32>,
      %swap3A_60 = vector.shape_cast %swap3A_59 : vector<1x16xf32> to vector<16xf32>
      %swap3A_61 = vector.shape_cast %broadcast_in_dim3A_56 : vector<16xf32> to vector<1x16xf32>
      tpu.vector_store %arg8[%swap3A_57, %swap3A_58], %swap3A_61 {strides = array<i32>} : memref<80x128xf32, #tpu.memory_space<vmem>>, vector<1x16xf32>,
      %broadcast_in_dim3A_62 = arith.constant 0.000000e+00 : f32
      %broadcast_in_dim3A_63 = vector.broadcast %broadcast_in_dim3A_62 : f32 to vector<16xf32>
      %swap3A_64 = arith.index_cast %scan3A_49 : i32 to index
      %swap3A_65 = arith.constant 32 : index
      %swap3A_66 = tpu.vector_load %arg8[%swap3A_64, %swap3A_65] {strides = array<i32>} : memref<80x128xf32, #tpu.memory_space<vmem>>, vector<1x16xf32>,
      %swap3A_67 = vector.shape_cast %swap3A_66 : vector<1x16xf32> to vector<16xf32>
      %swap3A_68 = vector.shape_cast %broadcast_in_dim3A_63 : vector<16xf32> to vector<1x16xf32>
      tpu.vector_store %arg8[%swap3A_64, %swap3A_65], %swap3A_68 {strides = array<i32>} : memref<80x128xf32, #tpu.memory_space<vmem>>, vector<1x16xf32>,
      %broadcast_in_dim3A_69 = arith.constant 0.000000e+00 : f32
      %broadcast_in_dim3A_70 = vector.broadcast %broadcast_in_dim3A_69 : f32 to vector<16xf32>
      %swap3A_71 = arith.index_cast %scan3A_49 : i32 to index
      %swap3A_72 = arith.constant 48 : index
      %swap3A_73 = tpu.vector_load %arg8[%swap3A_71, %swap3A_72] {strides = array<i32>} : memref<80x128xf32, #tpu.memory_space<vmem>>, vector<1x16xf32>,
      %swap3A_74 = vector.shape_cast %swap3A_73 : vector<1x16xf32> to vector<16xf32>
      %swap3A_75 = vector.shape_cast %broadcast_in_dim3A_70 : vector<16xf32> to vector<1x16xf32>
      tpu.vector_store %arg8[%swap3A_71, %swap3A_72], %swap3A_75 {strides = array<i32>} : memref<80x128xf32, #tpu.memory_space<vmem>>, vector<1x16xf32>,
      %broadcast_in_dim3A_76 = arith.constant 0.000000e+00 : f32
      %broadcast_in_dim3A_77 = vector.broadcast %broadcast_in_dim3A_76 : f32 to vector<16xf32>
      %swap3A_78 = arith.index_cast %scan3A_49 : i32 to index
      %swap3A_79 = arith.constant 64 : index
      %swap3A_80 = tpu.vector_load %arg8[%swap3A_78, %swap3A_79] {strides = array<i32>} : memref<80x128xf32, #tpu.memory_space<vmem>>, vector<1x16xf32>,
      %swap3A_81 = vector.shape_cast %swap3A_80 : vector<1x16xf32> to vector<16xf32>
      %swap3A_82 = vector.shape_cast %broadcast_in_dim3A_77 : vector<16xf32> to vector<1x16xf32>
      tpu.vector_store %arg8[%swap3A_78, %swap3A_79], %swap3A_82 {strides = array<i32>} : memref<80x128xf32, #tpu.memory_space<vmem>>, vector<1x16xf32>,
      %broadcast_in_dim3A_83 = arith.constant 0.000000e+00 : f32
      %broadcast_in_dim3A_84 = vector.broadcast %broadcast_in_dim3A_83 : f32 to vector<16xf32>
      %swap3A_85 = arith.index_cast %scan3A_49 : i32 to index
      %swap3A_86 = arith.constant 80 : index
      %swap3A_87 = tpu.vector_load %arg8[%swap3A_85, %swap3A_86] {strides = array<i32>} : memref<80x128xf32, #tpu.memory_space<vmem>>, vector<1x16xf32>,
      %swap3A_88 = vector.shape_cast %swap3A_87 : vector<1x16xf32> to vector<16xf32>
      %swap3A_89 = vector.shape_cast %broadcast_in_dim3A_84 : vector<16xf32> to vector<1x16xf32>
      tpu.vector_store %arg8[%swap3A_85, %swap3A_86], %swap3A_89 {strides = array<i32>} : memref<80x128xf32, #tpu.memory_space<vmem>>, vector<1x16xf32>,
      %broadcast_in_dim3A_90 = arith.constant 0.000000e+00 : f32
      %broadcast_in_dim3A_91 = vector.broadcast %broadcast_in_dim3A_90 : f32 to vector<16xf32>
      %swap3A_92 = arith.index_cast %scan3A_49 : i32 to index
      %swap3A_93 = arith.constant 96 : index
      %swap3A_94 = tpu.vector_load %arg8[%swap3A_92, %swap3A_93] {strides = array<i32>} : memref<80x128xf32, #tpu.memory_space<vmem>>, vector<1x16xf32>,
      %swap3A_95 = vector.shape_cast %swap3A_94 : vector<1x16xf32> to vector<16xf32>
      %swap3A_96 = vector.shape_cast %broadcast_in_dim3A_91 : vector<16xf32> to vector<1x16xf32>
      tpu.vector_store %arg8[%swap3A_92, %swap3A_93], %swap3A_96 {strides = array<i32>} : memref<80x128xf32, #tpu.memory_space<vmem>>, vector<1x16xf32>,
      %broadcast_in_dim3A_97 = arith.constant 0.000000e+00 : f32
      %broadcast_in_dim3A_98 = vector.broadcast %broadcast_in_dim3A_97 : f32 to vector<16xf32>
      %swap3A_99 = arith.index_cast %scan3A_49 : i32 to index
      %swap3A_100 = arith.constant 112 : index
      %swap3A_101 = tpu.vector_load %arg8[%swap3A_99, %swap3A_100] {strides = array<i32>} : memref<80x128xf32, #tpu.memory_space<vmem>>, vector<1x16xf32>,
      %swap3A_102 = vector.shape_cast %swap3A_101 : vector<1x16xf32> to vector<16xf32>
      %swap3A_103 = vector.shape_cast %broadcast_in_dim3A_98 : vector<16xf32> to vector<1x16xf32>
      tpu.vector_store %arg8[%swap3A_99, %swap3A_100], %swap3A_103 {strides = array<i32>} : memref<80x128xf32, #tpu.memory_space<vmem>>, vector<1x16xf32>,
    }
    %scan3A_5 = arith.constant 80 : i32
    "tpu.region"() ({
      %run_scoped3A = tpu.sem_alloc : memref<!tpu.dma_semaphore, #tpu.memory_space<semaphore_mem>>
      %dma_start3A = arith.constant 0 : i32
      %dma_start3A_49 = arith.constant 0 : i32
      %dma_start3A_50 = tpu.memref_slice %arg3[%add3A, %dma_start3A, %dma_start3A_49] : memref<32x125x80xi32, #tpu.memory_space<hbm>> -> memref<1x125x80xi32, #tpu.memory_space<hbm>>
      %dma_start3A_51 = tpu.memref_squeeze %dma_start3A_50 : memref<1x125x80xi32, #tpu.memory_space<hbm>> -> memref<125x80xi32, #tpu.memory_space<hbm>>
      %dma_start3A_52 = arith.constant 0 : i32
      %dma_start3A_53 = arith.constant 0 : i32
      %dma_start3A_54 = tpu.memref_slice %arg3[%add3A, %dma_start3A_52, %dma_start3A_53] : memref<32x125x80xi32, #tpu.memory_space<hbm>> -> memref<1x125x80xi32, #tpu.memory_space<hbm>>
      %dma_start3A_55 = tpu.memref_squeeze %dma_start3A_54 : memref<1x125x80xi32, #tpu.memory_space<hbm>> -> memref<125x80xi32, #tpu.memory_space<hbm>>
      tpu.enqueue_dma source(%dma_start3A_55 : memref<125x80xi32, #tpu.memory_space<hbm>>) target(%arg6 : memref<125x80xi32, #tpu.memory_space<vmem>>) target_semaphore(%run_scoped3A : memref<!tpu.dma_semaphore, #tpu.memory_space<semaphore_mem>>)
      %dma_wait3A = arith.constant 0 : i32
      %dma_wait3A_56 = arith.constant 0 : i32
      %dma_wait3A_57 = tpu.memref_slice %arg3[%add3A, %dma_wait3A, %dma_wait3A_56] : memref<32x125x80xi32, #tpu.memory_space<hbm>> -> memref<1x125x80xi32, #tpu.memory_space<hbm>>
      %dma_wait3A_58 = tpu.memref_squeeze %dma_wait3A_57 : memref<1x125x80xi32, #tpu.memory_space<hbm>> -> memref<125x80xi32, #tpu.memory_space<hbm>>
      %dma_wait3A_59 = arith.constant 0 : i32
      %dma_wait3A_60 = arith.constant 0 : i32
      %dma_wait3A_61 = tpu.memref_slice %arg3[%add3A, %dma_wait3A_59, %dma_wait3A_60] : memref<32x125x80xi32, #tpu.memory_space<hbm>> -> memref<1x125x80xi32, #tpu.memory_space<hbm>>
      %dma_wait3A_62 = tpu.memref_squeeze %dma_wait3A_61 : memref<1x125x80xi32, #tpu.memory_space<hbm>> -> memref<125x80xi32, #tpu.memory_space<hbm>>
      tpu.wait_dma2 semaphore(%run_scoped3A : memref<!tpu.dma_semaphore, #tpu.memory_space<semaphore_mem>>) src(%dma_wait3A_62 : memref<125x80xi32, #tpu.memory_space<hbm>>) dst(%arg6 : memref<125x80xi32, #tpu.memory_space<vmem>>)
      tpu.yield
    }) : () -> ()
    "tpu.region"() ({
      %run_scoped3A = tpu.sem_alloc : memref<!tpu.dma_semaphore, #tpu.memory_space<semaphore_mem>>
      %dma_start3A = arith.constant 0 : i32
      %dma_start3A_49 = arith.constant 0 : i32
      %dma_start3A_50 = tpu.memref_slice %arg4[%add3A, %dma_start3A, %dma_start3A_49] : memref<32x125x80xi32, #tpu.memory_space<hbm>> -> memref<1x125x80xi32, #tpu.memory_space<hbm>>
      %dma_start3A_51 = tpu.memref_squeeze %dma_start3A_50 : memref<1x125x80xi32, #tpu.memory_space<hbm>> -> memref<125x80xi32, #tpu.memory_space<hbm>>
      %dma_start3A_52 = arith.constant 0 : i32
      %dma_start3A_53 = arith.constant 0 : i32
      %dma_start3A_54 = tpu.memref_slice %arg4[%add3A, %dma_start3A_52, %dma_start3A_53] : memref<32x125x80xi32, #tpu.memory_space<hbm>> -> memref<1x125x80xi32, #tpu.memory_space<hbm>>
      %dma_start3A_55 = tpu.memref_squeeze %dma_start3A_54 : memref<1x125x80xi32, #tpu.memory_space<hbm>> -> memref<125x80xi32, #tpu.memory_space<hbm>>
      tpu.enqueue_dma source(%dma_start3A_55 : memref<125x80xi32, #tpu.memory_space<hbm>>) target(%arg7 : memref<125x80xi32, #tpu.memory_space<vmem>>) target_semaphore(%run_scoped3A : memref<!tpu.dma_semaphore, #tpu.memory_space<semaphore_mem>>)
      %dma_wait3A = arith.constant 0 : i32
      %dma_wait3A_56 = arith.constant 0 : i32
      %dma_wait3A_57 = tpu.memref_slice %arg4[%add3A, %dma_wait3A, %dma_wait3A_56] : memref<32x125x80xi32, #tpu.memory_space<hbm>> -> memref<1x125x80xi32, #tpu.memory_space<hbm>>
      %dma_wait3A_58 = tpu.memref_squeeze %dma_wait3A_57 : memref<1x125x80xi32, #tpu.memory_space<hbm>> -> memref<125x80xi32, #tpu.memory_space<hbm>>
      %dma_wait3A_59 = arith.constant 0 : i32
      %dma_wait3A_60 = arith.constant 0 : i32
      %dma_wait3A_61 = tpu.memref_slice %arg4[%add3A, %dma_wait3A_59, %dma_wait3A_60] : memref<32x125x80xi32, #tpu.memory_space<hbm>> -> memref<1x125x80xi32, #tpu.memory_space<hbm>>
      %dma_wait3A_62 = tpu.memref_squeeze %dma_wait3A_61 : memref<1x125x80xi32, #tpu.memory_space<hbm>> -> memref<125x80xi32, #tpu.memory_space<hbm>>
      tpu.wait_dma2 semaphore(%run_scoped3A : memref<!tpu.dma_semaphore, #tpu.memory_space<semaphore_mem>>) src(%dma_wait3A_62 : memref<125x80xi32, #tpu.memory_space<hbm>>) dst(%arg7 : memref<125x80xi32, #tpu.memory_space<vmem>>)
      tpu.yield
    }) : () -> ()
    %mul3A_6 = arith.constant 640 : i32
    %mul3A_7 = arith.muli %arg1, %mul3A_6 : i32
    %add3A_8 = arith.constant 0 : i32
    %add3A_9 = arith.addi %mul3A_7, %add3A_8 : i32
    "tpu.region"() ({
      %run_scoped3A = tpu.sem_alloc : memref<!tpu.dma_semaphore, #tpu.memory_space<semaphore_mem>>
      %dma_start3A = arith.constant 0 : i32
      %dma_start3A_49 = tpu.memref_slice %arg9[%add3A_9, %dma_start3A] : memref<10240x128xf32, #tpu.memory_space<vmem_shared>> -> memref<80x128xf32, #tpu.memory_space<vmem_shared>>
      %dma_start3A_50 = arith.constant 0 : i32
      %dma_start3A_51 = tpu.memref_slice %arg9[%add3A_9, %dma_start3A_50] : memref<10240x128xf32, #tpu.memory_space<vmem_shared>> -> memref<80x128xf32, #tpu.memory_space<vmem_shared>>
      tpu.enqueue_dma source(%arg8 : memref<80x128xf32, #tpu.memory_space<vmem>>) target(%dma_start3A_51 : memref<80x128xf32, #tpu.memory_space<vmem_shared>>) target_semaphore(%run_scoped3A : memref<!tpu.dma_semaphore, #tpu.memory_space<semaphore_mem>>)
      %dma_wait3A = arith.constant 0 : i32
      %dma_wait3A_52 = tpu.memref_slice %arg9[%add3A_9, %dma_wait3A] : memref<10240x128xf32, #tpu.memory_space<vmem_shared>> -> memref<80x128xf32, #tpu.memory_space<vmem_shared>>
      %dma_wait3A_53 = arith.constant 0 : i32
      %dma_wait3A_54 = tpu.memref_slice %arg9[%add3A_9, %dma_wait3A_53] : memref<10240x128xf32, #tpu.memory_space<vmem_shared>> -> memref<80x128xf32, #tpu.memory_space<vmem_shared>>
      tpu.wait_dma2 semaphore(%run_scoped3A : memref<!tpu.dma_semaphore, #tpu.memory_space<semaphore_mem>>) src(%arg8 : memref<80x128xf32, #tpu.memory_space<vmem>>) dst(%dma_wait3A_54 : memref<80x128xf32, #tpu.memory_space<vmem_shared>>)
      tpu.yield
    }) : () -> ()
    %mul3A_10 = arith.constant 640 : i32
    %mul3A_11 = arith.muli %arg1, %mul3A_10 : i32
    %add3A_12 = arith.constant 80 : i32
    %add3A_13 = arith.addi %mul3A_11, %add3A_12 : i32
    "tpu.region"() ({
      %run_scoped3A = tpu.sem_alloc : memref<!tpu.dma_semaphore, #tpu.memory_space<semaphore_mem>>
      %dma_start3A = arith.constant 0 : i32
      %dma_start3A_49 = tpu.memref_slice %arg9[%add3A_13, %dma_start3A] : memref<10240x128xf32, #tpu.memory_space<vmem_shared>> -> memref<80x128xf32, #tpu.memory_space<vmem_shared>>
      %dma_start3A_50 = arith.constant 0 : i32
      %dma_start3A_51 = tpu.memref_slice %arg9[%add3A_13, %dma_start3A_50] : memref<10240x128xf32, #tpu.memory_space<vmem_shared>> -> memref<80x128xf32, #tpu.memory_space<vmem_shared>>
      tpu.enqueue_dma source(%arg8 : memref<80x128xf32, #tpu.memory_space<vmem>>) target(%dma_start3A_51 : memref<80x128xf32, #tpu.memory_space<vmem_shared>>) target_semaphore(%run_scoped3A : memref<!tpu.dma_semaphore, #tpu.memory_space<semaphore_mem>>)
      %dma_wait3A = arith.constant 0 : i32
      %dma_wait3A_52 = tpu.memref_slice %arg9[%add3A_13, %dma_wait3A] : memref<10240x128xf32, #tpu.memory_space<vmem_shared>> -> memref<80x128xf32, #tpu.memory_space<vmem_shared>>
      %dma_wait3A_53 = arith.constant 0 : i32
      %dma_wait3A_54 = tpu.memref_slice %arg9[%add3A_13, %dma_wait3A_53] : memref<10240x128xf32, #tpu.memory_space<vmem_shared>> -> memref<80x128xf32, #tpu.memory_space<vmem_shared>>
      tpu.wait_dma2 semaphore(%run_scoped3A : memref<!tpu.dma_semaphore, #tpu.memory_space<semaphore_mem>>) src(%arg8 : memref<80x128xf32, #tpu.memory_space<vmem>>) dst(%dma_wait3A_54 : memref<80x128xf32, #tpu.memory_space<vmem_shared>>)
      tpu.yield
    }) : () -> ()
    %mul3A_14 = arith.constant 640 : i32
    %mul3A_15 = arith.muli %arg1, %mul3A_14 : i32
    %add3A_16 = arith.constant 160 : i32
    %add3A_17 = arith.addi %mul3A_15, %add3A_16 : i32
    "tpu.region"() ({
      %run_scoped3A = tpu.sem_alloc : memref<!tpu.dma_semaphore, #tpu.memory_space<semaphore_mem>>
      %dma_start3A = arith.constant 0 : i32
      %dma_start3A_49 = tpu.memref_slice %arg9[%add3A_17, %dma_start3A] : memref<10240x128xf32, #tpu.memory_space<vmem_shared>> -> memref<80x128xf32, #tpu.memory_space<vmem_shared>>
      %dma_start3A_50 = arith.constant 0 : i32
      %dma_start3A_51 = tpu.memref_slice %arg9[%add3A_17, %dma_start3A_50] : memref<10240x128xf32, #tpu.memory_space<vmem_shared>> -> memref<80x128xf32, #tpu.memory_space<vmem_shared>>
      tpu.enqueue_dma source(%arg8 : memref<80x128xf32, #tpu.memory_space<vmem>>) target(%dma_start3A_51 : memref<80x128xf32, #tpu.memory_space<vmem_shared>>) target_semaphore(%run_scoped3A : memref<!tpu.dma_semaphore, #tpu.memory_space<semaphore_mem>>)
      %dma_wait3A = arith.constant 0 : i32
      %dma_wait3A_52 = tpu.memref_slice %arg9[%add3A_17, %dma_wait3A] : memref<10240x128xf32, #tpu.memory_space<vmem_shared>> -> memref<80x128xf32, #tpu.memory_space<vmem_shared>>
      %dma_wait3A_53 = arith.constant 0 : i32
      %dma_wait3A_54 = tpu.memref_slice %arg9[%add3A_17, %dma_wait3A_53] : memref<10240x128xf32, #tpu.memory_space<vmem_shared>> -> memref<80x128xf32, #tpu.memory_space<vmem_shared>>
      tpu.wait_dma2 semaphore(%run_scoped3A : memref<!tpu.dma_semaphore, #tpu.memory_space<semaphore_mem>>) src(%arg8 : memref<80x128xf32, #tpu.memory_space<vmem>>) dst(%dma_wait3A_54 : memref<80x128xf32, #tpu.memory_space<vmem_shared>>)
      tpu.yield
    }) : () -> ()
    %mul3A_18 = arith.constant 640 : i32
    %mul3A_19 = arith.muli %arg1, %mul3A_18 : i32
    %add3A_20 = arith.constant 240 : i32
    %add3A_21 = arith.addi %mul3A_19, %add3A_20 : i32
    "tpu.region"() ({
      %run_scoped3A = tpu.sem_alloc : memref<!tpu.dma_semaphore, #tpu.memory_space<semaphore_mem>>
      %dma_start3A = arith.constant 0 : i32
      %dma_start3A_49 = tpu.memref_slice %arg9[%add3A_21, %dma_start3A] : memref<10240x128xf32, #tpu.memory_space<vmem_shared>> -> memref<80x128xf32, #tpu.memory_space<vmem_shared>>
      %dma_start3A_50 = arith.constant 0 : i32
      %dma_start3A_51 = tpu.memref_slice %arg9[%add3A_21, %dma_start3A_50] : memref<10240x128xf32, #tpu.memory_space<vmem_shared>> -> memref<80x128xf32, #tpu.memory_space<vmem_shared>>
      tpu.enqueue_dma source(%arg8 : memref<80x128xf32, #tpu.memory_space<vmem>>) target(%dma_start3A_51 : memref<80x128xf32, #tpu.memory_space<vmem_shared>>) target_semaphore(%run_scoped3A : memref<!tpu.dma_semaphore, #tpu.memory_space<semaphore_mem>>)
      %dma_wait3A = arith.constant 0 : i32
      %dma_wait3A_52 = tpu.memref_slice %arg9[%add3A_21, %dma_wait3A] : memref<10240x128xf32, #tpu.memory_space<vmem_shared>> -> memref<80x128xf32, #tpu.memory_space<vmem_shared>>
      %dma_wait3A_53 = arith.constant 0 : i32
      %dma_wait3A_54 = tpu.memref_slice %arg9[%add3A_21, %dma_wait3A_53] : memref<10240x128xf32, #tpu.memory_space<vmem_shared>> -> memref<80x128xf32, #tpu.memory_space<vmem_shared>>
      tpu.wait_dma2 semaphore(%run_scoped3A : memref<!tpu.dma_semaphore, #tpu.memory_space<semaphore_mem>>) src(%arg8 : memref<80x128xf32, #tpu.memory_space<vmem>>) dst(%dma_wait3A_54 : memref<80x128xf32, #tpu.memory_space<vmem_shared>>)
      tpu.yield
    }) : () -> ()
    %mul3A_22 = arith.constant 640 : i32
    %mul3A_23 = arith.muli %arg1, %mul3A_22 : i32
    %add3A_24 = arith.constant 320 : i32
    %add3A_25 = arith.addi %mul3A_23, %add3A_24 : i32
    "tpu.region"() ({
      %run_scoped3A = tpu.sem_alloc : memref<!tpu.dma_semaphore, #tpu.memory_space<semaphore_mem>>
      %dma_start3A = arith.constant 0 : i32
      %dma_start3A_49 = tpu.memref_slice %arg9[%add3A_25, %dma_start3A] : memref<10240x128xf32, #tpu.memory_space<vmem_shared>> -> memref<80x128xf32, #tpu.memory_space<vmem_shared>>
      %dma_start3A_50 = arith.constant 0 : i32
      %dma_start3A_51 = tpu.memref_slice %arg9[%add3A_25, %dma_start3A_50] : memref<10240x128xf32, #tpu.memory_space<vmem_shared>> -> memref<80x128xf32, #tpu.memory_space<vmem_shared>>
      tpu.enqueue_dma source(%arg8 : memref<80x128xf32, #tpu.memory_space<vmem>>) target(%dma_start3A_51 : memref<80x128xf32, #tpu.memory_space<vmem_shared>>) target_semaphore(%run_scoped3A : memref<!tpu.dma_semaphore, #tpu.memory_space<semaphore_mem>>)
      %dma_wait3A = arith.constant 0 : i32
      %dma_wait3A_52 = tpu.memref_slice %arg9[%add3A_25, %dma_wait3A] : memref<10240x128xf32, #tpu.memory_space<vmem_shared>> -> memref<80x128xf32, #tpu.memory_space<vmem_shared>>
      %dma_wait3A_53 = arith.constant 0 : i32
      %dma_wait3A_54 = tpu.memref_slice %arg9[%add3A_25, %dma_wait3A_53] : memref<10240x128xf32, #tpu.memory_space<vmem_shared>> -> memref<80x128xf32, #tpu.memory_space<vmem_shared>>
      tpu.wait_dma2 semaphore(%run_scoped3A : memref<!tpu.dma_semaphore, #tpu.memory_space<semaphore_mem>>) src(%arg8 : memref<80x128xf32, #tpu.memory_space<vmem>>) dst(%dma_wait3A_54 : memref<80x128xf32, #tpu.memory_space<vmem_shared>>)
      tpu.yield
    }) : () -> ()
    %mul3A_26 = arith.constant 640 : i32
    %mul3A_27 = arith.muli %arg1, %mul3A_26 : i32
    %add3A_28 = arith.constant 400 : i32
    %add3A_29 = arith.addi %mul3A_27, %add3A_28 : i32
    "tpu.region"() ({
      %run_scoped3A = tpu.sem_alloc : memref<!tpu.dma_semaphore, #tpu.memory_space<semaphore_mem>>
      %dma_start3A = arith.constant 0 : i32
      %dma_start3A_49 = tpu.memref_slice %arg9[%add3A_29, %dma_start3A] : memref<10240x128xf32, #tpu.memory_space<vmem_shared>> -> memref<80x128xf32, #tpu.memory_space<vmem_shared>>
      %dma_start3A_50 = arith.constant 0 : i32
      %dma_start3A_51 = tpu.memref_slice %arg9[%add3A_29, %dma_start3A_50] : memref<10240x128xf32, #tpu.memory_space<vmem_shared>> -> memref<80x128xf32, #tpu.memory_space<vmem_shared>>
      tpu.enqueue_dma source(%arg8 : memref<80x128xf32, #tpu.memory_space<vmem>>) target(%dma_start3A_51 : memref<80x128xf32, #tpu.memory_space<vmem_shared>>) target_semaphore(%run_scoped3A : memref<!tpu.dma_semaphore, #tpu.memory_space<semaphore_mem>>)
      %dma_wait3A = arith.constant 0 : i32
      %dma_wait3A_52 = tpu.memref_slice %arg9[%add3A_29, %dma_wait3A] : memref<10240x128xf32, #tpu.memory_space<vmem_shared>> -> memref<80x128xf32, #tpu.memory_space<vmem_shared>>
      %dma_wait3A_53 = arith.constant 0 : i32
      %dma_wait3A_54 = tpu.memref_slice %arg9[%add3A_29, %dma_wait3A_53] : memref<10240x128xf32, #tpu.memory_space<vmem_shared>> -> memref<80x128xf32, #tpu.memory_space<vmem_shared>>
      tpu.wait_dma2 semaphore(%run_scoped3A : memref<!tpu.dma_semaphore, #tpu.memory_space<semaphore_mem>>) src(%arg8 : memref<80x128xf32, #tpu.memory_space<vmem>>) dst(%dma_wait3A_54 : memref<80x128xf32, #tpu.memory_space<vmem_shared>>)
      tpu.yield
    }) : () -> ()
    %mul3A_30 = arith.constant 640 : i32
    %mul3A_31 = arith.muli %arg1, %mul3A_30 : i32
    %add3A_32 = arith.constant 480 : i32
    %add3A_33 = arith.addi %mul3A_31, %add3A_32 : i32
    "tpu.region"() ({
      %run_scoped3A = tpu.sem_alloc : memref<!tpu.dma_semaphore, #tpu.memory_space<semaphore_mem>>
      %dma_start3A = arith.constant 0 : i32
      %dma_start3A_49 = tpu.memref_slice %arg9[%add3A_33, %dma_start3A] : memref<10240x128xf32, #tpu.memory_space<vmem_shared>> -> memref<80x128xf32, #tpu.memory_space<vmem_shared>>
      %dma_start3A_50 = arith.constant 0 : i32
      %dma_start3A_51 = tpu.memref_slice %arg9[%add3A_33, %dma_start3A_50] : memref<10240x128xf32, #tpu.memory_space<vmem_shared>> -> memref<80x128xf32, #tpu.memory_space<vmem_shared>>
      tpu.enqueue_dma source(%arg8 : memref<80x128xf32, #tpu.memory_space<vmem>>) target(%dma_start3A_51 : memref<80x128xf32, #tpu.memory_space<vmem_shared>>) target_semaphore(%run_scoped3A : memref<!tpu.dma_semaphore, #tpu.memory_space<semaphore_mem>>)
      %dma_wait3A = arith.constant 0 : i32
      %dma_wait3A_52 = tpu.memref_slice %arg9[%add3A_33, %dma_wait3A] : memref<10240x128xf32, #tpu.memory_space<vmem_shared>> -> memref<80x128xf32, #tpu.memory_space<vmem_shared>>
      %dma_wait3A_53 = arith.constant 0 : i32
      %dma_wait3A_54 = tpu.memref_slice %arg9[%add3A_33, %dma_wait3A_53] : memref<10240x128xf32, #tpu.memory_space<vmem_shared>> -> memref<80x128xf32, #tpu.memory_space<vmem_shared>>
      tpu.wait_dma2 semaphore(%run_scoped3A : memref<!tpu.dma_semaphore, #tpu.memory_space<semaphore_mem>>) src(%arg8 : memref<80x128xf32, #tpu.memory_space<vmem>>) dst(%dma_wait3A_54 : memref<80x128xf32, #tpu.memory_space<vmem_shared>>)
      tpu.yield
    }) : () -> ()
    %mul3A_34 = arith.constant 640 : i32
    %mul3A_35 = arith.muli %arg1, %mul3A_34 : i32
    %add3A_36 = arith.constant 560 : i32
    %add3A_37 = arith.addi %mul3A_35, %add3A_36 : i32
    "tpu.region"() ({
      %run_scoped3A = tpu.sem_alloc : memref<!tpu.dma_semaphore, #tpu.memory_space<semaphore_mem>>
      %dma_start3A = arith.constant 0 : i32
      %dma_start3A_49 = tpu.memref_slice %arg9[%add3A_37, %dma_start3A] : memref<10240x128xf32, #tpu.memory_space<vmem_shared>> -> memref<80x128xf32, #tpu.memory_space<vmem_shared>>
      %dma_start3A_50 = arith.constant 0 : i32
      %dma_start3A_51 = tpu.memref_slice %arg9[%add3A_37, %dma_start3A_50] : memref<10240x128xf32, #tpu.memory_space<vmem_shared>> -> memref<80x128xf32, #tpu.memory_space<vmem_shared>>
      tpu.enqueue_dma source(%arg8 : memref<80x128xf32, #tpu.memory_space<vmem>>) target(%dma_start3A_51 : memref<80x128xf32, #tpu.memory_space<vmem_shared>>) target_semaphore(%run_scoped3A : memref<!tpu.dma_semaphore, #tpu.memory_space<semaphore_mem>>)
      %dma_wait3A = arith.constant 0 : i32
      %dma_wait3A_52 = tpu.memref_slice %arg9[%add3A_37, %dma_wait3A] : memref<10240x128xf32, #tpu.memory_space<vmem_shared>> -> memref<80x128xf32, #tpu.memory_space<vmem_shared>>
      %dma_wait3A_53 = arith.constant 0 : i32
      %dma_wait3A_54 = tpu.memref_slice %arg9[%add3A_37, %dma_wait3A_53] : memref<10240x128xf32, #tpu.memory_space<vmem_shared>> -> memref<80x128xf32, #tpu.memory_space<vmem_shared>>
      tpu.wait_dma2 semaphore(%run_scoped3A : memref<!tpu.dma_semaphore, #tpu.memory_space<semaphore_mem>>) src(%arg8 : memref<80x128xf32, #tpu.memory_space<vmem>>) dst(%dma_wait3A_54 : memref<80x128xf32, #tpu.memory_space<vmem_shared>>)
      tpu.yield
    }) : () -> ()
    %barrier3A = arith.constant 0 : index
    tpu.barrier barrier_id(%barrier3A)
    %scan3A_38 = arith.constant 0 : i32
    %scan3A_39 = arith.constant 0 : i32
    %scan3A_40 = arith.constant 125 : i32
    %scan3A_41 = arith.addi %scan3A_39, %scan3A_40 : i32
    %scan3A_42 = arith.constant 1 : i32
    scf.for %scan3A_49 = %scan3A_39 to %scan3A_41 step %scan3A_42  : i32 {
      %dma_start3A = arith.constant 0 : i32
      %dma_start3A_50 = tpu.memref_slice %arg6[%scan3A_49, %dma_start3A] : memref<125x80xi32, #tpu.memory_space<vmem>> -> memref<1x80xi32, #tpu.memory_space<vmem>>
      %dma_start3A_51 = tpu.memref_squeeze %dma_start3A_50 : memref<1x80xi32, #tpu.memory_space<vmem>> -> memref<80xi32, #tpu.memory_space<vmem>>
      %dma_start3A_52 = arith.constant 0 : i32
      %dma_start3A_53 = arith.constant 0 : i32
      %dma_start3A_54 = tpu.memref_slice %arg2[%dma_start3A_52, %dma_start3A_53] : memref<10000x128xf32, #tpu.memory_space<hbm>> -> memref<10000x128xf32, #tpu.memory_space<hbm>>
      tpu.enqueue_indirect_dma source(%dma_start3A_54 : memref<10000x128xf32, #tpu.memory_space<hbm>>) target(%arg8 : memref<80x128xf32, #tpu.memory_space<vmem>>) offsets(%dma_start3A_51 : memref<80xi32, #tpu.memory_space<vmem>>) semaphore(%arg10 : memref<!tpu.dma_semaphore, #tpu.memory_space<semaphore_mem>>)
      %dma_wait3A = arith.constant 0 : i32
      %dma_wait3A_55 = tpu.memref_slice %arg6[%scan3A_49, %dma_wait3A] : memref<125x80xi32, #tpu.memory_space<vmem>> -> memref<1x80xi32, #tpu.memory_space<vmem>>
      %dma_wait3A_56 = tpu.memref_squeeze %dma_wait3A_55 : memref<1x80xi32, #tpu.memory_space<vmem>> -> memref<80xi32, #tpu.memory_space<vmem>>
      %dma_wait3A_57 = arith.constant 0 : i32
      %dma_wait3A_58 = arith.constant 0 : i32
      %dma_wait3A_59 = tpu.memref_slice %arg2[%dma_wait3A_57, %dma_wait3A_58] : memref<10000x128xf32, #tpu.memory_space<hbm>> -> memref<10000x128xf32, #tpu.memory_space<hbm>>
      tpu.wait_indirect_dma semaphore(%arg10 : memref<!tpu.dma_semaphore, #tpu.memory_space<semaphore_mem>>) src(%dma_wait3A_59 : memref<10000x128xf32, #tpu.memory_space<hbm>>) dst(%arg8 : memref<80x128xf32, #tpu.memory_space<vmem>>)
      "tpu.region"() ({
        %run_scoped3A = tpu.sem_alloc : memref<!tpu.dma_semaphore, #tpu.memory_space<semaphore_mem>>
        %dma_start3A_60 = arith.constant 0 : i32
        %dma_start3A_61 = tpu.memref_slice %arg7[%scan3A_49, %dma_start3A_60] : memref<125x80xi32, #tpu.memory_space<vmem>> -> memref<1x80xi32, #tpu.memory_space<vmem>>
        %dma_start3A_62 = tpu.memref_squeeze %dma_start3A_61 : memref<1x80xi32, #tpu.memory_space<vmem>> -> memref<80xi32, #tpu.memory_space<vmem>>
        %dma_start3A_63 = arith.constant 0 : i32
        %dma_start3A_64 = arith.constant 0 : i32
        %dma_start3A_65 = tpu.memref_slice %arg9[%dma_start3A_63, %dma_start3A_64] : memref<10240x128xf32, #tpu.memory_space<vmem_shared>> -> memref<10240x128xf32, #tpu.memory_space<vmem_shared>>
        tpu.enqueue_indirect_dma source(%arg8 : memref<80x128xf32, #tpu.memory_space<vmem>>) target(%dma_start3A_65 : memref<10240x128xf32, #tpu.memory_space<vmem_shared>>) offsets(%dma_start3A_62 : memref<80xi32, #tpu.memory_space<vmem>>) semaphore(%run_scoped3A : memref<!tpu.dma_semaphore, #tpu.memory_space<semaphore_mem>>) {add = true}
        %dma_wait3A_66 = arith.constant 0 : i32
        %dma_wait3A_67 = tpu.memref_slice %arg7[%scan3A_49, %dma_wait3A_66] : memref<125x80xi32, #tpu.memory_space<vmem>> -> memref<1x80xi32, #tpu.memory_space<vmem>>
        %dma_wait3A_68 = tpu.memref_squeeze %dma_wait3A_67 : memref<1x80xi32, #tpu.memory_space<vmem>> -> memref<80xi32, #tpu.memory_space<vmem>>
        %dma_wait3A_69 = arith.constant 0 : i32
        %dma_wait3A_70 = arith.constant 0 : i32
        %dma_wait3A_71 = tpu.memref_slice %arg9[%dma_wait3A_69, %dma_wait3A_70] : memref<10240x128xf32, #tpu.memory_space<vmem_shared>> -> memref<10240x128xf32, #tpu.memory_space<vmem_shared>>
        tpu.wait_indirect_dma semaphore(%run_scoped3A : memref<!tpu.dma_semaphore, #tpu.memory_space<semaphore_mem>>) src(%arg8 : memref<80x128xf32, #tpu.memory_space<vmem>>) dst(%dma_wait3A_71 : memref<10240x128xf32, #tpu.memory_space<vmem_shared>>)
        tpu.yield
      }) : () -> ()
    }
    %scan3A_43 = arith.constant 125 : i32
    %barrier3A_44 = arith.constant 0 : index
    tpu.barrier barrier_id(%barrier3A_44)
    %mul3A_45 = arith.constant 640 : i32
    %mul3A_46 = arith.muli %arg1, %mul3A_45 : i32
    %mul3A_47 = arith.constant 640 : i32
    %mul3A_48 = arith.muli %arg1, %mul3A_47 : i32
    "tpu.region"() ({
      %run_scoped3A = tpu.sem_alloc : memref<!tpu.dma_semaphore, #tpu.memory_space<semaphore_mem>>
      %dma_start3A = arith.constant 0 : i32
      %dma_start3A_49 = tpu.memref_slice %arg5[%arg0, %mul3A_48, %dma_start3A] : memref<2x10240x128xf32, #tpu.memory_space<hbm>> -> memref<1x640x128xf32, #tpu.memory_space<hbm>>
      %dma_start3A_50 = tpu.memref_squeeze %dma_start3A_49 : memref<1x640x128xf32, #tpu.memory_space<hbm>> -> memref<640x128xf32, #tpu.memory_space<hbm>>
      %dma_start3A_51 = arith.constant 0 : i32
      %dma_start3A_52 = tpu.memref_slice %arg9[%mul3A_46, %dma_start3A_51] : memref<10240x128xf32, #tpu.memory_space<vmem_shared>> -> memref<640x128xf32, #tpu.memory_space<vmem_shared>>
      tpu.enqueue_dma source(%dma_start3A_52 : memref<640x128xf32, #tpu.memory_space<vmem_shared>>) target(%dma_start3A_50 : memref<640x128xf32, #tpu.memory_space<hbm>>) target_semaphore(%run_scoped3A : memref<!tpu.dma_semaphore, #tpu.memory_space<semaphore_mem>>)
      %dma_wait3A = arith.constant 0 : i32
      %dma_wait3A_53 = tpu.memref_slice %arg5[%arg0, %mul3A_48, %dma_wait3A] : memref<2x10240x128xf32, #tpu.memory_space<hbm>> -> memref<1x640x128xf32, #tpu.memory_space<hbm>>
      %dma_wait3A_54 = tpu.memref_squeeze %dma_wait3A_53 : memref<1x640x128xf32, #tpu.memory_space<hbm>> -> memref<640x128xf32, #tpu.memory_space<hbm>>
      %dma_wait3A_55 = arith.constant 0 : i32
      %dma_wait3A_56 = tpu.memref_slice %arg9[%mul3A_46, %dma_wait3A_55] : memref<10240x128xf32, #tpu.memory_space<vmem_shared>> -> memref<640x128xf32, #tpu.memory_space<vmem_shared>>
      tpu.wait_dma2 semaphore(%run_scoped3A : memref<!tpu.dma_semaphore, #tpu.memory_space<semaphore_mem>>) src(%dma_wait3A_56 : memref<640x128xf32, #tpu.memory_space<vmem_shared>>) dst(%dma_wait3A_54 : memref<640x128xf32, #tpu.memory_space<hbm>>)
      tpu.yield
    }) : () -> ()
    return
  }
}

#map = affine_map<(d0, d1) -> (0, 0)>
#map1 = affine_map<(d0, d1) -> (0, 0, 0)>
module attributes {stable_mosaic.version = 14 : i64} {
  func.func @_sc_agg_body(%arg0: i32, %arg1: i32, %arg2: memref<10000x128xf32, #tpu.memory_space<hbm>>, %arg3: memref<32x125x80xi32, #tpu.memory_space<hbm>>, %arg4: memref<32x125x80xi32, #tpu.memory_space<hbm>>, %arg5: memref<2x10240x128xf32, #tpu.memory_space<hbm>>, %arg6: memref<125x80xi32, #tpu.memory_space<vmem>>, %arg7: memref<125x80xi32, #tpu.memory_space<vmem>>, %arg8: memref<80x128xf32, #tpu.memory_space<vmem>>, %arg9: memref<10240x128xf32, #tpu.memory_space<vmem_shared>>, %arg10: memref<!tpu.dma_semaphore, #tpu.memory_space<semaphore_mem>>) attributes {dimension_semantics = [#tpu.dimension_semantics<core_parallel>, #tpu.dimension_semantics<subcore_parallel>], iteration_bounds = array<i64: 2, 16>, scalar_prefetch = 0 : i64, scratch_operands = 5 : i64, tpu.core_type = #tpu.core_type<sc_vector_subcore>, window_params = [{transform_indices = #map}, {transform_indices = #map1}, {transform_indices = #map1}, {transform_indices = #map1}]} {
    %mul3A = arith.constant 2 : i32
    %mul3A_0 = arith.muli %arg1, %mul3A : i32
    %add3A = arith.addi %mul3A_0, %arg0 : i32
    %scan3A = arith.constant 0 : i32
    %scan3A_1 = arith.constant 0 : i32
    %scan3A_2 = arith.constant 80 : i32
    %scan3A_3 = arith.addi %scan3A_1, %scan3A_2 : i32
    %scan3A_4 = arith.constant 1 : i32
    scf.for %scan3A_49 = %scan3A_1 to %scan3A_3 step %scan3A_4  : i32 {
      %broadcast_in_dim3A = arith.constant 0.000000e+00 : f32
      %broadcast_in_dim3A_50 = vector.broadcast %broadcast_in_dim3A : f32 to vector<16xf32>
      %swap3A = arith.index_cast %scan3A_49 : i32 to index
      %swap3A_51 = arith.constant 0 : index
      %swap3A_52 = tpu.vector_load %arg8[%swap3A, %swap3A_51] {strides = array<i32>} : memref<80x128xf32, #tpu.memory_space<vmem>>, vector<1x16xf32>,
      %swap3A_53 = vector.shape_cast %swap3A_52 : vector<1x16xf32> to vector<16xf32>
      %swap3A_54 = vector.shape_cast %broadcast_in_dim3A_50 : vector<16xf32> to vector<1x16xf32>
      tpu.vector_store %arg8[%swap3A, %swap3A_51], %swap3A_54 {strides = array<i32>} : memref<80x128xf32, #tpu.memory_space<vmem>>, vector<1x16xf32>,
      %broadcast_in_dim3A_55 = arith.constant 0.000000e+00 : f32
      %broadcast_in_dim3A_56 = vector.broadcast %broadcast_in_dim3A_55 : f32 to vector<16xf32>
      %swap3A_57 = arith.index_cast %scan3A_49 : i32 to index
      %swap3A_58 = arith.constant 16 : index
      %swap3A_59 = tpu.vector_load %arg8[%swap3A_57, %swap3A_58] {strides = array<i32>} : memref<80x128xf32, #tpu.memory_space<vmem>>, vector<1x16xf32>,
      %swap3A_60 = vector.shape_cast %swap3A_59 : vector<1x16xf32> to vector<16xf32>
      %swap3A_61 = vector.shape_cast %broadcast_in_dim3A_56 : vector<16xf32> to vector<1x16xf32>
      tpu.vector_store %arg8[%swap3A_57, %swap3A_58], %swap3A_61 {strides = array<i32>} : memref<80x128xf32, #tpu.memory_space<vmem>>, vector<1x16xf32>,
      %broadcast_in_dim3A_62 = arith.constant 0.000000e+00 : f32
      %broadcast_in_dim3A_63 = vector.broadcast %broadcast_in_dim3A_62 : f32 to vector<16xf32>
      %swap3A_64 = arith.index_cast %scan3A_49 : i32 to index
      %swap3A_65 = arith.constant 32 : index
      %swap3A_66 = tpu.vector_load %arg8[%swap3A_64, %swap3A_65] {strides = array<i32>} : memref<80x128xf32, #tpu.memory_space<vmem>>, vector<1x16xf32>,
      %swap3A_67 = vector.shape_cast %swap3A_66 : vector<1x16xf32> to vector<16xf32>
      %swap3A_68 = vector.shape_cast %broadcast_in_dim3A_63 : vector<16xf32> to vector<1x16xf32>
      tpu.vector_store %arg8[%swap3A_64, %swap3A_65], %swap3A_68 {strides = array<i32>} : memref<80x128xf32, #tpu.memory_space<vmem>>, vector<1x16xf32>,
      %broadcast_in_dim3A_69 = arith.constant 0.000000e+00 : f32
      %broadcast_in_dim3A_70 = vector.broadcast %broadcast_in_dim3A_69 : f32 to vector<16xf32>
      %swap3A_71 = arith.index_cast %scan3A_49 : i32 to index
      %swap3A_72 = arith.constant 48 : index
      %swap3A_73 = tpu.vector_load %arg8[%swap3A_71, %swap3A_72] {strides = array<i32>} : memref<80x128xf32, #tpu.memory_space<vmem>>, vector<1x16xf32>,
      %swap3A_74 = vector.shape_cast %swap3A_73 : vector<1x16xf32> to vector<16xf32>
      %swap3A_75 = vector.shape_cast %broadcast_in_dim3A_70 : vector<16xf32> to vector<1x16xf32>
      tpu.vector_store %arg8[%swap3A_71, %swap3A_72], %swap3A_75 {strides = array<i32>} : memref<80x128xf32, #tpu.memory_space<vmem>>, vector<1x16xf32>,
      %broadcast_in_dim3A_76 = arith.constant 0.000000e+00 : f32
      %broadcast_in_dim3A_77 = vector.broadcast %broadcast_in_dim3A_76 : f32 to vector<16xf32>
      %swap3A_78 = arith.index_cast %scan3A_49 : i32 to index
      %swap3A_79 = arith.constant 64 : index
      %swap3A_80 = tpu.vector_load %arg8[%swap3A_78, %swap3A_79] {strides = array<i32>} : memref<80x128xf32, #tpu.memory_space<vmem>>, vector<1x16xf32>,
      %swap3A_81 = vector.shape_cast %swap3A_80 : vector<1x16xf32> to vector<16xf32>
      %swap3A_82 = vector.shape_cast %broadcast_in_dim3A_77 : vector<16xf32> to vector<1x16xf32>
      tpu.vector_store %arg8[%swap3A_78, %swap3A_79], %swap3A_82 {strides = array<i32>} : memref<80x128xf32, #tpu.memory_space<vmem>>, vector<1x16xf32>,
      %broadcast_in_dim3A_83 = arith.constant 0.000000e+00 : f32
      %broadcast_in_dim3A_84 = vector.broadcast %broadcast_in_dim3A_83 : f32 to vector<16xf32>
      %swap3A_85 = arith.index_cast %scan3A_49 : i32 to index
      %swap3A_86 = arith.constant 80 : index
      %swap3A_87 = tpu.vector_load %arg8[%swap3A_85, %swap3A_86] {strides = array<i32>} : memref<80x128xf32, #tpu.memory_space<vmem>>, vector<1x16xf32>,
      %swap3A_88 = vector.shape_cast %swap3A_87 : vector<1x16xf32> to vector<16xf32>
      %swap3A_89 = vector.shape_cast %broadcast_in_dim3A_84 : vector<16xf32> to vector<1x16xf32>
      tpu.vector_store %arg8[%swap3A_85, %swap3A_86], %swap3A_89 {strides = array<i32>} : memref<80x128xf32, #tpu.memory_space<vmem>>, vector<1x16xf32>,
      %broadcast_in_dim3A_90 = arith.constant 0.000000e+00 : f32
      %broadcast_in_dim3A_91 = vector.broadcast %broadcast_in_dim3A_90 : f32 to vector<16xf32>
      %swap3A_92 = arith.index_cast %scan3A_49 : i32 to index
      %swap3A_93 = arith.constant 96 : index
      %swap3A_94 = tpu.vector_load %arg8[%swap3A_92, %swap3A_93] {strides = array<i32>} : memref<80x128xf32, #tpu.memory_space<vmem>>, vector<1x16xf32>,
      %swap3A_95 = vector.shape_cast %swap3A_94 : vector<1x16xf32> to vector<16xf32>
      %swap3A_96 = vector.shape_cast %broadcast_in_dim3A_91 : vector<16xf32> to vector<1x16xf32>
      tpu.vector_store %arg8[%swap3A_92, %swap3A_93], %swap3A_96 {strides = array<i32>} : memref<80x128xf32, #tpu.memory_space<vmem>>, vector<1x16xf32>,
      %broadcast_in_dim3A_97 = arith.constant 0.000000e+00 : f32
      %broadcast_in_dim3A_98 = vector.broadcast %broadcast_in_dim3A_97 : f32 to vector<16xf32>
      %swap3A_99 = arith.index_cast %scan3A_49 : i32 to index
      %swap3A_100 = arith.constant 112 : index
      %swap3A_101 = tpu.vector_load %arg8[%swap3A_99, %swap3A_100] {strides = array<i32>} : memref<80x128xf32, #tpu.memory_space<vmem>>, vector<1x16xf32>,
      %swap3A_102 = vector.shape_cast %swap3A_101 : vector<1x16xf32> to vector<16xf32>
      %swap3A_103 = vector.shape_cast %broadcast_in_dim3A_98 : vector<16xf32> to vector<1x16xf32>
      tpu.vector_store %arg8[%swap3A_99, %swap3A_100], %swap3A_103 {strides = array<i32>} : memref<80x128xf32, #tpu.memory_space<vmem>>, vector<1x16xf32>,
    }
    %scan3A_5 = arith.constant 80 : i32
    "tpu.region"() ({
      %run_scoped3A = tpu.sem_alloc : memref<!tpu.dma_semaphore, #tpu.memory_space<semaphore_mem>>
      %dma_start3A = arith.constant 0 : i32
      %dma_start3A_49 = arith.constant 0 : i32
      %dma_start3A_50 = tpu.memref_slice %arg3[%add3A, %dma_start3A, %dma_start3A_49] : memref<32x125x80xi32, #tpu.memory_space<hbm>> -> memref<1x125x80xi32, #tpu.memory_space<hbm>>
      %dma_start3A_51 = tpu.memref_squeeze %dma_start3A_50 : memref<1x125x80xi32, #tpu.memory_space<hbm>> -> memref<125x80xi32, #tpu.memory_space<hbm>>
      %dma_start3A_52 = arith.constant 0 : i32
      %dma_start3A_53 = arith.constant 0 : i32
      %dma_start3A_54 = tpu.memref_slice %arg3[%add3A, %dma_start3A_52, %dma_start3A_53] : memref<32x125x80xi32, #tpu.memory_space<hbm>> -> memref<1x125x80xi32, #tpu.memory_space<hbm>>
      %dma_start3A_55 = tpu.memref_squeeze %dma_start3A_54 : memref<1x125x80xi32, #tpu.memory_space<hbm>> -> memref<125x80xi32, #tpu.memory_space<hbm>>
      tpu.enqueue_dma source(%dma_start3A_55 : memref<125x80xi32, #tpu.memory_space<hbm>>) target(%arg6 : memref<125x80xi32, #tpu.memory_space<vmem>>) target_semaphore(%run_scoped3A : memref<!tpu.dma_semaphore, #tpu.memory_space<semaphore_mem>>)
      %dma_wait3A = arith.constant 0 : i32
      %dma_wait3A_56 = arith.constant 0 : i32
      %dma_wait3A_57 = tpu.memref_slice %arg3[%add3A, %dma_wait3A, %dma_wait3A_56] : memref<32x125x80xi32, #tpu.memory_space<hbm>> -> memref<1x125x80xi32, #tpu.memory_space<hbm>>
      %dma_wait3A_58 = tpu.memref_squeeze %dma_wait3A_57 : memref<1x125x80xi32, #tpu.memory_space<hbm>> -> memref<125x80xi32, #tpu.memory_space<hbm>>
      %dma_wait3A_59 = arith.constant 0 : i32
      %dma_wait3A_60 = arith.constant 0 : i32
      %dma_wait3A_61 = tpu.memref_slice %arg3[%add3A, %dma_wait3A_59, %dma_wait3A_60] : memref<32x125x80xi32, #tpu.memory_space<hbm>> -> memref<1x125x80xi32, #tpu.memory_space<hbm>>
      %dma_wait3A_62 = tpu.memref_squeeze %dma_wait3A_61 : memref<1x125x80xi32, #tpu.memory_space<hbm>> -> memref<125x80xi32, #tpu.memory_space<hbm>>
      tpu.wait_dma2 semaphore(%run_scoped3A : memref<!tpu.dma_semaphore, #tpu.memory_space<semaphore_mem>>) src(%dma_wait3A_62 : memref<125x80xi32, #tpu.memory_space<hbm>>) dst(%arg6 : memref<125x80xi32, #tpu.memory_space<vmem>>)
      tpu.yield
    }) : () -> ()
    "tpu.region"() ({
      %run_scoped3A = tpu.sem_alloc : memref<!tpu.dma_semaphore, #tpu.memory_space<semaphore_mem>>
      %dma_start3A = arith.constant 0 : i32
      %dma_start3A_49 = arith.constant 0 : i32
      %dma_start3A_50 = tpu.memref_slice %arg4[%add3A, %dma_start3A, %dma_start3A_49] : memref<32x125x80xi32, #tpu.memory_space<hbm>> -> memref<1x125x80xi32, #tpu.memory_space<hbm>>
      %dma_start3A_51 = tpu.memref_squeeze %dma_start3A_50 : memref<1x125x80xi32, #tpu.memory_space<hbm>> -> memref<125x80xi32, #tpu.memory_space<hbm>>
      %dma_start3A_52 = arith.constant 0 : i32
      %dma_start3A_53 = arith.constant 0 : i32
      %dma_start3A_54 = tpu.memref_slice %arg4[%add3A, %dma_start3A_52, %dma_start3A_53] : memref<32x125x80xi32, #tpu.memory_space<hbm>> -> memref<1x125x80xi32, #tpu.memory_space<hbm>>
      %dma_start3A_55 = tpu.memref_squeeze %dma_start3A_54 : memref<1x125x80xi32, #tpu.memory_space<hbm>> -> memref<125x80xi32, #tpu.memory_space<hbm>>
      tpu.enqueue_dma source(%dma_start3A_55 : memref<125x80xi32, #tpu.memory_space<hbm>>) target(%arg7 : memref<125x80xi32, #tpu.memory_space<vmem>>) target_semaphore(%run_scoped3A : memref<!tpu.dma_semaphore, #tpu.memory_space<semaphore_mem>>)
      %dma_wait3A = arith.constant 0 : i32
      %dma_wait3A_56 = arith.constant 0 : i32
      %dma_wait3A_57 = tpu.memref_slice %arg4[%add3A, %dma_wait3A, %dma_wait3A_56] : memref<32x125x80xi32, #tpu.memory_space<hbm>> -> memref<1x125x80xi32, #tpu.memory_space<hbm>>
      %dma_wait3A_58 = tpu.memref_squeeze %dma_wait3A_57 : memref<1x125x80xi32, #tpu.memory_space<hbm>> -> memref<125x80xi32, #tpu.memory_space<hbm>>
      %dma_wait3A_59 = arith.constant 0 : i32
      %dma_wait3A_60 = arith.constant 0 : i32
      %dma_wait3A_61 = tpu.memref_slice %arg4[%add3A, %dma_wait3A_59, %dma_wait3A_60] : memref<32x125x80xi32, #tpu.memory_space<hbm>> -> memref<1x125x80xi32, #tpu.memory_space<hbm>>
      %dma_wait3A_62 = tpu.memref_squeeze %dma_wait3A_61 : memref<1x125x80xi32, #tpu.memory_space<hbm>> -> memref<125x80xi32, #tpu.memory_space<hbm>>
      tpu.wait_dma2 semaphore(%run_scoped3A : memref<!tpu.dma_semaphore, #tpu.memory_space<semaphore_mem>>) src(%dma_wait3A_62 : memref<125x80xi32, #tpu.memory_space<hbm>>) dst(%arg7 : memref<125x80xi32, #tpu.memory_space<vmem>>)
      tpu.yield
    }) : () -> ()
    %mul3A_6 = arith.constant 640 : i32
    %mul3A_7 = arith.muli %arg1, %mul3A_6 : i32
    %add3A_8 = arith.constant 0 : i32
    %add3A_9 = arith.addi %mul3A_7, %add3A_8 : i32
    "tpu.region"() ({
      %run_scoped3A = tpu.sem_alloc : memref<!tpu.dma_semaphore, #tpu.memory_space<semaphore_mem>>
      %dma_start3A = arith.constant 0 : i32
      %dma_start3A_49 = tpu.memref_slice %arg9[%add3A_9, %dma_start3A] : memref<10240x128xf32, #tpu.memory_space<vmem_shared>> -> memref<80x128xf32, #tpu.memory_space<vmem_shared>>
      %dma_start3A_50 = arith.constant 0 : i32
      %dma_start3A_51 = tpu.memref_slice %arg9[%add3A_9, %dma_start3A_50] : memref<10240x128xf32, #tpu.memory_space<vmem_shared>> -> memref<80x128xf32, #tpu.memory_space<vmem_shared>>
      tpu.enqueue_dma source(%arg8 : memref<80x128xf32, #tpu.memory_space<vmem>>) target(%dma_start3A_51 : memref<80x128xf32, #tpu.memory_space<vmem_shared>>) target_semaphore(%run_scoped3A : memref<!tpu.dma_semaphore, #tpu.memory_space<semaphore_mem>>)
      %dma_wait3A = arith.constant 0 : i32
      %dma_wait3A_52 = tpu.memref_slice %arg9[%add3A_9, %dma_wait3A] : memref<10240x128xf32, #tpu.memory_space<vmem_shared>> -> memref<80x128xf32, #tpu.memory_space<vmem_shared>>
      %dma_wait3A_53 = arith.constant 0 : i32
      %dma_wait3A_54 = tpu.memref_slice %arg9[%add3A_9, %dma_wait3A_53] : memref<10240x128xf32, #tpu.memory_space<vmem_shared>> -> memref<80x128xf32, #tpu.memory_space<vmem_shared>>
      tpu.wait_dma2 semaphore(%run_scoped3A : memref<!tpu.dma_semaphore, #tpu.memory_space<semaphore_mem>>) src(%arg8 : memref<80x128xf32, #tpu.memory_space<vmem>>) dst(%dma_wait3A_54 : memref<80x128xf32, #tpu.memory_space<vmem_shared>>)
      tpu.yield
    }) : () -> ()
    %mul3A_10 = arith.constant 640 : i32
    %mul3A_11 = arith.muli %arg1, %mul3A_10 : i32
    %add3A_12 = arith.constant 80 : i32
    %add3A_13 = arith.addi %mul3A_11, %add3A_12 : i32
    "tpu.region"() ({
      %run_scoped3A = tpu.sem_alloc : memref<!tpu.dma_semaphore, #tpu.memory_space<semaphore_mem>>
      %dma_start3A = arith.constant 0 : i32
      %dma_start3A_49 = tpu.memref_slice %arg9[%add3A_13, %dma_start3A] : memref<10240x128xf32, #tpu.memory_space<vmem_shared>> -> memref<80x128xf32, #tpu.memory_space<vmem_shared>>
      %dma_start3A_50 = arith.constant 0 : i32
      %dma_start3A_51 = tpu.memref_slice %arg9[%add3A_13, %dma_start3A_50] : memref<10240x128xf32, #tpu.memory_space<vmem_shared>> -> memref<80x128xf32, #tpu.memory_space<vmem_shared>>
      tpu.enqueue_dma source(%arg8 : memref<80x128xf32, #tpu.memory_space<vmem>>) target(%dma_start3A_51 : memref<80x128xf32, #tpu.memory_space<vmem_shared>>) target_semaphore(%run_scoped3A : memref<!tpu.dma_semaphore, #tpu.memory_space<semaphore_mem>>)
      %dma_wait3A = arith.constant 0 : i32
      %dma_wait3A_52 = tpu.memref_slice %arg9[%add3A_13, %dma_wait3A] : memref<10240x128xf32, #tpu.memory_space<vmem_shared>> -> memref<80x128xf32, #tpu.memory_space<vmem_shared>>
      %dma_wait3A_53 = arith.constant 0 : i32
      %dma_wait3A_54 = tpu.memref_slice %arg9[%add3A_13, %dma_wait3A_53] : memref<10240x128xf32, #tpu.memory_space<vmem_shared>> -> memref<80x128xf32, #tpu.memory_space<vmem_shared>>
      tpu.wait_dma2 semaphore(%run_scoped3A : memref<!tpu.dma_semaphore, #tpu.memory_space<semaphore_mem>>) src(%arg8 : memref<80x128xf32, #tpu.memory_space<vmem>>) dst(%dma_wait3A_54 : memref<80x128xf32, #tpu.memory_space<vmem_shared>>)
      tpu.yield
    }) : () -> ()
    %mul3A_14 = arith.constant 640 : i32
    %mul3A_15 = arith.muli %arg1, %mul3A_14 : i32
    %add3A_16 = arith.constant 160 : i32
    %add3A_17 = arith.addi %mul3A_15, %add3A_16 : i32
    "tpu.region"() ({
      %run_scoped3A = tpu.sem_alloc : memref<!tpu.dma_semaphore, #tpu.memory_space<semaphore_mem>>
      %dma_start3A = arith.constant 0 : i32
      %dma_start3A_49 = tpu.memref_slice %arg9[%add3A_17, %dma_start3A] : memref<10240x128xf32, #tpu.memory_space<vmem_shared>> -> memref<80x128xf32, #tpu.memory_space<vmem_shared>>
      %dma_start3A_50 = arith.constant 0 : i32
      %dma_start3A_51 = tpu.memref_slice %arg9[%add3A_17, %dma_start3A_50] : memref<10240x128xf32, #tpu.memory_space<vmem_shared>> -> memref<80x128xf32, #tpu.memory_space<vmem_shared>>
      tpu.enqueue_dma source(%arg8 : memref<80x128xf32, #tpu.memory_space<vmem>>) target(%dma_start3A_51 : memref<80x128xf32, #tpu.memory_space<vmem_shared>>) target_semaphore(%run_scoped3A : memref<!tpu.dma_semaphore, #tpu.memory_space<semaphore_mem>>)
      %dma_wait3A = arith.constant 0 : i32
      %dma_wait3A_52 = tpu.memref_slice %arg9[%add3A_17, %dma_wait3A] : memref<10240x128xf32, #tpu.memory_space<vmem_shared>> -> memref<80x128xf32, #tpu.memory_space<vmem_shared>>
      %dma_wait3A_53 = arith.constant 0 : i32
      %dma_wait3A_54 = tpu.memref_slice %arg9[%add3A_17, %dma_wait3A_53] : memref<10240x128xf32, #tpu.memory_space<vmem_shared>> -> memref<80x128xf32, #tpu.memory_space<vmem_shared>>
      tpu.wait_dma2 semaphore(%run_scoped3A : memref<!tpu.dma_semaphore, #tpu.memory_space<semaphore_mem>>) src(%arg8 : memref<80x128xf32, #tpu.memory_space<vmem>>) dst(%dma_wait3A_54 : memref<80x128xf32, #tpu.memory_space<vmem_shared>>)
      tpu.yield
    }) : () -> ()
    %mul3A_18 = arith.constant 640 : i32
    %mul3A_19 = arith.muli %arg1, %mul3A_18 : i32
    %add3A_20 = arith.constant 240 : i32
    %add3A_21 = arith.addi %mul3A_19, %add3A_20 : i32
    "tpu.region"() ({
      %run_scoped3A = tpu.sem_alloc : memref<!tpu.dma_semaphore, #tpu.memory_space<semaphore_mem>>
      %dma_start3A = arith.constant 0 : i32
      %dma_start3A_49 = tpu.memref_slice %arg9[%add3A_21, %dma_start3A] : memref<10240x128xf32, #tpu.memory_space<vmem_shared>> -> memref<80x128xf32, #tpu.memory_space<vmem_shared>>
      %dma_start3A_50 = arith.constant 0 : i32
      %dma_start3A_51 = tpu.memref_slice %arg9[%add3A_21, %dma_start3A_50] : memref<10240x128xf32, #tpu.memory_space<vmem_shared>> -> memref<80x128xf32, #tpu.memory_space<vmem_shared>>
      tpu.enqueue_dma source(%arg8 : memref<80x128xf32, #tpu.memory_space<vmem>>) target(%dma_start3A_51 : memref<80x128xf32, #tpu.memory_space<vmem_shared>>) target_semaphore(%run_scoped3A : memref<!tpu.dma_semaphore, #tpu.memory_space<semaphore_mem>>)
      %dma_wait3A = arith.constant 0 : i32
      %dma_wait3A_52 = tpu.memref_slice %arg9[%add3A_21, %dma_wait3A] : memref<10240x128xf32, #tpu.memory_space<vmem_shared>> -> memref<80x128xf32, #tpu.memory_space<vmem_shared>>
      %dma_wait3A_53 = arith.constant 0 : i32
      %dma_wait3A_54 = tpu.memref_slice %arg9[%add3A_21, %dma_wait3A_53] : memref<10240x128xf32, #tpu.memory_space<vmem_shared>> -> memref<80x128xf32, #tpu.memory_space<vmem_shared>>
      tpu.wait_dma2 semaphore(%run_scoped3A : memref<!tpu.dma_semaphore, #tpu.memory_space<semaphore_mem>>) src(%arg8 : memref<80x128xf32, #tpu.memory_space<vmem>>) dst(%dma_wait3A_54 : memref<80x128xf32, #tpu.memory_space<vmem_shared>>)
      tpu.yield
    }) : () -> ()
    %mul3A_22 = arith.constant 640 : i32
    %mul3A_23 = arith.muli %arg1, %mul3A_22 : i32
    %add3A_24 = arith.constant 320 : i32
    %add3A_25 = arith.addi %mul3A_23, %add3A_24 : i32
    "tpu.region"() ({
      %run_scoped3A = tpu.sem_alloc : memref<!tpu.dma_semaphore, #tpu.memory_space<semaphore_mem>>
      %dma_start3A = arith.constant 0 : i32
      %dma_start3A_49 = tpu.memref_slice %arg9[%add3A_25, %dma_start3A] : memref<10240x128xf32, #tpu.memory_space<vmem_shared>> -> memref<80x128xf32, #tpu.memory_space<vmem_shared>>
      %dma_start3A_50 = arith.constant 0 : i32
      %dma_start3A_51 = tpu.memref_slice %arg9[%add3A_25, %dma_start3A_50] : memref<10240x128xf32, #tpu.memory_space<vmem_shared>> -> memref<80x128xf32, #tpu.memory_space<vmem_shared>>
      tpu.enqueue_dma source(%arg8 : memref<80x128xf32, #tpu.memory_space<vmem>>) target(%dma_start3A_51 : memref<80x128xf32, #tpu.memory_space<vmem_shared>>) target_semaphore(%run_scoped3A : memref<!tpu.dma_semaphore, #tpu.memory_space<semaphore_mem>>)
      %dma_wait3A = arith.constant 0 : i32
      %dma_wait3A_52 = tpu.memref_slice %arg9[%add3A_25, %dma_wait3A] : memref<10240x128xf32, #tpu.memory_space<vmem_shared>> -> memref<80x128xf32, #tpu.memory_space<vmem_shared>>
      %dma_wait3A_53 = arith.constant 0 : i32
      %dma_wait3A_54 = tpu.memref_slice %arg9[%add3A_25, %dma_wait3A_53] : memref<10240x128xf32, #tpu.memory_space<vmem_shared>> -> memref<80x128xf32, #tpu.memory_space<vmem_shared>>
      tpu.wait_dma2 semaphore(%run_scoped3A : memref<!tpu.dma_semaphore, #tpu.memory_space<semaphore_mem>>) src(%arg8 : memref<80x128xf32, #tpu.memory_space<vmem>>) dst(%dma_wait3A_54 : memref<80x128xf32, #tpu.memory_space<vmem_shared>>)
      tpu.yield
    }) : () -> ()
    %mul3A_26 = arith.constant 640 : i32
    %mul3A_27 = arith.muli %arg1, %mul3A_26 : i32
    %add3A_28 = arith.constant 400 : i32
    %add3A_29 = arith.addi %mul3A_27, %add3A_28 : i32
    "tpu.region"() ({
      %run_scoped3A = tpu.sem_alloc : memref<!tpu.dma_semaphore, #tpu.memory_space<semaphore_mem>>
      %dma_start3A = arith.constant 0 : i32
      %dma_start3A_49 = tpu.memref_slice %arg9[%add3A_29, %dma_start3A] : memref<10240x128xf32, #tpu.memory_space<vmem_shared>> -> memref<80x128xf32, #tpu.memory_space<vmem_shared>>
      %dma_start3A_50 = arith.constant 0 : i32
      %dma_start3A_51 = tpu.memref_slice %arg9[%add3A_29, %dma_start3A_50] : memref<10240x128xf32, #tpu.memory_space<vmem_shared>> -> memref<80x128xf32, #tpu.memory_space<vmem_shared>>
      tpu.enqueue_dma source(%arg8 : memref<80x128xf32, #tpu.memory_space<vmem>>) target(%dma_start3A_51 : memref<80x128xf32, #tpu.memory_space<vmem_shared>>) target_semaphore(%run_scoped3A : memref<!tpu.dma_semaphore, #tpu.memory_space<semaphore_mem>>)
      %dma_wait3A = arith.constant 0 : i32
      %dma_wait3A_52 = tpu.memref_slice %arg9[%add3A_29, %dma_wait3A] : memref<10240x128xf32, #tpu.memory_space<vmem_shared>> -> memref<80x128xf32, #tpu.memory_space<vmem_shared>>
      %dma_wait3A_53 = arith.constant 0 : i32
      %dma_wait3A_54 = tpu.memref_slice %arg9[%add3A_29, %dma_wait3A_53] : memref<10240x128xf32, #tpu.memory_space<vmem_shared>> -> memref<80x128xf32, #tpu.memory_space<vmem_shared>>
      tpu.wait_dma2 semaphore(%run_scoped3A : memref<!tpu.dma_semaphore, #tpu.memory_space<semaphore_mem>>) src(%arg8 : memref<80x128xf32, #tpu.memory_space<vmem>>) dst(%dma_wait3A_54 : memref<80x128xf32, #tpu.memory_space<vmem_shared>>)
      tpu.yield
    }) : () -> ()
    %mul3A_30 = arith.constant 640 : i32
    %mul3A_31 = arith.muli %arg1, %mul3A_30 : i32
    %add3A_32 = arith.constant 480 : i32
    %add3A_33 = arith.addi %mul3A_31, %add3A_32 : i32
    "tpu.region"() ({
      %run_scoped3A = tpu.sem_alloc : memref<!tpu.dma_semaphore, #tpu.memory_space<semaphore_mem>>
      %dma_start3A = arith.constant 0 : i32
      %dma_start3A_49 = tpu.memref_slice %arg9[%add3A_33, %dma_start3A] : memref<10240x128xf32, #tpu.memory_space<vmem_shared>> -> memref<80x128xf32, #tpu.memory_space<vmem_shared>>
      %dma_start3A_50 = arith.constant 0 : i32
      %dma_start3A_51 = tpu.memref_slice %arg9[%add3A_33, %dma_start3A_50] : memref<10240x128xf32, #tpu.memory_space<vmem_shared>> -> memref<80x128xf32, #tpu.memory_space<vmem_shared>>
      tpu.enqueue_dma source(%arg8 : memref<80x128xf32, #tpu.memory_space<vmem>>) target(%dma_start3A_51 : memref<80x128xf32, #tpu.memory_space<vmem_shared>>) target_semaphore(%run_scoped3A : memref<!tpu.dma_semaphore, #tpu.memory_space<semaphore_mem>>)
      %dma_wait3A = arith.constant 0 : i32
      %dma_wait3A_52 = tpu.memref_slice %arg9[%add3A_33, %dma_wait3A] : memref<10240x128xf32, #tpu.memory_space<vmem_shared>> -> memref<80x128xf32, #tpu.memory_space<vmem_shared>>
      %dma_wait3A_53 = arith.constant 0 : i32
      %dma_wait3A_54 = tpu.memref_slice %arg9[%add3A_33, %dma_wait3A_53] : memref<10240x128xf32, #tpu.memory_space<vmem_shared>> -> memref<80x128xf32, #tpu.memory_space<vmem_shared>>
      tpu.wait_dma2 semaphore(%run_scoped3A : memref<!tpu.dma_semaphore, #tpu.memory_space<semaphore_mem>>) src(%arg8 : memref<80x128xf32, #tpu.memory_space<vmem>>) dst(%dma_wait3A_54 : memref<80x128xf32, #tpu.memory_space<vmem_shared>>)
      tpu.yield
    }) : () -> ()
    %mul3A_34 = arith.constant 640 : i32
    %mul3A_35 = arith.muli %arg1, %mul3A_34 : i32
    %add3A_36 = arith.constant 560 : i32
    %add3A_37 = arith.addi %mul3A_35, %add3A_36 : i32
    "tpu.region"() ({
      %run_scoped3A = tpu.sem_alloc : memref<!tpu.dma_semaphore, #tpu.memory_space<semaphore_mem>>
      %dma_start3A = arith.constant 0 : i32
      %dma_start3A_49 = tpu.memref_slice %arg9[%add3A_37, %dma_start3A] : memref<10240x128xf32, #tpu.memory_space<vmem_shared>> -> memref<80x128xf32, #tpu.memory_space<vmem_shared>>
      %dma_start3A_50 = arith.constant 0 : i32
      %dma_start3A_51 = tpu.memref_slice %arg9[%add3A_37, %dma_start3A_50] : memref<10240x128xf32, #tpu.memory_space<vmem_shared>> -> memref<80x128xf32, #tpu.memory_space<vmem_shared>>
      tpu.enqueue_dma source(%arg8 : memref<80x128xf32, #tpu.memory_space<vmem>>) target(%dma_start3A_51 : memref<80x128xf32, #tpu.memory_space<vmem_shared>>) target_semaphore(%run_scoped3A : memref<!tpu.dma_semaphore, #tpu.memory_space<semaphore_mem>>)
      %dma_wait3A = arith.constant 0 : i32
      %dma_wait3A_52 = tpu.memref_slice %arg9[%add3A_37, %dma_wait3A] : memref<10240x128xf32, #tpu.memory_space<vmem_shared>> -> memref<80x128xf32, #tpu.memory_space<vmem_shared>>
      %dma_wait3A_53 = arith.constant 0 : i32
      %dma_wait3A_54 = tpu.memref_slice %arg9[%add3A_37, %dma_wait3A_53] : memref<10240x128xf32, #tpu.memory_space<vmem_shared>> -> memref<80x128xf32, #tpu.memory_space<vmem_shared>>
      tpu.wait_dma2 semaphore(%run_scoped3A : memref<!tpu.dma_semaphore, #tpu.memory_space<semaphore_mem>>) src(%arg8 : memref<80x128xf32, #tpu.memory_space<vmem>>) dst(%dma_wait3A_54 : memref<80x128xf32, #tpu.memory_space<vmem_shared>>)
      tpu.yield
    }) : () -> ()
    %barrier3A = arith.constant 0 : index
    tpu.barrier barrier_id(%barrier3A)
    %scan3A_38 = arith.constant 0 : i32
    %scan3A_39 = arith.constant 0 : i32
    %scan3A_40 = arith.constant 125 : i32
    %scan3A_41 = arith.addi %scan3A_39, %scan3A_40 : i32
    %scan3A_42 = arith.constant 1 : i32
    scf.for %scan3A_49 = %scan3A_39 to %scan3A_41 step %scan3A_42  : i32 {
      %dma_start3A = arith.constant 0 : i32
      %dma_start3A_50 = tpu.memref_slice %arg6[%scan3A_49, %dma_start3A] : memref<125x80xi32, #tpu.memory_space<vmem>> -> memref<1x80xi32, #tpu.memory_space<vmem>>
      %dma_start3A_51 = tpu.memref_squeeze %dma_start3A_50 : memref<1x80xi32, #tpu.memory_space<vmem>> -> memref<80xi32, #tpu.memory_space<vmem>>
      %dma_start3A_52 = arith.constant 0 : i32
      %dma_start3A_53 = arith.constant 0 : i32
      %dma_start3A_54 = tpu.memref_slice %arg2[%dma_start3A_52, %dma_start3A_53] : memref<10000x128xf32, #tpu.memory_space<hbm>> -> memref<10000x128xf32, #tpu.memory_space<hbm>>
      tpu.enqueue_indirect_dma source(%dma_start3A_54 : memref<10000x128xf32, #tpu.memory_space<hbm>>) target(%arg8 : memref<80x128xf32, #tpu.memory_space<vmem>>) offsets(%dma_start3A_51 : memref<80xi32, #tpu.memory_space<vmem>>) semaphore(%arg10 : memref<!tpu.dma_semaphore, #tpu.memory_space<semaphore_mem>>)
      %dma_wait3A = arith.constant 0 : i32
      %dma_wait3A_55 = tpu.memref_slice %arg6[%scan3A_49, %dma_wait3A] : memref<125x80xi32, #tpu.memory_space<vmem>> -> memref<1x80xi32, #tpu.memory_space<vmem>>
      %dma_wait3A_56 = tpu.memref_squeeze %dma_wait3A_55 : memref<1x80xi32, #tpu.memory_space<vmem>> -> memref<80xi32, #tpu.memory_space<vmem>>
      %dma_wait3A_57 = arith.constant 0 : i32
      %dma_wait3A_58 = arith.constant 0 : i32
      %dma_wait3A_59 = tpu.memref_slice %arg2[%dma_wait3A_57, %dma_wait3A_58] : memref<10000x128xf32, #tpu.memory_space<hbm>> -> memref<10000x128xf32, #tpu.memory_space<hbm>>
      tpu.wait_indirect_dma semaphore(%arg10 : memref<!tpu.dma_semaphore, #tpu.memory_space<semaphore_mem>>) src(%dma_wait3A_59 : memref<10000x128xf32, #tpu.memory_space<hbm>>) dst(%arg8 : memref<80x128xf32, #tpu.memory_space<vmem>>)
      "tpu.region"() ({
        %run_scoped3A = tpu.sem_alloc : memref<!tpu.dma_semaphore, #tpu.memory_space<semaphore_mem>>
        %dma_start3A_60 = arith.constant 0 : i32
        %dma_start3A_61 = tpu.memref_slice %arg7[%scan3A_49, %dma_start3A_60] : memref<125x80xi32, #tpu.memory_space<vmem>> -> memref<1x80xi32, #tpu.memory_space<vmem>>
        %dma_start3A_62 = tpu.memref_squeeze %dma_start3A_61 : memref<1x80xi32, #tpu.memory_space<vmem>> -> memref<80xi32, #tpu.memory_space<vmem>>
        %dma_start3A_63 = arith.constant 0 : i32
        %dma_start3A_64 = arith.constant 0 : i32
        %dma_start3A_65 = tpu.memref_slice %arg9[%dma_start3A_63, %dma_start3A_64] : memref<10240x128xf32, #tpu.memory_space<vmem_shared>> -> memref<10240x128xf32, #tpu.memory_space<vmem_shared>>
        tpu.enqueue_indirect_dma source(%arg8 : memref<80x128xf32, #tpu.memory_space<vmem>>) target(%dma_start3A_65 : memref<10240x128xf32, #tpu.memory_space<vmem_shared>>) offsets(%dma_start3A_62 : memref<80xi32, #tpu.memory_space<vmem>>) semaphore(%run_scoped3A : memref<!tpu.dma_semaphore, #tpu.memory_space<semaphore_mem>>) {add = true}
        %dma_wait3A_66 = arith.constant 0 : i32
        %dma_wait3A_67 = tpu.memref_slice %arg7[%scan3A_49, %dma_wait3A_66] : memref<125x80xi32, #tpu.memory_space<vmem>> -> memref<1x80xi32, #tpu.memory_space<vmem>>
        %dma_wait3A_68 = tpu.memref_squeeze %dma_wait3A_67 : memref<1x80xi32, #tpu.memory_space<vmem>> -> memref<80xi32, #tpu.memory_space<vmem>>
        %dma_wait3A_69 = arith.constant 0 : i32
        %dma_wait3A_70 = arith.constant 0 : i32
        %dma_wait3A_71 = tpu.memref_slice %arg9[%dma_wait3A_69, %dma_wait3A_70] : memref<10240x128xf32, #tpu.memory_space<vmem_shared>> -> memref<10240x128xf32, #tpu.memory_space<vmem_shared>>
        tpu.wait_indirect_dma semaphore(%run_scoped3A : memref<!tpu.dma_semaphore, #tpu.memory_space<semaphore_mem>>) src(%arg8 : memref<80x128xf32, #tpu.memory_space<vmem>>) dst(%dma_wait3A_71 : memref<10240x128xf32, #tpu.memory_space<vmem_shared>>)
        tpu.yield
      }) : () -> ()
    }
    %scan3A_43 = arith.constant 125 : i32
    %barrier3A_44 = arith.constant 0 : index
    tpu.barrier barrier_id(%barrier3A_44)
    %mul3A_45 = arith.constant 640 : i32
    %mul3A_46 = arith.muli %arg1, %mul3A_45 : i32
    %mul3A_47 = arith.constant 640 : i32
    %mul3A_48 = arith.muli %arg1, %mul3A_47 : i32
    "tpu.region"() ({
      %run_scoped3A = tpu.sem_alloc : memref<!tpu.dma_semaphore, #tpu.memory_space<semaphore_mem>>
      %dma_start3A = arith.constant 0 : i32
      %dma_start3A_49 = tpu.memref_slice %arg5[%arg0, %mul3A_48, %dma_start3A] : memref<2x10240x128xf32, #tpu.memory_space<hbm>> -> memref<1x640x128xf32, #tpu.memory_space<hbm>>
      %dma_start3A_50 = tpu.memref_squeeze %dma_start3A_49 : memref<1x640x128xf32, #tpu.memory_space<hbm>> -> memref<640x128xf32, #tpu.memory_space<hbm>>
      %dma_start3A_51 = arith.constant 0 : i32
      %dma_start3A_52 = tpu.memref_slice %arg9[%mul3A_46, %dma_start3A_51] : memref<10240x128xf32, #tpu.memory_space<vmem_shared>> -> memref<640x128xf32, #tpu.memory_space<vmem_shared>>
      tpu.enqueue_dma source(%dma_start3A_52 : memref<640x128xf32, #tpu.memory_space<vmem_shared>>) target(%dma_start3A_50 : memref<640x128xf32, #tpu.memory_space<hbm>>) target_semaphore(%run_scoped3A : memref<!tpu.dma_semaphore, #tpu.memory_space<semaphore_mem>>)
      %dma_wait3A = arith.constant 0 : i32
      %dma_wait3A_53 = tpu.memref_slice %arg5[%arg0, %mul3A_48, %dma_wait3A] : memref<2x10240x128xf32, #tpu.memory_space<hbm>> -> memref<1x640x128xf32, #tpu.memory_space<hbm>>
      %dma_wait3A_54 = tpu.memref_squeeze %dma_wait3A_53 : memref<1x640x128xf32, #tpu.memory_space<hbm>> -> memref<640x128xf32, #tpu.memory_space<hbm>>
      %dma_wait3A_55 = arith.constant 0 : i32
      %dma_wait3A_56 = tpu.memref_slice %arg9[%mul3A_46, %dma_wait3A_55] : memref<10240x128xf32, #tpu.memory_space<vmem_shared>> -> memref<640x128xf32, #tpu.memory_space<vmem_shared>>
      tpu.wait_dma2 semaphore(%run_scoped3A : memref<!tpu.dma_semaphore, #tpu.memory_space<semaphore_mem>>) src(%dma_wait3A_56 : memref<640x128xf32, #tpu.memory_space<vmem_shared>>) dst(%dma_wait3A_54 : memref<640x128xf32, #tpu.memory_space<hbm>>)
      tpu.yield
    }) : () -> ()
    return
  }
}

#map = affine_map<(d0, d1) -> (0, 0)>
#map1 = affine_map<(d0, d1) -> (0, 0, 0)>
module attributes {stable_mosaic.version = 14 : i64} {
  func.func @_sc_agg_body(%arg0: i32, %arg1: i32, %arg2: memref<10000x128xf32, #tpu.memory_space<hbm>>, %arg3: memref<32x125x80xi32, #tpu.memory_space<hbm>>, %arg4: memref<32x125x80xi32, #tpu.memory_space<hbm>>, %arg5: memref<2x10240x128xf32, #tpu.memory_space<hbm>>, %arg6: memref<125x80xi32, #tpu.memory_space<vmem>>, %arg7: memref<125x80xi32, #tpu.memory_space<vmem>>, %arg8: memref<80x128xf32, #tpu.memory_space<vmem>>, %arg9: memref<10240x128xf32, #tpu.memory_space<vmem_shared>>, %arg10: memref<!tpu.dma_semaphore, #tpu.memory_space<semaphore_mem>>) attributes {dimension_semantics = [#tpu.dimension_semantics<core_parallel>, #tpu.dimension_semantics<subcore_parallel>], iteration_bounds = array<i64: 2, 16>, scalar_prefetch = 0 : i64, scratch_operands = 5 : i64, tpu.core_type = #tpu.core_type<sc_vector_subcore>, window_params = [{transform_indices = #map}, {transform_indices = #map1}, {transform_indices = #map1}, {transform_indices = #map1}]} {
    %mul3A = arith.constant 2 : i32
    %mul3A_0 = arith.muli %arg1, %mul3A : i32
    %add3A = arith.addi %mul3A_0, %arg0 : i32
    %scan3A = arith.constant 0 : i32
    %scan3A_1 = arith.constant 0 : i32
    %scan3A_2 = arith.constant 80 : i32
    %scan3A_3 = arith.addi %scan3A_1, %scan3A_2 : i32
    %scan3A_4 = arith.constant 1 : i32
    scf.for %scan3A_49 = %scan3A_1 to %scan3A_3 step %scan3A_4  : i32 {
      %broadcast_in_dim3A = arith.constant 0.000000e+00 : f32
      %broadcast_in_dim3A_50 = vector.broadcast %broadcast_in_dim3A : f32 to vector<16xf32>
      %swap3A = arith.index_cast %scan3A_49 : i32 to index
      %swap3A_51 = arith.constant 0 : index
      %swap3A_52 = tpu.vector_load %arg8[%swap3A, %swap3A_51] {strides = array<i32>} : memref<80x128xf32, #tpu.memory_space<vmem>>, vector<1x16xf32>,
      %swap3A_53 = vector.shape_cast %swap3A_52 : vector<1x16xf32> to vector<16xf32>
      %swap3A_54 = vector.shape_cast %broadcast_in_dim3A_50 : vector<16xf32> to vector<1x16xf32>
      tpu.vector_store %arg8[%swap3A, %swap3A_51], %swap3A_54 {strides = array<i32>} : memref<80x128xf32, #tpu.memory_space<vmem>>, vector<1x16xf32>,
      %broadcast_in_dim3A_55 = arith.constant 0.000000e+00 : f32
      %broadcast_in_dim3A_56 = vector.broadcast %broadcast_in_dim3A_55 : f32 to vector<16xf32>
      %swap3A_57 = arith.index_cast %scan3A_49 : i32 to index
      %swap3A_58 = arith.constant 16 : index
      %swap3A_59 = tpu.vector_load %arg8[%swap3A_57, %swap3A_58] {strides = array<i32>} : memref<80x128xf32, #tpu.memory_space<vmem>>, vector<1x16xf32>,
      %swap3A_60 = vector.shape_cast %swap3A_59 : vector<1x16xf32> to vector<16xf32>
      %swap3A_61 = vector.shape_cast %broadcast_in_dim3A_56 : vector<16xf32> to vector<1x16xf32>
      tpu.vector_store %arg8[%swap3A_57, %swap3A_58], %swap3A_61 {strides = array<i32>} : memref<80x128xf32, #tpu.memory_space<vmem>>, vector<1x16xf32>,
      %broadcast_in_dim3A_62 = arith.constant 0.000000e+00 : f32
      %broadcast_in_dim3A_63 = vector.broadcast %broadcast_in_dim3A_62 : f32 to vector<16xf32>
      %swap3A_64 = arith.index_cast %scan3A_49 : i32 to index
      %swap3A_65 = arith.constant 32 : index
      %swap3A_66 = tpu.vector_load %arg8[%swap3A_64, %swap3A_65] {strides = array<i32>} : memref<80x128xf32, #tpu.memory_space<vmem>>, vector<1x16xf32>,
      %swap3A_67 = vector.shape_cast %swap3A_66 : vector<1x16xf32> to vector<16xf32>
      %swap3A_68 = vector.shape_cast %broadcast_in_dim3A_63 : vector<16xf32> to vector<1x16xf32>
      tpu.vector_store %arg8[%swap3A_64, %swap3A_65], %swap3A_68 {strides = array<i32>} : memref<80x128xf32, #tpu.memory_space<vmem>>, vector<1x16xf32>,
      %broadcast_in_dim3A_69 = arith.constant 0.000000e+00 : f32
      %broadcast_in_dim3A_70 = vector.broadcast %broadcast_in_dim3A_69 : f32 to vector<16xf32>
      %swap3A_71 = arith.index_cast %scan3A_49 : i32 to index
      %swap3A_72 = arith.constant 48 : index
      %swap3A_73 = tpu.vector_load %arg8[%swap3A_71, %swap3A_72] {strides = array<i32>} : memref<80x128xf32, #tpu.memory_space<vmem>>, vector<1x16xf32>,
      %swap3A_74 = vector.shape_cast %swap3A_73 : vector<1x16xf32> to vector<16xf32>
      %swap3A_75 = vector.shape_cast %broadcast_in_dim3A_70 : vector<16xf32> to vector<1x16xf32>
      tpu.vector_store %arg8[%swap3A_71, %swap3A_72], %swap3A_75 {strides = array<i32>} : memref<80x128xf32, #tpu.memory_space<vmem>>, vector<1x16xf32>,
      %broadcast_in_dim3A_76 = arith.constant 0.000000e+00 : f32
      %broadcast_in_dim3A_77 = vector.broadcast %broadcast_in_dim3A_76 : f32 to vector<16xf32>
      %swap3A_78 = arith.index_cast %scan3A_49 : i32 to index
      %swap3A_79 = arith.constant 64 : index
      %swap3A_80 = tpu.vector_load %arg8[%swap3A_78, %swap3A_79] {strides = array<i32>} : memref<80x128xf32, #tpu.memory_space<vmem>>, vector<1x16xf32>,
      %swap3A_81 = vector.shape_cast %swap3A_80 : vector<1x16xf32> to vector<16xf32>
      %swap3A_82 = vector.shape_cast %broadcast_in_dim3A_77 : vector<16xf32> to vector<1x16xf32>
      tpu.vector_store %arg8[%swap3A_78, %swap3A_79], %swap3A_82 {strides = array<i32>} : memref<80x128xf32, #tpu.memory_space<vmem>>, vector<1x16xf32>,
      %broadcast_in_dim3A_83 = arith.constant 0.000000e+00 : f32
      %broadcast_in_dim3A_84 = vector.broadcast %broadcast_in_dim3A_83 : f32 to vector<16xf32>
      %swap3A_85 = arith.index_cast %scan3A_49 : i32 to index
      %swap3A_86 = arith.constant 80 : index
      %swap3A_87 = tpu.vector_load %arg8[%swap3A_85, %swap3A_86] {strides = array<i32>} : memref<80x128xf32, #tpu.memory_space<vmem>>, vector<1x16xf32>,
      %swap3A_88 = vector.shape_cast %swap3A_87 : vector<1x16xf32> to vector<16xf32>
      %swap3A_89 = vector.shape_cast %broadcast_in_dim3A_84 : vector<16xf32> to vector<1x16xf32>
      tpu.vector_store %arg8[%swap3A_85, %swap3A_86], %swap3A_89 {strides = array<i32>} : memref<80x128xf32, #tpu.memory_space<vmem>>, vector<1x16xf32>,
      %broadcast_in_dim3A_90 = arith.constant 0.000000e+00 : f32
      %broadcast_in_dim3A_91 = vector.broadcast %broadcast_in_dim3A_90 : f32 to vector<16xf32>
      %swap3A_92 = arith.index_cast %scan3A_49 : i32 to index
      %swap3A_93 = arith.constant 96 : index
      %swap3A_94 = tpu.vector_load %arg8[%swap3A_92, %swap3A_93] {strides = array<i32>} : memref<80x128xf32, #tpu.memory_space<vmem>>, vector<1x16xf32>,
      %swap3A_95 = vector.shape_cast %swap3A_94 : vector<1x16xf32> to vector<16xf32>
      %swap3A_96 = vector.shape_cast %broadcast_in_dim3A_91 : vector<16xf32> to vector<1x16xf32>
      tpu.vector_store %arg8[%swap3A_92, %swap3A_93], %swap3A_96 {strides = array<i32>} : memref<80x128xf32, #tpu.memory_space<vmem>>, vector<1x16xf32>,
      %broadcast_in_dim3A_97 = arith.constant 0.000000e+00 : f32
      %broadcast_in_dim3A_98 = vector.broadcast %broadcast_in_dim3A_97 : f32 to vector<16xf32>
      %swap3A_99 = arith.index_cast %scan3A_49 : i32 to index
      %swap3A_100 = arith.constant 112 : index
      %swap3A_101 = tpu.vector_load %arg8[%swap3A_99, %swap3A_100] {strides = array<i32>} : memref<80x128xf32, #tpu.memory_space<vmem>>, vector<1x16xf32>,
      %swap3A_102 = vector.shape_cast %swap3A_101 : vector<1x16xf32> to vector<16xf32>
      %swap3A_103 = vector.shape_cast %broadcast_in_dim3A_98 : vector<16xf32> to vector<1x16xf32>
      tpu.vector_store %arg8[%swap3A_99, %swap3A_100], %swap3A_103 {strides = array<i32>} : memref<80x128xf32, #tpu.memory_space<vmem>>, vector<1x16xf32>,
    }
    %scan3A_5 = arith.constant 80 : i32
    "tpu.region"() ({
      %run_scoped3A = tpu.sem_alloc : memref<!tpu.dma_semaphore, #tpu.memory_space<semaphore_mem>>
      %dma_start3A = arith.constant 0 : i32
      %dma_start3A_49 = arith.constant 0 : i32
      %dma_start3A_50 = tpu.memref_slice %arg3[%add3A, %dma_start3A, %dma_start3A_49] : memref<32x125x80xi32, #tpu.memory_space<hbm>> -> memref<1x125x80xi32, #tpu.memory_space<hbm>>
      %dma_start3A_51 = tpu.memref_squeeze %dma_start3A_50 : memref<1x125x80xi32, #tpu.memory_space<hbm>> -> memref<125x80xi32, #tpu.memory_space<hbm>>
      %dma_start3A_52 = arith.constant 0 : i32
      %dma_start3A_53 = arith.constant 0 : i32
      %dma_start3A_54 = tpu.memref_slice %arg3[%add3A, %dma_start3A_52, %dma_start3A_53] : memref<32x125x80xi32, #tpu.memory_space<hbm>> -> memref<1x125x80xi32, #tpu.memory_space<hbm>>
      %dma_start3A_55 = tpu.memref_squeeze %dma_start3A_54 : memref<1x125x80xi32, #tpu.memory_space<hbm>> -> memref<125x80xi32, #tpu.memory_space<hbm>>
      tpu.enqueue_dma source(%dma_start3A_55 : memref<125x80xi32, #tpu.memory_space<hbm>>) target(%arg6 : memref<125x80xi32, #tpu.memory_space<vmem>>) target_semaphore(%run_scoped3A : memref<!tpu.dma_semaphore, #tpu.memory_space<semaphore_mem>>)
      %dma_wait3A = arith.constant 0 : i32
      %dma_wait3A_56 = arith.constant 0 : i32
      %dma_wait3A_57 = tpu.memref_slice %arg3[%add3A, %dma_wait3A, %dma_wait3A_56] : memref<32x125x80xi32, #tpu.memory_space<hbm>> -> memref<1x125x80xi32, #tpu.memory_space<hbm>>
      %dma_wait3A_58 = tpu.memref_squeeze %dma_wait3A_57 : memref<1x125x80xi32, #tpu.memory_space<hbm>> -> memref<125x80xi32, #tpu.memory_space<hbm>>
      %dma_wait3A_59 = arith.constant 0 : i32
      %dma_wait3A_60 = arith.constant 0 : i32
      %dma_wait3A_61 = tpu.memref_slice %arg3[%add3A, %dma_wait3A_59, %dma_wait3A_60] : memref<32x125x80xi32, #tpu.memory_space<hbm>> -> memref<1x125x80xi32, #tpu.memory_space<hbm>>
      %dma_wait3A_62 = tpu.memref_squeeze %dma_wait3A_61 : memref<1x125x80xi32, #tpu.memory_space<hbm>> -> memref<125x80xi32, #tpu.memory_space<hbm>>
      tpu.wait_dma2 semaphore(%run_scoped3A : memref<!tpu.dma_semaphore, #tpu.memory_space<semaphore_mem>>) src(%dma_wait3A_62 : memref<125x80xi32, #tpu.memory_space<hbm>>) dst(%arg6 : memref<125x80xi32, #tpu.memory_space<vmem>>)
      tpu.yield
    }) : () -> ()
    "tpu.region"() ({
      %run_scoped3A = tpu.sem_alloc : memref<!tpu.dma_semaphore, #tpu.memory_space<semaphore_mem>>
      %dma_start3A = arith.constant 0 : i32
      %dma_start3A_49 = arith.constant 0 : i32
      %dma_start3A_50 = tpu.memref_slice %arg4[%add3A, %dma_start3A, %dma_start3A_49] : memref<32x125x80xi32, #tpu.memory_space<hbm>> -> memref<1x125x80xi32, #tpu.memory_space<hbm>>
      %dma_start3A_51 = tpu.memref_squeeze %dma_start3A_50 : memref<1x125x80xi32, #tpu.memory_space<hbm>> -> memref<125x80xi32, #tpu.memory_space<hbm>>
      %dma_start3A_52 = arith.constant 0 : i32
      %dma_start3A_53 = arith.constant 0 : i32
      %dma_start3A_54 = tpu.memref_slice %arg4[%add3A, %dma_start3A_52, %dma_start3A_53] : memref<32x125x80xi32, #tpu.memory_space<hbm>> -> memref<1x125x80xi32, #tpu.memory_space<hbm>>
      %dma_start3A_55 = tpu.memref_squeeze %dma_start3A_54 : memref<1x125x80xi32, #tpu.memory_space<hbm>> -> memref<125x80xi32, #tpu.memory_space<hbm>>
      tpu.enqueue_dma source(%dma_start3A_55 : memref<125x80xi32, #tpu.memory_space<hbm>>) target(%arg7 : memref<125x80xi32, #tpu.memory_space<vmem>>) target_semaphore(%run_scoped3A : memref<!tpu.dma_semaphore, #tpu.memory_space<semaphore_mem>>)
      %dma_wait3A = arith.constant 0 : i32
      %dma_wait3A_56 = arith.constant 0 : i32
      %dma_wait3A_57 = tpu.memref_slice %arg4[%add3A, %dma_wait3A, %dma_wait3A_56] : memref<32x125x80xi32, #tpu.memory_space<hbm>> -> memref<1x125x80xi32, #tpu.memory_space<hbm>>
      %dma_wait3A_58 = tpu.memref_squeeze %dma_wait3A_57 : memref<1x125x80xi32, #tpu.memory_space<hbm>> -> memref<125x80xi32, #tpu.memory_space<hbm>>
      %dma_wait3A_59 = arith.constant 0 : i32
      %dma_wait3A_60 = arith.constant 0 : i32
      %dma_wait3A_61 = tpu.memref_slice %arg4[%add3A, %dma_wait3A_59, %dma_wait3A_60] : memref<32x125x80xi32, #tpu.memory_space<hbm>> -> memref<1x125x80xi32, #tpu.memory_space<hbm>>
      %dma_wait3A_62 = tpu.memref_squeeze %dma_wait3A_61 : memref<1x125x80xi32, #tpu.memory_space<hbm>> -> memref<125x80xi32, #tpu.memory_space<hbm>>
      tpu.wait_dma2 semaphore(%run_scoped3A : memref<!tpu.dma_semaphore, #tpu.memory_space<semaphore_mem>>) src(%dma_wait3A_62 : memref<125x80xi32, #tpu.memory_space<hbm>>) dst(%arg7 : memref<125x80xi32, #tpu.memory_space<vmem>>)
      tpu.yield
    }) : () -> ()
    %mul3A_6 = arith.constant 640 : i32
    %mul3A_7 = arith.muli %arg1, %mul3A_6 : i32
    %add3A_8 = arith.constant 0 : i32
    %add3A_9 = arith.addi %mul3A_7, %add3A_8 : i32
    "tpu.region"() ({
      %run_scoped3A = tpu.sem_alloc : memref<!tpu.dma_semaphore, #tpu.memory_space<semaphore_mem>>
      %dma_start3A = arith.constant 0 : i32
      %dma_start3A_49 = tpu.memref_slice %arg9[%add3A_9, %dma_start3A] : memref<10240x128xf32, #tpu.memory_space<vmem_shared>> -> memref<80x128xf32, #tpu.memory_space<vmem_shared>>
      %dma_start3A_50 = arith.constant 0 : i32
      %dma_start3A_51 = tpu.memref_slice %arg9[%add3A_9, %dma_start3A_50] : memref<10240x128xf32, #tpu.memory_space<vmem_shared>> -> memref<80x128xf32, #tpu.memory_space<vmem_shared>>
      tpu.enqueue_dma source(%arg8 : memref<80x128xf32, #tpu.memory_space<vmem>>) target(%dma_start3A_51 : memref<80x128xf32, #tpu.memory_space<vmem_shared>>) target_semaphore(%run_scoped3A : memref<!tpu.dma_semaphore, #tpu.memory_space<semaphore_mem>>)
      %dma_wait3A = arith.constant 0 : i32
      %dma_wait3A_52 = tpu.memref_slice %arg9[%add3A_9, %dma_wait3A] : memref<10240x128xf32, #tpu.memory_space<vmem_shared>> -> memref<80x128xf32, #tpu.memory_space<vmem_shared>>
      %dma_wait3A_53 = arith.constant 0 : i32
      %dma_wait3A_54 = tpu.memref_slice %arg9[%add3A_9, %dma_wait3A_53] : memref<10240x128xf32, #tpu.memory_space<vmem_shared>> -> memref<80x128xf32, #tpu.memory_space<vmem_shared>>
      tpu.wait_dma2 semaphore(%run_scoped3A : memref<!tpu.dma_semaphore, #tpu.memory_space<semaphore_mem>>) src(%arg8 : memref<80x128xf32, #tpu.memory_space<vmem>>) dst(%dma_wait3A_54 : memref<80x128xf32, #tpu.memory_space<vmem_shared>>)
      tpu.yield
    }) : () -> ()
    %mul3A_10 = arith.constant 640 : i32
    %mul3A_11 = arith.muli %arg1, %mul3A_10 : i32
    %add3A_12 = arith.constant 80 : i32
    %add3A_13 = arith.addi %mul3A_11, %add3A_12 : i32
    "tpu.region"() ({
      %run_scoped3A = tpu.sem_alloc : memref<!tpu.dma_semaphore, #tpu.memory_space<semaphore_mem>>
      %dma_start3A = arith.constant 0 : i32
      %dma_start3A_49 = tpu.memref_slice %arg9[%add3A_13, %dma_start3A] : memref<10240x128xf32, #tpu.memory_space<vmem_shared>> -> memref<80x128xf32, #tpu.memory_space<vmem_shared>>
      %dma_start3A_50 = arith.constant 0 : i32
      %dma_start3A_51 = tpu.memref_slice %arg9[%add3A_13, %dma_start3A_50] : memref<10240x128xf32, #tpu.memory_space<vmem_shared>> -> memref<80x128xf32, #tpu.memory_space<vmem_shared>>
      tpu.enqueue_dma source(%arg8 : memref<80x128xf32, #tpu.memory_space<vmem>>) target(%dma_start3A_51 : memref<80x128xf32, #tpu.memory_space<vmem_shared>>) target_semaphore(%run_scoped3A : memref<!tpu.dma_semaphore, #tpu.memory_space<semaphore_mem>>)
      %dma_wait3A = arith.constant 0 : i32
      %dma_wait3A_52 = tpu.memref_slice %arg9[%add3A_13, %dma_wait3A] : memref<10240x128xf32, #tpu.memory_space<vmem_shared>> -> memref<80x128xf32, #tpu.memory_space<vmem_shared>>
      %dma_wait3A_53 = arith.constant 0 : i32
      %dma_wait3A_54 = tpu.memref_slice %arg9[%add3A_13, %dma_wait3A_53] : memref<10240x128xf32, #tpu.memory_space<vmem_shared>> -> memref<80x128xf32, #tpu.memory_space<vmem_shared>>
      tpu.wait_dma2 semaphore(%run_scoped3A : memref<!tpu.dma_semaphore, #tpu.memory_space<semaphore_mem>>) src(%arg8 : memref<80x128xf32, #tpu.memory_space<vmem>>) dst(%dma_wait3A_54 : memref<80x128xf32, #tpu.memory_space<vmem_shared>>)
      tpu.yield
    }) : () -> ()
    %mul3A_14 = arith.constant 640 : i32
    %mul3A_15 = arith.muli %arg1, %mul3A_14 : i32
    %add3A_16 = arith.constant 160 : i32
    %add3A_17 = arith.addi %mul3A_15, %add3A_16 : i32
    "tpu.region"() ({
      %run_scoped3A = tpu.sem_alloc : memref<!tpu.dma_semaphore, #tpu.memory_space<semaphore_mem>>
      %dma_start3A = arith.constant 0 : i32
      %dma_start3A_49 = tpu.memref_slice %arg9[%add3A_17, %dma_start3A] : memref<10240x128xf32, #tpu.memory_space<vmem_shared>> -> memref<80x128xf32, #tpu.memory_space<vmem_shared>>
      %dma_start3A_50 = arith.constant 0 : i32
      %dma_start3A_51 = tpu.memref_slice %arg9[%add3A_17, %dma_start3A_50] : memref<10240x128xf32, #tpu.memory_space<vmem_shared>> -> memref<80x128xf32, #tpu.memory_space<vmem_shared>>
      tpu.enqueue_dma source(%arg8 : memref<80x128xf32, #tpu.memory_space<vmem>>) target(%dma_start3A_51 : memref<80x128xf32, #tpu.memory_space<vmem_shared>>) target_semaphore(%run_scoped3A : memref<!tpu.dma_semaphore, #tpu.memory_space<semaphore_mem>>)
      %dma_wait3A = arith.constant 0 : i32
      %dma_wait3A_52 = tpu.memref_slice %arg9[%add3A_17, %dma_wait3A] : memref<10240x128xf32, #tpu.memory_space<vmem_shared>> -> memref<80x128xf32, #tpu.memory_space<vmem_shared>>
      %dma_wait3A_53 = arith.constant 0 : i32
      %dma_wait3A_54 = tpu.memref_slice %arg9[%add3A_17, %dma_wait3A_53] : memref<10240x128xf32, #tpu.memory_space<vmem_shared>> -> memref<80x128xf32, #tpu.memory_space<vmem_shared>>
      tpu.wait_dma2 semaphore(%run_scoped3A : memref<!tpu.dma_semaphore, #tpu.memory_space<semaphore_mem>>) src(%arg8 : memref<80x128xf32, #tpu.memory_space<vmem>>) dst(%dma_wait3A_54 : memref<80x128xf32, #tpu.memory_space<vmem_shared>>)
      tpu.yield
    }) : () -> ()
    %mul3A_18 = arith.constant 640 : i32
    %mul3A_19 = arith.muli %arg1, %mul3A_18 : i32
    %add3A_20 = arith.constant 240 : i32
    %add3A_21 = arith.addi %mul3A_19, %add3A_20 : i32
    "tpu.region"() ({
      %run_scoped3A = tpu.sem_alloc : memref<!tpu.dma_semaphore, #tpu.memory_space<semaphore_mem>>
      %dma_start3A = arith.constant 0 : i32
      %dma_start3A_49 = tpu.memref_slice %arg9[%add3A_21, %dma_start3A] : memref<10240x128xf32, #tpu.memory_space<vmem_shared>> -> memref<80x128xf32, #tpu.memory_space<vmem_shared>>
      %dma_start3A_50 = arith.constant 0 : i32
      %dma_start3A_51 = tpu.memref_slice %arg9[%add3A_21, %dma_start3A_50] : memref<10240x128xf32, #tpu.memory_space<vmem_shared>> -> memref<80x128xf32, #tpu.memory_space<vmem_shared>>
      tpu.enqueue_dma source(%arg8 : memref<80x128xf32, #tpu.memory_space<vmem>>) target(%dma_start3A_51 : memref<80x128xf32, #tpu.memory_space<vmem_shared>>) target_semaphore(%run_scoped3A : memref<!tpu.dma_semaphore, #tpu.memory_space<semaphore_mem>>)
      %dma_wait3A = arith.constant 0 : i32
      %dma_wait3A_52 = tpu.memref_slice %arg9[%add3A_21, %dma_wait3A] : memref<10240x128xf32, #tpu.memory_space<vmem_shared>> -> memref<80x128xf32, #tpu.memory_space<vmem_shared>>
      %dma_wait3A_53 = arith.constant 0 : i32
      %dma_wait3A_54 = tpu.memref_slice %arg9[%add3A_21, %dma_wait3A_53] : memref<10240x128xf32, #tpu.memory_space<vmem_shared>> -> memref<80x128xf32, #tpu.memory_space<vmem_shared>>
      tpu.wait_dma2 semaphore(%run_scoped3A : memref<!tpu.dma_semaphore, #tpu.memory_space<semaphore_mem>>) src(%arg8 : memref<80x128xf32, #tpu.memory_space<vmem>>) dst(%dma_wait3A_54 : memref<80x128xf32, #tpu.memory_space<vmem_shared>>)
      tpu.yield
    }) : () -> ()
    %mul3A_22 = arith.constant 640 : i32
    %mul3A_23 = arith.muli %arg1, %mul3A_22 : i32
    %add3A_24 = arith.constant 320 : i32
    %add3A_25 = arith.addi %mul3A_23, %add3A_24 : i32
    "tpu.region"() ({
      %run_scoped3A = tpu.sem_alloc : memref<!tpu.dma_semaphore, #tpu.memory_space<semaphore_mem>>
      %dma_start3A = arith.constant 0 : i32
      %dma_start3A_49 = tpu.memref_slice %arg9[%add3A_25, %dma_start3A] : memref<10240x128xf32, #tpu.memory_space<vmem_shared>> -> memref<80x128xf32, #tpu.memory_space<vmem_shared>>
      %dma_start3A_50 = arith.constant 0 : i32
      %dma_start3A_51 = tpu.memref_slice %arg9[%add3A_25, %dma_start3A_50] : memref<10240x128xf32, #tpu.memory_space<vmem_shared>> -> memref<80x128xf32, #tpu.memory_space<vmem_shared>>
      tpu.enqueue_dma source(%arg8 : memref<80x128xf32, #tpu.memory_space<vmem>>) target(%dma_start3A_51 : memref<80x128xf32, #tpu.memory_space<vmem_shared>>) target_semaphore(%run_scoped3A : memref<!tpu.dma_semaphore, #tpu.memory_space<semaphore_mem>>)
      %dma_wait3A = arith.constant 0 : i32
      %dma_wait3A_52 = tpu.memref_slice %arg9[%add3A_25, %dma_wait3A] : memref<10240x128xf32, #tpu.memory_space<vmem_shared>> -> memref<80x128xf32, #tpu.memory_space<vmem_shared>>
      %dma_wait3A_53 = arith.constant 0 : i32
      %dma_wait3A_54 = tpu.memref_slice %arg9[%add3A_25, %dma_wait3A_53] : memref<10240x128xf32, #tpu.memory_space<vmem_shared>> -> memref<80x128xf32, #tpu.memory_space<vmem_shared>>
      tpu.wait_dma2 semaphore(%run_scoped3A : memref<!tpu.dma_semaphore, #tpu.memory_space<semaphore_mem>>) src(%arg8 : memref<80x128xf32, #tpu.memory_space<vmem>>) dst(%dma_wait3A_54 : memref<80x128xf32, #tpu.memory_space<vmem_shared>>)
      tpu.yield
    }) : () -> ()
    %mul3A_26 = arith.constant 640 : i32
    %mul3A_27 = arith.muli %arg1, %mul3A_26 : i32
    %add3A_28 = arith.constant 400 : i32
    %add3A_29 = arith.addi %mul3A_27, %add3A_28 : i32
    "tpu.region"() ({
      %run_scoped3A = tpu.sem_alloc : memref<!tpu.dma_semaphore, #tpu.memory_space<semaphore_mem>>
      %dma_start3A = arith.constant 0 : i32
      %dma_start3A_49 = tpu.memref_slice %arg9[%add3A_29, %dma_start3A] : memref<10240x128xf32, #tpu.memory_space<vmem_shared>> -> memref<80x128xf32, #tpu.memory_space<vmem_shared>>
      %dma_start3A_50 = arith.constant 0 : i32
      %dma_start3A_51 = tpu.memref_slice %arg9[%add3A_29, %dma_start3A_50] : memref<10240x128xf32, #tpu.memory_space<vmem_shared>> -> memref<80x128xf32, #tpu.memory_space<vmem_shared>>
      tpu.enqueue_dma source(%arg8 : memref<80x128xf32, #tpu.memory_space<vmem>>) target(%dma_start3A_51 : memref<80x128xf32, #tpu.memory_space<vmem_shared>>) target_semaphore(%run_scoped3A : memref<!tpu.dma_semaphore, #tpu.memory_space<semaphore_mem>>)
      %dma_wait3A = arith.constant 0 : i32
      %dma_wait3A_52 = tpu.memref_slice %arg9[%add3A_29, %dma_wait3A] : memref<10240x128xf32, #tpu.memory_space<vmem_shared>> -> memref<80x128xf32, #tpu.memory_space<vmem_shared>>
      %dma_wait3A_53 = arith.constant 0 : i32
      %dma_wait3A_54 = tpu.memref_slice %arg9[%add3A_29, %dma_wait3A_53] : memref<10240x128xf32, #tpu.memory_space<vmem_shared>> -> memref<80x128xf32, #tpu.memory_space<vmem_shared>>
      tpu.wait_dma2 semaphore(%run_scoped3A : memref<!tpu.dma_semaphore, #tpu.memory_space<semaphore_mem>>) src(%arg8 : memref<80x128xf32, #tpu.memory_space<vmem>>) dst(%dma_wait3A_54 : memref<80x128xf32, #tpu.memory_space<vmem_shared>>)
      tpu.yield
    }) : () -> ()
    %mul3A_30 = arith.constant 640 : i32
    %mul3A_31 = arith.muli %arg1, %mul3A_30 : i32
    %add3A_32 = arith.constant 480 : i32
    %add3A_33 = arith.addi %mul3A_31, %add3A_32 : i32
    "tpu.region"() ({
      %run_scoped3A = tpu.sem_alloc : memref<!tpu.dma_semaphore, #tpu.memory_space<semaphore_mem>>
      %dma_start3A = arith.constant 0 : i32
      %dma_start3A_49 = tpu.memref_slice %arg9[%add3A_33, %dma_start3A] : memref<10240x128xf32, #tpu.memory_space<vmem_shared>> -> memref<80x128xf32, #tpu.memory_space<vmem_shared>>
      %dma_start3A_50 = arith.constant 0 : i32
      %dma_start3A_51 = tpu.memref_slice %arg9[%add3A_33, %dma_start3A_50] : memref<10240x128xf32, #tpu.memory_space<vmem_shared>> -> memref<80x128xf32, #tpu.memory_space<vmem_shared>>
      tpu.enqueue_dma source(%arg8 : memref<80x128xf32, #tpu.memory_space<vmem>>) target(%dma_start3A_51 : memref<80x128xf32, #tpu.memory_space<vmem_shared>>) target_semaphore(%run_scoped3A : memref<!tpu.dma_semaphore, #tpu.memory_space<semaphore_mem>>)
      %dma_wait3A = arith.constant 0 : i32
      %dma_wait3A_52 = tpu.memref_slice %arg9[%add3A_33, %dma_wait3A] : memref<10240x128xf32, #tpu.memory_space<vmem_shared>> -> memref<80x128xf32, #tpu.memory_space<vmem_shared>>
      %dma_wait3A_53 = arith.constant 0 : i32
      %dma_wait3A_54 = tpu.memref_slice %arg9[%add3A_33, %dma_wait3A_53] : memref<10240x128xf32, #tpu.memory_space<vmem_shared>> -> memref<80x128xf32, #tpu.memory_space<vmem_shared>>
      tpu.wait_dma2 semaphore(%run_scoped3A : memref<!tpu.dma_semaphore, #tpu.memory_space<semaphore_mem>>) src(%arg8 : memref<80x128xf32, #tpu.memory_space<vmem>>) dst(%dma_wait3A_54 : memref<80x128xf32, #tpu.memory_space<vmem_shared>>)
      tpu.yield
    }) : () -> ()
    %mul3A_34 = arith.constant 640 : i32
    %mul3A_35 = arith.muli %arg1, %mul3A_34 : i32
    %add3A_36 = arith.constant 560 : i32
    %add3A_37 = arith.addi %mul3A_35, %add3A_36 : i32
    "tpu.region"() ({
      %run_scoped3A = tpu.sem_alloc : memref<!tpu.dma_semaphore, #tpu.memory_space<semaphore_mem>>
      %dma_start3A = arith.constant 0 : i32
      %dma_start3A_49 = tpu.memref_slice %arg9[%add3A_37, %dma_start3A] : memref<10240x128xf32, #tpu.memory_space<vmem_shared>> -> memref<80x128xf32, #tpu.memory_space<vmem_shared>>
      %dma_start3A_50 = arith.constant 0 : i32
      %dma_start3A_51 = tpu.memref_slice %arg9[%add3A_37, %dma_start3A_50] : memref<10240x128xf32, #tpu.memory_space<vmem_shared>> -> memref<80x128xf32, #tpu.memory_space<vmem_shared>>
      tpu.enqueue_dma source(%arg8 : memref<80x128xf32, #tpu.memory_space<vmem>>) target(%dma_start3A_51 : memref<80x128xf32, #tpu.memory_space<vmem_shared>>) target_semaphore(%run_scoped3A : memref<!tpu.dma_semaphore, #tpu.memory_space<semaphore_mem>>)
      %dma_wait3A = arith.constant 0 : i32
      %dma_wait3A_52 = tpu.memref_slice %arg9[%add3A_37, %dma_wait3A] : memref<10240x128xf32, #tpu.memory_space<vmem_shared>> -> memref<80x128xf32, #tpu.memory_space<vmem_shared>>
      %dma_wait3A_53 = arith.constant 0 : i32
      %dma_wait3A_54 = tpu.memref_slice %arg9[%add3A_37, %dma_wait3A_53] : memref<10240x128xf32, #tpu.memory_space<vmem_shared>> -> memref<80x128xf32, #tpu.memory_space<vmem_shared>>
      tpu.wait_dma2 semaphore(%run_scoped3A : memref<!tpu.dma_semaphore, #tpu.memory_space<semaphore_mem>>) src(%arg8 : memref<80x128xf32, #tpu.memory_space<vmem>>) dst(%dma_wait3A_54 : memref<80x128xf32, #tpu.memory_space<vmem_shared>>)
      tpu.yield
    }) : () -> ()
    %barrier3A = arith.constant 0 : index
    tpu.barrier barrier_id(%barrier3A)
    %scan3A_38 = arith.constant 0 : i32
    %scan3A_39 = arith.constant 0 : i32
    %scan3A_40 = arith.constant 125 : i32
    %scan3A_41 = arith.addi %scan3A_39, %scan3A_40 : i32
    %scan3A_42 = arith.constant 1 : i32
    scf.for %scan3A_49 = %scan3A_39 to %scan3A_41 step %scan3A_42  : i32 {
      %dma_start3A = arith.constant 0 : i32
      %dma_start3A_50 = tpu.memref_slice %arg6[%scan3A_49, %dma_start3A] : memref<125x80xi32, #tpu.memory_space<vmem>> -> memref<1x80xi32, #tpu.memory_space<vmem>>
      %dma_start3A_51 = tpu.memref_squeeze %dma_start3A_50 : memref<1x80xi32, #tpu.memory_space<vmem>> -> memref<80xi32, #tpu.memory_space<vmem>>
      %dma_start3A_52 = arith.constant 0 : i32
      %dma_start3A_53 = arith.constant 0 : i32
      %dma_start3A_54 = tpu.memref_slice %arg2[%dma_start3A_52, %dma_start3A_53] : memref<10000x128xf32, #tpu.memory_space<hbm>> -> memref<10000x128xf32, #tpu.memory_space<hbm>>
      tpu.enqueue_indirect_dma source(%dma_start3A_54 : memref<10000x128xf32, #tpu.memory_space<hbm>>) target(%arg8 : memref<80x128xf32, #tpu.memory_space<vmem>>) offsets(%dma_start3A_51 : memref<80xi32, #tpu.memory_space<vmem>>) semaphore(%arg10 : memref<!tpu.dma_semaphore, #tpu.memory_space<semaphore_mem>>)
      %dma_wait3A = arith.constant 0 : i32
      %dma_wait3A_55 = tpu.memref_slice %arg6[%scan3A_49, %dma_wait3A] : memref<125x80xi32, #tpu.memory_space<vmem>> -> memref<1x80xi32, #tpu.memory_space<vmem>>
      %dma_wait3A_56 = tpu.memref_squeeze %dma_wait3A_55 : memref<1x80xi32, #tpu.memory_space<vmem>> -> memref<80xi32, #tpu.memory_space<vmem>>
      %dma_wait3A_57 = arith.constant 0 : i32
      %dma_wait3A_58 = arith.constant 0 : i32
      %dma_wait3A_59 = tpu.memref_slice %arg2[%dma_wait3A_57, %dma_wait3A_58] : memref<10000x128xf32, #tpu.memory_space<hbm>> -> memref<10000x128xf32, #tpu.memory_space<hbm>>
      tpu.wait_indirect_dma semaphore(%arg10 : memref<!tpu.dma_semaphore, #tpu.memory_space<semaphore_mem>>) src(%dma_wait3A_59 : memref<10000x128xf32, #tpu.memory_space<hbm>>) dst(%arg8 : memref<80x128xf32, #tpu.memory_space<vmem>>)
      "tpu.region"() ({
        %run_scoped3A = tpu.sem_alloc : memref<!tpu.dma_semaphore, #tpu.memory_space<semaphore_mem>>
        %dma_start3A_60 = arith.constant 0 : i32
        %dma_start3A_61 = tpu.memref_slice %arg7[%scan3A_49, %dma_start3A_60] : memref<125x80xi32, #tpu.memory_space<vmem>> -> memref<1x80xi32, #tpu.memory_space<vmem>>
        %dma_start3A_62 = tpu.memref_squeeze %dma_start3A_61 : memref<1x80xi32, #tpu.memory_space<vmem>> -> memref<80xi32, #tpu.memory_space<vmem>>
        %dma_start3A_63 = arith.constant 0 : i32
        %dma_start3A_64 = arith.constant 0 : i32
        %dma_start3A_65 = tpu.memref_slice %arg9[%dma_start3A_63, %dma_start3A_64] : memref<10240x128xf32, #tpu.memory_space<vmem_shared>> -> memref<10240x128xf32, #tpu.memory_space<vmem_shared>>
        tpu.enqueue_indirect_dma source(%arg8 : memref<80x128xf32, #tpu.memory_space<vmem>>) target(%dma_start3A_65 : memref<10240x128xf32, #tpu.memory_space<vmem_shared>>) offsets(%dma_start3A_62 : memref<80xi32, #tpu.memory_space<vmem>>) semaphore(%run_scoped3A : memref<!tpu.dma_semaphore, #tpu.memory_space<semaphore_mem>>) {add = true}
        %dma_wait3A_66 = arith.constant 0 : i32
        %dma_wait3A_67 = tpu.memref_slice %arg7[%scan3A_49, %dma_wait3A_66] : memref<125x80xi32, #tpu.memory_space<vmem>> -> memref<1x80xi32, #tpu.memory_space<vmem>>
        %dma_wait3A_68 = tpu.memref_squeeze %dma_wait3A_67 : memref<1x80xi32, #tpu.memory_space<vmem>> -> memref<80xi32, #tpu.memory_space<vmem>>
        %dma_wait3A_69 = arith.constant 0 : i32
        %dma_wait3A_70 = arith.constant 0 : i32
        %dma_wait3A_71 = tpu.memref_slice %arg9[%dma_wait3A_69, %dma_wait3A_70] : memref<10240x128xf32, #tpu.memory_space<vmem_shared>> -> memref<10240x128xf32, #tpu.memory_space<vmem_shared>>
        tpu.wait_indirect_dma semaphore(%run_scoped3A : memref<!tpu.dma_semaphore, #tpu.memory_space<semaphore_mem>>) src(%arg8 : memref<80x128xf32, #tpu.memory_space<vmem>>) dst(%dma_wait3A_71 : memref<10240x128xf32, #tpu.memory_space<vmem_shared>>)
        tpu.yield
      }) : () -> ()
    }
    %scan3A_43 = arith.constant 125 : i32
    %barrier3A_44 = arith.constant 0 : index
    tpu.barrier barrier_id(%barrier3A_44)
    %mul3A_45 = arith.constant 640 : i32
    %mul3A_46 = arith.muli %arg1, %mul3A_45 : i32
    %mul3A_47 = arith.constant 640 : i32
    %mul3A_48 = arith.muli %arg1, %mul3A_47 : i32
    "tpu.region"() ({
      %run_scoped3A = tpu.sem_alloc : memref<!tpu.dma_semaphore, #tpu.memory_space<semaphore_mem>>
      %dma_start3A = arith.constant 0 : i32
      %dma_start3A_49 = tpu.memref_slice %arg5[%arg0, %mul3A_48, %dma_start3A] : memref<2x10240x128xf32, #tpu.memory_space<hbm>> -> memref<1x640x128xf32, #tpu.memory_space<hbm>>
      %dma_start3A_50 = tpu.memref_squeeze %dma_start3A_49 : memref<1x640x128xf32, #tpu.memory_space<hbm>> -> memref<640x128xf32, #tpu.memory_space<hbm>>
      %dma_start3A_51 = arith.constant 0 : i32
      %dma_start3A_52 = tpu.memref_slice %arg9[%mul3A_46, %dma_start3A_51] : memref<10240x128xf32, #tpu.memory_space<vmem_shared>> -> memref<640x128xf32, #tpu.memory_space<vmem_shared>>
      tpu.enqueue_dma source(%dma_start3A_52 : memref<640x128xf32, #tpu.memory_space<vmem_shared>>) target(%dma_start3A_50 : memref<640x128xf32, #tpu.memory_space<hbm>>) target_semaphore(%run_scoped3A : memref<!tpu.dma_semaphore, #tpu.memory_space<semaphore_mem>>)
      %dma_wait3A = arith.constant 0 : i32
      %dma_wait3A_53 = tpu.memref_slice %arg5[%arg0, %mul3A_48, %dma_wait3A] : memref<2x10240x128xf32, #tpu.memory_space<hbm>> -> memref<1x640x128xf32, #tpu.memory_space<hbm>>
      %dma_wait3A_54 = tpu.memref_squeeze %dma_wait3A_53 : memref<1x640x128xf32, #tpu.memory_space<hbm>> -> memref<640x128xf32, #tpu.memory_space<hbm>>
      %dma_wait3A_55 = arith.constant 0 : i32
      %dma_wait3A_56 = tpu.memref_slice %arg9[%mul3A_46, %dma_wait3A_55] : memref<10240x128xf32, #tpu.memory_space<vmem_shared>> -> memref<640x128xf32, #tpu.memory_space<vmem_shared>>
      tpu.wait_dma2 semaphore(%run_scoped3A : memref<!tpu.dma_semaphore, #tpu.memory_space<semaphore_mem>>) src(%dma_wait3A_56 : memref<640x128xf32, #tpu.memory_space<vmem_shared>>) dst(%dma_wait3A_54 : memref<640x128xf32, #tpu.memory_space<hbm>>)
      tpu.yield
    }) : () -> ()
    return
  }
}

#map = affine_map<(d0, d1) -> (0, 0)>
#map1 = affine_map<(d0, d1) -> (0, 0, 0)>
module attributes {stable_mosaic.version = 14 : i64} {
  func.func @_sc_agg_body(%arg0: i32, %arg1: i32, %arg2: memref<10000x128xf32, #tpu.memory_space<hbm>>, %arg3: memref<32x125x80xi32, #tpu.memory_space<hbm>>, %arg4: memref<32x125x80xi32, #tpu.memory_space<hbm>>, %arg5: memref<2x10240x128xf32, #tpu.memory_space<hbm>>, %arg6: memref<125x80xi32, #tpu.memory_space<vmem>>, %arg7: memref<125x80xi32, #tpu.memory_space<vmem>>, %arg8: memref<80x128xf32, #tpu.memory_space<vmem>>, %arg9: memref<10240x128xf32, #tpu.memory_space<vmem_shared>>, %arg10: memref<!tpu.dma_semaphore, #tpu.memory_space<semaphore_mem>>) attributes {dimension_semantics = [#tpu.dimension_semantics<core_parallel>, #tpu.dimension_semantics<subcore_parallel>], iteration_bounds = array<i64: 2, 16>, scalar_prefetch = 0 : i64, scratch_operands = 5 : i64, tpu.core_type = #tpu.core_type<sc_vector_subcore>, window_params = [{transform_indices = #map}, {transform_indices = #map1}, {transform_indices = #map1}, {transform_indices = #map1}]} {
    %mul3A = arith.constant 2 : i32
    %mul3A_0 = arith.muli %arg1, %mul3A : i32
    %add3A = arith.addi %mul3A_0, %arg0 : i32
    %scan3A = arith.constant 0 : i32
    %scan3A_1 = arith.constant 0 : i32
    %scan3A_2 = arith.constant 80 : i32
    %scan3A_3 = arith.addi %scan3A_1, %scan3A_2 : i32
    %scan3A_4 = arith.constant 1 : i32
    scf.for %scan3A_49 = %scan3A_1 to %scan3A_3 step %scan3A_4  : i32 {
      %broadcast_in_dim3A = arith.constant 0.000000e+00 : f32
      %broadcast_in_dim3A_50 = vector.broadcast %broadcast_in_dim3A : f32 to vector<16xf32>
      %swap3A = arith.index_cast %scan3A_49 : i32 to index
      %swap3A_51 = arith.constant 0 : index
      %swap3A_52 = tpu.vector_load %arg8[%swap3A, %swap3A_51] {strides = array<i32>} : memref<80x128xf32, #tpu.memory_space<vmem>>, vector<1x16xf32>,
      %swap3A_53 = vector.shape_cast %swap3A_52 : vector<1x16xf32> to vector<16xf32>
      %swap3A_54 = vector.shape_cast %broadcast_in_dim3A_50 : vector<16xf32> to vector<1x16xf32>
      tpu.vector_store %arg8[%swap3A, %swap3A_51], %swap3A_54 {strides = array<i32>} : memref<80x128xf32, #tpu.memory_space<vmem>>, vector<1x16xf32>,
      %broadcast_in_dim3A_55 = arith.constant 0.000000e+00 : f32
      %broadcast_in_dim3A_56 = vector.broadcast %broadcast_in_dim3A_55 : f32 to vector<16xf32>
      %swap3A_57 = arith.index_cast %scan3A_49 : i32 to index
      %swap3A_58 = arith.constant 16 : index
      %swap3A_59 = tpu.vector_load %arg8[%swap3A_57, %swap3A_58] {strides = array<i32>} : memref<80x128xf32, #tpu.memory_space<vmem>>, vector<1x16xf32>,
      %swap3A_60 = vector.shape_cast %swap3A_59 : vector<1x16xf32> to vector<16xf32>
      %swap3A_61 = vector.shape_cast %broadcast_in_dim3A_56 : vector<16xf32> to vector<1x16xf32>
      tpu.vector_store %arg8[%swap3A_57, %swap3A_58], %swap3A_61 {strides = array<i32>} : memref<80x128xf32, #tpu.memory_space<vmem>>, vector<1x16xf32>,
      %broadcast_in_dim3A_62 = arith.constant 0.000000e+00 : f32
      %broadcast_in_dim3A_63 = vector.broadcast %broadcast_in_dim3A_62 : f32 to vector<16xf32>
      %swap3A_64 = arith.index_cast %scan3A_49 : i32 to index
      %swap3A_65 = arith.constant 32 : index
      %swap3A_66 = tpu.vector_load %arg8[%swap3A_64, %swap3A_65] {strides = array<i32>} : memref<80x128xf32, #tpu.memory_space<vmem>>, vector<1x16xf32>,
      %swap3A_67 = vector.shape_cast %swap3A_66 : vector<1x16xf32> to vector<16xf32>
      %swap3A_68 = vector.shape_cast %broadcast_in_dim3A_63 : vector<16xf32> to vector<1x16xf32>
      tpu.vector_store %arg8[%swap3A_64, %swap3A_65], %swap3A_68 {strides = array<i32>} : memref<80x128xf32, #tpu.memory_space<vmem>>, vector<1x16xf32>,
      %broadcast_in_dim3A_69 = arith.constant 0.000000e+00 : f32
      %broadcast_in_dim3A_70 = vector.broadcast %broadcast_in_dim3A_69 : f32 to vector<16xf32>
      %swap3A_71 = arith.index_cast %scan3A_49 : i32 to index
      %swap3A_72 = arith.constant 48 : index
      %swap3A_73 = tpu.vector_load %arg8[%swap3A_71, %swap3A_72] {strides = array<i32>} : memref<80x128xf32, #tpu.memory_space<vmem>>, vector<1x16xf32>,
      %swap3A_74 = vector.shape_cast %swap3A_73 : vector<1x16xf32> to vector<16xf32>
      %swap3A_75 = vector.shape_cast %broadcast_in_dim3A_70 : vector<16xf32> to vector<1x16xf32>
      tpu.vector_store %arg8[%swap3A_71, %swap3A_72], %swap3A_75 {strides = array<i32>} : memref<80x128xf32, #tpu.memory_space<vmem>>, vector<1x16xf32>,
      %broadcast_in_dim3A_76 = arith.constant 0.000000e+00 : f32
      %broadcast_in_dim3A_77 = vector.broadcast %broadcast_in_dim3A_76 : f32 to vector<16xf32>
      %swap3A_78 = arith.index_cast %scan3A_49 : i32 to index
      %swap3A_79 = arith.constant 64 : index
      %swap3A_80 = tpu.vector_load %arg8[%swap3A_78, %swap3A_79] {strides = array<i32>} : memref<80x128xf32, #tpu.memory_space<vmem>>, vector<1x16xf32>,
      %swap3A_81 = vector.shape_cast %swap3A_80 : vector<1x16xf32> to vector<16xf32>
      %swap3A_82 = vector.shape_cast %broadcast_in_dim3A_77 : vector<16xf32> to vector<1x16xf32>
      tpu.vector_store %arg8[%swap3A_78, %swap3A_79], %swap3A_82 {strides = array<i32>} : memref<80x128xf32, #tpu.memory_space<vmem>>, vector<1x16xf32>,
      %broadcast_in_dim3A_83 = arith.constant 0.000000e+00 : f32
      %broadcast_in_dim3A_84 = vector.broadcast %broadcast_in_dim3A_83 : f32 to vector<16xf32>
      %swap3A_85 = arith.index_cast %scan3A_49 : i32 to index
      %swap3A_86 = arith.constant 80 : index
      %swap3A_87 = tpu.vector_load %arg8[%swap3A_85, %swap3A_86] {strides = array<i32>} : memref<80x128xf32, #tpu.memory_space<vmem>>, vector<1x16xf32>,
      %swap3A_88 = vector.shape_cast %swap3A_87 : vector<1x16xf32> to vector<16xf32>
      %swap3A_89 = vector.shape_cast %broadcast_in_dim3A_84 : vector<16xf32> to vector<1x16xf32>
      tpu.vector_store %arg8[%swap3A_85, %swap3A_86], %swap3A_89 {strides = array<i32>} : memref<80x128xf32, #tpu.memory_space<vmem>>, vector<1x16xf32>,
      %broadcast_in_dim3A_90 = arith.constant 0.000000e+00 : f32
      %broadcast_in_dim3A_91 = vector.broadcast %broadcast_in_dim3A_90 : f32 to vector<16xf32>
      %swap3A_92 = arith.index_cast %scan3A_49 : i32 to index
      %swap3A_93 = arith.constant 96 : index
      %swap3A_94 = tpu.vector_load %arg8[%swap3A_92, %swap3A_93] {strides = array<i32>} : memref<80x128xf32, #tpu.memory_space<vmem>>, vector<1x16xf32>,
      %swap3A_95 = vector.shape_cast %swap3A_94 : vector<1x16xf32> to vector<16xf32>
      %swap3A_96 = vector.shape_cast %broadcast_in_dim3A_91 : vector<16xf32> to vector<1x16xf32>
      tpu.vector_store %arg8[%swap3A_92, %swap3A_93], %swap3A_96 {strides = array<i32>} : memref<80x128xf32, #tpu.memory_space<vmem>>, vector<1x16xf32>,
      %broadcast_in_dim3A_97 = arith.constant 0.000000e+00 : f32
      %broadcast_in_dim3A_98 = vector.broadcast %broadcast_in_dim3A_97 : f32 to vector<16xf32>
      %swap3A_99 = arith.index_cast %scan3A_49 : i32 to index
      %swap3A_100 = arith.constant 112 : index
      %swap3A_101 = tpu.vector_load %arg8[%swap3A_99, %swap3A_100] {strides = array<i32>} : memref<80x128xf32, #tpu.memory_space<vmem>>, vector<1x16xf32>,
      %swap3A_102 = vector.shape_cast %swap3A_101 : vector<1x16xf32> to vector<16xf32>
      %swap3A_103 = vector.shape_cast %broadcast_in_dim3A_98 : vector<16xf32> to vector<1x16xf32>
      tpu.vector_store %arg8[%swap3A_99, %swap3A_100], %swap3A_103 {strides = array<i32>} : memref<80x128xf32, #tpu.memory_space<vmem>>, vector<1x16xf32>,
    }
    %scan3A_5 = arith.constant 80 : i32
    "tpu.region"() ({
      %run_scoped3A = tpu.sem_alloc : memref<!tpu.dma_semaphore, #tpu.memory_space<semaphore_mem>>
      %dma_start3A = arith.constant 0 : i32
      %dma_start3A_49 = arith.constant 0 : i32
      %dma_start3A_50 = tpu.memref_slice %arg3[%add3A, %dma_start3A, %dma_start3A_49] : memref<32x125x80xi32, #tpu.memory_space<hbm>> -> memref<1x125x80xi32, #tpu.memory_space<hbm>>
      %dma_start3A_51 = tpu.memref_squeeze %dma_start3A_50 : memref<1x125x80xi32, #tpu.memory_space<hbm>> -> memref<125x80xi32, #tpu.memory_space<hbm>>
      %dma_start3A_52 = arith.constant 0 : i32
      %dma_start3A_53 = arith.constant 0 : i32
      %dma_start3A_54 = tpu.memref_slice %arg3[%add3A, %dma_start3A_52, %dma_start3A_53] : memref<32x125x80xi32, #tpu.memory_space<hbm>> -> memref<1x125x80xi32, #tpu.memory_space<hbm>>
      %dma_start3A_55 = tpu.memref_squeeze %dma_start3A_54 : memref<1x125x80xi32, #tpu.memory_space<hbm>> -> memref<125x80xi32, #tpu.memory_space<hbm>>
      tpu.enqueue_dma source(%dma_start3A_55 : memref<125x80xi32, #tpu.memory_space<hbm>>) target(%arg6 : memref<125x80xi32, #tpu.memory_space<vmem>>) target_semaphore(%run_scoped3A : memref<!tpu.dma_semaphore, #tpu.memory_space<semaphore_mem>>)
      %dma_wait3A = arith.constant 0 : i32
      %dma_wait3A_56 = arith.constant 0 : i32
      %dma_wait3A_57 = tpu.memref_slice %arg3[%add3A, %dma_wait3A, %dma_wait3A_56] : memref<32x125x80xi32, #tpu.memory_space<hbm>> -> memref<1x125x80xi32, #tpu.memory_space<hbm>>
      %dma_wait3A_58 = tpu.memref_squeeze %dma_wait3A_57 : memref<1x125x80xi32, #tpu.memory_space<hbm>> -> memref<125x80xi32, #tpu.memory_space<hbm>>
      %dma_wait3A_59 = arith.constant 0 : i32
      %dma_wait3A_60 = arith.constant 0 : i32
      %dma_wait3A_61 = tpu.memref_slice %arg3[%add3A, %dma_wait3A_59, %dma_wait3A_60] : memref<32x125x80xi32, #tpu.memory_space<hbm>> -> memref<1x125x80xi32, #tpu.memory_space<hbm>>
      %dma_wait3A_62 = tpu.memref_squeeze %dma_wait3A_61 : memref<1x125x80xi32, #tpu.memory_space<hbm>> -> memref<125x80xi32, #tpu.memory_space<hbm>>
      tpu.wait_dma2 semaphore(%run_scoped3A : memref<!tpu.dma_semaphore, #tpu.memory_space<semaphore_mem>>) src(%dma_wait3A_62 : memref<125x80xi32, #tpu.memory_space<hbm>>) dst(%arg6 : memref<125x80xi32, #tpu.memory_space<vmem>>)
      tpu.yield
    }) : () -> ()
    "tpu.region"() ({
      %run_scoped3A = tpu.sem_alloc : memref<!tpu.dma_semaphore, #tpu.memory_space<semaphore_mem>>
      %dma_start3A = arith.constant 0 : i32
      %dma_start3A_49 = arith.constant 0 : i32
      %dma_start3A_50 = tpu.memref_slice %arg4[%add3A, %dma_start3A, %dma_start3A_49] : memref<32x125x80xi32, #tpu.memory_space<hbm>> -> memref<1x125x80xi32, #tpu.memory_space<hbm>>
      %dma_start3A_51 = tpu.memref_squeeze %dma_start3A_50 : memref<1x125x80xi32, #tpu.memory_space<hbm>> -> memref<125x80xi32, #tpu.memory_space<hbm>>
      %dma_start3A_52 = arith.constant 0 : i32
      %dma_start3A_53 = arith.constant 0 : i32
      %dma_start3A_54 = tpu.memref_slice %arg4[%add3A, %dma_start3A_52, %dma_start3A_53] : memref<32x125x80xi32, #tpu.memory_space<hbm>> -> memref<1x125x80xi32, #tpu.memory_space<hbm>>
      %dma_start3A_55 = tpu.memref_squeeze %dma_start3A_54 : memref<1x125x80xi32, #tpu.memory_space<hbm>> -> memref<125x80xi32, #tpu.memory_space<hbm>>
      tpu.enqueue_dma source(%dma_start3A_55 : memref<125x80xi32, #tpu.memory_space<hbm>>) target(%arg7 : memref<125x80xi32, #tpu.memory_space<vmem>>) target_semaphore(%run_scoped3A : memref<!tpu.dma_semaphore, #tpu.memory_space<semaphore_mem>>)
      %dma_wait3A = arith.constant 0 : i32
      %dma_wait3A_56 = arith.constant 0 : i32
      %dma_wait3A_57 = tpu.memref_slice %arg4[%add3A, %dma_wait3A, %dma_wait3A_56] : memref<32x125x80xi32, #tpu.memory_space<hbm>> -> memref<1x125x80xi32, #tpu.memory_space<hbm>>
      %dma_wait3A_58 = tpu.memref_squeeze %dma_wait3A_57 : memref<1x125x80xi32, #tpu.memory_space<hbm>> -> memref<125x80xi32, #tpu.memory_space<hbm>>
      %dma_wait3A_59 = arith.constant 0 : i32
      %dma_wait3A_60 = arith.constant 0 : i32
      %dma_wait3A_61 = tpu.memref_slice %arg4[%add3A, %dma_wait3A_59, %dma_wait3A_60] : memref<32x125x80xi32, #tpu.memory_space<hbm>> -> memref<1x125x80xi32, #tpu.memory_space<hbm>>
      %dma_wait3A_62 = tpu.memref_squeeze %dma_wait3A_61 : memref<1x125x80xi32, #tpu.memory_space<hbm>> -> memref<125x80xi32, #tpu.memory_space<hbm>>
      tpu.wait_dma2 semaphore(%run_scoped3A : memref<!tpu.dma_semaphore, #tpu.memory_space<semaphore_mem>>) src(%dma_wait3A_62 : memref<125x80xi32, #tpu.memory_space<hbm>>) dst(%arg7 : memref<125x80xi32, #tpu.memory_space<vmem>>)
      tpu.yield
    }) : () -> ()
    %mul3A_6 = arith.constant 640 : i32
    %mul3A_7 = arith.muli %arg1, %mul3A_6 : i32
    %add3A_8 = arith.constant 0 : i32
    %add3A_9 = arith.addi %mul3A_7, %add3A_8 : i32
    "tpu.region"() ({
      %run_scoped3A = tpu.sem_alloc : memref<!tpu.dma_semaphore, #tpu.memory_space<semaphore_mem>>
      %dma_start3A = arith.constant 0 : i32
      %dma_start3A_49 = tpu.memref_slice %arg9[%add3A_9, %dma_start3A] : memref<10240x128xf32, #tpu.memory_space<vmem_shared>> -> memref<80x128xf32, #tpu.memory_space<vmem_shared>>
      %dma_start3A_50 = arith.constant 0 : i32
      %dma_start3A_51 = tpu.memref_slice %arg9[%add3A_9, %dma_start3A_50] : memref<10240x128xf32, #tpu.memory_space<vmem_shared>> -> memref<80x128xf32, #tpu.memory_space<vmem_shared>>
      tpu.enqueue_dma source(%arg8 : memref<80x128xf32, #tpu.memory_space<vmem>>) target(%dma_start3A_51 : memref<80x128xf32, #tpu.memory_space<vmem_shared>>) target_semaphore(%run_scoped3A : memref<!tpu.dma_semaphore, #tpu.memory_space<semaphore_mem>>)
      %dma_wait3A = arith.constant 0 : i32
      %dma_wait3A_52 = tpu.memref_slice %arg9[%add3A_9, %dma_wait3A] : memref<10240x128xf32, #tpu.memory_space<vmem_shared>> -> memref<80x128xf32, #tpu.memory_space<vmem_shared>>
      %dma_wait3A_53 = arith.constant 0 : i32
      %dma_wait3A_54 = tpu.memref_slice %arg9[%add3A_9, %dma_wait3A_53] : memref<10240x128xf32, #tpu.memory_space<vmem_shared>> -> memref<80x128xf32, #tpu.memory_space<vmem_shared>>
      tpu.wait_dma2 semaphore(%run_scoped3A : memref<!tpu.dma_semaphore, #tpu.memory_space<semaphore_mem>>) src(%arg8 : memref<80x128xf32, #tpu.memory_space<vmem>>) dst(%dma_wait3A_54 : memref<80x128xf32, #tpu.memory_space<vmem_shared>>)
      tpu.yield
    }) : () -> ()
    %mul3A_10 = arith.constant 640 : i32
    %mul3A_11 = arith.muli %arg1, %mul3A_10 : i32
    %add3A_12 = arith.constant 80 : i32
    %add3A_13 = arith.addi %mul3A_11, %add3A_12 : i32
    "tpu.region"() ({
      %run_scoped3A = tpu.sem_alloc : memref<!tpu.dma_semaphore, #tpu.memory_space<semaphore_mem>>
      %dma_start3A = arith.constant 0 : i32
      %dma_start3A_49 = tpu.memref_slice %arg9[%add3A_13, %dma_start3A] : memref<10240x128xf32, #tpu.memory_space<vmem_shared>> -> memref<80x128xf32, #tpu.memory_space<vmem_shared>>
      %dma_start3A_50 = arith.constant 0 : i32
      %dma_start3A_51 = tpu.memref_slice %arg9[%add3A_13, %dma_start3A_50] : memref<10240x128xf32, #tpu.memory_space<vmem_shared>> -> memref<80x128xf32, #tpu.memory_space<vmem_shared>>
      tpu.enqueue_dma source(%arg8 : memref<80x128xf32, #tpu.memory_space<vmem>>) target(%dma_start3A_51 : memref<80x128xf32, #tpu.memory_space<vmem_shared>>) target_semaphore(%run_scoped3A : memref<!tpu.dma_semaphore, #tpu.memory_space<semaphore_mem>>)
      %dma_wait3A = arith.constant 0 : i32
      %dma_wait3A_52 = tpu.memref_slice %arg9[%add3A_13, %dma_wait3A] : memref<10240x128xf32, #tpu.memory_space<vmem_shared>> -> memref<80x128xf32, #tpu.memory_space<vmem_shared>>
      %dma_wait3A_53 = arith.constant 0 : i32
      %dma_wait3A_54 = tpu.memref_slice %arg9[%add3A_13, %dma_wait3A_53] : memref<10240x128xf32, #tpu.memory_space<vmem_shared>> -> memref<80x128xf32, #tpu.memory_space<vmem_shared>>
      tpu.wait_dma2 semaphore(%run_scoped3A : memref<!tpu.dma_semaphore, #tpu.memory_space<semaphore_mem>>) src(%arg8 : memref<80x128xf32, #tpu.memory_space<vmem>>) dst(%dma_wait3A_54 : memref<80x128xf32, #tpu.memory_space<vmem_shared>>)
      tpu.yield
    }) : () -> ()
    %mul3A_14 = arith.constant 640 : i32
    %mul3A_15 = arith.muli %arg1, %mul3A_14 : i32
    %add3A_16 = arith.constant 160 : i32
    %add3A_17 = arith.addi %mul3A_15, %add3A_16 : i32
    "tpu.region"() ({
      %run_scoped3A = tpu.sem_alloc : memref<!tpu.dma_semaphore, #tpu.memory_space<semaphore_mem>>
      %dma_start3A = arith.constant 0 : i32
      %dma_start3A_49 = tpu.memref_slice %arg9[%add3A_17, %dma_start3A] : memref<10240x128xf32, #tpu.memory_space<vmem_shared>> -> memref<80x128xf32, #tpu.memory_space<vmem_shared>>
      %dma_start3A_50 = arith.constant 0 : i32
      %dma_start3A_51 = tpu.memref_slice %arg9[%add3A_17, %dma_start3A_50] : memref<10240x128xf32, #tpu.memory_space<vmem_shared>> -> memref<80x128xf32, #tpu.memory_space<vmem_shared>>
      tpu.enqueue_dma source(%arg8 : memref<80x128xf32, #tpu.memory_space<vmem>>) target(%dma_start3A_51 : memref<80x128xf32, #tpu.memory_space<vmem_shared>>) target_semaphore(%run_scoped3A : memref<!tpu.dma_semaphore, #tpu.memory_space<semaphore_mem>>)
      %dma_wait3A = arith.constant 0 : i32
      %dma_wait3A_52 = tpu.memref_slice %arg9[%add3A_17, %dma_wait3A] : memref<10240x128xf32, #tpu.memory_space<vmem_shared>> -> memref<80x128xf32, #tpu.memory_space<vmem_shared>>
      %dma_wait3A_53 = arith.constant 0 : i32
      %dma_wait3A_54 = tpu.memref_slice %arg9[%add3A_17, %dma_wait3A_53] : memref<10240x128xf32, #tpu.memory_space<vmem_shared>> -> memref<80x128xf32, #tpu.memory_space<vmem_shared>>
      tpu.wait_dma2 semaphore(%run_scoped3A : memref<!tpu.dma_semaphore, #tpu.memory_space<semaphore_mem>>) src(%arg8 : memref<80x128xf32, #tpu.memory_space<vmem>>) dst(%dma_wait3A_54 : memref<80x128xf32, #tpu.memory_space<vmem_shared>>)
      tpu.yield
    }) : () -> ()
    %mul3A_18 = arith.constant 640 : i32
    %mul3A_19 = arith.muli %arg1, %mul3A_18 : i32
    %add3A_20 = arith.constant 240 : i32
    %add3A_21 = arith.addi %mul3A_19, %add3A_20 : i32
    "tpu.region"() ({
      %run_scoped3A = tpu.sem_alloc : memref<!tpu.dma_semaphore, #tpu.memory_space<semaphore_mem>>
      %dma_start3A = arith.constant 0 : i32
      %dma_start3A_49 = tpu.memref_slice %arg9[%add3A_21, %dma_start3A] : memref<10240x128xf32, #tpu.memory_space<vmem_shared>> -> memref<80x128xf32, #tpu.memory_space<vmem_shared>>
      %dma_start3A_50 = arith.constant 0 : i32
      %dma_start3A_51 = tpu.memref_slice %arg9[%add3A_21, %dma_start3A_50] : memref<10240x128xf32, #tpu.memory_space<vmem_shared>> -> memref<80x128xf32, #tpu.memory_space<vmem_shared>>
      tpu.enqueue_dma source(%arg8 : memref<80x128xf32, #tpu.memory_space<vmem>>) target(%dma_start3A_51 : memref<80x128xf32, #tpu.memory_space<vmem_shared>>) target_semaphore(%run_scoped3A : memref<!tpu.dma_semaphore, #tpu.memory_space<semaphore_mem>>)
      %dma_wait3A = arith.constant 0 : i32
      %dma_wait3A_52 = tpu.memref_slice %arg9[%add3A_21, %dma_wait3A] : memref<10240x128xf32, #tpu.memory_space<vmem_shared>> -> memref<80x128xf32, #tpu.memory_space<vmem_shared>>
      %dma_wait3A_53 = arith.constant 0 : i32
      %dma_wait3A_54 = tpu.memref_slice %arg9[%add3A_21, %dma_wait3A_53] : memref<10240x128xf32, #tpu.memory_space<vmem_shared>> -> memref<80x128xf32, #tpu.memory_space<vmem_shared>>
      tpu.wait_dma2 semaphore(%run_scoped3A : memref<!tpu.dma_semaphore, #tpu.memory_space<semaphore_mem>>) src(%arg8 : memref<80x128xf32, #tpu.memory_space<vmem>>) dst(%dma_wait3A_54 : memref<80x128xf32, #tpu.memory_space<vmem_shared>>)
      tpu.yield
    }) : () -> ()
    %mul3A_22 = arith.constant 640 : i32
    %mul3A_23 = arith.muli %arg1, %mul3A_22 : i32
    %add3A_24 = arith.constant 320 : i32
    %add3A_25 = arith.addi %mul3A_23, %add3A_24 : i32
    "tpu.region"() ({
      %run_scoped3A = tpu.sem_alloc : memref<!tpu.dma_semaphore, #tpu.memory_space<semaphore_mem>>
      %dma_start3A = arith.constant 0 : i32
      %dma_start3A_49 = tpu.memref_slice %arg9[%add3A_25, %dma_start3A] : memref<10240x128xf32, #tpu.memory_space<vmem_shared>> -> memref<80x128xf32, #tpu.memory_space<vmem_shared>>
      %dma_start3A_50 = arith.constant 0 : i32
      %dma_start3A_51 = tpu.memref_slice %arg9[%add3A_25, %dma_start3A_50] : memref<10240x128xf32, #tpu.memory_space<vmem_shared>> -> memref<80x128xf32, #tpu.memory_space<vmem_shared>>
      tpu.enqueue_dma source(%arg8 : memref<80x128xf32, #tpu.memory_space<vmem>>) target(%dma_start3A_51 : memref<80x128xf32, #tpu.memory_space<vmem_shared>>) target_semaphore(%run_scoped3A : memref<!tpu.dma_semaphore, #tpu.memory_space<semaphore_mem>>)
      %dma_wait3A = arith.constant 0 : i32
      %dma_wait3A_52 = tpu.memref_slice %arg9[%add3A_25, %dma_wait3A] : memref<10240x128xf32, #tpu.memory_space<vmem_shared>> -> memref<80x128xf32, #tpu.memory_space<vmem_shared>>
      %dma_wait3A_53 = arith.constant 0 : i32
      %dma_wait3A_54 = tpu.memref_slice %arg9[%add3A_25, %dma_wait3A_53] : memref<10240x128xf32, #tpu.memory_space<vmem_shared>> -> memref<80x128xf32, #tpu.memory_space<vmem_shared>>
      tpu.wait_dma2 semaphore(%run_scoped3A : memref<!tpu.dma_semaphore, #tpu.memory_space<semaphore_mem>>) src(%arg8 : memref<80x128xf32, #tpu.memory_space<vmem>>) dst(%dma_wait3A_54 : memref<80x128xf32, #tpu.memory_space<vmem_shared>>)
      tpu.yield
    }) : () -> ()
    %mul3A_26 = arith.constant 640 : i32
    %mul3A_27 = arith.muli %arg1, %mul3A_26 : i32
    %add3A_28 = arith.constant 400 : i32
    %add3A_29 = arith.addi %mul3A_27, %add3A_28 : i32
    "tpu.region"() ({
      %run_scoped3A = tpu.sem_alloc : memref<!tpu.dma_semaphore, #tpu.memory_space<semaphore_mem>>
      %dma_start3A = arith.constant 0 : i32
      %dma_start3A_49 = tpu.memref_slice %arg9[%add3A_29, %dma_start3A] : memref<10240x128xf32, #tpu.memory_space<vmem_shared>> -> memref<80x128xf32, #tpu.memory_space<vmem_shared>>
      %dma_start3A_50 = arith.constant 0 : i32
      %dma_start3A_51 = tpu.memref_slice %arg9[%add3A_29, %dma_start3A_50] : memref<10240x128xf32, #tpu.memory_space<vmem_shared>> -> memref<80x128xf32, #tpu.memory_space<vmem_shared>>
      tpu.enqueue_dma source(%arg8 : memref<80x128xf32, #tpu.memory_space<vmem>>) target(%dma_start3A_51 : memref<80x128xf32, #tpu.memory_space<vmem_shared>>) target_semaphore(%run_scoped3A : memref<!tpu.dma_semaphore, #tpu.memory_space<semaphore_mem>>)
      %dma_wait3A = arith.constant 0 : i32
      %dma_wait3A_52 = tpu.memref_slice %arg9[%add3A_29, %dma_wait3A] : memref<10240x128xf32, #tpu.memory_space<vmem_shared>> -> memref<80x128xf32, #tpu.memory_space<vmem_shared>>
      %dma_wait3A_53 = arith.constant 0 : i32
      %dma_wait3A_54 = tpu.memref_slice %arg9[%add3A_29, %dma_wait3A_53] : memref<10240x128xf32, #tpu.memory_space<vmem_shared>> -> memref<80x128xf32, #tpu.memory_space<vmem_shared>>
      tpu.wait_dma2 semaphore(%run_scoped3A : memref<!tpu.dma_semaphore, #tpu.memory_space<semaphore_mem>>) src(%arg8 : memref<80x128xf32, #tpu.memory_space<vmem>>) dst(%dma_wait3A_54 : memref<80x128xf32, #tpu.memory_space<vmem_shared>>)
      tpu.yield
    }) : () -> ()
    %mul3A_30 = arith.constant 640 : i32
    %mul3A_31 = arith.muli %arg1, %mul3A_30 : i32
    %add3A_32 = arith.constant 480 : i32
    %add3A_33 = arith.addi %mul3A_31, %add3A_32 : i32
    "tpu.region"() ({
      %run_scoped3A = tpu.sem_alloc : memref<!tpu.dma_semaphore, #tpu.memory_space<semaphore_mem>>
      %dma_start3A = arith.constant 0 : i32
      %dma_start3A_49 = tpu.memref_slice %arg9[%add3A_33, %dma_start3A] : memref<10240x128xf32, #tpu.memory_space<vmem_shared>> -> memref<80x128xf32, #tpu.memory_space<vmem_shared>>
      %dma_start3A_50 = arith.constant 0 : i32
      %dma_start3A_51 = tpu.memref_slice %arg9[%add3A_33, %dma_start3A_50] : memref<10240x128xf32, #tpu.memory_space<vmem_shared>> -> memref<80x128xf32, #tpu.memory_space<vmem_shared>>
      tpu.enqueue_dma source(%arg8 : memref<80x128xf32, #tpu.memory_space<vmem>>) target(%dma_start3A_51 : memref<80x128xf32, #tpu.memory_space<vmem_shared>>) target_semaphore(%run_scoped3A : memref<!tpu.dma_semaphore, #tpu.memory_space<semaphore_mem>>)
      %dma_wait3A = arith.constant 0 : i32
      %dma_wait3A_52 = tpu.memref_slice %arg9[%add3A_33, %dma_wait3A] : memref<10240x128xf32, #tpu.memory_space<vmem_shared>> -> memref<80x128xf32, #tpu.memory_space<vmem_shared>>
      %dma_wait3A_53 = arith.constant 0 : i32
      %dma_wait3A_54 = tpu.memref_slice %arg9[%add3A_33, %dma_wait3A_53] : memref<10240x128xf32, #tpu.memory_space<vmem_shared>> -> memref<80x128xf32, #tpu.memory_space<vmem_shared>>
      tpu.wait_dma2 semaphore(%run_scoped3A : memref<!tpu.dma_semaphore, #tpu.memory_space<semaphore_mem>>) src(%arg8 : memref<80x128xf32, #tpu.memory_space<vmem>>) dst(%dma_wait3A_54 : memref<80x128xf32, #tpu.memory_space<vmem_shared>>)
      tpu.yield
    }) : () -> ()
    %mul3A_34 = arith.constant 640 : i32
    %mul3A_35 = arith.muli %arg1, %mul3A_34 : i32
    %add3A_36 = arith.constant 560 : i32
    %add3A_37 = arith.addi %mul3A_35, %add3A_36 : i32
    "tpu.region"() ({
      %run_scoped3A = tpu.sem_alloc : memref<!tpu.dma_semaphore, #tpu.memory_space<semaphore_mem>>
      %dma_start3A = arith.constant 0 : i32
      %dma_start3A_49 = tpu.memref_slice %arg9[%add3A_37, %dma_start3A] : memref<10240x128xf32, #tpu.memory_space<vmem_shared>> -> memref<80x128xf32, #tpu.memory_space<vmem_shared>>
      %dma_start3A_50 = arith.constant 0 : i32
      %dma_start3A_51 = tpu.memref_slice %arg9[%add3A_37, %dma_start3A_50] : memref<10240x128xf32, #tpu.memory_space<vmem_shared>> -> memref<80x128xf32, #tpu.memory_space<vmem_shared>>
      tpu.enqueue_dma source(%arg8 : memref<80x128xf32, #tpu.memory_space<vmem>>) target(%dma_start3A_51 : memref<80x128xf32, #tpu.memory_space<vmem_shared>>) target_semaphore(%run_scoped3A : memref<!tpu.dma_semaphore, #tpu.memory_space<semaphore_mem>>)
      %dma_wait3A = arith.constant 0 : i32
      %dma_wait3A_52 = tpu.memref_slice %arg9[%add3A_37, %dma_wait3A] : memref<10240x128xf32, #tpu.memory_space<vmem_shared>> -> memref<80x128xf32, #tpu.memory_space<vmem_shared>>
      %dma_wait3A_53 = arith.constant 0 : i32
      %dma_wait3A_54 = tpu.memref_slice %arg9[%add3A_37, %dma_wait3A_53] : memref<10240x128xf32, #tpu.memory_space<vmem_shared>> -> memref<80x128xf32, #tpu.memory_space<vmem_shared>>
      tpu.wait_dma2 semaphore(%run_scoped3A : memref<!tpu.dma_semaphore, #tpu.memory_space<semaphore_mem>>) src(%arg8 : memref<80x128xf32, #tpu.memory_space<vmem>>) dst(%dma_wait3A_54 : memref<80x128xf32, #tpu.memory_space<vmem_shared>>)
      tpu.yield
    }) : () -> ()
    %barrier3A = arith.constant 0 : index
    tpu.barrier barrier_id(%barrier3A)
    %scan3A_38 = arith.constant 0 : i32
    %scan3A_39 = arith.constant 0 : i32
    %scan3A_40 = arith.constant 125 : i32
    %scan3A_41 = arith.addi %scan3A_39, %scan3A_40 : i32
    %scan3A_42 = arith.constant 1 : i32
    scf.for %scan3A_49 = %scan3A_39 to %scan3A_41 step %scan3A_42  : i32 {
      %dma_start3A = arith.constant 0 : i32
      %dma_start3A_50 = tpu.memref_slice %arg6[%scan3A_49, %dma_start3A] : memref<125x80xi32, #tpu.memory_space<vmem>> -> memref<1x80xi32, #tpu.memory_space<vmem>>
      %dma_start3A_51 = tpu.memref_squeeze %dma_start3A_50 : memref<1x80xi32, #tpu.memory_space<vmem>> -> memref<80xi32, #tpu.memory_space<vmem>>
      %dma_start3A_52 = arith.constant 0 : i32
      %dma_start3A_53 = arith.constant 0 : i32
      %dma_start3A_54 = tpu.memref_slice %arg2[%dma_start3A_52, %dma_start3A_53] : memref<10000x128xf32, #tpu.memory_space<hbm>> -> memref<10000x128xf32, #tpu.memory_space<hbm>>
      tpu.enqueue_indirect_dma source(%dma_start3A_54 : memref<10000x128xf32, #tpu.memory_space<hbm>>) target(%arg8 : memref<80x128xf32, #tpu.memory_space<vmem>>) offsets(%dma_start3A_51 : memref<80xi32, #tpu.memory_space<vmem>>) semaphore(%arg10 : memref<!tpu.dma_semaphore, #tpu.memory_space<semaphore_mem>>)
      %dma_wait3A = arith.constant 0 : i32
      %dma_wait3A_55 = tpu.memref_slice %arg6[%scan3A_49, %dma_wait3A] : memref<125x80xi32, #tpu.memory_space<vmem>> -> memref<1x80xi32, #tpu.memory_space<vmem>>
      %dma_wait3A_56 = tpu.memref_squeeze %dma_wait3A_55 : memref<1x80xi32, #tpu.memory_space<vmem>> -> memref<80xi32, #tpu.memory_space<vmem>>
      %dma_wait3A_57 = arith.constant 0 : i32
      %dma_wait3A_58 = arith.constant 0 : i32
      %dma_wait3A_59 = tpu.memref_slice %arg2[%dma_wait3A_57, %dma_wait3A_58] : memref<10000x128xf32, #tpu.memory_space<hbm>> -> memref<10000x128xf32, #tpu.memory_space<hbm>>
      tpu.wait_indirect_dma semaphore(%arg10 : memref<!tpu.dma_semaphore, #tpu.memory_space<semaphore_mem>>) src(%dma_wait3A_59 : memref<10000x128xf32, #tpu.memory_space<hbm>>) dst(%arg8 : memref<80x128xf32, #tpu.memory_space<vmem>>)
      "tpu.region"() ({
        %run_scoped3A = tpu.sem_alloc : memref<!tpu.dma_semaphore, #tpu.memory_space<semaphore_mem>>
        %dma_start3A_60 = arith.constant 0 : i32
        %dma_start3A_61 = tpu.memref_slice %arg7[%scan3A_49, %dma_start3A_60] : memref<125x80xi32, #tpu.memory_space<vmem>> -> memref<1x80xi32, #tpu.memory_space<vmem>>
        %dma_start3A_62 = tpu.memref_squeeze %dma_start3A_61 : memref<1x80xi32, #tpu.memory_space<vmem>> -> memref<80xi32, #tpu.memory_space<vmem>>
        %dma_start3A_63 = arith.constant 0 : i32
        %dma_start3A_64 = arith.constant 0 : i32
        %dma_start3A_65 = tpu.memref_slice %arg9[%dma_start3A_63, %dma_start3A_64] : memref<10240x128xf32, #tpu.memory_space<vmem_shared>> -> memref<10240x128xf32, #tpu.memory_space<vmem_shared>>
        tpu.enqueue_indirect_dma source(%arg8 : memref<80x128xf32, #tpu.memory_space<vmem>>) target(%dma_start3A_65 : memref<10240x128xf32, #tpu.memory_space<vmem_shared>>) offsets(%dma_start3A_62 : memref<80xi32, #tpu.memory_space<vmem>>) semaphore(%run_scoped3A : memref<!tpu.dma_semaphore, #tpu.memory_space<semaphore_mem>>) {add = true}
        %dma_wait3A_66 = arith.constant 0 : i32
        %dma_wait3A_67 = tpu.memref_slice %arg7[%scan3A_49, %dma_wait3A_66] : memref<125x80xi32, #tpu.memory_space<vmem>> -> memref<1x80xi32, #tpu.memory_space<vmem>>
        %dma_wait3A_68 = tpu.memref_squeeze %dma_wait3A_67 : memref<1x80xi32, #tpu.memory_space<vmem>> -> memref<80xi32, #tpu.memory_space<vmem>>
        %dma_wait3A_69 = arith.constant 0 : i32
        %dma_wait3A_70 = arith.constant 0 : i32
        %dma_wait3A_71 = tpu.memref_slice %arg9[%dma_wait3A_69, %dma_wait3A_70] : memref<10240x128xf32, #tpu.memory_space<vmem_shared>> -> memref<10240x128xf32, #tpu.memory_space<vmem_shared>>
        tpu.wait_indirect_dma semaphore(%run_scoped3A : memref<!tpu.dma_semaphore, #tpu.memory_space<semaphore_mem>>) src(%arg8 : memref<80x128xf32, #tpu.memory_space<vmem>>) dst(%dma_wait3A_71 : memref<10240x128xf32, #tpu.memory_space<vmem_shared>>)
        tpu.yield
      }) : () -> ()
    }
    %scan3A_43 = arith.constant 125 : i32
    %barrier3A_44 = arith.constant 0 : index
    tpu.barrier barrier_id(%barrier3A_44)
    %mul3A_45 = arith.constant 640 : i32
    %mul3A_46 = arith.muli %arg1, %mul3A_45 : i32
    %mul3A_47 = arith.constant 640 : i32
    %mul3A_48 = arith.muli %arg1, %mul3A_47 : i32
    "tpu.region"() ({
      %run_scoped3A = tpu.sem_alloc : memref<!tpu.dma_semaphore, #tpu.memory_space<semaphore_mem>>
      %dma_start3A = arith.constant 0 : i32
      %dma_start3A_49 = tpu.memref_slice %arg5[%arg0, %mul3A_48, %dma_start3A] : memref<2x10240x128xf32, #tpu.memory_space<hbm>> -> memref<1x640x128xf32, #tpu.memory_space<hbm>>
      %dma_start3A_50 = tpu.memref_squeeze %dma_start3A_49 : memref<1x640x128xf32, #tpu.memory_space<hbm>> -> memref<640x128xf32, #tpu.memory_space<hbm>>
      %dma_start3A_51 = arith.constant 0 : i32
      %dma_start3A_52 = tpu.memref_slice %arg9[%mul3A_46, %dma_start3A_51] : memref<10240x128xf32, #tpu.memory_space<vmem_shared>> -> memref<640x128xf32, #tpu.memory_space<vmem_shared>>
      tpu.enqueue_dma source(%dma_start3A_52 : memref<640x128xf32, #tpu.memory_space<vmem_shared>>) target(%dma_start3A_50 : memref<640x128xf32, #tpu.memory_space<hbm>>) target_semaphore(%run_scoped3A : memref<!tpu.dma_semaphore, #tpu.memory_space<semaphore_mem>>)
      %dma_wait3A = arith.constant 0 : i32
      %dma_wait3A_53 = tpu.memref_slice %arg5[%arg0, %mul3A_48, %dma_wait3A] : memref<2x10240x128xf32, #tpu.memory_space<hbm>> -> memref<1x640x128xf32, #tpu.memory_space<hbm>>
      %dma_wait3A_54 = tpu.memref_squeeze %dma_wait3A_53 : memref<1x640x128xf32, #tpu.memory_space<hbm>> -> memref<640x128xf32, #tpu.memory_space<hbm>>
      %dma_wait3A_55 = arith.constant 0 : i32
      %dma_wait3A_56 = tpu.memref_slice %arg9[%mul3A_46, %dma_wait3A_55] : memref<10240x128xf32, #tpu.memory_space<vmem_shared>> -> memref<640x128xf32, #tpu.memory_space<vmem_shared>>
      tpu.wait_dma2 semaphore(%run_scoped3A : memref<!tpu.dma_semaphore, #tpu.memory_space<semaphore_mem>>) src(%dma_wait3A_56 : memref<640x128xf32, #tpu.memory_space<vmem_shared>>) dst(%dma_wait3A_54 : memref<640x128xf32, #tpu.memory_space<hbm>>)
      tpu.yield
    }) : () -> ()
    return
  }
}

#map = affine_map<(d0, d1) -> (0, 0)>
#map1 = affine_map<(d0, d1) -> (0, 0, 0)>
module attributes {stable_mosaic.version = 14 : i64} {
  func.func @_sc_agg_body(%arg0: i32, %arg1: i32, %arg2: memref<10000x128xf32, #tpu.memory_space<hbm>>, %arg3: memref<32x125x80xi32, #tpu.memory_space<hbm>>, %arg4: memref<32x125x80xi32, #tpu.memory_space<hbm>>, %arg5: memref<2x10240x128xf32, #tpu.memory_space<hbm>>, %arg6: memref<125x80xi32, #tpu.memory_space<vmem>>, %arg7: memref<125x80xi32, #tpu.memory_space<vmem>>, %arg8: memref<80x128xf32, #tpu.memory_space<vmem>>, %arg9: memref<10240x128xf32, #tpu.memory_space<vmem_shared>>, %arg10: memref<!tpu.dma_semaphore, #tpu.memory_space<semaphore_mem>>) attributes {dimension_semantics = [#tpu.dimension_semantics<core_parallel>, #tpu.dimension_semantics<subcore_parallel>], iteration_bounds = array<i64: 2, 16>, scalar_prefetch = 0 : i64, scratch_operands = 5 : i64, tpu.core_type = #tpu.core_type<sc_vector_subcore>, window_params = [{transform_indices = #map}, {transform_indices = #map1}, {transform_indices = #map1}, {transform_indices = #map1}]} {
    %mul3A = arith.constant 2 : i32
    %mul3A_0 = arith.muli %arg1, %mul3A : i32
    %add3A = arith.addi %mul3A_0, %arg0 : i32
    %scan3A = arith.constant 0 : i32
    %scan3A_1 = arith.constant 0 : i32
    %scan3A_2 = arith.constant 80 : i32
    %scan3A_3 = arith.addi %scan3A_1, %scan3A_2 : i32
    %scan3A_4 = arith.constant 1 : i32
    scf.for %scan3A_49 = %scan3A_1 to %scan3A_3 step %scan3A_4  : i32 {
      %broadcast_in_dim3A = arith.constant 0.000000e+00 : f32
      %broadcast_in_dim3A_50 = vector.broadcast %broadcast_in_dim3A : f32 to vector<16xf32>
      %swap3A = arith.index_cast %scan3A_49 : i32 to index
      %swap3A_51 = arith.constant 0 : index
      %swap3A_52 = tpu.vector_load %arg8[%swap3A, %swap3A_51] {strides = array<i32>} : memref<80x128xf32, #tpu.memory_space<vmem>>, vector<1x16xf32>,
      %swap3A_53 = vector.shape_cast %swap3A_52 : vector<1x16xf32> to vector<16xf32>
      %swap3A_54 = vector.shape_cast %broadcast_in_dim3A_50 : vector<16xf32> to vector<1x16xf32>
      tpu.vector_store %arg8[%swap3A, %swap3A_51], %swap3A_54 {strides = array<i32>} : memref<80x128xf32, #tpu.memory_space<vmem>>, vector<1x16xf32>,
      %broadcast_in_dim3A_55 = arith.constant 0.000000e+00 : f32
      %broadcast_in_dim3A_56 = vector.broadcast %broadcast_in_dim3A_55 : f32 to vector<16xf32>
      %swap3A_57 = arith.index_cast %scan3A_49 : i32 to index
      %swap3A_58 = arith.constant 16 : index
      %swap3A_59 = tpu.vector_load %arg8[%swap3A_57, %swap3A_58] {strides = array<i32>} : memref<80x128xf32, #tpu.memory_space<vmem>>, vector<1x16xf32>,
      %swap3A_60 = vector.shape_cast %swap3A_59 : vector<1x16xf32> to vector<16xf32>
      %swap3A_61 = vector.shape_cast %broadcast_in_dim3A_56 : vector<16xf32> to vector<1x16xf32>
      tpu.vector_store %arg8[%swap3A_57, %swap3A_58], %swap3A_61 {strides = array<i32>} : memref<80x128xf32, #tpu.memory_space<vmem>>, vector<1x16xf32>,
      %broadcast_in_dim3A_62 = arith.constant 0.000000e+00 : f32
      %broadcast_in_dim3A_63 = vector.broadcast %broadcast_in_dim3A_62 : f32 to vector<16xf32>
      %swap3A_64 = arith.index_cast %scan3A_49 : i32 to index
      %swap3A_65 = arith.constant 32 : index
      %swap3A_66 = tpu.vector_load %arg8[%swap3A_64, %swap3A_65] {strides = array<i32>} : memref<80x128xf32, #tpu.memory_space<vmem>>, vector<1x16xf32>,
      %swap3A_67 = vector.shape_cast %swap3A_66 : vector<1x16xf32> to vector<16xf32>
      %swap3A_68 = vector.shape_cast %broadcast_in_dim3A_63 : vector<16xf32> to vector<1x16xf32>
      tpu.vector_store %arg8[%swap3A_64, %swap3A_65], %swap3A_68 {strides = array<i32>} : memref<80x128xf32, #tpu.memory_space<vmem>>, vector<1x16xf32>,
      %broadcast_in_dim3A_69 = arith.constant 0.000000e+00 : f32
      %broadcast_in_dim3A_70 = vector.broadcast %broadcast_in_dim3A_69 : f32 to vector<16xf32>
      %swap3A_71 = arith.index_cast %scan3A_49 : i32 to index
      %swap3A_72 = arith.constant 48 : index
      %swap3A_73 = tpu.vector_load %arg8[%swap3A_71, %swap3A_72] {strides = array<i32>} : memref<80x128xf32, #tpu.memory_space<vmem>>, vector<1x16xf32>,
      %swap3A_74 = vector.shape_cast %swap3A_73 : vector<1x16xf32> to vector<16xf32>
      %swap3A_75 = vector.shape_cast %broadcast_in_dim3A_70 : vector<16xf32> to vector<1x16xf32>
      tpu.vector_store %arg8[%swap3A_71, %swap3A_72], %swap3A_75 {strides = array<i32>} : memref<80x128xf32, #tpu.memory_space<vmem>>, vector<1x16xf32>,
      %broadcast_in_dim3A_76 = arith.constant 0.000000e+00 : f32
      %broadcast_in_dim3A_77 = vector.broadcast %broadcast_in_dim3A_76 : f32 to vector<16xf32>
      %swap3A_78 = arith.index_cast %scan3A_49 : i32 to index
      %swap3A_79 = arith.constant 64 : index
      %swap3A_80 = tpu.vector_load %arg8[%swap3A_78, %swap3A_79] {strides = array<i32>} : memref<80x128xf32, #tpu.memory_space<vmem>>, vector<1x16xf32>,
      %swap3A_81 = vector.shape_cast %swap3A_80 : vector<1x16xf32> to vector<16xf32>
      %swap3A_82 = vector.shape_cast %broadcast_in_dim3A_77 : vector<16xf32> to vector<1x16xf32>
      tpu.vector_store %arg8[%swap3A_78, %swap3A_79], %swap3A_82 {strides = array<i32>} : memref<80x128xf32, #tpu.memory_space<vmem>>, vector<1x16xf32>,
      %broadcast_in_dim3A_83 = arith.constant 0.000000e+00 : f32
      %broadcast_in_dim3A_84 = vector.broadcast %broadcast_in_dim3A_83 : f32 to vector<16xf32>
      %swap3A_85 = arith.index_cast %scan3A_49 : i32 to index
      %swap3A_86 = arith.constant 80 : index
      %swap3A_87 = tpu.vector_load %arg8[%swap3A_85, %swap3A_86] {strides = array<i32>} : memref<80x128xf32, #tpu.memory_space<vmem>>, vector<1x16xf32>,
      %swap3A_88 = vector.shape_cast %swap3A_87 : vector<1x16xf32> to vector<16xf32>
      %swap3A_89 = vector.shape_cast %broadcast_in_dim3A_84 : vector<16xf32> to vector<1x16xf32>
      tpu.vector_store %arg8[%swap3A_85, %swap3A_86], %swap3A_89 {strides = array<i32>} : memref<80x128xf32, #tpu.memory_space<vmem>>, vector<1x16xf32>,
      %broadcast_in_dim3A_90 = arith.constant 0.000000e+00 : f32
      %broadcast_in_dim3A_91 = vector.broadcast %broadcast_in_dim3A_90 : f32 to vector<16xf32>
      %swap3A_92 = arith.index_cast %scan3A_49 : i32 to index
      %swap3A_93 = arith.constant 96 : index
      %swap3A_94 = tpu.vector_load %arg8[%swap3A_92, %swap3A_93] {strides = array<i32>} : memref<80x128xf32, #tpu.memory_space<vmem>>, vector<1x16xf32>,
      %swap3A_95 = vector.shape_cast %swap3A_94 : vector<1x16xf32> to vector<16xf32>
      %swap3A_96 = vector.shape_cast %broadcast_in_dim3A_91 : vector<16xf32> to vector<1x16xf32>
      tpu.vector_store %arg8[%swap3A_92, %swap3A_93], %swap3A_96 {strides = array<i32>} : memref<80x128xf32, #tpu.memory_space<vmem>>, vector<1x16xf32>,
      %broadcast_in_dim3A_97 = arith.constant 0.000000e+00 : f32
      %broadcast_in_dim3A_98 = vector.broadcast %broadcast_in_dim3A_97 : f32 to vector<16xf32>
      %swap3A_99 = arith.index_cast %scan3A_49 : i32 to index
      %swap3A_100 = arith.constant 112 : index
      %swap3A_101 = tpu.vector_load %arg8[%swap3A_99, %swap3A_100] {strides = array<i32>} : memref<80x128xf32, #tpu.memory_space<vmem>>, vector<1x16xf32>,
      %swap3A_102 = vector.shape_cast %swap3A_101 : vector<1x16xf32> to vector<16xf32>
      %swap3A_103 = vector.shape_cast %broadcast_in_dim3A_98 : vector<16xf32> to vector<1x16xf32>
      tpu.vector_store %arg8[%swap3A_99, %swap3A_100], %swap3A_103 {strides = array<i32>} : memref<80x128xf32, #tpu.memory_space<vmem>>, vector<1x16xf32>,
    }
    %scan3A_5 = arith.constant 80 : i32
    "tpu.region"() ({
      %run_scoped3A = tpu.sem_alloc : memref<!tpu.dma_semaphore, #tpu.memory_space<semaphore_mem>>
      %dma_start3A = arith.constant 0 : i32
      %dma_start3A_49 = arith.constant 0 : i32
      %dma_start3A_50 = tpu.memref_slice %arg3[%add3A, %dma_start3A, %dma_start3A_49] : memref<32x125x80xi32, #tpu.memory_space<hbm>> -> memref<1x125x80xi32, #tpu.memory_space<hbm>>
      %dma_start3A_51 = tpu.memref_squeeze %dma_start3A_50 : memref<1x125x80xi32, #tpu.memory_space<hbm>> -> memref<125x80xi32, #tpu.memory_space<hbm>>
      %dma_start3A_52 = arith.constant 0 : i32
      %dma_start3A_53 = arith.constant 0 : i32
      %dma_start3A_54 = tpu.memref_slice %arg3[%add3A, %dma_start3A_52, %dma_start3A_53] : memref<32x125x80xi32, #tpu.memory_space<hbm>> -> memref<1x125x80xi32, #tpu.memory_space<hbm>>
      %dma_start3A_55 = tpu.memref_squeeze %dma_start3A_54 : memref<1x125x80xi32, #tpu.memory_space<hbm>> -> memref<125x80xi32, #tpu.memory_space<hbm>>
      tpu.enqueue_dma source(%dma_start3A_55 : memref<125x80xi32, #tpu.memory_space<hbm>>) target(%arg6 : memref<125x80xi32, #tpu.memory_space<vmem>>) target_semaphore(%run_scoped3A : memref<!tpu.dma_semaphore, #tpu.memory_space<semaphore_mem>>)
      %dma_wait3A = arith.constant 0 : i32
      %dma_wait3A_56 = arith.constant 0 : i32
      %dma_wait3A_57 = tpu.memref_slice %arg3[%add3A, %dma_wait3A, %dma_wait3A_56] : memref<32x125x80xi32, #tpu.memory_space<hbm>> -> memref<1x125x80xi32, #tpu.memory_space<hbm>>
      %dma_wait3A_58 = tpu.memref_squeeze %dma_wait3A_57 : memref<1x125x80xi32, #tpu.memory_space<hbm>> -> memref<125x80xi32, #tpu.memory_space<hbm>>
      %dma_wait3A_59 = arith.constant 0 : i32
      %dma_wait3A_60 = arith.constant 0 : i32
      %dma_wait3A_61 = tpu.memref_slice %arg3[%add3A, %dma_wait3A_59, %dma_wait3A_60] : memref<32x125x80xi32, #tpu.memory_space<hbm>> -> memref<1x125x80xi32, #tpu.memory_space<hbm>>
      %dma_wait3A_62 = tpu.memref_squeeze %dma_wait3A_61 : memref<1x125x80xi32, #tpu.memory_space<hbm>> -> memref<125x80xi32, #tpu.memory_space<hbm>>
      tpu.wait_dma2 semaphore(%run_scoped3A : memref<!tpu.dma_semaphore, #tpu.memory_space<semaphore_mem>>) src(%dma_wait3A_62 : memref<125x80xi32, #tpu.memory_space<hbm>>) dst(%arg6 : memref<125x80xi32, #tpu.memory_space<vmem>>)
      tpu.yield
    }) : () -> ()
    "tpu.region"() ({
      %run_scoped3A = tpu.sem_alloc : memref<!tpu.dma_semaphore, #tpu.memory_space<semaphore_mem>>
      %dma_start3A = arith.constant 0 : i32
      %dma_start3A_49 = arith.constant 0 : i32
      %dma_start3A_50 = tpu.memref_slice %arg4[%add3A, %dma_start3A, %dma_start3A_49] : memref<32x125x80xi32, #tpu.memory_space<hbm>> -> memref<1x125x80xi32, #tpu.memory_space<hbm>>
      %dma_start3A_51 = tpu.memref_squeeze %dma_start3A_50 : memref<1x125x80xi32, #tpu.memory_space<hbm>> -> memref<125x80xi32, #tpu.memory_space<hbm>>
      %dma_start3A_52 = arith.constant 0 : i32
      %dma_start3A_53 = arith.constant 0 : i32
      %dma_start3A_54 = tpu.memref_slice %arg4[%add3A, %dma_start3A_52, %dma_start3A_53] : memref<32x125x80xi32, #tpu.memory_space<hbm>> -> memref<1x125x80xi32, #tpu.memory_space<hbm>>
      %dma_start3A_55 = tpu.memref_squeeze %dma_start3A_54 : memref<1x125x80xi32, #tpu.memory_space<hbm>> -> memref<125x80xi32, #tpu.memory_space<hbm>>
      tpu.enqueue_dma source(%dma_start3A_55 : memref<125x80xi32, #tpu.memory_space<hbm>>) target(%arg7 : memref<125x80xi32, #tpu.memory_space<vmem>>) target_semaphore(%run_scoped3A : memref<!tpu.dma_semaphore, #tpu.memory_space<semaphore_mem>>)
      %dma_wait3A = arith.constant 0 : i32
      %dma_wait3A_56 = arith.constant 0 : i32
      %dma_wait3A_57 = tpu.memref_slice %arg4[%add3A, %dma_wait3A, %dma_wait3A_56] : memref<32x125x80xi32, #tpu.memory_space<hbm>> -> memref<1x125x80xi32, #tpu.memory_space<hbm>>
      %dma_wait3A_58 = tpu.memref_squeeze %dma_wait3A_57 : memref<1x125x80xi32, #tpu.memory_space<hbm>> -> memref<125x80xi32, #tpu.memory_space<hbm>>
      %dma_wait3A_59 = arith.constant 0 : i32
      %dma_wait3A_60 = arith.constant 0 : i32
      %dma_wait3A_61 = tpu.memref_slice %arg4[%add3A, %dma_wait3A_59, %dma_wait3A_60] : memref<32x125x80xi32, #tpu.memory_space<hbm>> -> memref<1x125x80xi32, #tpu.memory_space<hbm>>
      %dma_wait3A_62 = tpu.memref_squeeze %dma_wait3A_61 : memref<1x125x80xi32, #tpu.memory_space<hbm>> -> memref<125x80xi32, #tpu.memory_space<hbm>>
      tpu.wait_dma2 semaphore(%run_scoped3A : memref<!tpu.dma_semaphore, #tpu.memory_space<semaphore_mem>>) src(%dma_wait3A_62 : memref<125x80xi32, #tpu.memory_space<hbm>>) dst(%arg7 : memref<125x80xi32, #tpu.memory_space<vmem>>)
      tpu.yield
    }) : () -> ()
    %mul3A_6 = arith.constant 640 : i32
    %mul3A_7 = arith.muli %arg1, %mul3A_6 : i32
    %add3A_8 = arith.constant 0 : i32
    %add3A_9 = arith.addi %mul3A_7, %add3A_8 : i32
    "tpu.region"() ({
      %run_scoped3A = tpu.sem_alloc : memref<!tpu.dma_semaphore, #tpu.memory_space<semaphore_mem>>
      %dma_start3A = arith.constant 0 : i32
      %dma_start3A_49 = tpu.memref_slice %arg9[%add3A_9, %dma_start3A] : memref<10240x128xf32, #tpu.memory_space<vmem_shared>> -> memref<80x128xf32, #tpu.memory_space<vmem_shared>>
      %dma_start3A_50 = arith.constant 0 : i32
      %dma_start3A_51 = tpu.memref_slice %arg9[%add3A_9, %dma_start3A_50] : memref<10240x128xf32, #tpu.memory_space<vmem_shared>> -> memref<80x128xf32, #tpu.memory_space<vmem_shared>>
      tpu.enqueue_dma source(%arg8 : memref<80x128xf32, #tpu.memory_space<vmem>>) target(%dma_start3A_51 : memref<80x128xf32, #tpu.memory_space<vmem_shared>>) target_semaphore(%run_scoped3A : memref<!tpu.dma_semaphore, #tpu.memory_space<semaphore_mem>>)
      %dma_wait3A = arith.constant 0 : i32
      %dma_wait3A_52 = tpu.memref_slice %arg9[%add3A_9, %dma_wait3A] : memref<10240x128xf32, #tpu.memory_space<vmem_shared>> -> memref<80x128xf32, #tpu.memory_space<vmem_shared>>
      %dma_wait3A_53 = arith.constant 0 : i32
      %dma_wait3A_54 = tpu.memref_slice %arg9[%add3A_9, %dma_wait3A_53] : memref<10240x128xf32, #tpu.memory_space<vmem_shared>> -> memref<80x128xf32, #tpu.memory_space<vmem_shared>>
      tpu.wait_dma2 semaphore(%run_scoped3A : memref<!tpu.dma_semaphore, #tpu.memory_space<semaphore_mem>>) src(%arg8 : memref<80x128xf32, #tpu.memory_space<vmem>>) dst(%dma_wait3A_54 : memref<80x128xf32, #tpu.memory_space<vmem_shared>>)
      tpu.yield
    }) : () -> ()
    %mul3A_10 = arith.constant 640 : i32
    %mul3A_11 = arith.muli %arg1, %mul3A_10 : i32
    %add3A_12 = arith.constant 80 : i32
    %add3A_13 = arith.addi %mul3A_11, %add3A_12 : i32
    "tpu.region"() ({
      %run_scoped3A = tpu.sem_alloc : memref<!tpu.dma_semaphore, #tpu.memory_space<semaphore_mem>>
      %dma_start3A = arith.constant 0 : i32
      %dma_start3A_49 = tpu.memref_slice %arg9[%add3A_13, %dma_start3A] : memref<10240x128xf32, #tpu.memory_space<vmem_shared>> -> memref<80x128xf32, #tpu.memory_space<vmem_shared>>
      %dma_start3A_50 = arith.constant 0 : i32
      %dma_start3A_51 = tpu.memref_slice %arg9[%add3A_13, %dma_start3A_50] : memref<10240x128xf32, #tpu.memory_space<vmem_shared>> -> memref<80x128xf32, #tpu.memory_space<vmem_shared>>
      tpu.enqueue_dma source(%arg8 : memref<80x128xf32, #tpu.memory_space<vmem>>) target(%dma_start3A_51 : memref<80x128xf32, #tpu.memory_space<vmem_shared>>) target_semaphore(%run_scoped3A : memref<!tpu.dma_semaphore, #tpu.memory_space<semaphore_mem>>)
      %dma_wait3A = arith.constant 0 : i32
      %dma_wait3A_52 = tpu.memref_slice %arg9[%add3A_13, %dma_wait3A] : memref<10240x128xf32, #tpu.memory_space<vmem_shared>> -> memref<80x128xf32, #tpu.memory_space<vmem_shared>>
      %dma_wait3A_53 = arith.constant 0 : i32
      %dma_wait3A_54 = tpu.memref_slice %arg9[%add3A_13, %dma_wait3A_53] : memref<10240x128xf32, #tpu.memory_space<vmem_shared>> -> memref<80x128xf32, #tpu.memory_space<vmem_shared>>
      tpu.wait_dma2 semaphore(%run_scoped3A : memref<!tpu.dma_semaphore, #tpu.memory_space<semaphore_mem>>) src(%arg8 : memref<80x128xf32, #tpu.memory_space<vmem>>) dst(%dma_wait3A_54 : memref<80x128xf32, #tpu.memory_space<vmem_shared>>)
      tpu.yield
    }) : () -> ()
    %mul3A_14 = arith.constant 640 : i32
    %mul3A_15 = arith.muli %arg1, %mul3A_14 : i32
    %add3A_16 = arith.constant 160 : i32
    %add3A_17 = arith.addi %mul3A_15, %add3A_16 : i32
    "tpu.region"() ({
      %run_scoped3A = tpu.sem_alloc : memref<!tpu.dma_semaphore, #tpu.memory_space<semaphore_mem>>
      %dma_start3A = arith.constant 0 : i32
      %dma_start3A_49 = tpu.memref_slice %arg9[%add3A_17, %dma_start3A] : memref<10240x128xf32, #tpu.memory_space<vmem_shared>> -> memref<80x128xf32, #tpu.memory_space<vmem_shared>>
      %dma_start3A_50 = arith.constant 0 : i32
      %dma_start3A_51 = tpu.memref_slice %arg9[%add3A_17, %dma_start3A_50] : memref<10240x128xf32, #tpu.memory_space<vmem_shared>> -> memref<80x128xf32, #tpu.memory_space<vmem_shared>>
      tpu.enqueue_dma source(%arg8 : memref<80x128xf32, #tpu.memory_space<vmem>>) target(%dma_start3A_51 : memref<80x128xf32, #tpu.memory_space<vmem_shared>>) target_semaphore(%run_scoped3A : memref<!tpu.dma_semaphore, #tpu.memory_space<semaphore_mem>>)
      %dma_wait3A = arith.constant 0 : i32
      %dma_wait3A_52 = tpu.memref_slice %arg9[%add3A_17, %dma_wait3A] : memref<10240x128xf32, #tpu.memory_space<vmem_shared>> -> memref<80x128xf32, #tpu.memory_space<vmem_shared>>
      %dma_wait3A_53 = arith.constant 0 : i32
      %dma_wait3A_54 = tpu.memref_slice %arg9[%add3A_17, %dma_wait3A_53] : memref<10240x128xf32, #tpu.memory_space<vmem_shared>> -> memref<80x128xf32, #tpu.memory_space<vmem_shared>>
      tpu.wait_dma2 semaphore(%run_scoped3A : memref<!tpu.dma_semaphore, #tpu.memory_space<semaphore_mem>>) src(%arg8 : memref<80x128xf32, #tpu.memory_space<vmem>>) dst(%dma_wait3A_54 : memref<80x128xf32, #tpu.memory_space<vmem_shared>>)
      tpu.yield
    }) : () -> ()
    %mul3A_18 = arith.constant 640 : i32
    %mul3A_19 = arith.muli %arg1, %mul3A_18 : i32
    %add3A_20 = arith.constant 240 : i32
    %add3A_21 = arith.addi %mul3A_19, %add3A_20 : i32
    "tpu.region"() ({
      %run_scoped3A = tpu.sem_alloc : memref<!tpu.dma_semaphore, #tpu.memory_space<semaphore_mem>>
      %dma_start3A = arith.constant 0 : i32
      %dma_start3A_49 = tpu.memref_slice %arg9[%add3A_21, %dma_start3A] : memref<10240x128xf32, #tpu.memory_space<vmem_shared>> -> memref<80x128xf32, #tpu.memory_space<vmem_shared>>
      %dma_start3A_50 = arith.constant 0 : i32
      %dma_start3A_51 = tpu.memref_slice %arg9[%add3A_21, %dma_start3A_50] : memref<10240x128xf32, #tpu.memory_space<vmem_shared>> -> memref<80x128xf32, #tpu.memory_space<vmem_shared>>
      tpu.enqueue_dma source(%arg8 : memref<80x128xf32, #tpu.memory_space<vmem>>) target(%dma_start3A_51 : memref<80x128xf32, #tpu.memory_space<vmem_shared>>) target_semaphore(%run_scoped3A : memref<!tpu.dma_semaphore, #tpu.memory_space<semaphore_mem>>)
      %dma_wait3A = arith.constant 0 : i32
      %dma_wait3A_52 = tpu.memref_slice %arg9[%add3A_21, %dma_wait3A] : memref<10240x128xf32, #tpu.memory_space<vmem_shared>> -> memref<80x128xf32, #tpu.memory_space<vmem_shared>>
      %dma_wait3A_53 = arith.constant 0 : i32
      %dma_wait3A_54 = tpu.memref_slice %arg9[%add3A_21, %dma_wait3A_53] : memref<10240x128xf32, #tpu.memory_space<vmem_shared>> -> memref<80x128xf32, #tpu.memory_space<vmem_shared>>
      tpu.wait_dma2 semaphore(%run_scoped3A : memref<!tpu.dma_semaphore, #tpu.memory_space<semaphore_mem>>) src(%arg8 : memref<80x128xf32, #tpu.memory_space<vmem>>) dst(%dma_wait3A_54 : memref<80x128xf32, #tpu.memory_space<vmem_shared>>)
      tpu.yield
    }) : () -> ()
    %mul3A_22 = arith.constant 640 : i32
    %mul3A_23 = arith.muli %arg1, %mul3A_22 : i32
    %add3A_24 = arith.constant 320 : i32
    %add3A_25 = arith.addi %mul3A_23, %add3A_24 : i32
    "tpu.region"() ({
      %run_scoped3A = tpu.sem_alloc : memref<!tpu.dma_semaphore, #tpu.memory_space<semaphore_mem>>
      %dma_start3A = arith.constant 0 : i32
      %dma_start3A_49 = tpu.memref_slice %arg9[%add3A_25, %dma_start3A] : memref<10240x128xf32, #tpu.memory_space<vmem_shared>> -> memref<80x128xf32, #tpu.memory_space<vmem_shared>>
      %dma_start3A_50 = arith.constant 0 : i32
      %dma_start3A_51 = tpu.memref_slice %arg9[%add3A_25, %dma_start3A_50] : memref<10240x128xf32, #tpu.memory_space<vmem_shared>> -> memref<80x128xf32, #tpu.memory_space<vmem_shared>>
      tpu.enqueue_dma source(%arg8 : memref<80x128xf32, #tpu.memory_space<vmem>>) target(%dma_start3A_51 : memref<80x128xf32, #tpu.memory_space<vmem_shared>>) target_semaphore(%run_scoped3A : memref<!tpu.dma_semaphore, #tpu.memory_space<semaphore_mem>>)
      %dma_wait3A = arith.constant 0 : i32
      %dma_wait3A_52 = tpu.memref_slice %arg9[%add3A_25, %dma_wait3A] : memref<10240x128xf32, #tpu.memory_space<vmem_shared>> -> memref<80x128xf32, #tpu.memory_space<vmem_shared>>
      %dma_wait3A_53 = arith.constant 0 : i32
      %dma_wait3A_54 = tpu.memref_slice %arg9[%add3A_25, %dma_wait3A_53] : memref<10240x128xf32, #tpu.memory_space<vmem_shared>> -> memref<80x128xf32, #tpu.memory_space<vmem_shared>>
      tpu.wait_dma2 semaphore(%run_scoped3A : memref<!tpu.dma_semaphore, #tpu.memory_space<semaphore_mem>>) src(%arg8 : memref<80x128xf32, #tpu.memory_space<vmem>>) dst(%dma_wait3A_54 : memref<80x128xf32, #tpu.memory_space<vmem_shared>>)
      tpu.yield
    }) : () -> ()
    %mul3A_26 = arith.constant 640 : i32
    %mul3A_27 = arith.muli %arg1, %mul3A_26 : i32
    %add3A_28 = arith.constant 400 : i32
    %add3A_29 = arith.addi %mul3A_27, %add3A_28 : i32
    "tpu.region"() ({
      %run_scoped3A = tpu.sem_alloc : memref<!tpu.dma_semaphore, #tpu.memory_space<semaphore_mem>>
      %dma_start3A = arith.constant 0 : i32
      %dma_start3A_49 = tpu.memref_slice %arg9[%add3A_29, %dma_start3A] : memref<10240x128xf32, #tpu.memory_space<vmem_shared>> -> memref<80x128xf32, #tpu.memory_space<vmem_shared>>
      %dma_start3A_50 = arith.constant 0 : i32
      %dma_start3A_51 = tpu.memref_slice %arg9[%add3A_29, %dma_start3A_50] : memref<10240x128xf32, #tpu.memory_space<vmem_shared>> -> memref<80x128xf32, #tpu.memory_space<vmem_shared>>
      tpu.enqueue_dma source(%arg8 : memref<80x128xf32, #tpu.memory_space<vmem>>) target(%dma_start3A_51 : memref<80x128xf32, #tpu.memory_space<vmem_shared>>) target_semaphore(%run_scoped3A : memref<!tpu.dma_semaphore, #tpu.memory_space<semaphore_mem>>)
      %dma_wait3A = arith.constant 0 : i32
      %dma_wait3A_52 = tpu.memref_slice %arg9[%add3A_29, %dma_wait3A] : memref<10240x128xf32, #tpu.memory_space<vmem_shared>> -> memref<80x128xf32, #tpu.memory_space<vmem_shared>>
      %dma_wait3A_53 = arith.constant 0 : i32
      %dma_wait3A_54 = tpu.memref_slice %arg9[%add3A_29, %dma_wait3A_53] : memref<10240x128xf32, #tpu.memory_space<vmem_shared>> -> memref<80x128xf32, #tpu.memory_space<vmem_shared>>
      tpu.wait_dma2 semaphore(%run_scoped3A : memref<!tpu.dma_semaphore, #tpu.memory_space<semaphore_mem>>) src(%arg8 : memref<80x128xf32, #tpu.memory_space<vmem>>) dst(%dma_wait3A_54 : memref<80x128xf32, #tpu.memory_space<vmem_shared>>)
      tpu.yield
    }) : () -> ()
    %mul3A_30 = arith.constant 640 : i32
    %mul3A_31 = arith.muli %arg1, %mul3A_30 : i32
    %add3A_32 = arith.constant 480 : i32
    %add3A_33 = arith.addi %mul3A_31, %add3A_32 : i32
    "tpu.region"() ({
      %run_scoped3A = tpu.sem_alloc : memref<!tpu.dma_semaphore, #tpu.memory_space<semaphore_mem>>
      %dma_start3A = arith.constant 0 : i32
      %dma_start3A_49 = tpu.memref_slice %arg9[%add3A_33, %dma_start3A] : memref<10240x128xf32, #tpu.memory_space<vmem_shared>> -> memref<80x128xf32, #tpu.memory_space<vmem_shared>>
      %dma_start3A_50 = arith.constant 0 : i32
      %dma_start3A_51 = tpu.memref_slice %arg9[%add3A_33, %dma_start3A_50] : memref<10240x128xf32, #tpu.memory_space<vmem_shared>> -> memref<80x128xf32, #tpu.memory_space<vmem_shared>>
      tpu.enqueue_dma source(%arg8 : memref<80x128xf32, #tpu.memory_space<vmem>>) target(%dma_start3A_51 : memref<80x128xf32, #tpu.memory_space<vmem_shared>>) target_semaphore(%run_scoped3A : memref<!tpu.dma_semaphore, #tpu.memory_space<semaphore_mem>>)
      %dma_wait3A = arith.constant 0 : i32
      %dma_wait3A_52 = tpu.memref_slice %arg9[%add3A_33, %dma_wait3A] : memref<10240x128xf32, #tpu.memory_space<vmem_shared>> -> memref<80x128xf32, #tpu.memory_space<vmem_shared>>
      %dma_wait3A_53 = arith.constant 0 : i32
      %dma_wait3A_54 = tpu.memref_slice %arg9[%add3A_33, %dma_wait3A_53] : memref<10240x128xf32, #tpu.memory_space<vmem_shared>> -> memref<80x128xf32, #tpu.memory_space<vmem_shared>>
      tpu.wait_dma2 semaphore(%run_scoped3A : memref<!tpu.dma_semaphore, #tpu.memory_space<semaphore_mem>>) src(%arg8 : memref<80x128xf32, #tpu.memory_space<vmem>>) dst(%dma_wait3A_54 : memref<80x128xf32, #tpu.memory_space<vmem_shared>>)
      tpu.yield
    }) : () -> ()
    %mul3A_34 = arith.constant 640 : i32
    %mul3A_35 = arith.muli %arg1, %mul3A_34 : i32
    %add3A_36 = arith.constant 560 : i32
    %add3A_37 = arith.addi %mul3A_35, %add3A_36 : i32
    "tpu.region"() ({
      %run_scoped3A = tpu.sem_alloc : memref<!tpu.dma_semaphore, #tpu.memory_space<semaphore_mem>>
      %dma_start3A = arith.constant 0 : i32
      %dma_start3A_49 = tpu.memref_slice %arg9[%add3A_37, %dma_start3A] : memref<10240x128xf32, #tpu.memory_space<vmem_shared>> -> memref<80x128xf32, #tpu.memory_space<vmem_shared>>
      %dma_start3A_50 = arith.constant 0 : i32
      %dma_start3A_51 = tpu.memref_slice %arg9[%add3A_37, %dma_start3A_50] : memref<10240x128xf32, #tpu.memory_space<vmem_shared>> -> memref<80x128xf32, #tpu.memory_space<vmem_shared>>
      tpu.enqueue_dma source(%arg8 : memref<80x128xf32, #tpu.memory_space<vmem>>) target(%dma_start3A_51 : memref<80x128xf32, #tpu.memory_space<vmem_shared>>) target_semaphore(%run_scoped3A : memref<!tpu.dma_semaphore, #tpu.memory_space<semaphore_mem>>)
      %dma_wait3A = arith.constant 0 : i32
      %dma_wait3A_52 = tpu.memref_slice %arg9[%add3A_37, %dma_wait3A] : memref<10240x128xf32, #tpu.memory_space<vmem_shared>> -> memref<80x128xf32, #tpu.memory_space<vmem_shared>>
      %dma_wait3A_53 = arith.constant 0 : i32
      %dma_wait3A_54 = tpu.memref_slice %arg9[%add3A_37, %dma_wait3A_53] : memref<10240x128xf32, #tpu.memory_space<vmem_shared>> -> memref<80x128xf32, #tpu.memory_space<vmem_shared>>
      tpu.wait_dma2 semaphore(%run_scoped3A : memref<!tpu.dma_semaphore, #tpu.memory_space<semaphore_mem>>) src(%arg8 : memref<80x128xf32, #tpu.memory_space<vmem>>) dst(%dma_wait3A_54 : memref<80x128xf32, #tpu.memory_space<vmem_shared>>)
      tpu.yield
    }) : () -> ()
    %barrier3A = arith.constant 0 : index
    tpu.barrier barrier_id(%barrier3A)
    %scan3A_38 = arith.constant 0 : i32
    %scan3A_39 = arith.constant 0 : i32
    %scan3A_40 = arith.constant 125 : i32
    %scan3A_41 = arith.addi %scan3A_39, %scan3A_40 : i32
    %scan3A_42 = arith.constant 1 : i32
    scf.for %scan3A_49 = %scan3A_39 to %scan3A_41 step %scan3A_42  : i32 {
      %dma_start3A = arith.constant 0 : i32
      %dma_start3A_50 = tpu.memref_slice %arg6[%scan3A_49, %dma_start3A] : memref<125x80xi32, #tpu.memory_space<vmem>> -> memref<1x80xi32, #tpu.memory_space<vmem>>
      %dma_start3A_51 = tpu.memref_squeeze %dma_start3A_50 : memref<1x80xi32, #tpu.memory_space<vmem>> -> memref<80xi32, #tpu.memory_space<vmem>>
      %dma_start3A_52 = arith.constant 0 : i32
      %dma_start3A_53 = arith.constant 0 : i32
      %dma_start3A_54 = tpu.memref_slice %arg2[%dma_start3A_52, %dma_start3A_53] : memref<10000x128xf32, #tpu.memory_space<hbm>> -> memref<10000x128xf32, #tpu.memory_space<hbm>>
      tpu.enqueue_indirect_dma source(%dma_start3A_54 : memref<10000x128xf32, #tpu.memory_space<hbm>>) target(%arg8 : memref<80x128xf32, #tpu.memory_space<vmem>>) offsets(%dma_start3A_51 : memref<80xi32, #tpu.memory_space<vmem>>) semaphore(%arg10 : memref<!tpu.dma_semaphore, #tpu.memory_space<semaphore_mem>>)
      %dma_wait3A = arith.constant 0 : i32
      %dma_wait3A_55 = tpu.memref_slice %arg6[%scan3A_49, %dma_wait3A] : memref<125x80xi32, #tpu.memory_space<vmem>> -> memref<1x80xi32, #tpu.memory_space<vmem>>
      %dma_wait3A_56 = tpu.memref_squeeze %dma_wait3A_55 : memref<1x80xi32, #tpu.memory_space<vmem>> -> memref<80xi32, #tpu.memory_space<vmem>>
      %dma_wait3A_57 = arith.constant 0 : i32
      %dma_wait3A_58 = arith.constant 0 : i32
      %dma_wait3A_59 = tpu.memref_slice %arg2[%dma_wait3A_57, %dma_wait3A_58] : memref<10000x128xf32, #tpu.memory_space<hbm>> -> memref<10000x128xf32, #tpu.memory_space<hbm>>
      tpu.wait_indirect_dma semaphore(%arg10 : memref<!tpu.dma_semaphore, #tpu.memory_space<semaphore_mem>>) src(%dma_wait3A_59 : memref<10000x128xf32, #tpu.memory_space<hbm>>) dst(%arg8 : memref<80x128xf32, #tpu.memory_space<vmem>>)
      "tpu.region"() ({
        %run_scoped3A = tpu.sem_alloc : memref<!tpu.dma_semaphore, #tpu.memory_space<semaphore_mem>>
        %dma_start3A_60 = arith.constant 0 : i32
        %dma_start3A_61 = tpu.memref_slice %arg7[%scan3A_49, %dma_start3A_60] : memref<125x80xi32, #tpu.memory_space<vmem>> -> memref<1x80xi32, #tpu.memory_space<vmem>>
        %dma_start3A_62 = tpu.memref_squeeze %dma_start3A_61 : memref<1x80xi32, #tpu.memory_space<vmem>> -> memref<80xi32, #tpu.memory_space<vmem>>
        %dma_start3A_63 = arith.constant 0 : i32
        %dma_start3A_64 = arith.constant 0 : i32
        %dma_start3A_65 = tpu.memref_slice %arg9[%dma_start3A_63, %dma_start3A_64] : memref<10240x128xf32, #tpu.memory_space<vmem_shared>> -> memref<10240x128xf32, #tpu.memory_space<vmem_shared>>
        tpu.enqueue_indirect_dma source(%arg8 : memref<80x128xf32, #tpu.memory_space<vmem>>) target(%dma_start3A_65 : memref<10240x128xf32, #tpu.memory_space<vmem_shared>>) offsets(%dma_start3A_62 : memref<80xi32, #tpu.memory_space<vmem>>) semaphore(%run_scoped3A : memref<!tpu.dma_semaphore, #tpu.memory_space<semaphore_mem>>) {add = true}
        %dma_wait3A_66 = arith.constant 0 : i32
        %dma_wait3A_67 = tpu.memref_slice %arg7[%scan3A_49, %dma_wait3A_66] : memref<125x80xi32, #tpu.memory_space<vmem>> -> memref<1x80xi32, #tpu.memory_space<vmem>>
        %dma_wait3A_68 = tpu.memref_squeeze %dma_wait3A_67 : memref<1x80xi32, #tpu.memory_space<vmem>> -> memref<80xi32, #tpu.memory_space<vmem>>
        %dma_wait3A_69 = arith.constant 0 : i32
        %dma_wait3A_70 = arith.constant 0 : i32
        %dma_wait3A_71 = tpu.memref_slice %arg9[%dma_wait3A_69, %dma_wait3A_70] : memref<10240x128xf32, #tpu.memory_space<vmem_shared>> -> memref<10240x128xf32, #tpu.memory_space<vmem_shared>>
        tpu.wait_indirect_dma semaphore(%run_scoped3A : memref<!tpu.dma_semaphore, #tpu.memory_space<semaphore_mem>>) src(%arg8 : memref<80x128xf32, #tpu.memory_space<vmem>>) dst(%dma_wait3A_71 : memref<10240x128xf32, #tpu.memory_space<vmem_shared>>)
        tpu.yield
      }) : () -> ()
    }
    %scan3A_43 = arith.constant 125 : i32
    %barrier3A_44 = arith.constant 0 : index
    tpu.barrier barrier_id(%barrier3A_44)
    %mul3A_45 = arith.constant 640 : i32
    %mul3A_46 = arith.muli %arg1, %mul3A_45 : i32
    %mul3A_47 = arith.constant 640 : i32
    %mul3A_48 = arith.muli %arg1, %mul3A_47 : i32
    "tpu.region"() ({
      %run_scoped3A = tpu.sem_alloc : memref<!tpu.dma_semaphore, #tpu.memory_space<semaphore_mem>>
      %dma_start3A = arith.constant 0 : i32
      %dma_start3A_49 = tpu.memref_slice %arg5[%arg0, %mul3A_48, %dma_start3A] : memref<2x10240x128xf32, #tpu.memory_space<hbm>> -> memref<1x640x128xf32, #tpu.memory_space<hbm>>
      %dma_start3A_50 = tpu.memref_squeeze %dma_start3A_49 : memref<1x640x128xf32, #tpu.memory_space<hbm>> -> memref<640x128xf32, #tpu.memory_space<hbm>>
      %dma_start3A_51 = arith.constant 0 : i32
      %dma_start3A_52 = tpu.memref_slice %arg9[%mul3A_46, %dma_start3A_51] : memref<10240x128xf32, #tpu.memory_space<vmem_shared>> -> memref<640x128xf32, #tpu.memory_space<vmem_shared>>
      tpu.enqueue_dma source(%dma_start3A_52 : memref<640x128xf32, #tpu.memory_space<vmem_shared>>) target(%dma_start3A_50 : memref<640x128xf32, #tpu.memory_space<hbm>>) target_semaphore(%run_scoped3A : memref<!tpu.dma_semaphore, #tpu.memory_space<semaphore_mem>>)
      %dma_wait3A = arith.constant 0 : i32
      %dma_wait3A_53 = tpu.memref_slice %arg5[%arg0, %mul3A_48, %dma_wait3A] : memref<2x10240x128xf32, #tpu.memory_space<hbm>> -> memref<1x640x128xf32, #tpu.memory_space<hbm>>
      %dma_wait3A_54 = tpu.memref_squeeze %dma_wait3A_53 : memref<1x640x128xf32, #tpu.memory_space<hbm>> -> memref<640x128xf32, #tpu.memory_space<hbm>>
      %dma_wait3A_55 = arith.constant 0 : i32
      %dma_wait3A_56 = tpu.memref_slice %arg9[%mul3A_46, %dma_wait3A_55] : memref<10240x128xf32, #tpu.memory_space<vmem_shared>> -> memref<640x128xf32, #tpu.memory_space<vmem_shared>>
      tpu.wait_dma2 semaphore(%run_scoped3A : memref<!tpu.dma_semaphore, #tpu.memory_space<semaphore_mem>>) src(%dma_wait3A_56 : memref<640x128xf32, #tpu.memory_space<vmem_shared>>) dst(%dma_wait3A_54 : memref<640x128xf32, #tpu.memory_space<hbm>>)
      tpu.yield
    }) : () -> ()
    return
  }
}

#map = affine_map<(d0, d1) -> (0, 0)>
#map1 = affine_map<(d0, d1) -> (0, 0, 0)>
module attributes {stable_mosaic.version = 14 : i64} {
  func.func @_sc_agg_body(%arg0: i32, %arg1: i32, %arg2: memref<10000x128xf32, #tpu.memory_space<hbm>>, %arg3: memref<32x125x80xi32, #tpu.memory_space<hbm>>, %arg4: memref<32x125x80xi32, #tpu.memory_space<hbm>>, %arg5: memref<2x10240x128xf32, #tpu.memory_space<hbm>>, %arg6: memref<125x80xi32, #tpu.memory_space<vmem>>, %arg7: memref<125x80xi32, #tpu.memory_space<vmem>>, %arg8: memref<80x128xf32, #tpu.memory_space<vmem>>, %arg9: memref<10240x128xf32, #tpu.memory_space<vmem_shared>>, %arg10: memref<!tpu.dma_semaphore, #tpu.memory_space<semaphore_mem>>) attributes {dimension_semantics = [#tpu.dimension_semantics<core_parallel>, #tpu.dimension_semantics<subcore_parallel>], iteration_bounds = array<i64: 2, 16>, scalar_prefetch = 0 : i64, scratch_operands = 5 : i64, tpu.core_type = #tpu.core_type<sc_vector_subcore>, window_params = [{transform_indices = #map}, {transform_indices = #map1}, {transform_indices = #map1}, {transform_indices = #map1}]} {
    %mul3A = arith.constant 2 : i32
    %mul3A_0 = arith.muli %arg1, %mul3A : i32
    %add3A = arith.addi %mul3A_0, %arg0 : i32
    %scan3A = arith.constant 0 : i32
    %scan3A_1 = arith.constant 0 : i32
    %scan3A_2 = arith.constant 80 : i32
    %scan3A_3 = arith.addi %scan3A_1, %scan3A_2 : i32
    %scan3A_4 = arith.constant 1 : i32
    scf.for %scan3A_49 = %scan3A_1 to %scan3A_3 step %scan3A_4  : i32 {
      %broadcast_in_dim3A = arith.constant 0.000000e+00 : f32
      %broadcast_in_dim3A_50 = vector.broadcast %broadcast_in_dim3A : f32 to vector<16xf32>
      %swap3A = arith.index_cast %scan3A_49 : i32 to index
      %swap3A_51 = arith.constant 0 : index
      %swap3A_52 = tpu.vector_load %arg8[%swap3A, %swap3A_51] {strides = array<i32>} : memref<80x128xf32, #tpu.memory_space<vmem>>, vector<1x16xf32>,
      %swap3A_53 = vector.shape_cast %swap3A_52 : vector<1x16xf32> to vector<16xf32>
      %swap3A_54 = vector.shape_cast %broadcast_in_dim3A_50 : vector<16xf32> to vector<1x16xf32>
      tpu.vector_store %arg8[%swap3A, %swap3A_51], %swap3A_54 {strides = array<i32>} : memref<80x128xf32, #tpu.memory_space<vmem>>, vector<1x16xf32>,
      %broadcast_in_dim3A_55 = arith.constant 0.000000e+00 : f32
      %broadcast_in_dim3A_56 = vector.broadcast %broadcast_in_dim3A_55 : f32 to vector<16xf32>
      %swap3A_57 = arith.index_cast %scan3A_49 : i32 to index
      %swap3A_58 = arith.constant 16 : index
      %swap3A_59 = tpu.vector_load %arg8[%swap3A_57, %swap3A_58] {strides = array<i32>} : memref<80x128xf32, #tpu.memory_space<vmem>>, vector<1x16xf32>,
      %swap3A_60 = vector.shape_cast %swap3A_59 : vector<1x16xf32> to vector<16xf32>
      %swap3A_61 = vector.shape_cast %broadcast_in_dim3A_56 : vector<16xf32> to vector<1x16xf32>
      tpu.vector_store %arg8[%swap3A_57, %swap3A_58], %swap3A_61 {strides = array<i32>} : memref<80x128xf32, #tpu.memory_space<vmem>>, vector<1x16xf32>,
      %broadcast_in_dim3A_62 = arith.constant 0.000000e+00 : f32
      %broadcast_in_dim3A_63 = vector.broadcast %broadcast_in_dim3A_62 : f32 to vector<16xf32>
      %swap3A_64 = arith.index_cast %scan3A_49 : i32 to index
      %swap3A_65 = arith.constant 32 : index
      %swap3A_66 = tpu.vector_load %arg8[%swap3A_64, %swap3A_65] {strides = array<i32>} : memref<80x128xf32, #tpu.memory_space<vmem>>, vector<1x16xf32>,
      %swap3A_67 = vector.shape_cast %swap3A_66 : vector<1x16xf32> to vector<16xf32>
      %swap3A_68 = vector.shape_cast %broadcast_in_dim3A_63 : vector<16xf32> to vector<1x16xf32>
      tpu.vector_store %arg8[%swap3A_64, %swap3A_65], %swap3A_68 {strides = array<i32>} : memref<80x128xf32, #tpu.memory_space<vmem>>, vector<1x16xf32>,
      %broadcast_in_dim3A_69 = arith.constant 0.000000e+00 : f32
      %broadcast_in_dim3A_70 = vector.broadcast %broadcast_in_dim3A_69 : f32 to vector<16xf32>
      %swap3A_71 = arith.index_cast %scan3A_49 : i32 to index
      %swap3A_72 = arith.constant 48 : index
      %swap3A_73 = tpu.vector_load %arg8[%swap3A_71, %swap3A_72] {strides = array<i32>} : memref<80x128xf32, #tpu.memory_space<vmem>>, vector<1x16xf32>,
      %swap3A_74 = vector.shape_cast %swap3A_73 : vector<1x16xf32> to vector<16xf32>
      %swap3A_75 = vector.shape_cast %broadcast_in_dim3A_70 : vector<16xf32> to vector<1x16xf32>
      tpu.vector_store %arg8[%swap3A_71, %swap3A_72], %swap3A_75 {strides = array<i32>} : memref<80x128xf32, #tpu.memory_space<vmem>>, vector<1x16xf32>,
      %broadcast_in_dim3A_76 = arith.constant 0.000000e+00 : f32
      %broadcast_in_dim3A_77 = vector.broadcast %broadcast_in_dim3A_76 : f32 to vector<16xf32>
      %swap3A_78 = arith.index_cast %scan3A_49 : i32 to index
      %swap3A_79 = arith.constant 64 : index
      %swap3A_80 = tpu.vector_load %arg8[%swap3A_78, %swap3A_79] {strides = array<i32>} : memref<80x128xf32, #tpu.memory_space<vmem>>, vector<1x16xf32>,
      %swap3A_81 = vector.shape_cast %swap3A_80 : vector<1x16xf32> to vector<16xf32>
      %swap3A_82 = vector.shape_cast %broadcast_in_dim3A_77 : vector<16xf32> to vector<1x16xf32>
      tpu.vector_store %arg8[%swap3A_78, %swap3A_79], %swap3A_82 {strides = array<i32>} : memref<80x128xf32, #tpu.memory_space<vmem>>, vector<1x16xf32>,
      %broadcast_in_dim3A_83 = arith.constant 0.000000e+00 : f32
      %broadcast_in_dim3A_84 = vector.broadcast %broadcast_in_dim3A_83 : f32 to vector<16xf32>
      %swap3A_85 = arith.index_cast %scan3A_49 : i32 to index
      %swap3A_86 = arith.constant 80 : index
      %swap3A_87 = tpu.vector_load %arg8[%swap3A_85, %swap3A_86] {strides = array<i32>} : memref<80x128xf32, #tpu.memory_space<vmem>>, vector<1x16xf32>,
      %swap3A_88 = vector.shape_cast %swap3A_87 : vector<1x16xf32> to vector<16xf32>
      %swap3A_89 = vector.shape_cast %broadcast_in_dim3A_84 : vector<16xf32> to vector<1x16xf32>
      tpu.vector_store %arg8[%swap3A_85, %swap3A_86], %swap3A_89 {strides = array<i32>} : memref<80x128xf32, #tpu.memory_space<vmem>>, vector<1x16xf32>,
      %broadcast_in_dim3A_90 = arith.constant 0.000000e+00 : f32
      %broadcast_in_dim3A_91 = vector.broadcast %broadcast_in_dim3A_90 : f32 to vector<16xf32>
      %swap3A_92 = arith.index_cast %scan3A_49 : i32 to index
      %swap3A_93 = arith.constant 96 : index
      %swap3A_94 = tpu.vector_load %arg8[%swap3A_92, %swap3A_93] {strides = array<i32>} : memref<80x128xf32, #tpu.memory_space<vmem>>, vector<1x16xf32>,
      %swap3A_95 = vector.shape_cast %swap3A_94 : vector<1x16xf32> to vector<16xf32>
      %swap3A_96 = vector.shape_cast %broadcast_in_dim3A_91 : vector<16xf32> to vector<1x16xf32>
      tpu.vector_store %arg8[%swap3A_92, %swap3A_93], %swap3A_96 {strides = array<i32>} : memref<80x128xf32, #tpu.memory_space<vmem>>, vector<1x16xf32>,
      %broadcast_in_dim3A_97 = arith.constant 0.000000e+00 : f32
      %broadcast_in_dim3A_98 = vector.broadcast %broadcast_in_dim3A_97 : f32 to vector<16xf32>
      %swap3A_99 = arith.index_cast %scan3A_49 : i32 to index
      %swap3A_100 = arith.constant 112 : index
      %swap3A_101 = tpu.vector_load %arg8[%swap3A_99, %swap3A_100] {strides = array<i32>} : memref<80x128xf32, #tpu.memory_space<vmem>>, vector<1x16xf32>,
      %swap3A_102 = vector.shape_cast %swap3A_101 : vector<1x16xf32> to vector<16xf32>
      %swap3A_103 = vector.shape_cast %broadcast_in_dim3A_98 : vector<16xf32> to vector<1x16xf32>
      tpu.vector_store %arg8[%swap3A_99, %swap3A_100], %swap3A_103 {strides = array<i32>} : memref<80x128xf32, #tpu.memory_space<vmem>>, vector<1x16xf32>,
    }
    %scan3A_5 = arith.constant 80 : i32
    "tpu.region"() ({
      %run_scoped3A = tpu.sem_alloc : memref<!tpu.dma_semaphore, #tpu.memory_space<semaphore_mem>>
      %dma_start3A = arith.constant 0 : i32
      %dma_start3A_49 = arith.constant 0 : i32
      %dma_start3A_50 = tpu.memref_slice %arg3[%add3A, %dma_start3A, %dma_start3A_49] : memref<32x125x80xi32, #tpu.memory_space<hbm>> -> memref<1x125x80xi32, #tpu.memory_space<hbm>>
      %dma_start3A_51 = tpu.memref_squeeze %dma_start3A_50 : memref<1x125x80xi32, #tpu.memory_space<hbm>> -> memref<125x80xi32, #tpu.memory_space<hbm>>
      %dma_start3A_52 = arith.constant 0 : i32
      %dma_start3A_53 = arith.constant 0 : i32
      %dma_start3A_54 = tpu.memref_slice %arg3[%add3A, %dma_start3A_52, %dma_start3A_53] : memref<32x125x80xi32, #tpu.memory_space<hbm>> -> memref<1x125x80xi32, #tpu.memory_space<hbm>>
      %dma_start3A_55 = tpu.memref_squeeze %dma_start3A_54 : memref<1x125x80xi32, #tpu.memory_space<hbm>> -> memref<125x80xi32, #tpu.memory_space<hbm>>
      tpu.enqueue_dma source(%dma_start3A_55 : memref<125x80xi32, #tpu.memory_space<hbm>>) target(%arg6 : memref<125x80xi32, #tpu.memory_space<vmem>>) target_semaphore(%run_scoped3A : memref<!tpu.dma_semaphore, #tpu.memory_space<semaphore_mem>>)
      %dma_wait3A = arith.constant 0 : i32
      %dma_wait3A_56 = arith.constant 0 : i32
      %dma_wait3A_57 = tpu.memref_slice %arg3[%add3A, %dma_wait3A, %dma_wait3A_56] : memref<32x125x80xi32, #tpu.memory_space<hbm>> -> memref<1x125x80xi32, #tpu.memory_space<hbm>>
      %dma_wait3A_58 = tpu.memref_squeeze %dma_wait3A_57 : memref<1x125x80xi32, #tpu.memory_space<hbm>> -> memref<125x80xi32, #tpu.memory_space<hbm>>
      %dma_wait3A_59 = arith.constant 0 : i32
      %dma_wait3A_60 = arith.constant 0 : i32
      %dma_wait3A_61 = tpu.memref_slice %arg3[%add3A, %dma_wait3A_59, %dma_wait3A_60] : memref<32x125x80xi32, #tpu.memory_space<hbm>> -> memref<1x125x80xi32, #tpu.memory_space<hbm>>
      %dma_wait3A_62 = tpu.memref_squeeze %dma_wait3A_61 : memref<1x125x80xi32, #tpu.memory_space<hbm>> -> memref<125x80xi32, #tpu.memory_space<hbm>>
      tpu.wait_dma2 semaphore(%run_scoped3A : memref<!tpu.dma_semaphore, #tpu.memory_space<semaphore_mem>>) src(%dma_wait3A_62 : memref<125x80xi32, #tpu.memory_space<hbm>>) dst(%arg6 : memref<125x80xi32, #tpu.memory_space<vmem>>)
      tpu.yield
    }) : () -> ()
    "tpu.region"() ({
      %run_scoped3A = tpu.sem_alloc : memref<!tpu.dma_semaphore, #tpu.memory_space<semaphore_mem>>
      %dma_start3A = arith.constant 0 : i32
      %dma_start3A_49 = arith.constant 0 : i32
      %dma_start3A_50 = tpu.memref_slice %arg4[%add3A, %dma_start3A, %dma_start3A_49] : memref<32x125x80xi32, #tpu.memory_space<hbm>> -> memref<1x125x80xi32, #tpu.memory_space<hbm>>
      %dma_start3A_51 = tpu.memref_squeeze %dma_start3A_50 : memref<1x125x80xi32, #tpu.memory_space<hbm>> -> memref<125x80xi32, #tpu.memory_space<hbm>>
      %dma_start3A_52 = arith.constant 0 : i32
      %dma_start3A_53 = arith.constant 0 : i32
      %dma_start3A_54 = tpu.memref_slice %arg4[%add3A, %dma_start3A_52, %dma_start3A_53] : memref<32x125x80xi32, #tpu.memory_space<hbm>> -> memref<1x125x80xi32, #tpu.memory_space<hbm>>
      %dma_start3A_55 = tpu.memref_squeeze %dma_start3A_54 : memref<1x125x80xi32, #tpu.memory_space<hbm>> -> memref<125x80xi32, #tpu.memory_space<hbm>>
      tpu.enqueue_dma source(%dma_start3A_55 : memref<125x80xi32, #tpu.memory_space<hbm>>) target(%arg7 : memref<125x80xi32, #tpu.memory_space<vmem>>) target_semaphore(%run_scoped3A : memref<!tpu.dma_semaphore, #tpu.memory_space<semaphore_mem>>)
      %dma_wait3A = arith.constant 0 : i32
      %dma_wait3A_56 = arith.constant 0 : i32
      %dma_wait3A_57 = tpu.memref_slice %arg4[%add3A, %dma_wait3A, %dma_wait3A_56] : memref<32x125x80xi32, #tpu.memory_space<hbm>> -> memref<1x125x80xi32, #tpu.memory_space<hbm>>
      %dma_wait3A_58 = tpu.memref_squeeze %dma_wait3A_57 : memref<1x125x80xi32, #tpu.memory_space<hbm>> -> memref<125x80xi32, #tpu.memory_space<hbm>>
      %dma_wait3A_59 = arith.constant 0 : i32
      %dma_wait3A_60 = arith.constant 0 : i32
      %dma_wait3A_61 = tpu.memref_slice %arg4[%add3A, %dma_wait3A_59, %dma_wait3A_60] : memref<32x125x80xi32, #tpu.memory_space<hbm>> -> memref<1x125x80xi32, #tpu.memory_space<hbm>>
      %dma_wait3A_62 = tpu.memref_squeeze %dma_wait3A_61 : memref<1x125x80xi32, #tpu.memory_space<hbm>> -> memref<125x80xi32, #tpu.memory_space<hbm>>
      tpu.wait_dma2 semaphore(%run_scoped3A : memref<!tpu.dma_semaphore, #tpu.memory_space<semaphore_mem>>) src(%dma_wait3A_62 : memref<125x80xi32, #tpu.memory_space<hbm>>) dst(%arg7 : memref<125x80xi32, #tpu.memory_space<vmem>>)
      tpu.yield
    }) : () -> ()
    %mul3A_6 = arith.constant 640 : i32
    %mul3A_7 = arith.muli %arg1, %mul3A_6 : i32
    %add3A_8 = arith.constant 0 : i32
    %add3A_9 = arith.addi %mul3A_7, %add3A_8 : i32
    "tpu.region"() ({
      %run_scoped3A = tpu.sem_alloc : memref<!tpu.dma_semaphore, #tpu.memory_space<semaphore_mem>>
      %dma_start3A = arith.constant 0 : i32
      %dma_start3A_49 = tpu.memref_slice %arg9[%add3A_9, %dma_start3A] : memref<10240x128xf32, #tpu.memory_space<vmem_shared>> -> memref<80x128xf32, #tpu.memory_space<vmem_shared>>
      %dma_start3A_50 = arith.constant 0 : i32
      %dma_start3A_51 = tpu.memref_slice %arg9[%add3A_9, %dma_start3A_50] : memref<10240x128xf32, #tpu.memory_space<vmem_shared>> -> memref<80x128xf32, #tpu.memory_space<vmem_shared>>
      tpu.enqueue_dma source(%arg8 : memref<80x128xf32, #tpu.memory_space<vmem>>) target(%dma_start3A_51 : memref<80x128xf32, #tpu.memory_space<vmem_shared>>) target_semaphore(%run_scoped3A : memref<!tpu.dma_semaphore, #tpu.memory_space<semaphore_mem>>)
      %dma_wait3A = arith.constant 0 : i32
      %dma_wait3A_52 = tpu.memref_slice %arg9[%add3A_9, %dma_wait3A] : memref<10240x128xf32, #tpu.memory_space<vmem_shared>> -> memref<80x128xf32, #tpu.memory_space<vmem_shared>>
      %dma_wait3A_53 = arith.constant 0 : i32
      %dma_wait3A_54 = tpu.memref_slice %arg9[%add3A_9, %dma_wait3A_53] : memref<10240x128xf32, #tpu.memory_space<vmem_shared>> -> memref<80x128xf32, #tpu.memory_space<vmem_shared>>
      tpu.wait_dma2 semaphore(%run_scoped3A : memref<!tpu.dma_semaphore, #tpu.memory_space<semaphore_mem>>) src(%arg8 : memref<80x128xf32, #tpu.memory_space<vmem>>) dst(%dma_wait3A_54 : memref<80x128xf32, #tpu.memory_space<vmem_shared>>)
      tpu.yield
    }) : () -> ()
    %mul3A_10 = arith.constant 640 : i32
    %mul3A_11 = arith.muli %arg1, %mul3A_10 : i32
    %add3A_12 = arith.constant 80 : i32
    %add3A_13 = arith.addi %mul3A_11, %add3A_12 : i32
    "tpu.region"() ({
      %run_scoped3A = tpu.sem_alloc : memref<!tpu.dma_semaphore, #tpu.memory_space<semaphore_mem>>
      %dma_start3A = arith.constant 0 : i32
      %dma_start3A_49 = tpu.memref_slice %arg9[%add3A_13, %dma_start3A] : memref<10240x128xf32, #tpu.memory_space<vmem_shared>> -> memref<80x128xf32, #tpu.memory_space<vmem_shared>>
      %dma_start3A_50 = arith.constant 0 : i32
      %dma_start3A_51 = tpu.memref_slice %arg9[%add3A_13, %dma_start3A_50] : memref<10240x128xf32, #tpu.memory_space<vmem_shared>> -> memref<80x128xf32, #tpu.memory_space<vmem_shared>>
      tpu.enqueue_dma source(%arg8 : memref<80x128xf32, #tpu.memory_space<vmem>>) target(%dma_start3A_51 : memref<80x128xf32, #tpu.memory_space<vmem_shared>>) target_semaphore(%run_scoped3A : memref<!tpu.dma_semaphore, #tpu.memory_space<semaphore_mem>>)
      %dma_wait3A = arith.constant 0 : i32
      %dma_wait3A_52 = tpu.memref_slice %arg9[%add3A_13, %dma_wait3A] : memref<10240x128xf32, #tpu.memory_space<vmem_shared>> -> memref<80x128xf32, #tpu.memory_space<vmem_shared>>
      %dma_wait3A_53 = arith.constant 0 : i32
      %dma_wait3A_54 = tpu.memref_slice %arg9[%add3A_13, %dma_wait3A_53] : memref<10240x128xf32, #tpu.memory_space<vmem_shared>> -> memref<80x128xf32, #tpu.memory_space<vmem_shared>>
      tpu.wait_dma2 semaphore(%run_scoped3A : memref<!tpu.dma_semaphore, #tpu.memory_space<semaphore_mem>>) src(%arg8 : memref<80x128xf32, #tpu.memory_space<vmem>>) dst(%dma_wait3A_54 : memref<80x128xf32, #tpu.memory_space<vmem_shared>>)
      tpu.yield
    }) : () -> ()
    %mul3A_14 = arith.constant 640 : i32
    %mul3A_15 = arith.muli %arg1, %mul3A_14 : i32
    %add3A_16 = arith.constant 160 : i32
    %add3A_17 = arith.addi %mul3A_15, %add3A_16 : i32
    "tpu.region"() ({
      %run_scoped3A = tpu.sem_alloc : memref<!tpu.dma_semaphore, #tpu.memory_space<semaphore_mem>>
      %dma_start3A = arith.constant 0 : i32
      %dma_start3A_49 = tpu.memref_slice %arg9[%add3A_17, %dma_start3A] : memref<10240x128xf32, #tpu.memory_space<vmem_shared>> -> memref<80x128xf32, #tpu.memory_space<vmem_shared>>
      %dma_start3A_50 = arith.constant 0 : i32
      %dma_start3A_51 = tpu.memref_slice %arg9[%add3A_17, %dma_start3A_50] : memref<10240x128xf32, #tpu.memory_space<vmem_shared>> -> memref<80x128xf32, #tpu.memory_space<vmem_shared>>
      tpu.enqueue_dma source(%arg8 : memref<80x128xf32, #tpu.memory_space<vmem>>) target(%dma_start3A_51 : memref<80x128xf32, #tpu.memory_space<vmem_shared>>) target_semaphore(%run_scoped3A : memref<!tpu.dma_semaphore, #tpu.memory_space<semaphore_mem>>)
      %dma_wait3A = arith.constant 0 : i32
      %dma_wait3A_52 = tpu.memref_slice %arg9[%add3A_17, %dma_wait3A] : memref<10240x128xf32, #tpu.memory_space<vmem_shared>> -> memref<80x128xf32, #tpu.memory_space<vmem_shared>>
      %dma_wait3A_53 = arith.constant 0 : i32
      %dma_wait3A_54 = tpu.memref_slice %arg9[%add3A_17, %dma_wait3A_53] : memref<10240x128xf32, #tpu.memory_space<vmem_shared>> -> memref<80x128xf32, #tpu.memory_space<vmem_shared>>
      tpu.wait_dma2 semaphore(%run_scoped3A : memref<!tpu.dma_semaphore, #tpu.memory_space<semaphore_mem>>) src(%arg8 : memref<80x128xf32, #tpu.memory_space<vmem>>) dst(%dma_wait3A_54 : memref<80x128xf32, #tpu.memory_space<vmem_shared>>)
      tpu.yield
    }) : () -> ()
    %mul3A_18 = arith.constant 640 : i32
    %mul3A_19 = arith.muli %arg1, %mul3A_18 : i32
    %add3A_20 = arith.constant 240 : i32
    %add3A_21 = arith.addi %mul3A_19, %add3A_20 : i32
    "tpu.region"() ({
      %run_scoped3A = tpu.sem_alloc : memref<!tpu.dma_semaphore, #tpu.memory_space<semaphore_mem>>
      %dma_start3A = arith.constant 0 : i32
      %dma_start3A_49 = tpu.memref_slice %arg9[%add3A_21, %dma_start3A] : memref<10240x128xf32, #tpu.memory_space<vmem_shared>> -> memref<80x128xf32, #tpu.memory_space<vmem_shared>>
      %dma_start3A_50 = arith.constant 0 : i32
      %dma_start3A_51 = tpu.memref_slice %arg9[%add3A_21, %dma_start3A_50] : memref<10240x128xf32, #tpu.memory_space<vmem_shared>> -> memref<80x128xf32, #tpu.memory_space<vmem_shared>>
      tpu.enqueue_dma source(%arg8 : memref<80x128xf32, #tpu.memory_space<vmem>>) target(%dma_start3A_51 : memref<80x128xf32, #tpu.memory_space<vmem_shared>>) target_semaphore(%run_scoped3A : memref<!tpu.dma_semaphore, #tpu.memory_space<semaphore_mem>>)
      %dma_wait3A = arith.constant 0 : i32
      %dma_wait3A_52 = tpu.memref_slice %arg9[%add3A_21, %dma_wait3A] : memref<10240x128xf32, #tpu.memory_space<vmem_shared>> -> memref<80x128xf32, #tpu.memory_space<vmem_shared>>
      %dma_wait3A_53 = arith.constant 0 : i32
      %dma_wait3A_54 = tpu.memref_slice %arg9[%add3A_21, %dma_wait3A_53] : memref<10240x128xf32, #tpu.memory_space<vmem_shared>> -> memref<80x128xf32, #tpu.memory_space<vmem_shared>>
      tpu.wait_dma2 semaphore(%run_scoped3A : memref<!tpu.dma_semaphore, #tpu.memory_space<semaphore_mem>>) src(%arg8 : memref<80x128xf32, #tpu.memory_space<vmem>>) dst(%dma_wait3A_54 : memref<80x128xf32, #tpu.memory_space<vmem_shared>>)
      tpu.yield
    }) : () -> ()
    %mul3A_22 = arith.constant 640 : i32
    %mul3A_23 = arith.muli %arg1, %mul3A_22 : i32
    %add3A_24 = arith.constant 320 : i32
    %add3A_25 = arith.addi %mul3A_23, %add3A_24 : i32
    "tpu.region"() ({
      %run_scoped3A = tpu.sem_alloc : memref<!tpu.dma_semaphore, #tpu.memory_space<semaphore_mem>>
      %dma_start3A = arith.constant 0 : i32
      %dma_start3A_49 = tpu.memref_slice %arg9[%add3A_25, %dma_start3A] : memref<10240x128xf32, #tpu.memory_space<vmem_shared>> -> memref<80x128xf32, #tpu.memory_space<vmem_shared>>
      %dma_start3A_50 = arith.constant 0 : i32
      %dma_start3A_51 = tpu.memref_slice %arg9[%add3A_25, %dma_start3A_50] : memref<10240x128xf32, #tpu.memory_space<vmem_shared>> -> memref<80x128xf32, #tpu.memory_space<vmem_shared>>
      tpu.enqueue_dma source(%arg8 : memref<80x128xf32, #tpu.memory_space<vmem>>) target(%dma_start3A_51 : memref<80x128xf32, #tpu.memory_space<vmem_shared>>) target_semaphore(%run_scoped3A : memref<!tpu.dma_semaphore, #tpu.memory_space<semaphore_mem>>)
      %dma_wait3A = arith.constant 0 : i32
      %dma_wait3A_52 = tpu.memref_slice %arg9[%add3A_25, %dma_wait3A] : memref<10240x128xf32, #tpu.memory_space<vmem_shared>> -> memref<80x128xf32, #tpu.memory_space<vmem_shared>>
      %dma_wait3A_53 = arith.constant 0 : i32
      %dma_wait3A_54 = tpu.memref_slice %arg9[%add3A_25, %dma_wait3A_53] : memref<10240x128xf32, #tpu.memory_space<vmem_shared>> -> memref<80x128xf32, #tpu.memory_space<vmem_shared>>
      tpu.wait_dma2 semaphore(%run_scoped3A : memref<!tpu.dma_semaphore, #tpu.memory_space<semaphore_mem>>) src(%arg8 : memref<80x128xf32, #tpu.memory_space<vmem>>) dst(%dma_wait3A_54 : memref<80x128xf32, #tpu.memory_space<vmem_shared>>)
      tpu.yield
    }) : () -> ()
    %mul3A_26 = arith.constant 640 : i32
    %mul3A_27 = arith.muli %arg1, %mul3A_26 : i32
    %add3A_28 = arith.constant 400 : i32
    %add3A_29 = arith.addi %mul3A_27, %add3A_28 : i32
    "tpu.region"() ({
      %run_scoped3A = tpu.sem_alloc : memref<!tpu.dma_semaphore, #tpu.memory_space<semaphore_mem>>
      %dma_start3A = arith.constant 0 : i32
      %dma_start3A_49 = tpu.memref_slice %arg9[%add3A_29, %dma_start3A] : memref<10240x128xf32, #tpu.memory_space<vmem_shared>> -> memref<80x128xf32, #tpu.memory_space<vmem_shared>>
      %dma_start3A_50 = arith.constant 0 : i32
      %dma_start3A_51 = tpu.memref_slice %arg9[%add3A_29, %dma_start3A_50] : memref<10240x128xf32, #tpu.memory_space<vmem_shared>> -> memref<80x128xf32, #tpu.memory_space<vmem_shared>>
      tpu.enqueue_dma source(%arg8 : memref<80x128xf32, #tpu.memory_space<vmem>>) target(%dma_start3A_51 : memref<80x128xf32, #tpu.memory_space<vmem_shared>>) target_semaphore(%run_scoped3A : memref<!tpu.dma_semaphore, #tpu.memory_space<semaphore_mem>>)
      %dma_wait3A = arith.constant 0 : i32
      %dma_wait3A_52 = tpu.memref_slice %arg9[%add3A_29, %dma_wait3A] : memref<10240x128xf32, #tpu.memory_space<vmem_shared>> -> memref<80x128xf32, #tpu.memory_space<vmem_shared>>
      %dma_wait3A_53 = arith.constant 0 : i32
      %dma_wait3A_54 = tpu.memref_slice %arg9[%add3A_29, %dma_wait3A_53] : memref<10240x128xf32, #tpu.memory_space<vmem_shared>> -> memref<80x128xf32, #tpu.memory_space<vmem_shared>>
      tpu.wait_dma2 semaphore(%run_scoped3A : memref<!tpu.dma_semaphore, #tpu.memory_space<semaphore_mem>>) src(%arg8 : memref<80x128xf32, #tpu.memory_space<vmem>>) dst(%dma_wait3A_54 : memref<80x128xf32, #tpu.memory_space<vmem_shared>>)
      tpu.yield
    }) : () -> ()
    %mul3A_30 = arith.constant 640 : i32
    %mul3A_31 = arith.muli %arg1, %mul3A_30 : i32
    %add3A_32 = arith.constant 480 : i32
    %add3A_33 = arith.addi %mul3A_31, %add3A_32 : i32
    "tpu.region"() ({
      %run_scoped3A = tpu.sem_alloc : memref<!tpu.dma_semaphore, #tpu.memory_space<semaphore_mem>>
      %dma_start3A = arith.constant 0 : i32
      %dma_start3A_49 = tpu.memref_slice %arg9[%add3A_33, %dma_start3A] : memref<10240x128xf32, #tpu.memory_space<vmem_shared>> -> memref<80x128xf32, #tpu.memory_space<vmem_shared>>
      %dma_start3A_50 = arith.constant 0 : i32
      %dma_start3A_51 = tpu.memref_slice %arg9[%add3A_33, %dma_start3A_50] : memref<10240x128xf32, #tpu.memory_space<vmem_shared>> -> memref<80x128xf32, #tpu.memory_space<vmem_shared>>
      tpu.enqueue_dma source(%arg8 : memref<80x128xf32, #tpu.memory_space<vmem>>) target(%dma_start3A_51 : memref<80x128xf32, #tpu.memory_space<vmem_shared>>) target_semaphore(%run_scoped3A : memref<!tpu.dma_semaphore, #tpu.memory_space<semaphore_mem>>)
      %dma_wait3A = arith.constant 0 : i32
      %dma_wait3A_52 = tpu.memref_slice %arg9[%add3A_33, %dma_wait3A] : memref<10240x128xf32, #tpu.memory_space<vmem_shared>> -> memref<80x128xf32, #tpu.memory_space<vmem_shared>>
      %dma_wait3A_53 = arith.constant 0 : i32
      %dma_wait3A_54 = tpu.memref_slice %arg9[%add3A_33, %dma_wait3A_53] : memref<10240x128xf32, #tpu.memory_space<vmem_shared>> -> memref<80x128xf32, #tpu.memory_space<vmem_shared>>
      tpu.wait_dma2 semaphore(%run_scoped3A : memref<!tpu.dma_semaphore, #tpu.memory_space<semaphore_mem>>) src(%arg8 : memref<80x128xf32, #tpu.memory_space<vmem>>) dst(%dma_wait3A_54 : memref<80x128xf32, #tpu.memory_space<vmem_shared>>)
      tpu.yield
    }) : () -> ()
    %mul3A_34 = arith.constant 640 : i32
    %mul3A_35 = arith.muli %arg1, %mul3A_34 : i32
    %add3A_36 = arith.constant 560 : i32
    %add3A_37 = arith.addi %mul3A_35, %add3A_36 : i32
    "tpu.region"() ({
      %run_scoped3A = tpu.sem_alloc : memref<!tpu.dma_semaphore, #tpu.memory_space<semaphore_mem>>
      %dma_start3A = arith.constant 0 : i32
      %dma_start3A_49 = tpu.memref_slice %arg9[%add3A_37, %dma_start3A] : memref<10240x128xf32, #tpu.memory_space<vmem_shared>> -> memref<80x128xf32, #tpu.memory_space<vmem_shared>>
      %dma_start3A_50 = arith.constant 0 : i32
      %dma_start3A_51 = tpu.memref_slice %arg9[%add3A_37, %dma_start3A_50] : memref<10240x128xf32, #tpu.memory_space<vmem_shared>> -> memref<80x128xf32, #tpu.memory_space<vmem_shared>>
      tpu.enqueue_dma source(%arg8 : memref<80x128xf32, #tpu.memory_space<vmem>>) target(%dma_start3A_51 : memref<80x128xf32, #tpu.memory_space<vmem_shared>>) target_semaphore(%run_scoped3A : memref<!tpu.dma_semaphore, #tpu.memory_space<semaphore_mem>>)
      %dma_wait3A = arith.constant 0 : i32
      %dma_wait3A_52 = tpu.memref_slice %arg9[%add3A_37, %dma_wait3A] : memref<10240x128xf32, #tpu.memory_space<vmem_shared>> -> memref<80x128xf32, #tpu.memory_space<vmem_shared>>
      %dma_wait3A_53 = arith.constant 0 : i32
      %dma_wait3A_54 = tpu.memref_slice %arg9[%add3A_37, %dma_wait3A_53] : memref<10240x128xf32, #tpu.memory_space<vmem_shared>> -> memref<80x128xf32, #tpu.memory_space<vmem_shared>>
      tpu.wait_dma2 semaphore(%run_scoped3A : memref<!tpu.dma_semaphore, #tpu.memory_space<semaphore_mem>>) src(%arg8 : memref<80x128xf32, #tpu.memory_space<vmem>>) dst(%dma_wait3A_54 : memref<80x128xf32, #tpu.memory_space<vmem_shared>>)
      tpu.yield
    }) : () -> ()
    %barrier3A = arith.constant 0 : index
    tpu.barrier barrier_id(%barrier3A)
    %scan3A_38 = arith.constant 0 : i32
    %scan3A_39 = arith.constant 0 : i32
    %scan3A_40 = arith.constant 125 : i32
    %scan3A_41 = arith.addi %scan3A_39, %scan3A_40 : i32
    %scan3A_42 = arith.constant 1 : i32
    scf.for %scan3A_49 = %scan3A_39 to %scan3A_41 step %scan3A_42  : i32 {
      %dma_start3A = arith.constant 0 : i32
      %dma_start3A_50 = tpu.memref_slice %arg6[%scan3A_49, %dma_start3A] : memref<125x80xi32, #tpu.memory_space<vmem>> -> memref<1x80xi32, #tpu.memory_space<vmem>>
      %dma_start3A_51 = tpu.memref_squeeze %dma_start3A_50 : memref<1x80xi32, #tpu.memory_space<vmem>> -> memref<80xi32, #tpu.memory_space<vmem>>
      %dma_start3A_52 = arith.constant 0 : i32
      %dma_start3A_53 = arith.constant 0 : i32
      %dma_start3A_54 = tpu.memref_slice %arg2[%dma_start3A_52, %dma_start3A_53] : memref<10000x128xf32, #tpu.memory_space<hbm>> -> memref<10000x128xf32, #tpu.memory_space<hbm>>
      tpu.enqueue_indirect_dma source(%dma_start3A_54 : memref<10000x128xf32, #tpu.memory_space<hbm>>) target(%arg8 : memref<80x128xf32, #tpu.memory_space<vmem>>) offsets(%dma_start3A_51 : memref<80xi32, #tpu.memory_space<vmem>>) semaphore(%arg10 : memref<!tpu.dma_semaphore, #tpu.memory_space<semaphore_mem>>)
      %dma_wait3A = arith.constant 0 : i32
      %dma_wait3A_55 = tpu.memref_slice %arg6[%scan3A_49, %dma_wait3A] : memref<125x80xi32, #tpu.memory_space<vmem>> -> memref<1x80xi32, #tpu.memory_space<vmem>>
      %dma_wait3A_56 = tpu.memref_squeeze %dma_wait3A_55 : memref<1x80xi32, #tpu.memory_space<vmem>> -> memref<80xi32, #tpu.memory_space<vmem>>
      %dma_wait3A_57 = arith.constant 0 : i32
      %dma_wait3A_58 = arith.constant 0 : i32
      %dma_wait3A_59 = tpu.memref_slice %arg2[%dma_wait3A_57, %dma_wait3A_58] : memref<10000x128xf32, #tpu.memory_space<hbm>> -> memref<10000x128xf32, #tpu.memory_space<hbm>>
      tpu.wait_indirect_dma semaphore(%arg10 : memref<!tpu.dma_semaphore, #tpu.memory_space<semaphore_mem>>) src(%dma_wait3A_59 : memref<10000x128xf32, #tpu.memory_space<hbm>>) dst(%arg8 : memref<80x128xf32, #tpu.memory_space<vmem>>)
      "tpu.region"() ({
        %run_scoped3A = tpu.sem_alloc : memref<!tpu.dma_semaphore, #tpu.memory_space<semaphore_mem>>
        %dma_start3A_60 = arith.constant 0 : i32
        %dma_start3A_61 = tpu.memref_slice %arg7[%scan3A_49, %dma_start3A_60] : memref<125x80xi32, #tpu.memory_space<vmem>> -> memref<1x80xi32, #tpu.memory_space<vmem>>
        %dma_start3A_62 = tpu.memref_squeeze %dma_start3A_61 : memref<1x80xi32, #tpu.memory_space<vmem>> -> memref<80xi32, #tpu.memory_space<vmem>>
        %dma_start3A_63 = arith.constant 0 : i32
        %dma_start3A_64 = arith.constant 0 : i32
        %dma_start3A_65 = tpu.memref_slice %arg9[%dma_start3A_63, %dma_start3A_64] : memref<10240x128xf32, #tpu.memory_space<vmem_shared>> -> memref<10240x128xf32, #tpu.memory_space<vmem_shared>>
        tpu.enqueue_indirect_dma source(%arg8 : memref<80x128xf32, #tpu.memory_space<vmem>>) target(%dma_start3A_65 : memref<10240x128xf32, #tpu.memory_space<vmem_shared>>) offsets(%dma_start3A_62 : memref<80xi32, #tpu.memory_space<vmem>>) semaphore(%run_scoped3A : memref<!tpu.dma_semaphore, #tpu.memory_space<semaphore_mem>>) {add = true}
        %dma_wait3A_66 = arith.constant 0 : i32
        %dma_wait3A_67 = tpu.memref_slice %arg7[%scan3A_49, %dma_wait3A_66] : memref<125x80xi32, #tpu.memory_space<vmem>> -> memref<1x80xi32, #tpu.memory_space<vmem>>
        %dma_wait3A_68 = tpu.memref_squeeze %dma_wait3A_67 : memref<1x80xi32, #tpu.memory_space<vmem>> -> memref<80xi32, #tpu.memory_space<vmem>>
        %dma_wait3A_69 = arith.constant 0 : i32
        %dma_wait3A_70 = arith.constant 0 : i32
        %dma_wait3A_71 = tpu.memref_slice %arg9[%dma_wait3A_69, %dma_wait3A_70] : memref<10240x128xf32, #tpu.memory_space<vmem_shared>> -> memref<10240x128xf32, #tpu.memory_space<vmem_shared>>
        tpu.wait_indirect_dma semaphore(%run_scoped3A : memref<!tpu.dma_semaphore, #tpu.memory_space<semaphore_mem>>) src(%arg8 : memref<80x128xf32, #tpu.memory_space<vmem>>) dst(%dma_wait3A_71 : memref<10240x128xf32, #tpu.memory_space<vmem_shared>>)
        tpu.yield
      }) : () -> ()
    }
    %scan3A_43 = arith.constant 125 : i32
    %barrier3A_44 = arith.constant 0 : index
    tpu.barrier barrier_id(%barrier3A_44)
    %mul3A_45 = arith.constant 640 : i32
    %mul3A_46 = arith.muli %arg1, %mul3A_45 : i32
    %mul3A_47 = arith.constant 640 : i32
    %mul3A_48 = arith.muli %arg1, %mul3A_47 : i32
    "tpu.region"() ({
      %run_scoped3A = tpu.sem_alloc : memref<!tpu.dma_semaphore, #tpu.memory_space<semaphore_mem>>
      %dma_start3A = arith.constant 0 : i32
      %dma_start3A_49 = tpu.memref_slice %arg5[%arg0, %mul3A_48, %dma_start3A] : memref<2x10240x128xf32, #tpu.memory_space<hbm>> -> memref<1x640x128xf32, #tpu.memory_space<hbm>>
      %dma_start3A_50 = tpu.memref_squeeze %dma_start3A_49 : memref<1x640x128xf32, #tpu.memory_space<hbm>> -> memref<640x128xf32, #tpu.memory_space<hbm>>
      %dma_start3A_51 = arith.constant 0 : i32
      %dma_start3A_52 = tpu.memref_slice %arg9[%mul3A_46, %dma_start3A_51] : memref<10240x128xf32, #tpu.memory_space<vmem_shared>> -> memref<640x128xf32, #tpu.memory_space<vmem_shared>>
      tpu.enqueue_dma source(%dma_start3A_52 : memref<640x128xf32, #tpu.memory_space<vmem_shared>>) target(%dma_start3A_50 : memref<640x128xf32, #tpu.memory_space<hbm>>) target_semaphore(%run_scoped3A : memref<!tpu.dma_semaphore, #tpu.memory_space<semaphore_mem>>)
      %dma_wait3A = arith.constant 0 : i32
      %dma_wait3A_53 = tpu.memref_slice %arg5[%arg0, %mul3A_48, %dma_wait3A] : memref<2x10240x128xf32, #tpu.memory_space<hbm>> -> memref<1x640x128xf32, #tpu.memory_space<hbm>>
      %dma_wait3A_54 = tpu.memref_squeeze %dma_wait3A_53 : memref<1x640x128xf32, #tpu.memory_space<hbm>> -> memref<640x128xf32, #tpu.memory_space<hbm>>
      %dma_wait3A_55 = arith.constant 0 : i32
      %dma_wait3A_56 = tpu.memref_slice %arg9[%mul3A_46, %dma_wait3A_55] : memref<10240x128xf32, #tpu.memory_space<vmem_shared>> -> memref<640x128xf32, #tpu.memory_space<vmem_shared>>
      tpu.wait_dma2 semaphore(%run_scoped3A : memref<!tpu.dma_semaphore, #tpu.memory_space<semaphore_mem>>) src(%dma_wait3A_56 : memref<640x128xf32, #tpu.memory_space<vmem_shared>>) dst(%dma_wait3A_54 : memref<640x128xf32, #tpu.memory_space<hbm>>)
      tpu.yield
    }) : () -> ()
    return
  }
}

#map = affine_map<(d0, d1) -> (0, 0)>
#map1 = affine_map<(d0, d1) -> (0, 0, 0)>
module attributes {stable_mosaic.version = 14 : i64} {
  func.func @_sc_agg_body(%arg0: i32, %arg1: i32, %arg2: memref<10000x128xf32, #tpu.memory_space<hbm>>, %arg3: memref<32x125x80xi32, #tpu.memory_space<hbm>>, %arg4: memref<32x125x80xi32, #tpu.memory_space<hbm>>, %arg5: memref<2x10240x128xf32, #tpu.memory_space<hbm>>, %arg6: memref<125x80xi32, #tpu.memory_space<vmem>>, %arg7: memref<125x80xi32, #tpu.memory_space<vmem>>, %arg8: memref<80x128xf32, #tpu.memory_space<vmem>>, %arg9: memref<10240x128xf32, #tpu.memory_space<vmem_shared>>, %arg10: memref<!tpu.dma_semaphore, #tpu.memory_space<semaphore_mem>>) attributes {dimension_semantics = [#tpu.dimension_semantics<core_parallel>, #tpu.dimension_semantics<subcore_parallel>], iteration_bounds = array<i64: 2, 16>, scalar_prefetch = 0 : i64, scratch_operands = 5 : i64, tpu.core_type = #tpu.core_type<sc_vector_subcore>, window_params = [{transform_indices = #map}, {transform_indices = #map1}, {transform_indices = #map1}, {transform_indices = #map1}]} {
    %mul3A = arith.constant 2 : i32
    %mul3A_0 = arith.muli %arg1, %mul3A : i32
    %add3A = arith.addi %mul3A_0, %arg0 : i32
    %scan3A = arith.constant 0 : i32
    %scan3A_1 = arith.constant 0 : i32
    %scan3A_2 = arith.constant 80 : i32
    %scan3A_3 = arith.addi %scan3A_1, %scan3A_2 : i32
    %scan3A_4 = arith.constant 1 : i32
    scf.for %scan3A_49 = %scan3A_1 to %scan3A_3 step %scan3A_4  : i32 {
      %broadcast_in_dim3A = arith.constant 0.000000e+00 : f32
      %broadcast_in_dim3A_50 = vector.broadcast %broadcast_in_dim3A : f32 to vector<16xf32>
      %swap3A = arith.index_cast %scan3A_49 : i32 to index
      %swap3A_51 = arith.constant 0 : index
      %swap3A_52 = tpu.vector_load %arg8[%swap3A, %swap3A_51] {strides = array<i32>} : memref<80x128xf32, #tpu.memory_space<vmem>>, vector<1x16xf32>,
      %swap3A_53 = vector.shape_cast %swap3A_52 : vector<1x16xf32> to vector<16xf32>
      %swap3A_54 = vector.shape_cast %broadcast_in_dim3A_50 : vector<16xf32> to vector<1x16xf32>
      tpu.vector_store %arg8[%swap3A, %swap3A_51], %swap3A_54 {strides = array<i32>} : memref<80x128xf32, #tpu.memory_space<vmem>>, vector<1x16xf32>,
      %broadcast_in_dim3A_55 = arith.constant 0.000000e+00 : f32
      %broadcast_in_dim3A_56 = vector.broadcast %broadcast_in_dim3A_55 : f32 to vector<16xf32>
      %swap3A_57 = arith.index_cast %scan3A_49 : i32 to index
      %swap3A_58 = arith.constant 16 : index
      %swap3A_59 = tpu.vector_load %arg8[%swap3A_57, %swap3A_58] {strides = array<i32>} : memref<80x128xf32, #tpu.memory_space<vmem>>, vector<1x16xf32>,
      %swap3A_60 = vector.shape_cast %swap3A_59 : vector<1x16xf32> to vector<16xf32>
      %swap3A_61 = vector.shape_cast %broadcast_in_dim3A_56 : vector<16xf32> to vector<1x16xf32>
      tpu.vector_store %arg8[%swap3A_57, %swap3A_58], %swap3A_61 {strides = array<i32>} : memref<80x128xf32, #tpu.memory_space<vmem>>, vector<1x16xf32>,
      %broadcast_in_dim3A_62 = arith.constant 0.000000e+00 : f32
      %broadcast_in_dim3A_63 = vector.broadcast %broadcast_in_dim3A_62 : f32 to vector<16xf32>
      %swap3A_64 = arith.index_cast %scan3A_49 : i32 to index
      %swap3A_65 = arith.constant 32 : index
      %swap3A_66 = tpu.vector_load %arg8[%swap3A_64, %swap3A_65] {strides = array<i32>} : memref<80x128xf32, #tpu.memory_space<vmem>>, vector<1x16xf32>,
      %swap3A_67 = vector.shape_cast %swap3A_66 : vector<1x16xf32> to vector<16xf32>
      %swap3A_68 = vector.shape_cast %broadcast_in_dim3A_63 : vector<16xf32> to vector<1x16xf32>
      tpu.vector_store %arg8[%swap3A_64, %swap3A_65], %swap3A_68 {strides = array<i32>} : memref<80x128xf32, #tpu.memory_space<vmem>>, vector<1x16xf32>,
      %broadcast_in_dim3A_69 = arith.constant 0.000000e+00 : f32
      %broadcast_in_dim3A_70 = vector.broadcast %broadcast_in_dim3A_69 : f32 to vector<16xf32>
      %swap3A_71 = arith.index_cast %scan3A_49 : i32 to index
      %swap3A_72 = arith.constant 48 : index
      %swap3A_73 = tpu.vector_load %arg8[%swap3A_71, %swap3A_72] {strides = array<i32>} : memref<80x128xf32, #tpu.memory_space<vmem>>, vector<1x16xf32>,
      %swap3A_74 = vector.shape_cast %swap3A_73 : vector<1x16xf32> to vector<16xf32>
      %swap3A_75 = vector.shape_cast %broadcast_in_dim3A_70 : vector<16xf32> to vector<1x16xf32>
      tpu.vector_store %arg8[%swap3A_71, %swap3A_72], %swap3A_75 {strides = array<i32>} : memref<80x128xf32, #tpu.memory_space<vmem>>, vector<1x16xf32>,
      %broadcast_in_dim3A_76 = arith.constant 0.000000e+00 : f32
      %broadcast_in_dim3A_77 = vector.broadcast %broadcast_in_dim3A_76 : f32 to vector<16xf32>
      %swap3A_78 = arith.index_cast %scan3A_49 : i32 to index
      %swap3A_79 = arith.constant 64 : index
      %swap3A_80 = tpu.vector_load %arg8[%swap3A_78, %swap3A_79] {strides = array<i32>} : memref<80x128xf32, #tpu.memory_space<vmem>>, vector<1x16xf32>,
      %swap3A_81 = vector.shape_cast %swap3A_80 : vector<1x16xf32> to vector<16xf32>
      %swap3A_82 = vector.shape_cast %broadcast_in_dim3A_77 : vector<16xf32> to vector<1x16xf32>
      tpu.vector_store %arg8[%swap3A_78, %swap3A_79], %swap3A_82 {strides = array<i32>} : memref<80x128xf32, #tpu.memory_space<vmem>>, vector<1x16xf32>,
      %broadcast_in_dim3A_83 = arith.constant 0.000000e+00 : f32
      %broadcast_in_dim3A_84 = vector.broadcast %broadcast_in_dim3A_83 : f32 to vector<16xf32>
      %swap3A_85 = arith.index_cast %scan3A_49 : i32 to index
      %swap3A_86 = arith.constant 80 : index
      %swap3A_87 = tpu.vector_load %arg8[%swap3A_85, %swap3A_86] {strides = array<i32>} : memref<80x128xf32, #tpu.memory_space<vmem>>, vector<1x16xf32>,
      %swap3A_88 = vector.shape_cast %swap3A_87 : vector<1x16xf32> to vector<16xf32>
      %swap3A_89 = vector.shape_cast %broadcast_in_dim3A_84 : vector<16xf32> to vector<1x16xf32>
      tpu.vector_store %arg8[%swap3A_85, %swap3A_86], %swap3A_89 {strides = array<i32>} : memref<80x128xf32, #tpu.memory_space<vmem>>, vector<1x16xf32>,
      %broadcast_in_dim3A_90 = arith.constant 0.000000e+00 : f32
      %broadcast_in_dim3A_91 = vector.broadcast %broadcast_in_dim3A_90 : f32 to vector<16xf32>
      %swap3A_92 = arith.index_cast %scan3A_49 : i32 to index
      %swap3A_93 = arith.constant 96 : index
      %swap3A_94 = tpu.vector_load %arg8[%swap3A_92, %swap3A_93] {strides = array<i32>} : memref<80x128xf32, #tpu.memory_space<vmem>>, vector<1x16xf32>,
      %swap3A_95 = vector.shape_cast %swap3A_94 : vector<1x16xf32> to vector<16xf32>
      %swap3A_96 = vector.shape_cast %broadcast_in_dim3A_91 : vector<16xf32> to vector<1x16xf32>
      tpu.vector_store %arg8[%swap3A_92, %swap3A_93], %swap3A_96 {strides = array<i32>} : memref<80x128xf32, #tpu.memory_space<vmem>>, vector<1x16xf32>,
      %broadcast_in_dim3A_97 = arith.constant 0.000000e+00 : f32
      %broadcast_in_dim3A_98 = vector.broadcast %broadcast_in_dim3A_97 : f32 to vector<16xf32>
      %swap3A_99 = arith.index_cast %scan3A_49 : i32 to index
      %swap3A_100 = arith.constant 112 : index
      %swap3A_101 = tpu.vector_load %arg8[%swap3A_99, %swap3A_100] {strides = array<i32>} : memref<80x128xf32, #tpu.memory_space<vmem>>, vector<1x16xf32>,
      %swap3A_102 = vector.shape_cast %swap3A_101 : vector<1x16xf32> to vector<16xf32>
      %swap3A_103 = vector.shape_cast %broadcast_in_dim3A_98 : vector<16xf32> to vector<1x16xf32>
      tpu.vector_store %arg8[%swap3A_99, %swap3A_100], %swap3A_103 {strides = array<i32>} : memref<80x128xf32, #tpu.memory_space<vmem>>, vector<1x16xf32>,
    }
    %scan3A_5 = arith.constant 80 : i32
    "tpu.region"() ({
      %run_scoped3A = tpu.sem_alloc : memref<!tpu.dma_semaphore, #tpu.memory_space<semaphore_mem>>
      %dma_start3A = arith.constant 0 : i32
      %dma_start3A_49 = arith.constant 0 : i32
      %dma_start3A_50 = tpu.memref_slice %arg3[%add3A, %dma_start3A, %dma_start3A_49] : memref<32x125x80xi32, #tpu.memory_space<hbm>> -> memref<1x125x80xi32, #tpu.memory_space<hbm>>
      %dma_start3A_51 = tpu.memref_squeeze %dma_start3A_50 : memref<1x125x80xi32, #tpu.memory_space<hbm>> -> memref<125x80xi32, #tpu.memory_space<hbm>>
      %dma_start3A_52 = arith.constant 0 : i32
      %dma_start3A_53 = arith.constant 0 : i32
      %dma_start3A_54 = tpu.memref_slice %arg3[%add3A, %dma_start3A_52, %dma_start3A_53] : memref<32x125x80xi32, #tpu.memory_space<hbm>> -> memref<1x125x80xi32, #tpu.memory_space<hbm>>
      %dma_start3A_55 = tpu.memref_squeeze %dma_start3A_54 : memref<1x125x80xi32, #tpu.memory_space<hbm>> -> memref<125x80xi32, #tpu.memory_space<hbm>>
      tpu.enqueue_dma source(%dma_start3A_55 : memref<125x80xi32, #tpu.memory_space<hbm>>) target(%arg6 : memref<125x80xi32, #tpu.memory_space<vmem>>) target_semaphore(%run_scoped3A : memref<!tpu.dma_semaphore, #tpu.memory_space<semaphore_mem>>)
      %dma_wait3A = arith.constant 0 : i32
      %dma_wait3A_56 = arith.constant 0 : i32
      %dma_wait3A_57 = tpu.memref_slice %arg3[%add3A, %dma_wait3A, %dma_wait3A_56] : memref<32x125x80xi32, #tpu.memory_space<hbm>> -> memref<1x125x80xi32, #tpu.memory_space<hbm>>
      %dma_wait3A_58 = tpu.memref_squeeze %dma_wait3A_57 : memref<1x125x80xi32, #tpu.memory_space<hbm>> -> memref<125x80xi32, #tpu.memory_space<hbm>>
      %dma_wait3A_59 = arith.constant 0 : i32
      %dma_wait3A_60 = arith.constant 0 : i32
      %dma_wait3A_61 = tpu.memref_slice %arg3[%add3A, %dma_wait3A_59, %dma_wait3A_60] : memref<32x125x80xi32, #tpu.memory_space<hbm>> -> memref<1x125x80xi32, #tpu.memory_space<hbm>>
      %dma_wait3A_62 = tpu.memref_squeeze %dma_wait3A_61 : memref<1x125x80xi32, #tpu.memory_space<hbm>> -> memref<125x80xi32, #tpu.memory_space<hbm>>
      tpu.wait_dma2 semaphore(%run_scoped3A : memref<!tpu.dma_semaphore, #tpu.memory_space<semaphore_mem>>) src(%dma_wait3A_62 : memref<125x80xi32, #tpu.memory_space<hbm>>) dst(%arg6 : memref<125x80xi32, #tpu.memory_space<vmem>>)
      tpu.yield
    }) : () -> ()
    "tpu.region"() ({
      %run_scoped3A = tpu.sem_alloc : memref<!tpu.dma_semaphore, #tpu.memory_space<semaphore_mem>>
      %dma_start3A = arith.constant 0 : i32
      %dma_start3A_49 = arith.constant 0 : i32
      %dma_start3A_50 = tpu.memref_slice %arg4[%add3A, %dma_start3A, %dma_start3A_49] : memref<32x125x80xi32, #tpu.memory_space<hbm>> -> memref<1x125x80xi32, #tpu.memory_space<hbm>>
      %dma_start3A_51 = tpu.memref_squeeze %dma_start3A_50 : memref<1x125x80xi32, #tpu.memory_space<hbm>> -> memref<125x80xi32, #tpu.memory_space<hbm>>
      %dma_start3A_52 = arith.constant 0 : i32
      %dma_start3A_53 = arith.constant 0 : i32
      %dma_start3A_54 = tpu.memref_slice %arg4[%add3A, %dma_start3A_52, %dma_start3A_53] : memref<32x125x80xi32, #tpu.memory_space<hbm>> -> memref<1x125x80xi32, #tpu.memory_space<hbm>>
      %dma_start3A_55 = tpu.memref_squeeze %dma_start3A_54 : memref<1x125x80xi32, #tpu.memory_space<hbm>> -> memref<125x80xi32, #tpu.memory_space<hbm>>
      tpu.enqueue_dma source(%dma_start3A_55 : memref<125x80xi32, #tpu.memory_space<hbm>>) target(%arg7 : memref<125x80xi32, #tpu.memory_space<vmem>>) target_semaphore(%run_scoped3A : memref<!tpu.dma_semaphore, #tpu.memory_space<semaphore_mem>>)
      %dma_wait3A = arith.constant 0 : i32
      %dma_wait3A_56 = arith.constant 0 : i32
      %dma_wait3A_57 = tpu.memref_slice %arg4[%add3A, %dma_wait3A, %dma_wait3A_56] : memref<32x125x80xi32, #tpu.memory_space<hbm>> -> memref<1x125x80xi32, #tpu.memory_space<hbm>>
      %dma_wait3A_58 = tpu.memref_squeeze %dma_wait3A_57 : memref<1x125x80xi32, #tpu.memory_space<hbm>> -> memref<125x80xi32, #tpu.memory_space<hbm>>
      %dma_wait3A_59 = arith.constant 0 : i32
      %dma_wait3A_60 = arith.constant 0 : i32
      %dma_wait3A_61 = tpu.memref_slice %arg4[%add3A, %dma_wait3A_59, %dma_wait3A_60] : memref<32x125x80xi32, #tpu.memory_space<hbm>> -> memref<1x125x80xi32, #tpu.memory_space<hbm>>
      %dma_wait3A_62 = tpu.memref_squeeze %dma_wait3A_61 : memref<1x125x80xi32, #tpu.memory_space<hbm>> -> memref<125x80xi32, #tpu.memory_space<hbm>>
      tpu.wait_dma2 semaphore(%run_scoped3A : memref<!tpu.dma_semaphore, #tpu.memory_space<semaphore_mem>>) src(%dma_wait3A_62 : memref<125x80xi32, #tpu.memory_space<hbm>>) dst(%arg7 : memref<125x80xi32, #tpu.memory_space<vmem>>)
      tpu.yield
    }) : () -> ()
    %mul3A_6 = arith.constant 640 : i32
    %mul3A_7 = arith.muli %arg1, %mul3A_6 : i32
    %add3A_8 = arith.constant 0 : i32
    %add3A_9 = arith.addi %mul3A_7, %add3A_8 : i32
    "tpu.region"() ({
      %run_scoped3A = tpu.sem_alloc : memref<!tpu.dma_semaphore, #tpu.memory_space<semaphore_mem>>
      %dma_start3A = arith.constant 0 : i32
      %dma_start3A_49 = tpu.memref_slice %arg9[%add3A_9, %dma_start3A] : memref<10240x128xf32, #tpu.memory_space<vmem_shared>> -> memref<80x128xf32, #tpu.memory_space<vmem_shared>>
      %dma_start3A_50 = arith.constant 0 : i32
      %dma_start3A_51 = tpu.memref_slice %arg9[%add3A_9, %dma_start3A_50] : memref<10240x128xf32, #tpu.memory_space<vmem_shared>> -> memref<80x128xf32, #tpu.memory_space<vmem_shared>>
      tpu.enqueue_dma source(%arg8 : memref<80x128xf32, #tpu.memory_space<vmem>>) target(%dma_start3A_51 : memref<80x128xf32, #tpu.memory_space<vmem_shared>>) target_semaphore(%run_scoped3A : memref<!tpu.dma_semaphore, #tpu.memory_space<semaphore_mem>>)
      %dma_wait3A = arith.constant 0 : i32
      %dma_wait3A_52 = tpu.memref_slice %arg9[%add3A_9, %dma_wait3A] : memref<10240x128xf32, #tpu.memory_space<vmem_shared>> -> memref<80x128xf32, #tpu.memory_space<vmem_shared>>
      %dma_wait3A_53 = arith.constant 0 : i32
      %dma_wait3A_54 = tpu.memref_slice %arg9[%add3A_9, %dma_wait3A_53] : memref<10240x128xf32, #tpu.memory_space<vmem_shared>> -> memref<80x128xf32, #tpu.memory_space<vmem_shared>>
      tpu.wait_dma2 semaphore(%run_scoped3A : memref<!tpu.dma_semaphore, #tpu.memory_space<semaphore_mem>>) src(%arg8 : memref<80x128xf32, #tpu.memory_space<vmem>>) dst(%dma_wait3A_54 : memref<80x128xf32, #tpu.memory_space<vmem_shared>>)
      tpu.yield
    }) : () -> ()
    %mul3A_10 = arith.constant 640 : i32
    %mul3A_11 = arith.muli %arg1, %mul3A_10 : i32
    %add3A_12 = arith.constant 80 : i32
    %add3A_13 = arith.addi %mul3A_11, %add3A_12 : i32
    "tpu.region"() ({
      %run_scoped3A = tpu.sem_alloc : memref<!tpu.dma_semaphore, #tpu.memory_space<semaphore_mem>>
      %dma_start3A = arith.constant 0 : i32
      %dma_start3A_49 = tpu.memref_slice %arg9[%add3A_13, %dma_start3A] : memref<10240x128xf32, #tpu.memory_space<vmem_shared>> -> memref<80x128xf32, #tpu.memory_space<vmem_shared>>
      %dma_start3A_50 = arith.constant 0 : i32
      %dma_start3A_51 = tpu.memref_slice %arg9[%add3A_13, %dma_start3A_50] : memref<10240x128xf32, #tpu.memory_space<vmem_shared>> -> memref<80x128xf32, #tpu.memory_space<vmem_shared>>
      tpu.enqueue_dma source(%arg8 : memref<80x128xf32, #tpu.memory_space<vmem>>) target(%dma_start3A_51 : memref<80x128xf32, #tpu.memory_space<vmem_shared>>) target_semaphore(%run_scoped3A : memref<!tpu.dma_semaphore, #tpu.memory_space<semaphore_mem>>)
      %dma_wait3A = arith.constant 0 : i32
      %dma_wait3A_52 = tpu.memref_slice %arg9[%add3A_13, %dma_wait3A] : memref<10240x128xf32, #tpu.memory_space<vmem_shared>> -> memref<80x128xf32, #tpu.memory_space<vmem_shared>>
      %dma_wait3A_53 = arith.constant 0 : i32
      %dma_wait3A_54 = tpu.memref_slice %arg9[%add3A_13, %dma_wait3A_53] : memref<10240x128xf32, #tpu.memory_space<vmem_shared>> -> memref<80x128xf32, #tpu.memory_space<vmem_shared>>
      tpu.wait_dma2 semaphore(%run_scoped3A : memref<!tpu.dma_semaphore, #tpu.memory_space<semaphore_mem>>) src(%arg8 : memref<80x128xf32, #tpu.memory_space<vmem>>) dst(%dma_wait3A_54 : memref<80x128xf32, #tpu.memory_space<vmem_shared>>)
      tpu.yield
    }) : () -> ()
    %mul3A_14 = arith.constant 640 : i32
    %mul3A_15 = arith.muli %arg1, %mul3A_14 : i32
    %add3A_16 = arith.constant 160 : i32
    %add3A_17 = arith.addi %mul3A_15, %add3A_16 : i32
    "tpu.region"() ({
      %run_scoped3A = tpu.sem_alloc : memref<!tpu.dma_semaphore, #tpu.memory_space<semaphore_mem>>
      %dma_start3A = arith.constant 0 : i32
      %dma_start3A_49 = tpu.memref_slice %arg9[%add3A_17, %dma_start3A] : memref<10240x128xf32, #tpu.memory_space<vmem_shared>> -> memref<80x128xf32, #tpu.memory_space<vmem_shared>>
      %dma_start3A_50 = arith.constant 0 : i32
      %dma_start3A_51 = tpu.memref_slice %arg9[%add3A_17, %dma_start3A_50] : memref<10240x128xf32, #tpu.memory_space<vmem_shared>> -> memref<80x128xf32, #tpu.memory_space<vmem_shared>>
      tpu.enqueue_dma source(%arg8 : memref<80x128xf32, #tpu.memory_space<vmem>>) target(%dma_start3A_51 : memref<80x128xf32, #tpu.memory_space<vmem_shared>>) target_semaphore(%run_scoped3A : memref<!tpu.dma_semaphore, #tpu.memory_space<semaphore_mem>>)
      %dma_wait3A = arith.constant 0 : i32
      %dma_wait3A_52 = tpu.memref_slice %arg9[%add3A_17, %dma_wait3A] : memref<10240x128xf32, #tpu.memory_space<vmem_shared>> -> memref<80x128xf32, #tpu.memory_space<vmem_shared>>
      %dma_wait3A_53 = arith.constant 0 : i32
      %dma_wait3A_54 = tpu.memref_slice %arg9[%add3A_17, %dma_wait3A_53] : memref<10240x128xf32, #tpu.memory_space<vmem_shared>> -> memref<80x128xf32, #tpu.memory_space<vmem_shared>>
      tpu.wait_dma2 semaphore(%run_scoped3A : memref<!tpu.dma_semaphore, #tpu.memory_space<semaphore_mem>>) src(%arg8 : memref<80x128xf32, #tpu.memory_space<vmem>>) dst(%dma_wait3A_54 : memref<80x128xf32, #tpu.memory_space<vmem_shared>>)
      tpu.yield
    }) : () -> ()
    %mul3A_18 = arith.constant 640 : i32
    %mul3A_19 = arith.muli %arg1, %mul3A_18 : i32
    %add3A_20 = arith.constant 240 : i32
    %add3A_21 = arith.addi %mul3A_19, %add3A_20 : i32
    "tpu.region"() ({
      %run_scoped3A = tpu.sem_alloc : memref<!tpu.dma_semaphore, #tpu.memory_space<semaphore_mem>>
      %dma_start3A = arith.constant 0 : i32
      %dma_start3A_49 = tpu.memref_slice %arg9[%add3A_21, %dma_start3A] : memref<10240x128xf32, #tpu.memory_space<vmem_shared>> -> memref<80x128xf32, #tpu.memory_space<vmem_shared>>
      %dma_start3A_50 = arith.constant 0 : i32
      %dma_start3A_51 = tpu.memref_slice %arg9[%add3A_21, %dma_start3A_50] : memref<10240x128xf32, #tpu.memory_space<vmem_shared>> -> memref<80x128xf32, #tpu.memory_space<vmem_shared>>
      tpu.enqueue_dma source(%arg8 : memref<80x128xf32, #tpu.memory_space<vmem>>) target(%dma_start3A_51 : memref<80x128xf32, #tpu.memory_space<vmem_shared>>) target_semaphore(%run_scoped3A : memref<!tpu.dma_semaphore, #tpu.memory_space<semaphore_mem>>)
      %dma_wait3A = arith.constant 0 : i32
      %dma_wait3A_52 = tpu.memref_slice %arg9[%add3A_21, %dma_wait3A] : memref<10240x128xf32, #tpu.memory_space<vmem_shared>> -> memref<80x128xf32, #tpu.memory_space<vmem_shared>>
      %dma_wait3A_53 = arith.constant 0 : i32
      %dma_wait3A_54 = tpu.memref_slice %arg9[%add3A_21, %dma_wait3A_53] : memref<10240x128xf32, #tpu.memory_space<vmem_shared>> -> memref<80x128xf32, #tpu.memory_space<vmem_shared>>
      tpu.wait_dma2 semaphore(%run_scoped3A : memref<!tpu.dma_semaphore, #tpu.memory_space<semaphore_mem>>) src(%arg8 : memref<80x128xf32, #tpu.memory_space<vmem>>) dst(%dma_wait3A_54 : memref<80x128xf32, #tpu.memory_space<vmem_shared>>)
      tpu.yield
    }) : () -> ()
    %mul3A_22 = arith.constant 640 : i32
    %mul3A_23 = arith.muli %arg1, %mul3A_22 : i32
    %add3A_24 = arith.constant 320 : i32
    %add3A_25 = arith.addi %mul3A_23, %add3A_24 : i32
    "tpu.region"() ({
      %run_scoped3A = tpu.sem_alloc : memref<!tpu.dma_semaphore, #tpu.memory_space<semaphore_mem>>
      %dma_start3A = arith.constant 0 : i32
      %dma_start3A_49 = tpu.memref_slice %arg9[%add3A_25, %dma_start3A] : memref<10240x128xf32, #tpu.memory_space<vmem_shared>> -> memref<80x128xf32, #tpu.memory_space<vmem_shared>>
      %dma_start3A_50 = arith.constant 0 : i32
      %dma_start3A_51 = tpu.memref_slice %arg9[%add3A_25, %dma_start3A_50] : memref<10240x128xf32, #tpu.memory_space<vmem_shared>> -> memref<80x128xf32, #tpu.memory_space<vmem_shared>>
      tpu.enqueue_dma source(%arg8 : memref<80x128xf32, #tpu.memory_space<vmem>>) target(%dma_start3A_51 : memref<80x128xf32, #tpu.memory_space<vmem_shared>>) target_semaphore(%run_scoped3A : memref<!tpu.dma_semaphore, #tpu.memory_space<semaphore_mem>>)
      %dma_wait3A = arith.constant 0 : i32
      %dma_wait3A_52 = tpu.memref_slice %arg9[%add3A_25, %dma_wait3A] : memref<10240x128xf32, #tpu.memory_space<vmem_shared>> -> memref<80x128xf32, #tpu.memory_space<vmem_shared>>
      %dma_wait3A_53 = arith.constant 0 : i32
      %dma_wait3A_54 = tpu.memref_slice %arg9[%add3A_25, %dma_wait3A_53] : memref<10240x128xf32, #tpu.memory_space<vmem_shared>> -> memref<80x128xf32, #tpu.memory_space<vmem_shared>>
      tpu.wait_dma2 semaphore(%run_scoped3A : memref<!tpu.dma_semaphore, #tpu.memory_space<semaphore_mem>>) src(%arg8 : memref<80x128xf32, #tpu.memory_space<vmem>>) dst(%dma_wait3A_54 : memref<80x128xf32, #tpu.memory_space<vmem_shared>>)
      tpu.yield
    }) : () -> ()
    %mul3A_26 = arith.constant 640 : i32
    %mul3A_27 = arith.muli %arg1, %mul3A_26 : i32
    %add3A_28 = arith.constant 400 : i32
    %add3A_29 = arith.addi %mul3A_27, %add3A_28 : i32
    "tpu.region"() ({
      %run_scoped3A = tpu.sem_alloc : memref<!tpu.dma_semaphore, #tpu.memory_space<semaphore_mem>>
      %dma_start3A = arith.constant 0 : i32
      %dma_start3A_49 = tpu.memref_slice %arg9[%add3A_29, %dma_start3A] : memref<10240x128xf32, #tpu.memory_space<vmem_shared>> -> memref<80x128xf32, #tpu.memory_space<vmem_shared>>
      %dma_start3A_50 = arith.constant 0 : i32
      %dma_start3A_51 = tpu.memref_slice %arg9[%add3A_29, %dma_start3A_50] : memref<10240x128xf32, #tpu.memory_space<vmem_shared>> -> memref<80x128xf32, #tpu.memory_space<vmem_shared>>
      tpu.enqueue_dma source(%arg8 : memref<80x128xf32, #tpu.memory_space<vmem>>) target(%dma_start3A_51 : memref<80x128xf32, #tpu.memory_space<vmem_shared>>) target_semaphore(%run_scoped3A : memref<!tpu.dma_semaphore, #tpu.memory_space<semaphore_mem>>)
      %dma_wait3A = arith.constant 0 : i32
      %dma_wait3A_52 = tpu.memref_slice %arg9[%add3A_29, %dma_wait3A] : memref<10240x128xf32, #tpu.memory_space<vmem_shared>> -> memref<80x128xf32, #tpu.memory_space<vmem_shared>>
      %dma_wait3A_53 = arith.constant 0 : i32
      %dma_wait3A_54 = tpu.memref_slice %arg9[%add3A_29, %dma_wait3A_53] : memref<10240x128xf32, #tpu.memory_space<vmem_shared>> -> memref<80x128xf32, #tpu.memory_space<vmem_shared>>
      tpu.wait_dma2 semaphore(%run_scoped3A : memref<!tpu.dma_semaphore, #tpu.memory_space<semaphore_mem>>) src(%arg8 : memref<80x128xf32, #tpu.memory_space<vmem>>) dst(%dma_wait3A_54 : memref<80x128xf32, #tpu.memory_space<vmem_shared>>)
      tpu.yield
    }) : () -> ()
    %mul3A_30 = arith.constant 640 : i32
    %mul3A_31 = arith.muli %arg1, %mul3A_30 : i32
    %add3A_32 = arith.constant 480 : i32
    %add3A_33 = arith.addi %mul3A_31, %add3A_32 : i32
    "tpu.region"() ({
      %run_scoped3A = tpu.sem_alloc : memref<!tpu.dma_semaphore, #tpu.memory_space<semaphore_mem>>
      %dma_start3A = arith.constant 0 : i32
      %dma_start3A_49 = tpu.memref_slice %arg9[%add3A_33, %dma_start3A] : memref<10240x128xf32, #tpu.memory_space<vmem_shared>> -> memref<80x128xf32, #tpu.memory_space<vmem_shared>>
      %dma_start3A_50 = arith.constant 0 : i32
      %dma_start3A_51 = tpu.memref_slice %arg9[%add3A_33, %dma_start3A_50] : memref<10240x128xf32, #tpu.memory_space<vmem_shared>> -> memref<80x128xf32, #tpu.memory_space<vmem_shared>>
      tpu.enqueue_dma source(%arg8 : memref<80x128xf32, #tpu.memory_space<vmem>>) target(%dma_start3A_51 : memref<80x128xf32, #tpu.memory_space<vmem_shared>>) target_semaphore(%run_scoped3A : memref<!tpu.dma_semaphore, #tpu.memory_space<semaphore_mem>>)
      %dma_wait3A = arith.constant 0 : i32
      %dma_wait3A_52 = tpu.memref_slice %arg9[%add3A_33, %dma_wait3A] : memref<10240x128xf32, #tpu.memory_space<vmem_shared>> -> memref<80x128xf32, #tpu.memory_space<vmem_shared>>
      %dma_wait3A_53 = arith.constant 0 : i32
      %dma_wait3A_54 = tpu.memref_slice %arg9[%add3A_33, %dma_wait3A_53] : memref<10240x128xf32, #tpu.memory_space<vmem_shared>> -> memref<80x128xf32, #tpu.memory_space<vmem_shared>>
      tpu.wait_dma2 semaphore(%run_scoped3A : memref<!tpu.dma_semaphore, #tpu.memory_space<semaphore_mem>>) src(%arg8 : memref<80x128xf32, #tpu.memory_space<vmem>>) dst(%dma_wait3A_54 : memref<80x128xf32, #tpu.memory_space<vmem_shared>>)
      tpu.yield
    }) : () -> ()
    %mul3A_34 = arith.constant 640 : i32
    %mul3A_35 = arith.muli %arg1, %mul3A_34 : i32
    %add3A_36 = arith.constant 560 : i32
    %add3A_37 = arith.addi %mul3A_35, %add3A_36 : i32
    "tpu.region"() ({
      %run_scoped3A = tpu.sem_alloc : memref<!tpu.dma_semaphore, #tpu.memory_space<semaphore_mem>>
      %dma_start3A = arith.constant 0 : i32
      %dma_start3A_49 = tpu.memref_slice %arg9[%add3A_37, %dma_start3A] : memref<10240x128xf32, #tpu.memory_space<vmem_shared>> -> memref<80x128xf32, #tpu.memory_space<vmem_shared>>
      %dma_start3A_50 = arith.constant 0 : i32
      %dma_start3A_51 = tpu.memref_slice %arg9[%add3A_37, %dma_start3A_50] : memref<10240x128xf32, #tpu.memory_space<vmem_shared>> -> memref<80x128xf32, #tpu.memory_space<vmem_shared>>
      tpu.enqueue_dma source(%arg8 : memref<80x128xf32, #tpu.memory_space<vmem>>) target(%dma_start3A_51 : memref<80x128xf32, #tpu.memory_space<vmem_shared>>) target_semaphore(%run_scoped3A : memref<!tpu.dma_semaphore, #tpu.memory_space<semaphore_mem>>)
      %dma_wait3A = arith.constant 0 : i32
      %dma_wait3A_52 = tpu.memref_slice %arg9[%add3A_37, %dma_wait3A] : memref<10240x128xf32, #tpu.memory_space<vmem_shared>> -> memref<80x128xf32, #tpu.memory_space<vmem_shared>>
      %dma_wait3A_53 = arith.constant 0 : i32
      %dma_wait3A_54 = tpu.memref_slice %arg9[%add3A_37, %dma_wait3A_53] : memref<10240x128xf32, #tpu.memory_space<vmem_shared>> -> memref<80x128xf32, #tpu.memory_space<vmem_shared>>
      tpu.wait_dma2 semaphore(%run_scoped3A : memref<!tpu.dma_semaphore, #tpu.memory_space<semaphore_mem>>) src(%arg8 : memref<80x128xf32, #tpu.memory_space<vmem>>) dst(%dma_wait3A_54 : memref<80x128xf32, #tpu.memory_space<vmem_shared>>)
      tpu.yield
    }) : () -> ()
    %barrier3A = arith.constant 0 : index
    tpu.barrier barrier_id(%barrier3A)
    %scan3A_38 = arith.constant 0 : i32
    %scan3A_39 = arith.constant 0 : i32
    %scan3A_40 = arith.constant 125 : i32
    %scan3A_41 = arith.addi %scan3A_39, %scan3A_40 : i32
    %scan3A_42 = arith.constant 1 : i32
    scf.for %scan3A_49 = %scan3A_39 to %scan3A_41 step %scan3A_42  : i32 {
      %dma_start3A = arith.constant 0 : i32
      %dma_start3A_50 = tpu.memref_slice %arg6[%scan3A_49, %dma_start3A] : memref<125x80xi32, #tpu.memory_space<vmem>> -> memref<1x80xi32, #tpu.memory_space<vmem>>
      %dma_start3A_51 = tpu.memref_squeeze %dma_start3A_50 : memref<1x80xi32, #tpu.memory_space<vmem>> -> memref<80xi32, #tpu.memory_space<vmem>>
      %dma_start3A_52 = arith.constant 0 : i32
      %dma_start3A_53 = arith.constant 0 : i32
      %dma_start3A_54 = tpu.memref_slice %arg2[%dma_start3A_52, %dma_start3A_53] : memref<10000x128xf32, #tpu.memory_space<hbm>> -> memref<10000x128xf32, #tpu.memory_space<hbm>>
      tpu.enqueue_indirect_dma source(%dma_start3A_54 : memref<10000x128xf32, #tpu.memory_space<hbm>>) target(%arg8 : memref<80x128xf32, #tpu.memory_space<vmem>>) offsets(%dma_start3A_51 : memref<80xi32, #tpu.memory_space<vmem>>) semaphore(%arg10 : memref<!tpu.dma_semaphore, #tpu.memory_space<semaphore_mem>>)
      %dma_wait3A = arith.constant 0 : i32
      %dma_wait3A_55 = tpu.memref_slice %arg6[%scan3A_49, %dma_wait3A] : memref<125x80xi32, #tpu.memory_space<vmem>> -> memref<1x80xi32, #tpu.memory_space<vmem>>
      %dma_wait3A_56 = tpu.memref_squeeze %dma_wait3A_55 : memref<1x80xi32, #tpu.memory_space<vmem>> -> memref<80xi32, #tpu.memory_space<vmem>>
      %dma_wait3A_57 = arith.constant 0 : i32
      %dma_wait3A_58 = arith.constant 0 : i32
      %dma_wait3A_59 = tpu.memref_slice %arg2[%dma_wait3A_57, %dma_wait3A_58] : memref<10000x128xf32, #tpu.memory_space<hbm>> -> memref<10000x128xf32, #tpu.memory_space<hbm>>
      tpu.wait_indirect_dma semaphore(%arg10 : memref<!tpu.dma_semaphore, #tpu.memory_space<semaphore_mem>>) src(%dma_wait3A_59 : memref<10000x128xf32, #tpu.memory_space<hbm>>) dst(%arg8 : memref<80x128xf32, #tpu.memory_space<vmem>>)
      "tpu.region"() ({
        %run_scoped3A = tpu.sem_alloc : memref<!tpu.dma_semaphore, #tpu.memory_space<semaphore_mem>>
        %dma_start3A_60 = arith.constant 0 : i32
        %dma_start3A_61 = tpu.memref_slice %arg7[%scan3A_49, %dma_start3A_60] : memref<125x80xi32, #tpu.memory_space<vmem>> -> memref<1x80xi32, #tpu.memory_space<vmem>>
        %dma_start3A_62 = tpu.memref_squeeze %dma_start3A_61 : memref<1x80xi32, #tpu.memory_space<vmem>> -> memref<80xi32, #tpu.memory_space<vmem>>
        %dma_start3A_63 = arith.constant 0 : i32
        %dma_start3A_64 = arith.constant 0 : i32
        %dma_start3A_65 = tpu.memref_slice %arg9[%dma_start3A_63, %dma_start3A_64] : memref<10240x128xf32, #tpu.memory_space<vmem_shared>> -> memref<10240x128xf32, #tpu.memory_space<vmem_shared>>
        tpu.enqueue_indirect_dma source(%arg8 : memref<80x128xf32, #tpu.memory_space<vmem>>) target(%dma_start3A_65 : memref<10240x128xf32, #tpu.memory_space<vmem_shared>>) offsets(%dma_start3A_62 : memref<80xi32, #tpu.memory_space<vmem>>) semaphore(%run_scoped3A : memref<!tpu.dma_semaphore, #tpu.memory_space<semaphore_mem>>) {add = true}
        %dma_wait3A_66 = arith.constant 0 : i32
        %dma_wait3A_67 = tpu.memref_slice %arg7[%scan3A_49, %dma_wait3A_66] : memref<125x80xi32, #tpu.memory_space<vmem>> -> memref<1x80xi32, #tpu.memory_space<vmem>>
        %dma_wait3A_68 = tpu.memref_squeeze %dma_wait3A_67 : memref<1x80xi32, #tpu.memory_space<vmem>> -> memref<80xi32, #tpu.memory_space<vmem>>
        %dma_wait3A_69 = arith.constant 0 : i32
        %dma_wait3A_70 = arith.constant 0 : i32
        %dma_wait3A_71 = tpu.memref_slice %arg9[%dma_wait3A_69, %dma_wait3A_70] : memref<10240x128xf32, #tpu.memory_space<vmem_shared>> -> memref<10240x128xf32, #tpu.memory_space<vmem_shared>>
        tpu.wait_indirect_dma semaphore(%run_scoped3A : memref<!tpu.dma_semaphore, #tpu.memory_space<semaphore_mem>>) src(%arg8 : memref<80x128xf32, #tpu.memory_space<vmem>>) dst(%dma_wait3A_71 : memref<10240x128xf32, #tpu.memory_space<vmem_shared>>)
        tpu.yield
      }) : () -> ()
    }
    %scan3A_43 = arith.constant 125 : i32
    %barrier3A_44 = arith.constant 0 : index
    tpu.barrier barrier_id(%barrier3A_44)
    %mul3A_45 = arith.constant 640 : i32
    %mul3A_46 = arith.muli %arg1, %mul3A_45 : i32
    %mul3A_47 = arith.constant 640 : i32
    %mul3A_48 = arith.muli %arg1, %mul3A_47 : i32
    "tpu.region"() ({
      %run_scoped3A = tpu.sem_alloc : memref<!tpu.dma_semaphore, #tpu.memory_space<semaphore_mem>>
      %dma_start3A = arith.constant 0 : i32
      %dma_start3A_49 = tpu.memref_slice %arg5[%arg0, %mul3A_48, %dma_start3A] : memref<2x10240x128xf32, #tpu.memory_space<hbm>> -> memref<1x640x128xf32, #tpu.memory_space<hbm>>
      %dma_start3A_50 = tpu.memref_squeeze %dma_start3A_49 : memref<1x640x128xf32, #tpu.memory_space<hbm>> -> memref<640x128xf32, #tpu.memory_space<hbm>>
      %dma_start3A_51 = arith.constant 0 : i32
      %dma_start3A_52 = tpu.memref_slice %arg9[%mul3A_46, %dma_start3A_51] : memref<10240x128xf32, #tpu.memory_space<vmem_shared>> -> memref<640x128xf32, #tpu.memory_space<vmem_shared>>
      tpu.enqueue_dma source(%dma_start3A_52 : memref<640x128xf32, #tpu.memory_space<vmem_shared>>) target(%dma_start3A_50 : memref<640x128xf32, #tpu.memory_space<hbm>>) target_semaphore(%run_scoped3A : memref<!tpu.dma_semaphore, #tpu.memory_space<semaphore_mem>>)
      %dma_wait3A = arith.constant 0 : i32
      %dma_wait3A_53 = tpu.memref_slice %arg5[%arg0, %mul3A_48, %dma_wait3A] : memref<2x10240x128xf32, #tpu.memory_space<hbm>> -> memref<1x640x128xf32, #tpu.memory_space<hbm>>
      %dma_wait3A_54 = tpu.memref_squeeze %dma_wait3A_53 : memref<1x640x128xf32, #tpu.memory_space<hbm>> -> memref<640x128xf32, #tpu.memory_space<hbm>>
      %dma_wait3A_55 = arith.constant 0 : i32
      %dma_wait3A_56 = tpu.memref_slice %arg9[%mul3A_46, %dma_wait3A_55] : memref<10240x128xf32, #tpu.memory_space<vmem_shared>> -> memref<640x128xf32, #tpu.memory_space<vmem_shared>>
      tpu.wait_dma2 semaphore(%run_scoped3A : memref<!tpu.dma_semaphore, #tpu.memory_space<semaphore_mem>>) src(%dma_wait3A_56 : memref<640x128xf32, #tpu.memory_space<vmem_shared>>) dst(%dma_wait3A_54 : memref<640x128xf32, #tpu.memory_space<hbm>>)
      tpu.yield
    }) : () -> ()
    return
  }
}

module attributes {stable_mosaic.version = 14 : i64} {
  func.func @_prep_body(%arg0: memref<10000x4xf32, #tpu.memory_space<vmem>>, %arg1: memref<4x128xf32, #tpu.memory_space<vmem>>, %arg2: memref<4x128xf32, #tpu.memory_space<vmem>>, %arg3: memref<1x128xf32, #tpu.memory_space<vmem>>, %arg4: memref<10000x128xf32, #tpu.memory_space<vmem>>, %arg5: memref<10000x128xf32, #tpu.memory_space<vmem>>) attributes {dimension_semantics = [], scalar_prefetch = 0 : i64, scratch_operands = 0 : i64, tpu.core_type = #tpu.core_type<tc>} {
    %get3A = arith.constant 0 : index
    %get3A_0 = arith.constant 0 : index
    %get3A_1 = vector.load %arg0[%get3A, %get3A_0] : memref<10000x4xf32, #tpu.memory_space<vmem>>, vector<10000x4xf32>
    %get3A_2 = arith.constant 0 : index
    %get3A_3 = arith.constant 0 : index
    %get3A_4 = vector.load %arg1[%get3A_2, %get3A_3] : memref<4x128xf32, #tpu.memory_space<vmem>>, vector<4x128xf32>
    %dot_general3A = arith.constant dense<0.000000e+00> : vector<10000x128xf32>
    %dot_general3A_5 = tpu.matmul %get3A_1, %get3A_4, %dot_general3A {dimension_numbers = #tpu.dot_dimension_numbers<[1], [0], [0], [1], [0, 0, 1, 1], [], []>, precision = #tpu.contract_precision<fp32>, transpose_lhs_hint = false} : vector<10000x4xf32>, vector<4x128xf32>, vector<10000x128xf32> -> vector<10000x128xf32>
    %swap3A = arith.constant 0 : index
    %swap3A_6 = arith.constant 0 : index
    %swap3A_7 = vector.load %arg4[%swap3A, %swap3A_6] : memref<10000x128xf32, #tpu.memory_space<vmem>>, vector<10000x128xf32>
    tpu.vector_store %arg4[%swap3A, %swap3A_6], %dot_general3A_5 {strides = array<i32>} : memref<10000x128xf32, #tpu.memory_space<vmem>>, vector<10000x128xf32>,
    %get3A_8 = arith.constant 0 : index
    %get3A_9 = arith.constant 0 : index
    %get3A_10 = vector.load %arg2[%get3A_8, %get3A_9] : memref<4x128xf32, #tpu.memory_space<vmem>>, vector<4x128xf32>
    %dot_general3A_11 = arith.constant dense<0.000000e+00> : vector<10000x128xf32>
    %dot_general3A_12 = tpu.matmul %get3A_1, %get3A_10, %dot_general3A_11 {dimension_numbers = #tpu.dot_dimension_numbers<[1], [0], [0], [1], [0, 0, 1, 1], [], []>, precision = #tpu.contract_precision<fp32>, transpose_lhs_hint = false} : vector<10000x4xf32>, vector<4x128xf32>, vector<10000x128xf32> -> vector<10000x128xf32>
    %get3A_13 = arith.constant 0 : index
    %get3A_14 = arith.constant 0 : index
    %get3A_15 = vector.load %arg3[%get3A_13, %get3A_14] : memref<1x128xf32, #tpu.memory_space<vmem>>, vector<1x128xf32>
    %add3A = vector.broadcast %get3A_15 : vector<1x128xf32> to vector<10000x128xf32>
    %add3A_16 = arith.addf %dot_general3A_12, %add3A : vector<10000x128xf32>
    %swap3A_17 = arith.constant 0 : index
    %swap3A_18 = arith.constant 0 : index
    %swap3A_19 = vector.load %arg5[%swap3A_17, %swap3A_18] : memref<10000x128xf32, #tpu.memory_space<vmem>>, vector<10000x128xf32>
    tpu.vector_store %arg5[%swap3A_17, %swap3A_18], %add3A_16 {strides = array<i32>} : memref<10000x128xf32, #tpu.memory_space<vmem>>, vector<10000x128xf32>,
    return
  }
}

module attributes {stable_mosaic.version = 14 : i64} {
  func.func @_upd_body(%arg0: memref<2x10240x128xf32, #tpu.memory_space<vmem>>, %arg1: memref<2x10240x4xf32, #tpu.memory_space<vmem>>, %arg2: memref<2x128xf32, #tpu.memory_space<vmem>>, %arg3: memref<1x128xf32, #tpu.memory_space<vmem>>, %arg4: memref<128x128xf32, #tpu.memory_space<vmem>>, %arg5: memref<1x128xf32, #tpu.memory_space<vmem>>, %arg6: memref<10000x128xf32, #tpu.memory_space<vmem>>) attributes {dimension_semantics = [], scalar_prefetch = 0 : i64, scratch_operands = 0 : i64, tpu.core_type = #tpu.core_type<tc>} {
    %get3A = arith.constant 0 : index
    %get3A_0 = arith.constant 0 : index
    %get3A_1 = arith.constant 0 : index
    %get3A_2 = vector.load %arg0[%get3A, %get3A_0, %get3A_1] : memref<2x10240x128xf32, #tpu.memory_space<vmem>>, vector<1x10000x128xf32>
    %get3A_3 = vector.shape_cast %get3A_2 : vector<1x10000x128xf32> to vector<10000x128xf32>
    %get3A_4 = arith.constant 1 : index
    %get3A_5 = arith.constant 0 : index
    %get3A_6 = arith.constant 0 : index
    %get3A_7 = vector.load %arg0[%get3A_4, %get3A_5, %get3A_6] : memref<2x10240x128xf32, #tpu.memory_space<vmem>>, vector<1x10000x128xf32>
    %get3A_8 = vector.shape_cast %get3A_7 : vector<1x10000x128xf32> to vector<10000x128xf32>
    %add3A = arith.addf %get3A_3, %get3A_8 : vector<10000x128xf32>
    %get3A_9 = arith.constant 0 : index
    %get3A_10 = arith.constant 0 : index
    %get3A_11 = arith.constant 0 : index
    %get3A_12 = vector.load %arg1[%get3A_9, %get3A_10, %get3A_11] : memref<2x10240x4xf32, #tpu.memory_space<vmem>>, vector<1x10000x4xf32>
    %get3A_13 = vector.shape_cast %get3A_12 : vector<1x10000x4xf32> to vector<10000x4xf32>
    %get3A_14 = arith.constant 1 : index
    %get3A_15 = arith.constant 0 : index
    %get3A_16 = arith.constant 0 : index
    %get3A_17 = vector.load %arg1[%get3A_14, %get3A_15, %get3A_16] : memref<2x10240x4xf32, #tpu.memory_space<vmem>>, vector<1x10000x4xf32>
    %get3A_18 = vector.shape_cast %get3A_17 : vector<1x10000x4xf32> to vector<10000x4xf32>
    %add3A_19 = arith.addf %get3A_13, %get3A_18 : vector<10000x4xf32>
    %slice3A = vector.extract_strided_slice %add3A_19 {offsets = [0, 0], sizes = [10000, 2], strides = [1, 1]} : vector<10000x4xf32> to vector<10000x2xf32>
    %slice3A_20 = vector.extract_strided_slice %add3A_19 {offsets = [0, 2], sizes = [10000, 1], strides = [1, 1]} : vector<10000x4xf32> to vector<10000x1xf32>
    %max3A = arith.constant 1.000000e+00 : f32
    %max3A_21 = vector.broadcast %max3A : f32 to vector<10000x1xf32>
    %max3A_22 = arith.maximumf %slice3A_20, %max3A_21 : vector<10000x1xf32>
    %div3A = arith.constant 1.000000e+00 : f32
    %div3A_23 = vector.broadcast %div3A : f32 to vector<10000x1xf32>
    %div3A_24 = arith.divf %div3A_23, %max3A_22 : vector<10000x1xf32>
    %get3A_25 = arith.constant 0 : index
    %get3A_26 = arith.constant 0 : index
    %get3A_27 = vector.load %arg2[%get3A_25, %get3A_26] : memref<2x128xf32, #tpu.memory_space<vmem>>, vector<2x128xf32>
    %dot_general3A = arith.constant dense<0.000000e+00> : vector<10000x128xf32>
    %dot_general3A_28 = tpu.matmul %slice3A, %get3A_27, %dot_general3A {dimension_numbers = #tpu.dot_dimension_numbers<[1], [0], [0], [1], [0, 0, 1, 1], [], []>, precision = #tpu.contract_precision<fp32>, transpose_lhs_hint = false} : vector<10000x2xf32>, vector<2x128xf32>, vector<10000x128xf32> -> vector<10000x128xf32>
    %add3A_29 = arith.addf %add3A, %dot_general3A_28 : vector<10000x128xf32>
    %get3A_30 = arith.constant 0 : index
    %get3A_31 = arith.constant 0 : index
    %get3A_32 = vector.load %arg3[%get3A_30, %get3A_31] : memref<1x128xf32, #tpu.memory_space<vmem>>, vector<1x128xf32>
    %mul3A = vector.broadcast %slice3A_20 : vector<10000x1xf32> to vector<10000x128xf32>
    %mul3A_33 = vector.broadcast %get3A_32 : vector<1x128xf32> to vector<10000x128xf32>
    %mul3A_34 = arith.mulf %mul3A, %mul3A_33 : vector<10000x128xf32>
    %add3A_35 = arith.addf %add3A_29, %mul3A_34 : vector<10000x128xf32>
    %mul3A_36 = vector.broadcast %div3A_24 : vector<10000x1xf32> to vector<10000x128xf32>
    %mul3A_37 = arith.mulf %add3A_35, %mul3A_36 : vector<10000x128xf32>
    %get3A_38 = arith.constant 0 : index
    %get3A_39 = arith.constant 0 : index
    %get3A_40 = vector.load %arg4[%get3A_38, %get3A_39] : memref<128x128xf32, #tpu.memory_space<vmem>>, vector<128x128xf32>
    %dot_general3A_41 = arith.constant dense<0.000000e+00> : vector<10000x128xf32>
    %dot_general3A_42 = tpu.matmul %mul3A_37, %get3A_40, %dot_general3A_41 {dimension_numbers = #tpu.dot_dimension_numbers<[1], [0], [0], [1], [0, 0, 1, 1], [], []>, precision = #tpu.contract_precision<fp32>, transpose_lhs_hint = false} : vector<10000x128xf32>, vector<128x128xf32>, vector<10000x128xf32> -> vector<10000x128xf32>
    %get3A_43 = arith.constant 0 : index
    %get3A_44 = arith.constant 0 : index
    %get3A_45 = vector.load %arg5[%get3A_43, %get3A_44] : memref<1x128xf32, #tpu.memory_space<vmem>>, vector<1x128xf32>
    %add3A_46 = vector.broadcast %get3A_45 : vector<1x128xf32> to vector<10000x128xf32>
    %add3A_47 = arith.addf %dot_general3A_42, %add3A_46 : vector<10000x128xf32>
    %swap3A = arith.constant 0 : index
    %swap3A_48 = arith.constant 0 : index
    %swap3A_49 = vector.load %arg6[%swap3A, %swap3A_48] : memref<10000x128xf32, #tpu.memory_space<vmem>>, vector<10000x128xf32>
    tpu.vector_store %arg6[%swap3A, %swap3A_48], %add3A_47 {strides = array<i32>} : memref<10000x128xf32, #tpu.memory_space<vmem>>, vector<10000x128xf32>,
    return
  }
}

module attributes {stable_mosaic.version = 14 : i64} {
  func.func @_bnrelu_body(%arg0: memref<10000x128xf32, #tpu.memory_space<vmem>>, %arg1: memref<10000x128xf32, #tpu.memory_space<vmem>>, %arg2: memref<1x128xf32, #tpu.memory_space<vmem>>, %arg3: memref<1x128xf32, #tpu.memory_space<vmem>>, %arg4: memref<128x128xf32, #tpu.memory_space<vmem>>, %arg5: memref<10000x128xf32, #tpu.memory_space<vmem>>, %arg6: memref<10000x128xf32, #tpu.memory_space<vmem>>) attributes {dimension_semantics = [], scalar_prefetch = 0 : i64, scratch_operands = 0 : i64, tpu.core_type = #tpu.core_type<tc>} {
    %get3A = arith.constant 0 : index
    %get3A_0 = arith.constant 0 : index
    %get3A_1 = vector.load %arg0[%get3A, %get3A_0] : memref<10000x128xf32, #tpu.memory_space<vmem>>, vector<10000x128xf32>
    %reduce_sum3A = arith.constant dense<0.000000e+00> : vector<128xf32>
    %reduce_sum3A_2 = vector.multi_reduction <add>, %get3A_1, %reduce_sum3A [0] : vector<10000x128xf32> to vector<128xf32>
    %broadcast_in_dim3A = vector.shape_cast %reduce_sum3A_2 : vector<128xf32> to vector<1x128xf32>
    %div3A = arith.constant 1.000000e+04 : f32
    %div3A_3 = vector.broadcast %div3A : f32 to vector<1x128xf32>
    %div3A_4 = arith.divf %broadcast_in_dim3A, %div3A_3 : vector<1x128xf32>
    %sub3A = vector.broadcast %div3A_4 : vector<1x128xf32> to vector<10000x128xf32>
    %sub3A_5 = arith.subf %get3A_1, %sub3A : vector<10000x128xf32>
    %integer_pow3A = arith.mulf %sub3A_5, %sub3A_5 : vector<10000x128xf32>
    %reduce_sum3A_6 = arith.constant dense<0.000000e+00> : vector<128xf32>
    %reduce_sum3A_7 = vector.multi_reduction <add>, %integer_pow3A, %reduce_sum3A_6 [0] : vector<10000x128xf32> to vector<128xf32>
    %broadcast_in_dim3A_8 = vector.shape_cast %reduce_sum3A_7 : vector<128xf32> to vector<1x128xf32>
    %div3A_9 = arith.constant 1.000000e+04 : f32
    %div3A_10 = vector.broadcast %div3A_9 : f32 to vector<1x128xf32>
    %div3A_11 = arith.divf %broadcast_in_dim3A_8, %div3A_10 : vector<1x128xf32>
    %sub3A_12 = vector.broadcast %div3A_4 : vector<1x128xf32> to vector<10000x128xf32>
    %sub3A_13 = arith.subf %get3A_1, %sub3A_12 : vector<10000x128xf32>
    %add3A = arith.constant 9.99999974E-6 : f32
    %add3A_14 = vector.broadcast %add3A : f32 to vector<1x128xf32>
    %add3A_15 = arith.addf %div3A_11, %add3A_14 : vector<1x128xf32>
    %sqrt3A = math.sqrt %add3A_15 : vector<1x128xf32>
    %div3A_16 = vector.broadcast %sqrt3A : vector<1x128xf32> to vector<10000x128xf32>
    %div3A_17 = arith.divf %sub3A_13, %div3A_16 : vector<10000x128xf32>
    %get3A_18 = arith.constant 0 : index
    %get3A_19 = arith.constant 0 : index
    %get3A_20 = vector.load %arg2[%get3A_18, %get3A_19] : memref<1x128xf32, #tpu.memory_space<vmem>>, vector<1x128xf32>
    %mul3A = vector.broadcast %get3A_20 : vector<1x128xf32> to vector<10000x128xf32>
    %mul3A_21 = arith.mulf %div3A_17, %mul3A : vector<10000x128xf32>
    %get3A_22 = arith.constant 0 : index
    %get3A_23 = arith.constant 0 : index
    %get3A_24 = vector.load %arg3[%get3A_22, %get3A_23] : memref<1x128xf32, #tpu.memory_space<vmem>>, vector<1x128xf32>
    %add3A_25 = vector.broadcast %get3A_24 : vector<1x128xf32> to vector<10000x128xf32>
    %add3A_26 = arith.addf %mul3A_21, %add3A_25 : vector<10000x128xf32>
    %get3A_27 = arith.constant 0 : index
    %get3A_28 = arith.constant 0 : index
    %get3A_29 = vector.load %arg1[%get3A_27, %get3A_28] : memref<10000x128xf32, #tpu.memory_space<vmem>>, vector<10000x128xf32>
    %add3A_30 = arith.addf %add3A_26, %get3A_29 : vector<10000x128xf32>
    %max3A = arith.constant 0.000000e+00 : f32
    %max3A_31 = vector.broadcast %max3A : f32 to vector<10000x128xf32>
    %max3A_32 = arith.maximumf %add3A_30, %max3A_31 : vector<10000x128xf32>
    %swap3A = arith.constant 0 : index
    %swap3A_33 = arith.constant 0 : index
    %swap3A_34 = vector.load %arg5[%swap3A, %swap3A_33] : memref<10000x128xf32, #tpu.memory_space<vmem>>, vector<10000x128xf32>
    tpu.vector_store %arg5[%swap3A, %swap3A_33], %max3A_32 {strides = array<i32>} : memref<10000x128xf32, #tpu.memory_space<vmem>>, vector<10000x128xf32>,
    %get3A_35 = arith.constant 0 : index
    %get3A_36 = arith.constant 0 : index
    %get3A_37 = vector.load %arg4[%get3A_35, %get3A_36] : memref<128x128xf32, #tpu.memory_space<vmem>>, vector<128x128xf32>
    %dot_general3A = arith.constant dense<0.000000e+00> : vector<10000x128xf32>
    %dot_general3A_38 = tpu.matmul %max3A_32, %get3A_37, %dot_general3A {dimension_numbers = #tpu.dot_dimension_numbers<[1], [0], [0], [1], [0, 0, 1, 1], [], []>, precision = #tpu.contract_precision<fp32>, transpose_lhs_hint = false} : vector<10000x128xf32>, vector<128x128xf32>, vector<10000x128xf32> -> vector<10000x128xf32>
    %swap3A_39 = arith.constant 0 : index
    %swap3A_40 = arith.constant 0 : index
    %swap3A_41 = vector.load %arg6[%swap3A_39, %swap3A_40] : memref<10000x128xf32, #tpu.memory_space<vmem>>, vector<10000x128xf32>
    tpu.vector_store %arg6[%swap3A_39, %swap3A_40], %dot_general3A_38 {strides = array<i32>} : memref<10000x128xf32, #tpu.memory_space<vmem>>, vector<10000x128xf32>,
    return
  }
}

module attributes {stable_mosaic.version = 14 : i64} {
  func.func @_bnrelu_body(%arg0: memref<10000x128xf32, #tpu.memory_space<vmem>>, %arg1: memref<10000x128xf32, #tpu.memory_space<vmem>>, %arg2: memref<1x128xf32, #tpu.memory_space<vmem>>, %arg3: memref<1x128xf32, #tpu.memory_space<vmem>>, %arg4: memref<10000x128xf32, #tpu.memory_space<vmem>>) attributes {dimension_semantics = [], scalar_prefetch = 0 : i64, scratch_operands = 0 : i64, tpu.core_type = #tpu.core_type<tc>} {
    %get3A = arith.constant 0 : index
    %get3A_0 = arith.constant 0 : index
    %get3A_1 = vector.load %arg0[%get3A, %get3A_0] : memref<10000x128xf32, #tpu.memory_space<vmem>>, vector<10000x128xf32>
    %reduce_sum3A = arith.constant dense<0.000000e+00> : vector<128xf32>
    %reduce_sum3A_2 = vector.multi_reduction <add>, %get3A_1, %reduce_sum3A [0] : vector<10000x128xf32> to vector<128xf32>
    %broadcast_in_dim3A = vector.shape_cast %reduce_sum3A_2 : vector<128xf32> to vector<1x128xf32>
    %div3A = arith.constant 1.000000e+04 : f32
    %div3A_3 = vector.broadcast %div3A : f32 to vector<1x128xf32>
    %div3A_4 = arith.divf %broadcast_in_dim3A, %div3A_3 : vector<1x128xf32>
    %sub3A = vector.broadcast %div3A_4 : vector<1x128xf32> to vector<10000x128xf32>
    %sub3A_5 = arith.subf %get3A_1, %sub3A : vector<10000x128xf32>
    %integer_pow3A = arith.mulf %sub3A_5, %sub3A_5 : vector<10000x128xf32>
    %reduce_sum3A_6 = arith.constant dense<0.000000e+00> : vector<128xf32>
    %reduce_sum3A_7 = vector.multi_reduction <add>, %integer_pow3A, %reduce_sum3A_6 [0] : vector<10000x128xf32> to vector<128xf32>
    %broadcast_in_dim3A_8 = vector.shape_cast %reduce_sum3A_7 : vector<128xf32> to vector<1x128xf32>
    %div3A_9 = arith.constant 1.000000e+04 : f32
    %div3A_10 = vector.broadcast %div3A_9 : f32 to vector<1x128xf32>
    %div3A_11 = arith.divf %broadcast_in_dim3A_8, %div3A_10 : vector<1x128xf32>
    %sub3A_12 = vector.broadcast %div3A_4 : vector<1x128xf32> to vector<10000x128xf32>
    %sub3A_13 = arith.subf %get3A_1, %sub3A_12 : vector<10000x128xf32>
    %add3A = arith.constant 9.99999974E-6 : f32
    %add3A_14 = vector.broadcast %add3A : f32 to vector<1x128xf32>
    %add3A_15 = arith.addf %div3A_11, %add3A_14 : vector<1x128xf32>
    %sqrt3A = math.sqrt %add3A_15 : vector<1x128xf32>
    %div3A_16 = vector.broadcast %sqrt3A : vector<1x128xf32> to vector<10000x128xf32>
    %div3A_17 = arith.divf %sub3A_13, %div3A_16 : vector<10000x128xf32>
    %get3A_18 = arith.constant 0 : index
    %get3A_19 = arith.constant 0 : index
    %get3A_20 = vector.load %arg2[%get3A_18, %get3A_19] : memref<1x128xf32, #tpu.memory_space<vmem>>, vector<1x128xf32>
    %mul3A = vector.broadcast %get3A_20 : vector<1x128xf32> to vector<10000x128xf32>
    %mul3A_21 = arith.mulf %div3A_17, %mul3A : vector<10000x128xf32>
    %get3A_22 = arith.constant 0 : index
    %get3A_23 = arith.constant 0 : index
    %get3A_24 = vector.load %arg3[%get3A_22, %get3A_23] : memref<1x128xf32, #tpu.memory_space<vmem>>, vector<1x128xf32>
    %add3A_25 = vector.broadcast %get3A_24 : vector<1x128xf32> to vector<10000x128xf32>
    %add3A_26 = arith.addf %mul3A_21, %add3A_25 : vector<10000x128xf32>
    %get3A_27 = arith.constant 0 : index
    %get3A_28 = arith.constant 0 : index
    %get3A_29 = vector.load %arg1[%get3A_27, %get3A_28] : memref<10000x128xf32, #tpu.memory_space<vmem>>, vector<10000x128xf32>
    %add3A_30 = arith.addf %add3A_26, %get3A_29 : vector<10000x128xf32>
    %max3A = arith.constant 0.000000e+00 : f32
    %max3A_31 = vector.broadcast %max3A : f32 to vector<10000x128xf32>
    %max3A_32 = arith.maximumf %add3A_30, %max3A_31 : vector<10000x128xf32>
    %swap3A = arith.constant 0 : index
    %swap3A_33 = arith.constant 0 : index
    %swap3A_34 = vector.load %arg4[%swap3A, %swap3A_33] : memref<10000x128xf32, #tpu.memory_space<vmem>>, vector<10000x128xf32>
    tpu.vector_store %arg4[%swap3A, %swap3A_33], %max3A_32 {strides = array<i32>} : memref<10000x128xf32, #tpu.memory_space<vmem>>, vector<10000x128xf32>,
    return
  }
}

module attributes {stable_mosaic.version = 14 : i64} {
  func.func @_readout_body(%arg0: memref<10000x128xf32, #tpu.memory_space<vmem>>, %arg1: memref<10000x1xi32, #tpu.memory_space<vmem>>, %arg2: memref<256x128xf32, #tpu.memory_space<vmem>>, %arg3: memref<1x128xf32, #tpu.memory_space<vmem>>, %arg4: memref<1x128xf32, #tpu.memory_space<vmem>>, %arg5: memref<1x128xf32, #tpu.memory_space<vmem>>, %arg6: memref<128x256xf32, #tpu.memory_space<vmem>>, %arg7: memref<1x256xf32, #tpu.memory_space<vmem>>, %arg8: memref<64x256xf32, #tpu.memory_space<vmem>>, %arg9: memref<64x128xf32, #tpu.memory_space<vmem>>) attributes {dimension_semantics = [], scalar_prefetch = 0 : i64, scratch_operands = 1 : i64, tpu.core_type = #tpu.core_type<tc>} {
    %get3A = arith.constant 0 : index
    %get3A_0 = arith.constant 0 : index
    %get3A_1 = vector.load %arg0[%get3A, %get3A_0] : memref<10000x128xf32, #tpu.memory_space<vmem>>, vector<10000x128xf32>
    %get3A_2 = arith.constant 0 : index
    %get3A_3 = arith.constant 0 : index
    %get3A_4 = vector.load %arg1[%get3A_2, %get3A_3] : memref<10000x1xi32, #tpu.memory_space<vmem>>, vector<10000x1xi32>
    %iota3A = tpu.iota {dimensions = array<i32: 1>} : vector<1x64xi32>
    %eq3A = vector.broadcast %get3A_4 : vector<10000x1xi32> to vector<10000x64xi32>
    %eq3A_5 = vector.broadcast %iota3A : vector<1x64xi32> to vector<10000x64xi32>
    %eq3A_6 = arith.cmpi eq, %eq3A, %eq3A_5 : vector<10000x64xi32>
    %convert_element_type3A = arith.extui %eq3A_6 : vector<10000x64xi1> to vector<10000x64xi32>
    %convert_element_type3A_7 = arith.sitofp %convert_element_type3A : vector<10000x64xi32> to vector<10000x64xf32>
    %dot_general3A = arith.constant dense<0.000000e+00> : vector<64x128xf32>
    %dot_general3A_8 = tpu.matmul %convert_element_type3A_7, %get3A_1, %dot_general3A {dimension_numbers = #tpu.dot_dimension_numbers<[0], [0], [1], [1], [0, 1, 1, 1], [], []>, precision = #tpu.contract_precision<fp32>, transpose_lhs_hint = false} : vector<10000x64xf32>, vector<10000x128xf32>, vector<64x128xf32> -> vector<64x128xf32>
    %reduce_sum3A = arith.constant dense<0.000000e+00> : vector<64xf32>
    %reduce_sum3A_9 = vector.multi_reduction <add>, %convert_element_type3A_7, %reduce_sum3A [0] : vector<10000x64xf32> to vector<64xf32>
    %broadcast_in_dim3A = vector.shape_cast %reduce_sum3A_9 : vector<64xf32> to vector<64x1xf32>
    %max3A = arith.constant 1.000000e+00 : f32
    %max3A_10 = vector.broadcast %max3A : f32 to vector<64x1xf32>
    %max3A_11 = arith.maximumf %broadcast_in_dim3A, %max3A_10 : vector<64x1xf32>
    %div3A = vector.broadcast %max3A_11 : vector<64x1xf32> to vector<64x128xf32>
    %div3A_12 = arith.divf %dot_general3A_8, %div3A : vector<64x128xf32>
    %scan3A = arith.constant 0 : i32
    %scan3A_13 = arith.constant 64 : i32
    %scan3A_14 = arith.addi %scan3A, %scan3A_13 : i32
    %scan3A_15 = arith.constant 1 : i32
    scf.for %scan3A_88 = %scan3A to %scan3A_14 step %scan3A_15  : i32 {
      %eq3A_89 = vector.broadcast %scan3A_88 : i32 to vector<10000x1xi32>
      %eq3A_90 = arith.cmpi eq, %get3A_4, %eq3A_89 : vector<10000x1xi32>
      %jit3A_91 = arith.constant 0xFF800000 : f32
      %broadcast_in_dim3A_92 = vector.shape_cast %eq3A_90 : vector<10000x1xi1> to vector<10000x1xi1>
      %broadcast_in_dim3A_93 = vector.broadcast %broadcast_in_dim3A_92 : vector<10000x1xi1> to vector<10000x128xi1>
      %broadcast_in_dim3A_94 = vector.broadcast %jit3A_91 : f32 to vector<10000x128xf32>
      %select_n3A_95 = arith.select %broadcast_in_dim3A_93, %get3A_1, %broadcast_in_dim3A_94 : vector<10000x128xi1>, vector<10000x128xf32>
      %reduce_max3A = arith.constant dense<0xFF800000> : vector<128xf32>
      %reduce_max3A_96 = vector.multi_reduction <maximumf>, %select_n3A_95, %reduce_max3A [0] : vector<10000x128xf32> to vector<128xf32>
      %broadcast_in_dim3A_97 = vector.shape_cast %reduce_max3A_96 : vector<128xf32> to vector<1x128xf32>
      %swap3A_98 = arith.index_cast %scan3A_88 : i32 to index
      %swap3A_99 = arith.constant 0 : index
      %swap3A_100 = vector.load %arg9[%swap3A_98, %swap3A_99] : memref<64x128xf32, #tpu.memory_space<vmem>>, vector<1x128xf32>
      tpu.vector_store %arg9[%swap3A_98, %swap3A_99], %broadcast_in_dim3A_97 {strides = array<i32>} : memref<64x128xf32, #tpu.memory_space<vmem>>, vector<1x128xf32>,
    }
    %scan3A_16 = arith.constant 64 : i32
    %gt3A = arith.constant 0.000000e+00 : f32
    %gt3A_17 = vector.broadcast %gt3A : f32 to vector<64x1xf32>
    %gt3A_18 = arith.cmpf ogt, %broadcast_in_dim3A, %gt3A_17 : vector<64x1xf32>
    %get3A_19 = arith.constant 0 : index
    %get3A_20 = arith.constant 0 : index
    %get3A_21 = vector.load %arg9[%get3A_19, %get3A_20] : memref<64x128xf32, #tpu.memory_space<vmem>>, vector<64x128xf32>
    %jit3A = arith.constant 0.000000e+00 : f32
    %broadcast_in_dim3A_22 = vector.shape_cast %gt3A_18 : vector<64x1xi1> to vector<64x1xi1>
    %broadcast_in_dim3A_23 = vector.broadcast %broadcast_in_dim3A_22 : vector<64x1xi1> to vector<64x128xi1>
    %broadcast_in_dim3A_24 = vector.broadcast %jit3A : f32 to vector<64x128xf32>
    %select_n3A = arith.select %broadcast_in_dim3A_23, %get3A_21, %broadcast_in_dim3A_24 : vector<64x128xi1>, vector<64x128xf32>
    %concatenate3A = tpu.concatenate %div3A_12, %select_n3A in 1 : vector<64x128xf32>, vector<64x128xf32> -> vector<64x256xf32>
    %get3A_25 = arith.constant 0 : index
    %get3A_26 = arith.constant 0 : index
    %get3A_27 = vector.load %arg2[%get3A_25, %get3A_26] : memref<256x128xf32, #tpu.memory_space<vmem>>, vector<256x128xf32>
    %dot_general3A_28 = arith.constant dense<0.000000e+00> : vector<64x128xf32>
    %dot_general3A_29 = tpu.matmul %concatenate3A, %get3A_27, %dot_general3A_28 {dimension_numbers = #tpu.dot_dimension_numbers<[1], [0], [0], [1], [0, 0, 1, 1], [], []>, precision = #tpu.contract_precision<fp32>, transpose_lhs_hint = false} : vector<64x256xf32>, vector<256x128xf32>, vector<64x128xf32> -> vector<64x128xf32>
    %get3A_30 = arith.constant 0 : index
    %get3A_31 = arith.constant 0 : index
    %get3A_32 = vector.load %arg3[%get3A_30, %get3A_31] : memref<1x128xf32, #tpu.memory_space<vmem>>, vector<1x128xf32>
    %add3A = vector.broadcast %get3A_32 : vector<1x128xf32> to vector<64x128xf32>
    %add3A_33 = arith.addf %dot_general3A_29, %add3A : vector<64x128xf32>
    %reduce_sum3A_34 = arith.constant dense<0.000000e+00> : vector<128xf32>
    %reduce_sum3A_35 = vector.multi_reduction <add>, %add3A_33, %reduce_sum3A_34 [0] : vector<64x128xf32> to vector<128xf32>
    %broadcast_in_dim3A_36 = vector.shape_cast %reduce_sum3A_35 : vector<128xf32> to vector<1x128xf32>
    %div3A_37 = arith.constant 6.400000e+01 : f32
    %div3A_38 = vector.broadcast %div3A_37 : f32 to vector<1x128xf32>
    %div3A_39 = arith.divf %broadcast_in_dim3A_36, %div3A_38 : vector<1x128xf32>
    %sub3A = vector.broadcast %div3A_39 : vector<1x128xf32> to vector<64x128xf32>
    %sub3A_40 = arith.subf %add3A_33, %sub3A : vector<64x128xf32>
    %integer_pow3A = arith.mulf %sub3A_40, %sub3A_40 : vector<64x128xf32>
    %reduce_sum3A_41 = arith.constant dense<0.000000e+00> : vector<128xf32>
    %reduce_sum3A_42 = vector.multi_reduction <add>, %integer_pow3A, %reduce_sum3A_41 [0] : vector<64x128xf32> to vector<128xf32>
    %broadcast_in_dim3A_43 = vector.shape_cast %reduce_sum3A_42 : vector<128xf32> to vector<1x128xf32>
    %div3A_44 = arith.constant 6.400000e+01 : f32
    %div3A_45 = vector.broadcast %div3A_44 : f32 to vector<1x128xf32>
    %div3A_46 = arith.divf %broadcast_in_dim3A_43, %div3A_45 : vector<1x128xf32>
    %sub3A_47 = vector.broadcast %div3A_39 : vector<1x128xf32> to vector<64x128xf32>
    %sub3A_48 = arith.subf %add3A_33, %sub3A_47 : vector<64x128xf32>
    %add3A_49 = arith.constant 9.99999974E-6 : f32
    %add3A_50 = vector.broadcast %add3A_49 : f32 to vector<1x128xf32>
    %add3A_51 = arith.addf %div3A_46, %add3A_50 : vector<1x128xf32>
    %sqrt3A = math.sqrt %add3A_51 : vector<1x128xf32>
    %div3A_52 = vector.broadcast %sqrt3A : vector<1x128xf32> to vector<64x128xf32>
    %div3A_53 = arith.divf %sub3A_48, %div3A_52 : vector<64x128xf32>
    %get3A_54 = arith.constant 0 : index
    %get3A_55 = arith.constant 0 : index
    %get3A_56 = vector.load %arg4[%get3A_54, %get3A_55] : memref<1x128xf32, #tpu.memory_space<vmem>>, vector<1x128xf32>
    %mul3A = vector.broadcast %get3A_56 : vector<1x128xf32> to vector<64x128xf32>
    %mul3A_57 = arith.mulf %div3A_53, %mul3A : vector<64x128xf32>
    %get3A_58 = arith.constant 0 : index
    %get3A_59 = arith.constant 0 : index
    %get3A_60 = vector.load %arg5[%get3A_58, %get3A_59] : memref<1x128xf32, #tpu.memory_space<vmem>>, vector<1x128xf32>
    %add3A_61 = vector.broadcast %get3A_60 : vector<1x128xf32> to vector<64x128xf32>
    %add3A_62 = arith.addf %mul3A_57, %add3A_61 : vector<64x128xf32>
    %max3A_63 = arith.constant 0.000000e+00 : f32
    %max3A_64 = vector.broadcast %max3A_63 : f32 to vector<64x128xf32>
    %max3A_65 = arith.maximumf %add3A_62, %max3A_64 : vector<64x128xf32>
    %get3A_66 = arith.constant 0 : index
    %get3A_67 = arith.constant 0 : index
    %get3A_68 = vector.load %arg6[%get3A_66, %get3A_67] : memref<128x256xf32, #tpu.memory_space<vmem>>, vector<128x256xf32>
    %dot_general3A_69 = arith.constant dense<0.000000e+00> : vector<64x256xf32>
    %dot_general3A_70 = tpu.matmul %max3A_65, %get3A_68, %dot_general3A_69 {dimension_numbers = #tpu.dot_dimension_numbers<[1], [0], [0], [1], [0, 0, 1, 1], [], []>, precision = #tpu.contract_precision<fp32>, transpose_lhs_hint = false} : vector<64x128xf32>, vector<128x256xf32>, vector<64x256xf32> -> vector<64x256xf32>
    %get3A_71 = arith.constant 0 : index
    %get3A_72 = arith.constant 0 : index
    %get3A_73 = vector.load %arg7[%get3A_71, %get3A_72] : memref<1x256xf32, #tpu.memory_space<vmem>>, vector<1x256xf32>
    %add3A_74 = vector.broadcast %get3A_73 : vector<1x256xf32> to vector<64x256xf32>
    %add3A_75 = arith.addf %dot_general3A_70, %add3A_74 : vector<64x256xf32>
    %mul3A_76 = arith.mulf %add3A_75, %add3A_75 : vector<64x256xf32>
    %reduce_sum3A_77 = arith.constant dense<0.000000e+00> : vector<64xf32>
    %reduce_sum3A_78 = vector.multi_reduction <add>, %mul3A_76, %reduce_sum3A_77 [1] : vector<64x256xf32> to vector<64xf32>
    %broadcast_in_dim3A_79 = vector.shape_cast %reduce_sum3A_78 : vector<64xf32> to vector<64x1xf32>
    %sqrt3A_80 = math.sqrt %broadcast_in_dim3A_79 : vector<64x1xf32>
    %max3A_81 = arith.constant 9.99999996E-13 : f32
    %max3A_82 = vector.broadcast %max3A_81 : f32 to vector<64x1xf32>
    %max3A_83 = arith.maximumf %sqrt3A_80, %max3A_82 : vector<64x1xf32>
    %div3A_84 = vector.broadcast %max3A_83 : vector<64x1xf32> to vector<64x256xf32>
    %div3A_85 = arith.divf %add3A_75, %div3A_84 : vector<64x256xf32>
    %swap3A = arith.constant 0 : index
    %swap3A_86 = arith.constant 0 : index
    %swap3A_87 = vector.load %arg8[%swap3A, %swap3A_86] : memref<64x256xf32, #tpu.memory_space<vmem>>, vector<64x256xf32>
    tpu.vector_store %arg8[%swap3A, %swap3A_86], %div3A_85 {strides = array<i32>} : memref<64x256xf32, #tpu.memory_space<vmem>>, vector<64x256xf32>,
    return
  }
}

</mosaic_0001>

<sc_bundles>
// kernel: kernel.29.cloned.1.call-start
scs
__scs_entry_jumppad:
0x0: {  	(pc) =	sbr.rel $0x88, $3  }
0x1: {  	(tag) =	ssettag $0x0;
	lr =	simm.s32 $0x1  }
0x2: {  	[smem:$0x3F65] =	sst lr;
	_ =	strace $0xD0000000  }
0x3: {  	_ = 	snop  }
0x4: {  	_ = 	snop  }
0x5: {  	_ = 	snop  }
0x6: {  	_ = 	snop  }
0x7: {  	_ = 	snop  }
__scs_overlays_trampoline_lowered:
0x8: {  	[smem:$0x3F74] =	sst s0  }
0x9: {  	[smem:$0x3F75] =	sst s1  }
0xa: {  	[smem:$0x3F76] =	sst s2  }
0xb: {  	[smem:$0x3F77] =	sst s3  }
0xc: {  	[smem:$0x3F78] =	sst s4  }
0xd: {  	[smem:$0x3F79] =	sst s5  }
0xe: {  	[smem:$0x3F7A] =	sst s6  }
0xf: {  	[smem:$0x3F7B] =	sst s7  }
0x10: {  	[smem:$0x3F7C] =	sst s8  }
0x11: {  	[smem:$0x3F7D] =	sst s9;
	s0 =	simm.s32 @!p0 $0x0  }
0x12: {  	s1 =	sld [smem:$0x3F63];
	s0 =	simm.s32 @p0 $0x1  }
0x13: {  	[smem:$0x3F7E] =	sst s0;
	s0 =	simm.s32 @!p1 $0x0  }
0x14: {  	s2 =	sld [smem:$0x3F62];
	s0 =	simm.s32 @p1 $0x1  }
0x15: {  	[smem:$0x3F7F] =	sst s0;
	s0 =	simm.s32 @!p2 $0x0  }
0x16: {  	s3 =	sld [smem:$0x3FDB];
	s0 =	simm.s32 @p2 $0x1  }
0x17: {  	s4 =	simm.s32 $0x1BF5;
	[smem:$0x3F81] =	sst s0  }
0x18: {  	s0 =	sld [smem:$0x3F64];
	_ =	swait.ge [sflag:s4], $0x0  }
0x19: {  	s7 =	sld [smem:$0x3F65]  }
0x1a: {  	s8 =	sadd.s32 $0xFFFFE003, lr  }
0x1b: {  	s9 =	sadd.s32 $0xFFFFFEF7, lr;
	s5 =	simm.s32 $0xFFFFFFFF;
	p2 =	slt.u32 s8, $0xFFFFF086  }
0x1c: {  	p1 =	slt.u32 s9, $0xF7A;
	s5 =	simm.s32 @!p2 $0x0  }
0x1d: {  	s5 =	simm.s32 @p1 $0x1;
	p0 =	seq.s32 s7, s2  }
0x1e: {  	s7 =	smul.u32 @!p0 $0xF7A, s2;
	p2 =	seq.s32 @!p0 s5, $0x0  }
0x1f: {  	s9 =	smul.u32 $0xF7A, s1;
	s8 =	simm.s32 @!p0 $0x1BF5;
	p2 =	por !p2, p0  }
0x20: {  	[sflag:s8] =	ssyncset.s32 @!p0 $0xFFFFF086;
	s6 =	sadd.s32 @!p0 s3, s7;
	s7 =	simm.s32 @!p0 $0x108  }
0x21: {  	s3 =	sadd.s32 s3, s9;
	s6 =	sadd.s32 @!p0 $0x88, s6;
	s7 =	simm.s32 @p2 $0x1082  }
0x22: {  	[simem:s7], [sflag:s8] =	dma.local @!p0 [hbm:s6], $0xF7A  }
0x23: {  	s9 =	sor.u32 $0xD0000000, s2;
	s6 =	simm.s32 $0x108;
	_ =	swait.ge @!p0 [sflag:s8], $0x0  }
0x24: {  	s3 =	sadd.s32 $0x88, s3;
	s6 =	simm.s32 @!p1 $0x1082;
	[sflag:s4] =	ssyncset.s32 $0xFFFFF086  }
0x25: {  	[simem:s6], [sflag:s4] =	dma.local [hbm:s3], $0xF7A  }
0x26: {  	[smem:$0x3F65] =	sst s1;
	(tag) =	ssettag s2;
	_ =	strace s9  }
0x27: {  	s1 =	sld [smem:$0x3F75]  }
0x28: {  	s2 =	sld [smem:$0x3F76]  }
0x29: {  	s4 =	sld [smem:$0x3F78]  }
0x2a: {  	p0 =	seq.s32 s5, $0x0;
	s5 =	sld [smem:$0x3F79]  }
0x2b: {  	s6 =	sld [smem:$0x3F7A]  }
0x2c: {  	s7 =	sld [smem:$0x3F7B]  }
0x2d: {  	s3 =	simm.s32 $0x108;
	s8 =	sld [smem:$0x3F7C]  }
0x2e: {  	s3 =	simm.s32 @!p0 $0x1082;
	s9 =	sld [smem:$0x3F7D]  }
0x2f: {  	lr =	sadd.s32 s0, s3;
	s0 =	sld [smem:$0x3F74]  }
0x30: {  	s3 =	sld [smem:$0x3F77]  }
0x31: {  	[smem:$0x3F80] =	sst s10  }
0x32: {  	s10 =	sld [smem:$0x3F7E];
	_ =	sdelay $0x3  }
0x33: {  	p0 =	seq.s32 s10, $0x1;
	s10 =	sld [smem:$0x3F80];
	_ =	sdelay $0x3  }
0x34: {  	[smem:$0x3F80] =	sst s10  }
0x35: {  	s10 =	sld [smem:$0x3F7F];
	_ =	sdelay $0x3  }
0x36: {  	p1 =	seq.s32 s10, $0x1;
	s10 =	sld [smem:$0x3F80];
	_ =	sdelay $0x3  }
0x37: {  	[smem:$0x3F80] =	sst s10  }
0x38: {  	s10 =	sld [smem:$0x3F81]  }
0x39: {  	_ = 	snop;
	(pc) =	sbr.ind lr, $3  }
0x3a: {  	_ = 	snop  }
0x3b: {  	_ = 	snop  }
0x3c: {  	p2 =	seq.s32 s10, $0x1;
	s10 =	sld [smem:$0x3F80]  }
0x3d: {  	_ =	shalt  }
0x3e: {  	_ =	shalt  }
0x3f: {  	_ =	shalt  }
0x40: {  	_ =	shalt  }
0x41: {  	_ =	shalt  }
0x42: {  	_ =	shalt  }
0x43: {  	_ =	shalt  }
0x44: {  	_ =	shalt  }
0x45: {  	_ =	shalt  }
0x46: {  	_ =	shalt  }
0x47: {  	_ =	shalt  }
0x48: {  	_ =	shalt  }
0x49: {  	_ =	shalt  }
0x4a: {  	_ =	shalt  }
0x4b: {  	_ =	shalt  }
0x4c: {  	_ =	shalt  }
0x4d: {  	_ =	shalt  }
0x4e: {  	_ =	shalt  }
0x4f: {  	_ =	shalt  }
0x50: {  	_ =	shalt  }
0x51: {  	_ =	shalt  }
0x52: {  	_ =	shalt  }
0x53: {  	_ =	shalt  }
0x54: {  	_ =	shalt  }
0x55: {  	_ =	shalt  }
0x56: {  	_ =	shalt  }
0x57: {  	_ =	shalt  }
0x58: {  	_ =	shalt  }
0x59: {  	_ =	shalt  }
0x5a: {  	_ =	shalt  }
0x5b: {  	_ =	shalt  }
0x5c: {  	_ =	shalt  }
0x5d: {  	_ =	shalt  }
0x5e: {  	_ =	shalt  }
0x5f: {  	_ =	shalt  }
0x60: {  	_ =	shalt  }
0x61: {  	_ =	shalt  }
0x62: {  	_ =	shalt  }
0x63: {  	_ =	shalt  }
0x64: {  	_ =	shalt  }
0x65: {  	_ =	shalt  }
0x66: {  	_ =	shalt  }
0x67: {  	_ =	shalt  }
0x68: {  	_ =	shalt  }
0x69: {  	_ =	shalt  }
0x6a: {  	_ =	shalt  }
0x6b: {  	_ =	shalt  }
0x6c: {  	_ =	shalt  }
0x6d: {  	_ =	shalt  }
0x6e: {  	_ =	shalt  }
0x6f: {  	_ =	shalt  }
0x70: {  	_ =	shalt  }
0x71: {  	_ =	shalt  }
0x72: {  	_ =	shalt  }
0x73: {  	_ =	shalt  }
0x74: {  	_ =	shalt  }
0x75: {  	_ =	shalt  }
0x76: {  	_ =	shalt  }
0x77: {  	_ =	shalt  }
0x78: {  	_ =	shalt  }
0x79: {  	_ =	shalt  }
0x7a: {  	_ =	shalt  }
0x7b: {  	_ =	shalt  }
0x7c: {  	_ =	shalt  }
0x7d: {  	_ =	shalt  }
0x7e: {  	_ =	shalt  }
0x7f: {  	_ =	shalt  }
0x80: {  	_ =	shalt  }
0x81: {  	_ =	shalt  }
0x82: {  	_ =	shalt  }
0x83: {  	_ =	shalt  }
0x84: {  	_ =	shalt  }
0x85: {  	_ =	shalt  }
0x86: {  	_ =	shalt  }
0x87: {  	_ =	shalt  }
.Lfunc_end0:
.L_simem_size_0:
called_computation_lowered:
.L_overlay_start_0:
0x88: {  	s2 =	sld [smem:$0x3FD9]  }
0x89: {  	s3 =	sld [smem:$0x3FFE];
	_ =	sdelay $0x1  }
0x8a: {  	s1 =	srdreg.scid  }
0x8b: {  	s0 =	sand.u32 $0x1, s1  }
0x8c: {  	s17 =	sshll.u32 s0, $0xA;
	s2 =	sadd.s32 s3, s2  }
0x8d: {  	s2 =	sadd.s32 s2, s17  }
0x8e: {  	[smem:$0x3F8C] =	sst s2  }
0x8f: {  	_ = 	snop  }
0x90: {  	(tm) =	ssettm $0x1  }
0x91: {  	s18 =	sld [smem:$0x3FFB];
	_ =	sdelay $0x3  }
0x92: {  	_ =	strace s18  }
0x93: {  	s2 =	sld [smem:$0x3FFC];
	_ =	sdelay $0x3  }
0x94: {  	_ =	strace s2  }
0x95: {  	s2 =	sld [smem:$0x3FFD];
	_ =	sdelay $0x3  }
0x96: {  	_ =	strace s2  }
0x97: {  	_ =	strace $0x8FFFFFFF  }
0x98: {  	s19 =	sld [smem:$0x3FDB];
	_ =	sdelay $0x1  }
0x99: {  	s20 =	simm.s32 $_scs_section_size  }
0x9a: {  	s4 =	simm.s32 $_size__tile_overlayer_lowered;
	s5 =	simm.s32 $_tile_overlayer_lowered  }
0x9b: {  	s6 =	simm.s32 $0x1BFF;
	s21 =	sshll.u32 s5, $0x1;
	s3 =	sadd.s32 s20, s19  }
0x9c: {  	s22 =	simm.s32 $0x0;
	s4 =	sshll.u32 s4, $0x1;
	s5 =	sadd.s32 s21, s3  }
0x9d: {  	[timem:s22], [sflag:s6] =	dma.local [hbm:s5], s4  }
0x9e: {  	_ =	swait.ge [sflag:s6], s4  }
0x9f: {  	s4 =	ssub.s32 $0x0, s4;
	[sflag:s6] =	ssyncset.done $0x0  }
0xa0: {  	[sflag:s6] =	ssyncadd.s32 s4;
	_ =	sdelay $0x1  }
0xa1: {  	s23 =	simm.s32 $0x1B8B  }
0xa2: {  	_ =	swait.ge [sflag:s23], $0x1  }
0xa3: {  	[sflag:s23] =	ssyncset.done $0x0  }
0xa4: {  	[sflag:s23] =	ssyncadd.s32 $0xFFFFFFFF  }
0xa5: {  	s4 =	sld [smem:$0x0]  }
0xa6: {  	s5 =	sand.u32 $0xFFFFFFFE, s1  }
0xa7: {  	p0 =	sne.s32 s1, s5  }
0xa8: {  	s5 =	sshll.u32 @p0 s5, $0xE  }
0xa9: {  	s5 =	sadd.s32 @p0 $0x11B8D, s5;
	s6 =	sshll.u32 @p0 s4, $0x11  }
0xaa: {  	s5 =	sor.u32 @p0 s6, s5  }
0xab: {  	[sflag:s5] =	ssyncadd.remote.s32 @p0 $0x1;
	_ =	sdelay $0x1  }
0xac: {  	s5 =	simm.s32 @p0 $0x1B8D  }
0xad: {  	_ =	swait.eq @p0 [sflag:s5], $0x1  }
0xae: {  	[sflag:s5] =	ssyncadd.s32 @p0 $0xFFFFFFFF  }
0xaf: {  	s6 =	sshll.u32 @!p0 s1, $0xE  }
0xb0: {  	s6 =	sor.u32 @!p0 $0x4000, s6;
	s5 =	simm.s32 @!p0 $0x1B8D  }
0xb1: {  	s4 =	sshll.u32 @!p0 s4, $0x11;
	s6 =	sadd.s32 @!p0 $0x11B8D, s6;
	_ =	swait.eq @!p0 [sflag:s5], $0x1  }
0xb2: {  	s4 =	sor.u32 @!p0 s4, s6;
	[sflag:s5] =	ssyncadd.s32 @!p0 $0xFFFFFFFF  }
0xb3: {  	s25 =	simm.s32 $0x1B8E;
	s24 =	sld [smem:$0x3FFE];
	[sflag:s4] =	ssyncadd.remote.s32 @!p0 $0x1  }
0xb4: {  	s26 =	simm.s32 $execute0_lowered;
	[smem:$0x3FD2] =	sst s25  }
0xb5: {  	s5 =	sshll.u32 s26, $0x1;
	_ =	strace $0x80000049;
	[dreg:$0x1] =	wrdreg $0xFFFFFFFF  }
0xb6: {  	s28 =	simm.s32 $_size_execute0_lowered;
	s3 =	sadd.s32 s3, s5;
	[dreg:$0x0] =	wrdreg $0x0  }
0xb7: {  	s5 =	sshll.u32 s28, $0x1;
	[dreg:$0x2] =	wrdreg s3  }
0xb8: {  	[dreg:$0x3] =	wrdreg s5  }
0xb9: {  	[dreg:$0x4] =	wrdreg $0xC0  }
0xba: {  	_ =	task [dreg:s22], $0x5FFFF  }
0xbb: {  	[dreg:$0x1] =	wrdreg $0xFFFFFFFF  }
0xbc: {  	[dreg:$0x0] =	wrdreg $0x60  }
0xbd: {  	[dreg:$0x2] =	wrdreg s24  }
0xbe: {  	[dreg:$0x3] =	wrdreg $0x68000  }
0xbf: {  	[dreg:$0x4] =	wrdreg $0x9  }
0xc0: {  	_ =	task.clear_ibuf [dreg:s22], $0x5FFFF;
	_ =	strace $0x90000049  }
0xc1: {  	s29 =	simm.s32 $0x9;
	_ =	strace $0x8000004B  }
0xc2: {  	_ =	swait.ge [sflag:s29], $0x1  }
0xc3: {  	[sflag:s29] =	ssyncadd.s32 $0xFFFFFFFF  }
0xc4: {  	_ =	strace $0x9000004B  }
0xc5: {  	_ =	sfence  }
0xc6: {  	s30 =	sld [smem:$0x0];
	_ =	sdelay $0x2  }
0xc7: {  	s31 =	sshll.u32 s1, $0xD;
	s1 =	sshrl.u32 s1, $0x2  }
0xc8: {  	s4 =	sand.u32 $0x4000, s31;
	s1 =	sadd.s32 s1, s30  }
0xc9: {  	s0 =	sor.u32 s4, s0;
	s1 =	sshll.u32 s1, $0x11  }
0xca: {  	s0 =	sor.u32 s1, s0  }
0xcb: {  	s0 =	sadd.s32 $0x8F2B, s0  }
0xcc: {  	[sflag:s0] =	ssyncadd.remote.s32 $0x1  }
0xcd: {  	_ =	sfence.sel $0xFFFF  }
0xce: {  	[dreg:$0x0] =	wrdreg $0xFFFFFFFF;
	(pc) =	sbr.abs _section_cstart, $3  }
0xcf: {  	[dreg:$0x1] =	wrdreg $0xFFFFFFFF  }
0xd0: {  	_ =	task.clear_ibuf [dreg:s22], $0x2FFFF;
	_ =	strace $0x9FFFFFFF  }
0xd1: {  	(tm) =	ssettm $0x7FFFFFFF  }
tec
execute0_lowered:
.L_overlay_start_1:
0x0: {  	(tag) =	ssettag $0x1  }
0x1: {  	s4 =	rddreg [dreg:$0x0]  }
0x2: {  	s2 =	rddreg [dreg:$0x1]  }
0x3: {  	s0 =	rddreg [dreg:$0x2];
	s1 =	stileid.u32  }
0x4: {  	s5 =	srdreg.scid;
	s3 =	simm.s32 $0x0;
	s17 =	simm.s32 $0x4000  }
0x5: {  	s18 =	simm.s32 $0x50;
	s21 =	simm.s32 $0x0;
	s6 =	smul.u32 $0x4E200, s1  }
0x6: {  	s9 =	sand.u32 $0x1, s5;
	[smem:$0x7FF] =	sst s3;
	s10 =	smul.u32 $0x14000, s1  }
0x7: {  	s7 =	sshll.u32 s1, $0xC;
	s28 =	smul.u32 $0x50000, s1;
	s19 =	sshll.u32 s1, $0x6  }
0x8: {  	s5 =	smul.u32 $0x140000, s9;
	s8 =	sshll.u32 s9, $0xB;
	_ =	strace $0x8000004A  }
0x9: {  	s30 =	ssub.s32 $0x2, s9;
	s16 =	smul.u32 $0x27100, s9;
	s19 =	sor.u32 $0x1C01, s19  }
0xa: {  	s7 =	sor.u32 s8, s7;
	s14 =	sadd.s32 s6, s4;
	s8 =	sshrl.u32 s28, $0x2  }
0xb: {  	s31 =	sshrl.u32 s30, $0x1;
	s29 =	sadd.s32 s7, s4;
	s5 =	sadd.s32 s10, s5  }
0xc: {  	s15 =	ssub.s32 s30, s31;
	s16 =	sadd.s32 s16, s14;
	s5 =	sshrl.u32 s5, $0x3  }
0xd: {  	s14 =	smax.u32 s15, $0x1;
	s15 =	sadd.s32 $0x5ADE00, s16;
	s16 =	simm.s32 $0x1  }
0xe: {  	s13 =	sadd.s32 s5, s4;
	s4 =	sadd.s32 s8, s2;
	s5 =	sadd.s32 $0xDA00, s29  }
0xf: {  	s6 =	sadd.s32 $0x2800, s4;
	s7 =	sadd.s32 $0x5000, s4;
	s8 =	sadd.s32 $0x7800, s4  }
0x10: {  	s9 =	sadd.s32 $0xA000, s4;
	s10 =	sadd.s32 $0xC800, s4;
	s11 =	sadd.s32 $0xF000, s4  }
0x11: {  	v0 =	vimm.f32 $0.0e+00;
	s12 =	sadd.s32 $0x11800, s4;
	s13 =	sadd.s32 $0xCBE00, s13;
	s20 =	sshrl.u32 s4, $0x3  }
.LBB2_1:
0x12: {  	s22 =	simm.s32 $0x0;
	s23 =	simm.s32 $0x200  }
.LBB2_2:
0x13: {  	p0 =	sne.s32 s23, $0x9E00;
	[tilespmem:s22+$0x4070] =	vst v0  }
0x14: {  	[tilespmem:s22+$0x4000] =	vst v0  }
0x15: {  	[tilespmem:s22+$0x4010] =	vst v0  }
.Ltmp0:
0x16: {  	[tilespmem:s22+$0x4020] =	vst v0;
	(pc) =	sbr.rel @p0 .LBB2_2-.Ltmp0, $4  }
0x17: {  	[tilespmem:s22+$0x4030] =	vst v0  }
0x18: {  	[tilespmem:s22+$0x4040] =	vst v0  }
0x19: {  	[tilespmem:s22+$0x4050] =	vst v0  }
0x1a: {  	[tilespmem:s22+$0x4060] =	vst v0;
	s22 =	sshra.s32 s23, $0x2;
	s23 =	sadd.s32 $0x200, s23  }
0x1b: {  	[tilespmem:s22+$0x4070] =	vst v0  }
0x1c: {  	[tilespmem:s22+$0x4000] =	vst v0  }
0x1d: {  	[tilespmem:s22+$0x4010] =	vst v0  }
0x1e: {  	[tilespmem:s22+$0x4020] =	vst v0  }
0x1f: {  	[tilespmem:s22+$0x4030] =	vst v0  }
0x20: {  	[tilespmem:s22+$0x4040] =	vst v0  }
0x21: {  	[tilespmem:s22+$0x4050] =	vst v0  }
0x22: {  	[tilespmem:s22+$0x4060] =	vst v0;
	s30 =	simm.s32 $0x0  }
0x23: {  	[tilespmem:s30], [sflag:$0x1] =	stream.linear.gather [hbm4b:s5+s30], $0x3E80, $0x38;
	[tilespmem:$0x1A800] =	vst v63  }
0x24: {  	_ =	swait.ge [sflag:s16], $0x3E80  }
0x25: {  	[sflag:s16] =	ssyncset.done $0x0  }
0x26: {  	[sflag:s16] =	ssyncadd.s32 $0xFFFFC180  }
0x27: {  	[spmem:s4] =	stream.linear.scatter [tilespmem:s17], [sflag:$0x1], $0x2800, $0x38;
	[tilespmem:$0x1A800] =	vst v63  }
0x28: {  	_ =	swait.ge [sflag:s16], $0x2800  }
0x29: {  	[sflag:s16] =	ssyncset.done $0x0  }
0x2a: {  	[sflag:s16] =	ssyncadd.s32 $0xFFFFD800  }
0x2b: {  	[spmem:s6] =	stream.linear.scatter [tilespmem:s17], [sflag:$0x1], $0x2800, $0x38;
	[tilespmem:$0x1A800] =	vst v63  }
0x2c: {  	_ =	swait.ge [sflag:s16], $0x2800  }
0x2d: {  	[sflag:s16] =	ssyncset.done $0x0  }
0x2e: {  	[sflag:s16] =	ssyncadd.s32 $0xFFFFD800  }
0x2f: {  	[spmem:s7] =	stream.linear.scatter [tilespmem:s17], [sflag:$0x1], $0x2800, $0x38;
	[tilespmem:$0x1A800] =	vst v63  }
0x30: {  	_ =	swait.ge [sflag:s16], $0x2800  }
0x31: {  	[sflag:s16] =	ssyncset.done $0x0  }
0x32: {  	[sflag:s16] =	ssyncadd.s32 $0xFFFFD800  }
0x33: {  	[spmem:s8] =	stream.linear.scatter [tilespmem:s17], [sflag:$0x1], $0x2800, $0x38;
	[tilespmem:$0x1A800] =	vst v63  }
0x34: {  	_ =	swait.ge [sflag:s16], $0x2800  }
0x35: {  	[sflag:s16] =	ssyncset.done $0x0  }
0x36: {  	[sflag:s16] =	ssyncadd.s32 $0xFFFFD800  }
0x37: {  	[spmem:s9] =	stream.linear.scatter [tilespmem:s17], [sflag:$0x1], $0x2800, $0x38;
	[tilespmem:$0x1A800] =	vst v63  }
0x38: {  	_ =	swait.ge [sflag:s16], $0x2800  }
0x39: {  	[sflag:s16] =	ssyncset.done $0x0  }
0x3a: {  	[sflag:s16] =	ssyncadd.s32 $0xFFFFD800  }
0x3b: {  	[spmem:s10] =	stream.linear.scatter [tilespmem:s17], [sflag:$0x1], $0x2800, $0x38;
	[tilespmem:$0x1A800] =	vst v63  }
0x3c: {  	_ =	swait.ge [sflag:s16], $0x2800  }
0x3d: {  	[sflag:s16] =	ssyncset.done $0x0  }
0x3e: {  	[sflag:s16] =	ssyncadd.s32 $0xFFFFD800  }
0x3f: {  	[spmem:s11] =	stream.linear.scatter [tilespmem:s17], [sflag:$0x1], $0x2800, $0x38;
	[tilespmem:$0x1A800] =	vst v63  }
0x40: {  	_ =	swait.ge [sflag:s16], $0x2800  }
0x41: {  	[sflag:s16] =	ssyncset.done $0x0  }
0x42: {  	[sflag:s16] =	ssyncadd.s32 $0xFFFFD800  }
0x43: {  	[spmem:s12] =	stream.linear.scatter [tilespmem:s17], [sflag:$0x1], $0x2800, $0x38;
	[tilespmem:$0x1A800] =	vst v63  }
0x44: {  	_ =	swait.ge [sflag:s16], $0x2800  }
0x45: {  	[sflag:s16] =	ssyncset.done $0x0  }
0x46: {  	[sflag:s16] =	ssyncadd.s32 $0xFFFFD800  }
0x47: {  	[bflag:$0x0] =	sbarrier.arrive $0xFFFF  }
0x48: {  	[tilespmem:s17], [sflag:$0x1] =	stream.linear.gather [hbm4b:s15+s3], $0x2800, $0x38;
	[tilespmem:$0x1A800] =	vst v63  }
0x49: {  	_ =	swait.ge [sflag:s16], $0x2800  }
0x4a: {  	[sflag:s16] =	ssyncset.done $0x0  }
0x4b: {  	s31 =	simm.s32 $0x0;
	[sflag:s16] =	ssyncadd.s32 $0xFFFFD800  }
0x4c: {  	[spmem:s2] =	stream.indirect.scatter.add.f32 [tilespmem:s17], [sflag:$0x1], $0x80, s31, s18, $0xb8;
	[tilespmem:$0x1A800] =	vst v63  }
0x4d: {  	_ =	swait.ge [sflag:s16], $0x2800  }
0x4e: {  	s22 =	simm.s32 $0x200;
	s23 =	smov.u32 s15;
	[sflag:s16] =	ssyncset.done $0x0  }
.LBB2_4:
0x4f: {  	p0 =	sne.s32 s22, $0xF800;
	[sflag:s16] =	ssyncadd.s32 $0xFFFFD800;
	s23 =	sadd.s32 $0x500, s23  }
0x50: {  	[tilespmem:s17], [sflag:$0x1] =	stream.linear.gather [hbm4b:s23+s3], $0x2800, $0x38;
	[tilespmem:$0x1A800] =	vst v63  }
0x51: {  	s24 =	smov.u32 s22;
	s22 =	sadd.s32 $0x200, s22;
	_ =	swait.ge [sflag:s16], $0x2800  }
.Ltmp1:
0x52: {  	[sflag:s16] =	ssyncset.done $0x0;
	(pc) =	sbr.rel @p0 .LBB2_4-.Ltmp1, $4  }
0x53: {  	s24 =	sshra.s32 s24, $0x2;
	[sflag:s16] =	ssyncadd.s32 $0xFFFFD800  }
0x54: {  	[spmem:s2] =	stream.indirect.scatter.add.f32 [tilespmem:s17], [sflag:$0x1], $0x80, s24, s18, $0xb8;
	[tilespmem:$0x1A800] =	vst v63  }
0x55: {  	_ =	swait.ge [sflag:s16], $0x2800  }
0x56: {  	[sflag:s16] =	ssyncset.done $0x0  }
0x57: {  	s21 =	sadd.s32 $0x1, s21  }
0x58: {  	[sflag:s16] =	ssyncadd.s32 $0xFFFFD800;
	p0 =	sne.s32 s21, s14  }
.Ltmp2:
0x59: {  	[bflag:$0x0] =	sbarrier.arrive $0xFFFF;
	(pc) =	sbr.rel @p0 .LBB2_1-.Ltmp2, $4  }
0x5a: {  	[hbm:s13], [sflag:s19] =	dma.local [spmem:s20], $0x2800  }
0x5b: {  	_ =	swait.ge [sflag:s16], $0x2800  }
0x5c: {  	[sflag:s16] =	ssyncset.done $0x0  }
0x5d: {  	[sflag:s16] =	ssyncadd.s32 $0xFFFFD800  }
0x5e: {  	_ =	sfence.sel $0x180000  }
0x5f: {  	[bflag:$0x0] =	sbarrier.arrive $0xFFFF  }
0x60: {  	p0 =	sne.s32 s1, $0x0;
	_ =	strace $0x9000004A  }
0x61: {  	s0 =	sadd.s32 @!p0 $0x100000, s0;
	[bflag:$0x2] =	sbarrier.arrive $0xFFFF  }
0x62: {  	[sflag:s0] =	ssyncadd.tile.s32 @!p0 $0x1;
	_ =	shalt  }
.Lfunc_end2:
_tile_overlayer_lowered:
.L_overlay_start_2:
0x63: {  	(tag) =	ssettag $0x2  }
0x64: {  	s0 =	rddreg [dreg:$0x0];
	s2 =	stileid.u32  }
0x65: {  	s1 =	rddreg [dreg:$0x1];
	p0 =	sne.s32 s2, $0x0  }
0x66: {  	s3 =	rddreg [dreg:$0x2];
	[bflag:$0x3] =	sbarrier.arrive $0xFFFF;
	s2 =	simm.s32 @!p0 $0x1C01  }
0x67: {  	[timem:s3], [sflag:s2] =	dma.local @!p0 [hbm:s0], s1  }
0x68: {  	s0 =	simm.s32 @!p0 $0x1  }
0x69: {  	_ =	swait.ge @!p0 [sflag:s0], s1  }
0x6a: {  	s1 =	ssub.s32 @!p0 $0x0, s1;
	[sflag:s0] =	ssyncset.done @!p0 $0x0  }
0x6b: {  	[sflag:s0] =	ssyncadd.s32 @!p0 s1  }
0x6c: {  	[bflag:$0x3] =	sbarrier.arrive $0xFFFF  }
0x6d: {  	_ =	shalt  }

// kernel: kernel.32.cloned.1.call-start
scs
__scs_entry_jumppad:
0x0: {  	(pc) =	sbr.rel $0x88, $3  }
0x1: {  	(tag) =	ssettag $0x0;
	lr =	simm.s32 $0x1  }
0x2: {  	[smem:$0x3F65] =	sst lr;
	_ =	strace $0xD0000000  }
0x3: {  	_ = 	snop  }
0x4: {  	_ = 	snop  }
0x5: {  	_ = 	snop  }
0x6: {  	_ = 	snop  }
0x7: {  	_ = 	snop  }
__scs_overlays_trampoline_lowered:
0x8: {  	[smem:$0x3F74] =	sst s0  }
0x9: {  	[smem:$0x3F75] =	sst s1  }
0xa: {  	[smem:$0x3F76] =	sst s2  }
0xb: {  	[smem:$0x3F77] =	sst s3  }
0xc: {  	[smem:$0x3F78] =	sst s4  }
0xd: {  	[smem:$0x3F79] =	sst s5  }
0xe: {  	[smem:$0x3F7A] =	sst s6  }
0xf: {  	[smem:$0x3F7B] =	sst s7  }
0x10: {  	[smem:$0x3F7C] =	sst s8  }
0x11: {  	[smem:$0x3F7D] =	sst s9;
	s0 =	simm.s32 @!p0 $0x0  }
0x12: {  	s1 =	sld [smem:$0x3F63];
	s0 =	simm.s32 @p0 $0x1  }
0x13: {  	[smem:$0x3F7E] =	sst s0;
	s0 =	simm.s32 @!p1 $0x0  }
0x14: {  	s2 =	sld [smem:$0x3F62];
	s0 =	simm.s32 @p1 $0x1  }
0x15: {  	[smem:$0x3F7F] =	sst s0;
	s0 =	simm.s32 @!p2 $0x0  }
0x16: {  	s3 =	sld [smem:$0x3FDB];
	s0 =	simm.s32 @p2 $0x1  }
0x17: {  	s4 =	simm.s32 $0x1BF5;
	[smem:$0x3F81] =	sst s0  }
0x18: {  	s0 =	sld [smem:$0x3F64];
	_ =	swait.ge [sflag:s4], $0x0  }
0x19: {  	s7 =	sld [smem:$0x3F65]  }
0x1a: {  	s8 =	sadd.s32 $0xFFFFE003, lr  }
0x1b: {  	s9 =	sadd.s32 $0xFFFFFEF7, lr;
	s5 =	simm.s32 $0xFFFFFFFF;
	p2 =	slt.u32 s8, $0xFFFFF086  }
0x1c: {  	p1 =	slt.u32 s9, $0xF7A;
	s5 =	simm.s32 @!p2 $0x0  }
0x1d: {  	s5 =	simm.s32 @p1 $0x1;
	p0 =	seq.s32 s7, s2  }
0x1e: {  	s7 =	smul.u32 @!p0 $0xF7A, s2;
	p2 =	seq.s32 @!p0 s5, $0x0  }
0x1f: {  	s9 =	smul.u32 $0xF7A, s1;
	s8 =	simm.s32 @!p0 $0x1BF5;
	p2 =	por !p2, p0  }
0x20: {  	[sflag:s8] =	ssyncset.s32 @!p0 $0xFFFFF086;
	s6 =	sadd.s32 @!p0 s3, s7;
	s7 =	simm.s32 @!p0 $0x108  }
0x21: {  	s3 =	sadd.s32 s3, s9;
	s6 =	sadd.s32 @!p0 $0x88, s6;
	s7 =	simm.s32 @p2 $0x1082  }
0x22: {  	[simem:s7], [sflag:s8] =	dma.local @!p0 [hbm:s6], $0xF7A  }
0x23: {  	s9 =	sor.u32 $0xD0000000, s2;
	s6 =	simm.s32 $0x108;
	_ =	swait.ge @!p0 [sflag:s8], $0x0  }
0x24: {  	s3 =	sadd.s32 $0x88, s3;
	s6 =	simm.s32 @!p1 $0x1082;
	[sflag:s4] =	ssyncset.s32 $0xFFFFF086  }
0x25: {  	[simem:s6], [sflag:s4] =	dma.local [hbm:s3], $0xF7A  }
0x26: {  	[smem:$0x3F65] =	sst s1;
	(tag) =	ssettag s2;
	_ =	strace s9  }
0x27: {  	s1 =	sld [smem:$0x3F75]  }
0x28: {  	s2 =	sld [smem:$0x3F76]  }
0x29: {  	s4 =	sld [smem:$0x3F78]  }
0x2a: {  	p0 =	seq.s32 s5, $0x0;
	s5 =	sld [smem:$0x3F79]  }
0x2b: {  	s6 =	sld [smem:$0x3F7A]  }
0x2c: {  	s7 =	sld [smem:$0x3F7B]  }
0x2d: {  	s3 =	simm.s32 $0x108;
	s8 =	sld [smem:$0x3F7C]  }
0x2e: {  	s3 =	simm.s32 @!p0 $0x1082;
	s9 =	sld [smem:$0x3F7D]  }
0x2f: {  	lr =	sadd.s32 s0, s3;
	s0 =	sld [smem:$0x3F74]  }
0x30: {  	s3 =	sld [smem:$0x3F77]  }
0x31: {  	[smem:$0x3F80] =	sst s10  }
0x32: {  	s10 =	sld [smem:$0x3F7E];
	_ =	sdelay $0x3  }
0x33: {  	p0 =	seq.s32 s10, $0x1;
	s10 =	sld [smem:$0x3F80];
	_ =	sdelay $0x3  }
0x34: {  	[smem:$0x3F80] =	sst s10  }
0x35: {  	s10 =	sld [smem:$0x3F7F];
	_ =	sdelay $0x3  }
0x36: {  	p1 =	seq.s32 s10, $0x1;
	s10 =	sld [smem:$0x3F80];
	_ =	sdelay $0x3  }
0x37: {  	[smem:$0x3F80] =	sst s10  }
0x38: {  	s10 =	sld [smem:$0x3F81]  }
0x39: {  	_ = 	snop;
	(pc) =	sbr.ind lr, $3  }
0x3a: {  	_ = 	snop  }
0x3b: {  	_ = 	snop  }
0x3c: {  	p2 =	seq.s32 s10, $0x1;
	s10 =	sld [smem:$0x3F80]  }
0x3d: {  	_ =	shalt  }
0x3e: {  	_ =	shalt  }
0x3f: {  	_ =	shalt  }
0x40: {  	_ =	shalt  }
0x41: {  	_ =	shalt  }
0x42: {  	_ =	shalt  }
0x43: {  	_ =	shalt  }
0x44: {  	_ =	shalt  }
0x45: {  	_ =	shalt  }
0x46: {  	_ =	shalt  }
0x47: {  	_ =	shalt  }
0x48: {  	_ =	shalt  }
0x49: {  	_ =	shalt  }
0x4a: {  	_ =	shalt  }
0x4b: {  	_ =	shalt  }
0x4c: {  	_ =	shalt  }
0x4d: {  	_ =	shalt  }
0x4e: {  	_ =	shalt  }
0x4f: {  	_ =	shalt  }
0x50: {  	_ =	shalt  }
0x51: {  	_ =	shalt  }
0x52: {  	_ =	shalt  }
0x53: {  	_ =	shalt  }
0x54: {  	_ =	shalt  }
0x55: {  	_ =	shalt  }
0x56: {  	_ =	shalt  }
0x57: {  	_ =	shalt  }
0x58: {  	_ =	shalt  }
0x59: {  	_ =	shalt  }
0x5a: {  	_ =	shalt  }
0x5b: {  	_ =	shalt  }
0x5c: {  	_ =	shalt  }
0x5d: {  	_ =	shalt  }
0x5e: {  	_ =	shalt  }
0x5f: {  	_ =	shalt  }
0x60: {  	_ =	shalt  }
0x61: {  	_ =	shalt  }
0x62: {  	_ =	shalt  }
0x63: {  	_ =	shalt  }
0x64: {  	_ =	shalt  }
0x65: {  	_ =	shalt  }
0x66: {  	_ =	shalt  }
0x67: {  	_ =	shalt  }
0x68: {  	_ =	shalt  }
0x69: {  	_ =	shalt  }
0x6a: {  	_ =	shalt  }
0x6b: {  	_ =	shalt  }
0x6c: {  	_ =	shalt  }
0x6d: {  	_ =	shalt  }
0x6e: {  	_ =	shalt  }
0x6f: {  	_ =	shalt  }
0x70: {  	_ =	shalt  }
0x71: {  	_ =	shalt  }
0x72: {  	_ =	shalt  }
0x73: {  	_ =	shalt  }
0x74: {  	_ =	shalt  }
0x75: {  	_ =	shalt  }
0x76: {  	_ =	shalt  }
0x77: {  	_ =	shalt  }
0x78: {  	_ =	shalt  }
0x79: {  	_ =	shalt  }
0x7a: {  	_ =	shalt  }
0x7b: {  	_ =	shalt  }
0x7c: {  	_ =	shalt  }
0x7d: {  	_ =	shalt  }
0x7e: {  	_ =	shalt  }
0x7f: {  	_ =	shalt  }
0x80: {  	_ =	shalt  }
0x81: {  	_ =	shalt  }
0x82: {  	_ =	shalt  }
0x83: {  	_ =	shalt  }
0x84: {  	_ =	shalt  }
0x85: {  	_ =	shalt  }
0x86: {  	_ =	shalt  }
0x87: {  	_ =	shalt  }
.Lfunc_end0:
.L_simem_size_0:
called_computation.1_lowered:
.L_overlay_start_0:
0x88: {  	s2 =	sld [smem:$0x3FD9]  }
0x89: {  	s3 =	sld [smem:$0x3FFE];
	_ =	sdelay $0x1  }
0x8a: {  	s1 =	srdreg.scid  }
0x8b: {  	s0 =	sand.u32 $0x1, s1  }
0x8c: {  	s16 =	sshll.u32 s0, $0xA;
	s2 =	sadd.s32 s3, s2  }
0x8d: {  	s2 =	sadd.s32 s2, s16  }
0x8e: {  	[smem:$0x3F8C] =	sst s2  }
0x8f: {  	_ = 	snop  }
0x90: {  	(tm) =	ssettm $0x1  }
0x91: {  	s17 =	sld [smem:$0x3FFB];
	_ =	sdelay $0x3  }
0x92: {  	_ =	strace s17  }
0x93: {  	s2 =	sld [smem:$0x3FFC];
	_ =	sdelay $0x3  }
0x94: {  	_ =	strace s2  }
0x95: {  	s2 =	sld [smem:$0x3FFD];
	_ =	sdelay $0x3  }
0x96: {  	_ =	strace s2  }
0x97: {  	_ =	strace $0x8FFFFFFF  }
0x98: {  	s18 =	sld [smem:$0x3FDB];
	_ =	sdelay $0x1  }
0x99: {  	s19 =	simm.s32 $_scs_section_size  }
0x9a: {  	s4 =	simm.s32 $_size__tile_overlayer_lowered;
	s5 =	simm.s32 $_tile_overlayer_lowered  }
0x9b: {  	s22 =	simm.s32 $0x1BFF;
	s21 =	sshll.u32 s5, $0x1;
	s2 =	sadd.s32 s19, s18  }
0x9c: {  	s6 =	simm.s32 $0x0;
	s20 =	sshll.u32 s4, $0x1;
	s4 =	sadd.s32 s21, s2  }
0x9d: {  	[timem:s6], [sflag:s22] =	dma.local [hbm:s4], s20  }
0x9e: {  	_ =	swait.ge [sflag:s22], s20  }
0x9f: {  	s3 =	ssub.s32 $0x0, s20;
	[sflag:s22] =	ssyncset.done $0x0  }
0xa0: {  	[sflag:s22] =	ssyncadd.s32 s3;
	_ =	sdelay $0x1  }
0xa1: {  	s23 =	simm.s32 $0x1B8B  }
0xa2: {  	_ =	swait.ge [sflag:s23], $0x1  }
0xa3: {  	[sflag:s23] =	ssyncset.done $0x0  }
0xa4: {  	s25 =	simm.s32 $0x1B8E;
	s24 =	sld [smem:$0x3FFE];
	[sflag:s23] =	ssyncadd.s32 $0xFFFFFFFF  }
0xa5: {  	s26 =	simm.s32 $execute0_lowered;
	[smem:$0x3FD2] =	sst s25  }
0xa6: {  	s4 =	sshll.u32 s26, $0x1;
	_ =	strace $0x80000046;
	[dreg:$0x1] =	wrdreg $0xFFFFFFFF  }
0xa7: {  	s28 =	simm.s32 $_size_execute0_lowered;
	s2 =	sadd.s32 s2, s4;
	[dreg:$0x0] =	wrdreg $0x0  }
0xa8: {  	s4 =	sshll.u32 s28, $0x1;
	[dreg:$0x2] =	wrdreg s2  }
0xa9: {  	[dreg:$0x3] =	wrdreg s4  }
0xaa: {  	[dreg:$0x4] =	wrdreg $0xC0  }
0xab: {  	_ =	task [dreg:s6], $0x5FFFF  }
0xac: {  	[dreg:$0x1] =	wrdreg $0xFFFFFFFF  }
0xad: {  	[dreg:$0x0] =	wrdreg $0x60  }
0xae: {  	[dreg:$0x2] =	wrdreg s24  }
0xaf: {  	[dreg:$0x3] =	wrdreg $0xA8000  }
0xb0: {  	[dreg:$0x4] =	wrdreg $0xA  }
0xb1: {  	_ =	task.clear_ibuf [dreg:s6], $0x5FFFF;
	_ =	strace $0x90000046  }
0xb2: {  	s29 =	simm.s32 $0xA;
	_ =	strace $0x80000048  }
0xb3: {  	_ =	swait.ge [sflag:s29], $0x1  }
0xb4: {  	[sflag:s29] =	ssyncadd.s32 $0xFFFFFFFF  }
0xb5: {  	_ =	strace $0x90000048  }
0xb6: {  	_ =	sfence  }
0xb7: {  	s30 =	sld [smem:$0x0];
	_ =	sdelay $0x2  }
0xb8: {  	s31 =	sshll.u32 s1, $0xD;
	s1 =	sshrl.u32 s1, $0x2  }
0xb9: {  	s3 =	sand.u32 $0x4000, s31;
	s1 =	sadd.s32 s1, s30  }
0xba: {  	s0 =	sor.u32 s3, s0;
	s1 =	sshll.u32 s1, $0x11  }
0xbb: {  	s0 =	sor.u32 s1, s0  }
0xbc: {  	s0 =	sadd.s32 $0x8F2B, s0  }
0xbd: {  	[sflag:s0] =	ssyncadd.remote.s32 $0x1  }
0xbe: {  	_ =	sfence.sel $0xFFFF  }
0xbf: {  	[dreg:$0x0] =	wrdreg $0xFFFFFFFF;
	(pc) =	sbr.abs _section_cstart, $3  }
0xc0: {  	[dreg:$0x1] =	wrdreg $0xFFFFFFFF  }
0xc1: {  	_ =	task.clear_ibuf [dreg:s6], $0x2FFFF;
	_ =	strace $0x9FFFFFFF  }
0xc2: {  	(tm) =	ssettm $0x7FFFFFFF  }
0xc3: {  	_ =	shalt  }
tec
execute0_lowered:
.L_overlay_start_1:
0x0: {  	(tag) =	ssettag $0x1  }
0x1: {  	s5 =	rddreg [dreg:$0x0]  }
0x2: {  	s1 =	rddreg [dreg:$0x1]  }
0x3: {  	s0 =	rddreg [dreg:$0x2];
	s3 =	simm.s32 $0x0;
	s2 =	srdreg.scid  }
0x4: {  	s17 =	simm.s32 $0x2;
	s18 =	simm.s32 $0x4000;
	s19 =	simm.s32 $0x8000  }
0x5: {  	s20 =	simm.s32 $0x50;
	[smem:$0x7FF] =	sst s3;
	s6 =	sand.u32 $0x1, s2  }
0x6: {  	s21 =	simm.s32 $0x1;
	s2 =	stileid.u32;
	s7 =	smul.u32 $0x140000, s6  }
0x7: {  	s4 =	sadd.s32 $0x2DA00, s5;
	s8 =	smul.u32 $0x14000, s2;
	s9 =	sshll.u32 s2, $0xC  }
0x8: {  	s10 =	sshll.u32 s6, $0xB;
	s29 =	smul.u32 $0x50000, s2;
	s6 =	ssub.s32 $0x2, s6  }
0x9: {  	_ =	strace $0x80000047;
	s9 =	sor.u32 s10, s9;
	s30 =	sshrl.u32 s6, $0x1  }
0xa: {  	s7 =	sadd.s32 s8, s7;
	s9 =	sadd.s32 s9, s5;
	s31 =	sshrl.u32 s29, $0x2  }
0xb: {  	s16 =	ssub.s32 s6, s30;
	s7 =	sshrl.u32 s7, $0x3;
	s6 =	sadd.s32 s31, s1  }
0xc: {  	s16 =	smax.u32 s16, $0x1;
	s15 =	sadd.s32 s7, s5;
	s5 =	sadd.s32 $0x1DA00, s9  }
0xd: {  	s7 =	sadd.s32 $0xDA00, s9;
	s8 =	sadd.s32 $0x2800, s6;
	s9 =	sadd.s32 $0x5000, s6  }
0xe: {  	s10 =	sadd.s32 $0x7800, s6;
	s11 =	sadd.s32 $0xA000, s6;
	s12 =	sadd.s32 $0xC800, s6  }
0xf: {  	v0 =	vimm.f32 $0.0e+00;
	s13 =	sadd.s32 $0xF000, s6;
	s14 =	sadd.s32 $0x11800, s6;
	s15 =	sadd.s32 $0x7BE00, s15  }
.LBB2_1:
0x10: {  	s22 =	simm.s32 $0x0;
	s23 =	simm.s32 $0x200  }
.LBB2_2:
0x11: {  	p0 =	sne.s32 s23, $0x9E00;
	[tilespmem:s22+$0x8070] =	vst v0  }
0x12: {  	[tilespmem:s22+$0x8000] =	vst v0  }
0x13: {  	[tilespmem:s22+$0x8010] =	vst v0  }
.Ltmp0:
0x14: {  	[tilespmem:s22+$0x8020] =	vst v0;
	(pc) =	sbr.rel @p0 .LBB2_2-.Ltmp0, $4  }
0x15: {  	[tilespmem:s22+$0x8030] =	vst v0  }
0x16: {  	[tilespmem:s22+$0x8040] =	vst v0  }
0x17: {  	[tilespmem:s22+$0x8050] =	vst v0  }
0x18: {  	[tilespmem:s22+$0x8060] =	vst v0;
	s22 =	sshra.s32 s23, $0x2;
	s23 =	sadd.s32 $0x200, s23  }
0x19: {  	[tilespmem:s22+$0x8070] =	vst v0  }
0x1a: {  	[tilespmem:s22+$0x8000] =	vst v0  }
0x1b: {  	[tilespmem:s22+$0x8010] =	vst v0  }
0x1c: {  	[tilespmem:s22+$0x8020] =	vst v0  }
0x1d: {  	[tilespmem:s22+$0x8030] =	vst v0  }
0x1e: {  	[tilespmem:s22+$0x8040] =	vst v0  }
0x1f: {  	[tilespmem:s22+$0x8050] =	vst v0  }
0x20: {  	[tilespmem:s22+$0x8060] =	vst v0;
	s29 =	simm.s32 $0x0  }
0x21: {  	[tilespmem:s29], [sflag:$0x2] =	stream.linear.gather [hbm4b:s5+s29], $0x3E80, $0x38;
	[tilespmem:$0x1E800] =	vst v63  }
0x22: {  	_ =	swait.ge [sflag:s17], $0x3E80  }
0x23: {  	[sflag:s17] =	ssyncset.done $0x0  }
0x24: {  	[sflag:s17] =	ssyncadd.s32 $0xFFFFC180  }
0x25: {  	[tilespmem:s18], [sflag:$0x2] =	stream.linear.gather [hbm4b:s7+s29], $0x3E80, $0x38;
	[tilespmem:$0x1E800] =	vst v63  }
0x26: {  	_ =	swait.ge [sflag:s17], $0x3E80  }
0x27: {  	[sflag:s17] =	ssyncset.done $0x0  }
0x28: {  	[sflag:s17] =	ssyncadd.s32 $0xFFFFC180  }
0x29: {  	[spmem:s6] =	stream.linear.scatter [tilespmem:s19], [sflag:$0x2], $0x2800, $0x38;
	[tilespmem:$0x1E800] =	vst v63  }
0x2a: {  	_ =	swait.ge [sflag:s17], $0x2800  }
0x2b: {  	[sflag:s17] =	ssyncset.done $0x0  }
0x2c: {  	[sflag:s17] =	ssyncadd.s32 $0xFFFFD800  }
0x2d: {  	[spmem:s8] =	stream.linear.scatter [tilespmem:s19], [sflag:$0x2], $0x2800, $0x38;
	[tilespmem:$0x1E800] =	vst v63  }
0x2e: {  	_ =	swait.ge [sflag:s17], $0x2800  }
0x2f: {  	[sflag:s17] =	ssyncset.done $0x0  }
0x30: {  	[sflag:s17] =	ssyncadd.s32 $0xFFFFD800  }
0x31: {  	[spmem:s9] =	stream.linear.scatter [tilespmem:s19], [sflag:$0x2], $0x2800, $0x38;
	[tilespmem:$0x1E800] =	vst v63  }
0x32: {  	_ =	swait.ge [sflag:s17], $0x2800  }
0x33: {  	[sflag:s17] =	ssyncset.done $0x0  }
0x34: {  	[sflag:s17] =	ssyncadd.s32 $0xFFFFD800  }
0x35: {  	[spmem:s10] =	stream.linear.scatter [tilespmem:s19], [sflag:$0x2], $0x2800, $0x38;
	[tilespmem:$0x1E800] =	vst v63  }
0x36: {  	_ =	swait.ge [sflag:s17], $0x2800  }
0x37: {  	[sflag:s17] =	ssyncset.done $0x0  }
0x38: {  	[sflag:s17] =	ssyncadd.s32 $0xFFFFD800  }
0x39: {  	[spmem:s11] =	stream.linear.scatter [tilespmem:s19], [sflag:$0x2], $0x2800, $0x38;
	[tilespmem:$0x1E800] =	vst v63  }
0x3a: {  	_ =	swait.ge [sflag:s17], $0x2800  }
0x3b: {  	[sflag:s17] =	ssyncset.done $0x0  }
0x3c: {  	[sflag:s17] =	ssyncadd.s32 $0xFFFFD800  }
0x3d: {  	[spmem:s12] =	stream.linear.scatter [tilespmem:s19], [sflag:$0x2], $0x2800, $0x38;
	[tilespmem:$0x1E800] =	vst v63  }
0x3e: {  	_ =	swait.ge [sflag:s17], $0x2800  }
0x3f: {  	[sflag:s17] =	ssyncset.done $0x0  }
0x40: {  	[sflag:s17] =	ssyncadd.s32 $0xFFFFD800  }
0x41: {  	[spmem:s13] =	stream.linear.scatter [tilespmem:s19], [sflag:$0x2], $0x2800, $0x38;
	[tilespmem:$0x1E800] =	vst v63  }
0x42: {  	_ =	swait.ge [sflag:s17], $0x2800  }
0x43: {  	[sflag:s17] =	ssyncset.done $0x0  }
0x44: {  	[sflag:s17] =	ssyncadd.s32 $0xFFFFD800  }
0x45: {  	[spmem:s14] =	stream.linear.scatter [tilespmem:s19], [sflag:$0x2], $0x2800, $0x38;
	[tilespmem:$0x1E800] =	vst v63  }
0x46: {  	_ =	swait.ge [sflag:s17], $0x2800  }
0x47: {  	[sflag:s17] =	ssyncset.done $0x0  }
0x48: {  	[sflag:s17] =	ssyncadd.s32 $0xFFFFD800  }
0x49: {  	s30 =	simm.s32 $0x0;
	[bflag:$0x0] =	sbarrier.arrive $0xFFFF  }
0x4a: {  	[tilespmem:s19], [sflag:$0x1] =	stream.indirect.gather [hbm4b:s4+s20], $0x80, s30, s20, $0xb8;
	[tilespmem:$0x1E800] =	vst v63  }
0x4b: {  	_ =	swait.ge [sflag:s21], $0x2800  }
0x4c: {  	[sflag:s21] =	ssyncset.done $0x0  }
0x4d: {  	s31 =	simm.s32 $0x4000;
	[sflag:s21] =	ssyncadd.s32 $0xFFFFD800  }
0x4e: {  	[spmem:s1] =	stream.indirect.scatter.add.f32 [tilespmem:s19], [sflag:$0x2], $0x80, s31, s20, $0xb8;
	[tilespmem:$0x1E800] =	vst v63  }
0x4f: {  	_ =	swait.ge [sflag:s17], $0x2800  }
0x50: {  	s22 =	simm.s32 $0x200;
	s23 =	simm.s32 $0x400;
	[sflag:s17] =	ssyncset.done $0x0  }
.LBB2_4:
0x51: {  	s24 =	sshra.s32 s22, $0x2  }
0x52: {  	[sflag:s17] =	ssyncadd.s32 $0xFFFFD800;
	s22 =	smov.u32 s23;
	s25 =	sadd.s32 $0x200, s23  }
0x53: {  	[tilespmem:s19], [sflag:$0x1] =	stream.indirect.gather [hbm4b:s4+s20], $0x80, s24, s20, $0xb8;
	[tilespmem:$0x1E800] =	vst v63  }
0x54: {  	p0 =	sne.s32 s23, $0xF800;
	_ =	swait.ge [sflag:s21], $0x2800  }
.Ltmp1:
0x55: {  	[sflag:s21] =	ssyncset.done $0x0;
	(pc) =	sbr.rel @p0 .LBB2_4-.Ltmp1, $4  }
0x56: {  	s23 =	sadd.s32 $0x4000, s24;
	[sflag:s21] =	ssyncadd.s32 $0xFFFFD800  }
0x57: {  	[spmem:s1] =	stream.indirect.scatter.add.f32 [tilespmem:s19], [sflag:$0x2], $0x80, s23, s20, $0xb8;
	[tilespmem:$0x1E800] =	vst v63  }
0x58: {  	_ =	swait.ge [sflag:s17], $0x2800  }
0x59: {  	s23 =	smov.u32 s25;
	[sflag:s17] =	ssyncset.done $0x0  }
0x5a: {  	s22 =	sshra.s32 s22, $0x2;
	[sflag:s17] =	ssyncadd.s32 $0xFFFFD800  }
0x5b: {  	[tilespmem:s19], [sflag:$0x1] =	stream.indirect.gather [hbm4b:s4+s20], $0x80, s22, s20, $0xb8;
	[tilespmem:$0x1E800] =	vst v63  }
0x5c: {  	_ =	swait.ge [sflag:s21], $0x2800  }
0x5d: {  	[sflag:s21] =	ssyncset.done $0x0  }
0x5e: {  	s22 =	sadd.s32 $0x4000, s22;
	[sflag:s21] =	ssyncadd.s32 $0xFFFFD800  }
0x5f: {  	[spmem:s1] =	stream.indirect.scatter.add.f32 [tilespmem:s19], [sflag:$0x2], $0x80, s22, s20, $0xb8;
	[tilespmem:$0x1E800] =	vst v63  }
0x60: {  	_ =	swait.ge [sflag:s17], $0x2800  }
0x61: {  	s31 =	sshll.u32 s2, $0x6;
	s3 =	sadd.s32 $0x1, s3;
	[sflag:s17] =	ssyncset.done $0x0  }
0x62: {  	s23 =	sshrl.u32 s6, $0x3;
	p0 =	sne.s32 s3, s16;
	[sflag:s17] =	ssyncadd.s32 $0xFFFFD800  }
.Ltmp2:
0x63: {  	s22 =	sor.u32 $0x1C02, s31;
	[bflag:$0x0] =	sbarrier.arrive $0xFFFF;
	(pc) =	sbr.rel @p0 .LBB2_1-.Ltmp2, $4  }
0x64: {  	[hbm:s15], [sflag:s22] =	dma.local [spmem:s23], $0x2800  }
0x65: {  	_ =	swait.ge [sflag:s17], $0x2800  }
0x66: {  	[sflag:s17] =	ssyncset.done $0x0  }
0x67: {  	[sflag:s17] =	ssyncadd.s32 $0xFFFFD800  }
0x68: {  	_ =	sfence.sel $0x180000  }
0x69: {  	[bflag:$0x0] =	sbarrier.arrive $0xFFFF  }
0x6a: {  	p0 =	sne.s32 s2, $0x0;
	_ =	strace $0x90000047  }
0x6b: {  	s0 =	sadd.s32 @!p0 $0x100000, s0;
	[bflag:$0x2] =	sbarrier.arrive $0xFFFF  }
0x6c: {  	[sflag:s0] =	ssyncadd.tile.s32 @!p0 $0x1;
	_ =	shalt  }
.Lfunc_end2:
_tile_overlayer_lowered:
.L_overlay_start_2:
0x6d: {  	(tag) =	ssettag $0x2  }
0x6e: {  	s0 =	rddreg [dreg:$0x0];
	s2 =	stileid.u32  }
0x6f: {  	s1 =	rddreg [dreg:$0x1];
	p0 =	sne.s32 s2, $0x0  }
0x70: {  	s3 =	rddreg [dreg:$0x2];
	[bflag:$0x3] =	sbarrier.arrive $0xFFFF;
	s2 =	simm.s32 @!p0 $0x1C02  }
0x71: {  	[timem:s3], [sflag:s2] =	dma.local @!p0 [hbm:s0], s1  }
0x72: {  	s0 =	simm.s32 @!p0 $0x2  }
0x73: {  	_ =	swait.ge @!p0 [sflag:s0], s1  }
0x74: {  	s1 =	ssub.s32 @!p0 $0x0, s1;
	[sflag:s0] =	ssyncset.done @!p0 $0x0  }
0x75: {  	[sflag:s0] =	ssyncadd.s32 @!p0 s1  }
0x76: {  	[bflag:$0x3] =	sbarrier.arrive $0xFFFF  }
0x77: {  	_ =	shalt  }

// kernel: kernel.35.cloned.1.call-start
scs
__scs_entry_jumppad:
0x0: {  	(pc) =	sbr.rel $0x88, $3  }
0x1: {  	(tag) =	ssettag $0x0;
	lr =	simm.s32 $0x1  }
0x2: {  	[smem:$0x3F65] =	sst lr;
	_ =	strace $0xD0000000  }
0x3: {  	_ = 	snop  }
0x4: {  	_ = 	snop  }
0x5: {  	_ = 	snop  }
0x6: {  	_ = 	snop  }
0x7: {  	_ = 	snop  }
__scs_overlays_trampoline_lowered:
0x8: {  	[smem:$0x3F74] =	sst s0  }
0x9: {  	[smem:$0x3F75] =	sst s1  }
0xa: {  	[smem:$0x3F76] =	sst s2  }
0xb: {  	[smem:$0x3F77] =	sst s3  }
0xc: {  	[smem:$0x3F78] =	sst s4  }
0xd: {  	[smem:$0x3F79] =	sst s5  }
0xe: {  	[smem:$0x3F7A] =	sst s6  }
0xf: {  	[smem:$0x3F7B] =	sst s7  }
0x10: {  	[smem:$0x3F7C] =	sst s8  }
0x11: {  	[smem:$0x3F7D] =	sst s9;
	s0 =	simm.s32 @!p0 $0x0  }
0x12: {  	s1 =	sld [smem:$0x3F63];
	s0 =	simm.s32 @p0 $0x1  }
0x13: {  	[smem:$0x3F7E] =	sst s0;
	s0 =	simm.s32 @!p1 $0x0  }
0x14: {  	s2 =	sld [smem:$0x3F62];
	s0 =	simm.s32 @p1 $0x1  }
0x15: {  	[smem:$0x3F7F] =	sst s0;
	s0 =	simm.s32 @!p2 $0x0  }
0x16: {  	s3 =	sld [smem:$0x3FDB];
	s0 =	simm.s32 @p2 $0x1  }
0x17: {  	s4 =	simm.s32 $0x1BF5;
	[smem:$0x3F81] =	sst s0  }
0x18: {  	s0 =	sld [smem:$0x3F64];
	_ =	swait.ge [sflag:s4], $0x0  }
0x19: {  	s7 =	sld [smem:$0x3F65]  }
0x1a: {  	s8 =	sadd.s32 $0xFFFFE003, lr  }
0x1b: {  	s9 =	sadd.s32 $0xFFFFFEF7, lr;
	s5 =	simm.s32 $0xFFFFFFFF;
	p2 =	slt.u32 s8, $0xFFFFF086  }
0x1c: {  	p1 =	slt.u32 s9, $0xF7A;
	s5 =	simm.s32 @!p2 $0x0  }
0x1d: {  	s5 =	simm.s32 @p1 $0x1;
	p0 =	seq.s32 s7, s2  }
0x1e: {  	s7 =	smul.u32 @!p0 $0xF7A, s2;
	p2 =	seq.s32 @!p0 s5, $0x0  }
0x1f: {  	s9 =	smul.u32 $0xF7A, s1;
	s8 =	simm.s32 @!p0 $0x1BF5;
	p2 =	por !p2, p0  }
0x20: {  	[sflag:s8] =	ssyncset.s32 @!p0 $0xFFFFF086;
	s6 =	sadd.s32 @!p0 s3, s7;
	s7 =	simm.s32 @!p0 $0x108  }
0x21: {  	s3 =	sadd.s32 s3, s9;
	s6 =	sadd.s32 @!p0 $0x88, s6;
	s7 =	simm.s32 @p2 $0x1082  }
0x22: {  	[simem:s7], [sflag:s8] =	dma.local @!p0 [hbm:s6], $0xF7A  }
0x23: {  	s9 =	sor.u32 $0xD0000000, s2;
	s6 =	simm.s32 $0x108;
	_ =	swait.ge @!p0 [sflag:s8], $0x0  }
0x24: {  	s3 =	sadd.s32 $0x88, s3;
	s6 =	simm.s32 @!p1 $0x1082;
	[sflag:s4] =	ssyncset.s32 $0xFFFFF086  }
0x25: {  	[simem:s6], [sflag:s4] =	dma.local [hbm:s3], $0xF7A  }
0x26: {  	[smem:$0x3F65] =	sst s1;
	(tag) =	ssettag s2;
	_ =	strace s9  }
0x27: {  	s1 =	sld [smem:$0x3F75]  }
0x28: {  	s2 =	sld [smem:$0x3F76]  }
0x29: {  	s4 =	sld [smem:$0x3F78]  }
0x2a: {  	p0 =	seq.s32 s5, $0x0;
	s5 =	sld [smem:$0x3F79]  }
0x2b: {  	s6 =	sld [smem:$0x3F7A]  }
0x2c: {  	s7 =	sld [smem:$0x3F7B]  }
0x2d: {  	s3 =	simm.s32 $0x108;
	s8 =	sld [smem:$0x3F7C]  }
0x2e: {  	s3 =	simm.s32 @!p0 $0x1082;
	s9 =	sld [smem:$0x3F7D]  }
0x2f: {  	lr =	sadd.s32 s0, s3;
	s0 =	sld [smem:$0x3F74]  }
0x30: {  	s3 =	sld [smem:$0x3F77]  }
0x31: {  	[smem:$0x3F80] =	sst s10  }
0x32: {  	s10 =	sld [smem:$0x3F7E];
	_ =	sdelay $0x3  }
0x33: {  	p0 =	seq.s32 s10, $0x1;
	s10 =	sld [smem:$0x3F80];
	_ =	sdelay $0x3  }
0x34: {  	[smem:$0x3F80] =	sst s10  }
0x35: {  	s10 =	sld [smem:$0x3F7F];
	_ =	sdelay $0x3  }
0x36: {  	p1 =	seq.s32 s10, $0x1;
	s10 =	sld [smem:$0x3F80];
	_ =	sdelay $0x3  }
0x37: {  	[smem:$0x3F80] =	sst s10  }
0x38: {  	s10 =	sld [smem:$0x3F81]  }
0x39: {  	_ = 	snop;
	(pc) =	sbr.ind lr, $3  }
0x3a: {  	_ = 	snop  }
0x3b: {  	_ = 	snop  }
0x3c: {  	p2 =	seq.s32 s10, $0x1;
	s10 =	sld [smem:$0x3F80]  }
0x3d: {  	_ =	shalt  }
0x3e: {  	_ =	shalt  }
0x3f: {  	_ =	shalt  }
0x40: {  	_ =	shalt  }
0x41: {  	_ =	shalt  }
0x42: {  	_ =	shalt  }
0x43: {  	_ =	shalt  }
0x44: {  	_ =	shalt  }
0x45: {  	_ =	shalt  }
0x46: {  	_ =	shalt  }
0x47: {  	_ =	shalt  }
0x48: {  	_ =	shalt  }
0x49: {  	_ =	shalt  }
0x4a: {  	_ =	shalt  }
0x4b: {  	_ =	shalt  }
0x4c: {  	_ =	shalt  }
0x4d: {  	_ =	shalt  }
0x4e: {  	_ =	shalt  }
0x4f: {  	_ =	shalt  }
0x50: {  	_ =	shalt  }
0x51: {  	_ =	shalt  }
0x52: {  	_ =	shalt  }
0x53: {  	_ =	shalt  }
0x54: {  	_ =	shalt  }
0x55: {  	_ =	shalt  }
0x56: {  	_ =	shalt  }
0x57: {  	_ =	shalt  }
0x58: {  	_ =	shalt  }
0x59: {  	_ =	shalt  }
0x5a: {  	_ =	shalt  }
0x5b: {  	_ =	shalt  }
0x5c: {  	_ =	shalt  }
0x5d: {  	_ =	shalt  }
0x5e: {  	_ =	shalt  }
0x5f: {  	_ =	shalt  }
0x60: {  	_ =	shalt  }
0x61: {  	_ =	shalt  }
0x62: {  	_ =	shalt  }
0x63: {  	_ =	shalt  }
0x64: {  	_ =	shalt  }
0x65: {  	_ =	shalt  }
0x66: {  	_ =	shalt  }
0x67: {  	_ =	shalt  }
0x68: {  	_ =	shalt  }
0x69: {  	_ =	shalt  }
0x6a: {  	_ =	shalt  }
0x6b: {  	_ =	shalt  }
0x6c: {  	_ =	shalt  }
0x6d: {  	_ =	shalt  }
0x6e: {  	_ =	shalt  }
0x6f: {  	_ =	shalt  }
0x70: {  	_ =	shalt  }
0x71: {  	_ =	shalt  }
0x72: {  	_ =	shalt  }
0x73: {  	_ =	shalt  }
0x74: {  	_ =	shalt  }
0x75: {  	_ =	shalt  }
0x76: {  	_ =	shalt  }
0x77: {  	_ =	shalt  }
0x78: {  	_ =	shalt  }
0x79: {  	_ =	shalt  }
0x7a: {  	_ =	shalt  }
0x7b: {  	_ =	shalt  }
0x7c: {  	_ =	shalt  }
0x7d: {  	_ =	shalt  }
0x7e: {  	_ =	shalt  }
0x7f: {  	_ =	shalt  }
0x80: {  	_ =	shalt  }
0x81: {  	_ =	shalt  }
0x82: {  	_ =	shalt  }
0x83: {  	_ =	shalt  }
0x84: {  	_ =	shalt  }
0x85: {  	_ =	shalt  }
0x86: {  	_ =	shalt  }
0x87: {  	_ =	shalt  }
.Lfunc_end0:
.L_simem_size_0:
called_computation.2_lowered:
.L_overlay_start_0:
0x88: {  	s2 =	sld [smem:$0x3FD9]  }
0x89: {  	s3 =	sld [smem:$0x3FFE];
	_ =	sdelay $0x1  }
0x8a: {  	s1 =	srdreg.scid  }
0x8b: {  	s0 =	sand.u32 $0x1, s1  }
0x8c: {  	s16 =	sshll.u32 s0, $0xA;
	s2 =	sadd.s32 s3, s2  }
0x8d: {  	s2 =	sadd.s32 s2, s16  }
0x8e: {  	[smem:$0x3F8C] =	sst s2  }
0x8f: {  	_ = 	snop  }
0x90: {  	(tm) =	ssettm $0x1  }
0x91: {  	s17 =	sld [smem:$0x3FFB];
	_ =	sdelay $0x3  }
0x92: {  	_ =	strace s17  }
0x93: {  	s2 =	sld [smem:$0x3FFC];
	_ =	sdelay $0x3  }
0x94: {  	_ =	strace s2  }
0x95: {  	s2 =	sld [smem:$0x3FFD];
	_ =	sdelay $0x3  }
0x96: {  	_ =	strace s2  }
0x97: {  	_ =	strace $0x8FFFFFFF  }
0x98: {  	s18 =	sld [smem:$0x3FDB];
	_ =	sdelay $0x1  }
0x99: {  	s19 =	simm.s32 $_scs_section_size  }
0x9a: {  	s4 =	simm.s32 $_size__tile_overlayer_lowered;
	s5 =	simm.s32 $_tile_overlayer_lowered  }
0x9b: {  	s22 =	simm.s32 $0x1BFF;
	s21 =	sshll.u32 s5, $0x1;
	s2 =	sadd.s32 s19, s18  }
0x9c: {  	s6 =	simm.s32 $0x0;
	s20 =	sshll.u32 s4, $0x1;
	s4 =	sadd.s32 s21, s2  }
0x9d: {  	[timem:s6], [sflag:s22] =	dma.local [hbm:s4], s20  }
0x9e: {  	_ =	swait.ge [sflag:s22], s20  }
0x9f: {  	s3 =	ssub.s32 $0x0, s20;
	[sflag:s22] =	ssyncset.done $0x0  }
0xa0: {  	[sflag:s22] =	ssyncadd.s32 s3;
	_ =	sdelay $0x1  }
0xa1: {  	s23 =	simm.s32 $0x1B8B  }
0xa2: {  	_ =	swait.ge [sflag:s23], $0x1  }
0xa3: {  	[sflag:s23] =	ssyncset.done $0x0  }
0xa4: {  	s25 =	simm.s32 $0x1B8E;
	s24 =	sld [smem:$0x3FFE];
	[sflag:s23] =	ssyncadd.s32 $0xFFFFFFFF  }
0xa5: {  	s26 =	simm.s32 $execute0_lowered;
	[smem:$0x3FD2] =	sst s25  }
0xa6: {  	s4 =	sshll.u32 s26, $0x1;
	_ =	strace $0x8000004C;
	[dreg:$0x1] =	wrdreg $0xFFFFFFFF  }
0xa7: {  	s28 =	simm.s32 $_size_execute0_lowered;
	s2 =	sadd.s32 s2, s4;
	[dreg:$0x0] =	wrdreg $0x0  }
0xa8: {  	s4 =	sshll.u32 s28, $0x1;
	[dreg:$0x2] =	wrdreg s2  }
0xa9: {  	[dreg:$0x3] =	wrdreg s4  }
0xaa: {  	[dreg:$0x4] =	wrdreg $0xC0  }
0xab: {  	_ =	task [dreg:s6], $0x5FFFF  }
0xac: {  	[dreg:$0x1] =	wrdreg $0xFFFFFFFF  }
0xad: {  	[dreg:$0x0] =	wrdreg $0x60  }
0xae: {  	[dreg:$0x2] =	wrdreg s24  }
0xaf: {  	[dreg:$0x3] =	wrdreg $0xA8000  }
0xb0: {  	[dreg:$0x4] =	wrdreg $0x9  }
0xb1: {  	_ =	task.clear_ibuf [dreg:s6], $0x5FFFF;
	_ =	strace $0x9000004C  }
0xb2: {  	s29 =	simm.s32 $0x9;
	_ =	strace $0x8000004E  }
0xb3: {  	_ =	swait.ge [sflag:s29], $0x1  }
0xb4: {  	[sflag:s29] =	ssyncadd.s32 $0xFFFFFFFF  }
0xb5: {  	_ =	strace $0x9000004E  }
0xb6: {  	_ =	sfence  }
0xb7: {  	s30 =	sld [smem:$0x0];
	_ =	sdelay $0x2  }
0xb8: {  	s31 =	sshll.u32 s1, $0xD;
	s1 =	sshrl.u32 s1, $0x2  }
0xb9: {  	s3 =	sand.u32 $0x4000, s31;
	s1 =	sadd.s32 s1, s30  }
0xba: {  	s0 =	sor.u32 s3, s0;
	s1 =	sshll.u32 s1, $0x11  }
0xbb: {  	s0 =	sor.u32 s1, s0  }
0xbc: {  	s0 =	sadd.s32 $0x8F2B, s0  }
0xbd: {  	[sflag:s0] =	ssyncadd.remote.s32 $0x1  }
0xbe: {  	_ =	sfence.sel $0xFFFF  }
0xbf: {  	[dreg:$0x0] =	wrdreg $0xFFFFFFFF;
	(pc) =	sbr.abs _section_cstart, $3  }
0xc0: {  	[dreg:$0x1] =	wrdreg $0xFFFFFFFF  }
0xc1: {  	_ =	task.clear_ibuf [dreg:s6], $0x2FFFF;
	_ =	strace $0x9FFFFFFF  }
0xc2: {  	(tm) =	ssettm $0x7FFFFFFF  }
0xc3: {  	_ =	shalt  }
tec
execute0_lowered:
.L_overlay_start_1:
0x0: {  	(tag) =	ssettag $0x1  }
0x1: {  	s5 =	rddreg [dreg:$0x0]  }
0x2: {  	s1 =	rddreg [dreg:$0x1]  }
0x3: {  	s0 =	rddreg [dreg:$0x2];
	s3 =	simm.s32 $0x0;
	s2 =	srdreg.scid  }
0x4: {  	s17 =	simm.s32 $0x2;
	s18 =	simm.s32 $0x4000;
	s19 =	simm.s32 $0x8000  }
0x5: {  	s20 =	simm.s32 $0x50;
	[smem:$0x7FF] =	sst s3;
	s6 =	sand.u32 $0x1, s2  }
0x6: {  	s21 =	simm.s32 $0x1;
	s2 =	stileid.u32;
	s7 =	smul.u32 $0x140000, s6  }
0x7: {  	s4 =	sadd.s32 $0x2DA00, s5;
	s8 =	smul.u32 $0x14000, s2;
	s9 =	sshll.u32 s2, $0xC  }
0x8: {  	s10 =	sshll.u32 s6, $0xB;
	s29 =	smul.u32 $0x50000, s2;
	s6 =	ssub.s32 $0x2, s6  }
0x9: {  	_ =	strace $0x8000004D;
	s9 =	sor.u32 s10, s9;
	s30 =	sshrl.u32 s6, $0x1  }
0xa: {  	s7 =	sadd.s32 s8, s7;
	s9 =	sadd.s32 s9, s5;
	s31 =	sshrl.u32 s29, $0x2  }
0xb: {  	s16 =	ssub.s32 s6, s30;
	s7 =	sshrl.u32 s7, $0x3;
	s6 =	sadd.s32 s31, s1  }
0xc: {  	s16 =	smax.u32 s16, $0x1;
	s15 =	sadd.s32 s7, s5;
	s5 =	sadd.s32 $0x1DA00, s9  }
0xd: {  	s7 =	sadd.s32 $0xDA00, s9;
	s8 =	sadd.s32 $0x2800, s6;
	s9 =	sadd.s32 $0x5000, s6  }
0xe: {  	s10 =	sadd.s32 $0x7800, s6;
	s11 =	sadd.s32 $0xA000, s6;
	s12 =	sadd.s32 $0xC800, s6  }
0xf: {  	v0 =	vimm.f32 $0.0e+00;
	s13 =	sadd.s32 $0xF000, s6;
	s14 =	sadd.s32 $0x11800, s6;
	s15 =	sadd.s32 $0x7BE00, s15  }
.LBB2_1:
0x10: {  	s22 =	simm.s32 $0x0;
	s23 =	simm.s32 $0x200  }
.LBB2_2:
0x11: {  	p0 =	sne.s32 s23, $0x9E00;
	[tilespmem:s22+$0x8070] =	vst v0  }
0x12: {  	[tilespmem:s22+$0x8000] =	vst v0  }
0x13: {  	[tilespmem:s22+$0x8010] =	vst v0  }
.Ltmp0:
0x14: {  	[tilespmem:s22+$0x8020] =	vst v0;
	(pc) =	sbr.rel @p0 .LBB2_2-.Ltmp0, $4  }
0x15: {  	[tilespmem:s22+$0x8030] =	vst v0  }
0x16: {  	[tilespmem:s22+$0x8040] =	vst v0  }
0x17: {  	[tilespmem:s22+$0x8050] =	vst v0  }
0x18: {  	[tilespmem:s22+$0x8060] =	vst v0;
	s22 =	sshra.s32 s23, $0x2;
	s23 =	sadd.s32 $0x200, s23  }
0x19: {  	[tilespmem:s22+$0x8070] =	vst v0  }
0x1a: {  	[tilespmem:s22+$0x8000] =	vst v0  }
0x1b: {  	[tilespmem:s22+$0x8010] =	vst v0  }
0x1c: {  	[tilespmem:s22+$0x8020] =	vst v0  }
0x1d: {  	[tilespmem:s22+$0x8030] =	vst v0  }
0x1e: {  	[tilespmem:s22+$0x8040] =	vst v0  }
0x1f: {  	[tilespmem:s22+$0x8050] =	vst v0  }
0x20: {  	[tilespmem:s22+$0x8060] =	vst v0;
	s29 =	simm.s32 $0x0  }
0x21: {  	[tilespmem:s29], [sflag:$0x2] =	stream.linear.gather [hbm4b:s5+s29], $0x3E80, $0x38;
	[tilespmem:$0x1E800] =	vst v63  }
0x22: {  	_ =	swait.ge [sflag:s17], $0x3E80  }
0x23: {  	[sflag:s17] =	ssyncset.done $0x0  }
0x24: {  	[sflag:s17] =	ssyncadd.s32 $0xFFFFC180  }
0x25: {  	[tilespmem:s18], [sflag:$0x2] =	stream.linear.gather [hbm4b:s7+s29], $0x3E80, $0x38;
	[tilespmem:$0x1E800] =	vst v63  }
0x26: {  	_ =	swait.ge [sflag:s17], $0x3E80  }
0x27: {  	[sflag:s17] =	ssyncset.done $0x0  }
0x28: {  	[sflag:s17] =	ssyncadd.s32 $0xFFFFC180  }
0x29: {  	[spmem:s6] =	stream.linear.scatter [tilespmem:s19], [sflag:$0x2], $0x2800, $0x38;
	[tilespmem:$0x1E800] =	vst v63  }
0x2a: {  	_ =	swait.ge [sflag:s17], $0x2800  }
0x2b: {  	[sflag:s17] =	ssyncset.done $0x0  }
0x2c: {  	[sflag:s17] =	ssyncadd.s32 $0xFFFFD800  }
0x2d: {  	[spmem:s8] =	stream.linear.scatter [tilespmem:s19], [sflag:$0x2], $0x2800, $0x38;
	[tilespmem:$0x1E800] =	vst v63  }
0x2e: {  	_ =	swait.ge [sflag:s17], $0x2800  }
0x2f: {  	[sflag:s17] =	ssyncset.done $0x0  }
0x30: {  	[sflag:s17] =	ssyncadd.s32 $0xFFFFD800  }
0x31: {  	[spmem:s9] =	stream.linear.scatter [tilespmem:s19], [sflag:$0x2], $0x2800, $0x38;
	[tilespmem:$0x1E800] =	vst v63  }
0x32: {  	_ =	swait.ge [sflag:s17], $0x2800  }
0x33: {  	[sflag:s17] =	ssyncset.done $0x0  }
0x34: {  	[sflag:s17] =	ssyncadd.s32 $0xFFFFD800  }
0x35: {  	[spmem:s10] =	stream.linear.scatter [tilespmem:s19], [sflag:$0x2], $0x2800, $0x38;
	[tilespmem:$0x1E800] =	vst v63  }
0x36: {  	_ =	swait.ge [sflag:s17], $0x2800  }
0x37: {  	[sflag:s17] =	ssyncset.done $0x0  }
0x38: {  	[sflag:s17] =	ssyncadd.s32 $0xFFFFD800  }
0x39: {  	[spmem:s11] =	stream.linear.scatter [tilespmem:s19], [sflag:$0x2], $0x2800, $0x38;
	[tilespmem:$0x1E800] =	vst v63  }
0x3a: {  	_ =	swait.ge [sflag:s17], $0x2800  }
0x3b: {  	[sflag:s17] =	ssyncset.done $0x0  }
0x3c: {  	[sflag:s17] =	ssyncadd.s32 $0xFFFFD800  }
0x3d: {  	[spmem:s12] =	stream.linear.scatter [tilespmem:s19], [sflag:$0x2], $0x2800, $0x38;
	[tilespmem:$0x1E800] =	vst v63  }
0x3e: {  	_ =	swait.ge [sflag:s17], $0x2800  }
0x3f: {  	[sflag:s17] =	ssyncset.done $0x0  }
0x40: {  	[sflag:s17] =	ssyncadd.s32 $0xFFFFD800  }
0x41: {  	[spmem:s13] =	stream.linear.scatter [tilespmem:s19], [sflag:$0x2], $0x2800, $0x38;
	[tilespmem:$0x1E800] =	vst v63  }
0x42: {  	_ =	swait.ge [sflag:s17], $0x2800  }
0x43: {  	[sflag:s17] =	ssyncset.done $0x0  }
0x44: {  	[sflag:s17] =	ssyncadd.s32 $0xFFFFD800  }
0x45: {  	[spmem:s14] =	stream.linear.scatter [tilespmem:s19], [sflag:$0x2], $0x2800, $0x38;
	[tilespmem:$0x1E800] =	vst v63  }
0x46: {  	_ =	swait.ge [sflag:s17], $0x2800  }
0x47: {  	[sflag:s17] =	ssyncset.done $0x0  }
0x48: {  	[sflag:s17] =	ssyncadd.s32 $0xFFFFD800  }
0x49: {  	s30 =	simm.s32 $0x0;
	[bflag:$0x0] =	sbarrier.arrive $0xFFFF  }
0x4a: {  	[tilespmem:s19], [sflag:$0x1] =	stream.indirect.gather [hbm4b:s4+s20], $0x80, s30, s20, $0xb8;
	[tilespmem:$0x1E800] =	vst v63  }
0x4b: {  	_ =	swait.ge [sflag:s21], $0x2800  }
0x4c: {  	[sflag:s21] =	ssyncset.done $0x0  }
0x4d: {  	s31 =	simm.s32 $0x4000;
	[sflag:s21] =	ssyncadd.s32 $0xFFFFD800  }
0x4e: {  	[spmem:s1] =	stream.indirect.scatter.add.f32 [tilespmem:s19], [sflag:$0x2], $0x80, s31, s20, $0xb8;
	[tilespmem:$0x1E800] =	vst v63  }
0x4f: {  	_ =	swait.ge [sflag:s17], $0x2800  }
0x50: {  	s22 =	simm.s32 $0x200;
	s23 =	simm.s32 $0x400;
	[sflag:s17] =	ssyncset.done $0x0  }
.LBB2_4:
0x51: {  	s24 =	sshra.s32 s22, $0x2  }
0x52: {  	[sflag:s17] =	ssyncadd.s32 $0xFFFFD800;
	s22 =	smov.u32 s23;
	s25 =	sadd.s32 $0x200, s23  }
0x53: {  	[tilespmem:s19], [sflag:$0x1] =	stream.indirect.gather [hbm4b:s4+s20], $0x80, s24, s20, $0xb8;
	[tilespmem:$0x1E800] =	vst v63  }
0x54: {  	p0 =	sne.s32 s23, $0xF800;
	_ =	swait.ge [sflag:s21], $0x2800  }
.Ltmp1:
0x55: {  	[sflag:s21] =	ssyncset.done $0x0;
	(pc) =	sbr.rel @p0 .LBB2_4-.Ltmp1, $4  }
0x56: {  	s23 =	sadd.s32 $0x4000, s24;
	[sflag:s21] =	ssyncadd.s32 $0xFFFFD800  }
0x57: {  	[spmem:s1] =	stream.indirect.scatter.add.f32 [tilespmem:s19], [sflag:$0x2], $0x80, s23, s20, $0xb8;
	[tilespmem:$0x1E800] =	vst v63  }
0x58: {  	_ =	swait.ge [sflag:s17], $0x2800  }
0x59: {  	s23 =	smov.u32 s25;
	[sflag:s17] =	ssyncset.done $0x0  }
0x5a: {  	s22 =	sshra.s32 s22, $0x2;
	[sflag:s17] =	ssyncadd.s32 $0xFFFFD800  }
0x5b: {  	[tilespmem:s19], [sflag:$0x1] =	stream.indirect.gather [hbm4b:s4+s20], $0x80, s22, s20, $0xb8;
	[tilespmem:$0x1E800] =	vst v63  }
0x5c: {  	_ =	swait.ge [sflag:s21], $0x2800  }
0x5d: {  	[sflag:s21] =	ssyncset.done $0x0  }
0x5e: {  	s22 =	sadd.s32 $0x4000, s22;
	[sflag:s21] =	ssyncadd.s32 $0xFFFFD800  }
0x5f: {  	[spmem:s1] =	stream.indirect.scatter.add.f32 [tilespmem:s19], [sflag:$0x2], $0x80, s22, s20, $0xb8;
	[tilespmem:$0x1E800] =	vst v63  }
0x60: {  	_ =	swait.ge [sflag:s17], $0x2800  }
0x61: {  	s31 =	sshll.u32 s2, $0x6;
	s3 =	sadd.s32 $0x1, s3;
	[sflag:s17] =	ssyncset.done $0x0  }
0x62: {  	s23 =	sshrl.u32 s6, $0x3;
	p0 =	sne.s32 s3, s16;
	[sflag:s17] =	ssyncadd.s32 $0xFFFFD800  }
.Ltmp2:
0x63: {  	s22 =	sor.u32 $0x1C02, s31;
	[bflag:$0x0] =	sbarrier.arrive $0xFFFF;
	(pc) =	sbr.rel @p0 .LBB2_1-.Ltmp2, $4  }
0x64: {  	[hbm:s15], [sflag:s22] =	dma.local [spmem:s23], $0x2800  }
0x65: {  	_ =	swait.ge [sflag:s17], $0x2800  }
0x66: {  	[sflag:s17] =	ssyncset.done $0x0  }
0x67: {  	[sflag:s17] =	ssyncadd.s32 $0xFFFFD800  }
0x68: {  	_ =	sfence.sel $0x180000  }
0x69: {  	[bflag:$0x0] =	sbarrier.arrive $0xFFFF  }
0x6a: {  	p0 =	sne.s32 s2, $0x0;
	_ =	strace $0x9000004D  }
0x6b: {  	s0 =	sadd.s32 @!p0 $0x100000, s0;
	[bflag:$0x2] =	sbarrier.arrive $0xFFFF  }
0x6c: {  	[sflag:s0] =	ssyncadd.tile.s32 @!p0 $0x1;
	_ =	shalt  }
.Lfunc_end2:
_tile_overlayer_lowered:
.L_overlay_start_2:
0x6d: {  	(tag) =	ssettag $0x2  }
0x6e: {  	s0 =	rddreg [dreg:$0x0];
	s2 =	stileid.u32  }
0x6f: {  	s1 =	rddreg [dreg:$0x1];
	p0 =	sne.s32 s2, $0x0  }
0x70: {  	s3 =	rddreg [dreg:$0x2];
	[bflag:$0x3] =	sbarrier.arrive $0xFFFF;
	s2 =	simm.s32 @!p0 $0x1C02  }
0x71: {  	[timem:s3], [sflag:s2] =	dma.local @!p0 [hbm:s0], s1  }
0x72: {  	s0 =	simm.s32 @!p0 $0x2  }
0x73: {  	_ =	swait.ge @!p0 [sflag:s0], s1  }
0x74: {  	s1 =	ssub.s32 @!p0 $0x0, s1;
	[sflag:s0] =	ssyncset.done @!p0 $0x0  }
0x75: {  	[sflag:s0] =	ssyncadd.s32 @!p0 s1  }
0x76: {  	[bflag:$0x3] =	sbarrier.arrive $0xFFFF  }
0x77: {  	_ =	shalt  }

// kernel: kernel.38.cloned.1.call-start
scs
__scs_entry_jumppad:
0x0: {  	(pc) =	sbr.rel $0x88, $3  }
0x1: {  	(tag) =	ssettag $0x0;
	lr =	simm.s32 $0x1  }
0x2: {  	[smem:$0x3F65] =	sst lr;
	_ =	strace $0xD0000000  }
0x3: {  	_ = 	snop  }
0x4: {  	_ = 	snop  }
0x5: {  	_ = 	snop  }
0x6: {  	_ = 	snop  }
0x7: {  	_ = 	snop  }
__scs_overlays_trampoline_lowered:
0x8: {  	[smem:$0x3F74] =	sst s0  }
0x9: {  	[smem:$0x3F75] =	sst s1  }
0xa: {  	[smem:$0x3F76] =	sst s2  }
0xb: {  	[smem:$0x3F77] =	sst s3  }
0xc: {  	[smem:$0x3F78] =	sst s4  }
0xd: {  	[smem:$0x3F79] =	sst s5  }
0xe: {  	[smem:$0x3F7A] =	sst s6  }
0xf: {  	[smem:$0x3F7B] =	sst s7  }
0x10: {  	[smem:$0x3F7C] =	sst s8  }
0x11: {  	[smem:$0x3F7D] =	sst s9;
	s0 =	simm.s32 @!p0 $0x0  }
0x12: {  	s1 =	sld [smem:$0x3F63];
	s0 =	simm.s32 @p0 $0x1  }
0x13: {  	[smem:$0x3F7E] =	sst s0;
	s0 =	simm.s32 @!p1 $0x0  }
0x14: {  	s2 =	sld [smem:$0x3F62];
	s0 =	simm.s32 @p1 $0x1  }
0x15: {  	[smem:$0x3F7F] =	sst s0;
	s0 =	simm.s32 @!p2 $0x0  }
0x16: {  	s3 =	sld [smem:$0x3FDB];
	s0 =	simm.s32 @p2 $0x1  }
0x17: {  	s4 =	simm.s32 $0x1BF5;
	[smem:$0x3F81] =	sst s0  }
0x18: {  	s0 =	sld [smem:$0x3F64];
	_ =	swait.ge [sflag:s4], $0x0  }
0x19: {  	s7 =	sld [smem:$0x3F65]  }
0x1a: {  	s8 =	sadd.s32 $0xFFFFE003, lr  }
0x1b: {  	s9 =	sadd.s32 $0xFFFFFEF7, lr;
	s5 =	simm.s32 $0xFFFFFFFF;
	p2 =	slt.u32 s8, $0xFFFFF086  }
0x1c: {  	p1 =	slt.u32 s9, $0xF7A;
	s5 =	simm.s32 @!p2 $0x0  }
0x1d: {  	s5 =	simm.s32 @p1 $0x1;
	p0 =	seq.s32 s7, s2  }
0x1e: {  	s7 =	smul.u32 @!p0 $0xF7A, s2;
	p2 =	seq.s32 @!p0 s5, $0x0  }
0x1f: {  	s9 =	smul.u32 $0xF7A, s1;
	s8 =	simm.s32 @!p0 $0x1BF5;
	p2 =	por !p2, p0  }
0x20: {  	[sflag:s8] =	ssyncset.s32 @!p0 $0xFFFFF086;
	s6 =	sadd.s32 @!p0 s3, s7;
	s7 =	simm.s32 @!p0 $0x108  }
0x21: {  	s3 =	sadd.s32 s3, s9;
	s6 =	sadd.s32 @!p0 $0x88, s6;
	s7 =	simm.s32 @p2 $0x1082  }
0x22: {  	[simem:s7], [sflag:s8] =	dma.local @!p0 [hbm:s6], $0xF7A  }
0x23: {  	s9 =	sor.u32 $0xD0000000, s2;
	s6 =	simm.s32 $0x108;
	_ =	swait.ge @!p0 [sflag:s8], $0x0  }
0x24: {  	s3 =	sadd.s32 $0x88, s3;
	s6 =	simm.s32 @!p1 $0x1082;
	[sflag:s4] =	ssyncset.s32 $0xFFFFF086  }
0x25: {  	[simem:s6], [sflag:s4] =	dma.local [hbm:s3], $0xF7A  }
0x26: {  	[smem:$0x3F65] =	sst s1;
	(tag) =	ssettag s2;
	_ =	strace s9  }
0x27: {  	s1 =	sld [smem:$0x3F75]  }
0x28: {  	s2 =	sld [smem:$0x3F76]  }
0x29: {  	s4 =	sld [smem:$0x3F78]  }
0x2a: {  	p0 =	seq.s32 s5, $0x0;
	s5 =	sld [smem:$0x3F79]  }
0x2b: {  	s6 =	sld [smem:$0x3F7A]  }
0x2c: {  	s7 =	sld [smem:$0x3F7B]  }
0x2d: {  	s3 =	simm.s32 $0x108;
	s8 =	sld [smem:$0x3F7C]  }
0x2e: {  	s3 =	simm.s32 @!p0 $0x1082;
	s9 =	sld [smem:$0x3F7D]  }
0x2f: {  	lr =	sadd.s32 s0, s3;
	s0 =	sld [smem:$0x3F74]  }
0x30: {  	s3 =	sld [smem:$0x3F77]  }
0x31: {  	[smem:$0x3F80] =	sst s10  }
0x32: {  	s10 =	sld [smem:$0x3F7E];
	_ =	sdelay $0x3  }
0x33: {  	p0 =	seq.s32 s10, $0x1;
	s10 =	sld [smem:$0x3F80];
	_ =	sdelay $0x3  }
0x34: {  	[smem:$0x3F80] =	sst s10  }
0x35: {  	s10 =	sld [smem:$0x3F7F];
	_ =	sdelay $0x3  }
0x36: {  	p1 =	seq.s32 s10, $0x1;
	s10 =	sld [smem:$0x3F80];
	_ =	sdelay $0x3  }
0x37: {  	[smem:$0x3F80] =	sst s10  }
0x38: {  	s10 =	sld [smem:$0x3F81]  }
0x39: {  	_ = 	snop;
	(pc) =	sbr.ind lr, $3  }
0x3a: {  	_ = 	snop  }
0x3b: {  	_ = 	snop  }
0x3c: {  	p2 =	seq.s32 s10, $0x1;
	s10 =	sld [smem:$0x3F80]  }
0x3d: {  	_ =	shalt  }
0x3e: {  	_ =	shalt  }
0x3f: {  	_ =	shalt  }
0x40: {  	_ =	shalt  }
0x41: {  	_ =	shalt  }
0x42: {  	_ =	shalt  }
0x43: {  	_ =	shalt  }
0x44: {  	_ =	shalt  }
0x45: {  	_ =	shalt  }
0x46: {  	_ =	shalt  }
0x47: {  	_ =	shalt  }
0x48: {  	_ =	shalt  }
0x49: {  	_ =	shalt  }
0x4a: {  	_ =	shalt  }
0x4b: {  	_ =	shalt  }
0x4c: {  	_ =	shalt  }
0x4d: {  	_ =	shalt  }
0x4e: {  	_ =	shalt  }
0x4f: {  	_ =	shalt  }
0x50: {  	_ =	shalt  }
0x51: {  	_ =	shalt  }
0x52: {  	_ =	shalt  }
0x53: {  	_ =	shalt  }
0x54: {  	_ =	shalt  }
0x55: {  	_ =	shalt  }
0x56: {  	_ =	shalt  }
0x57: {  	_ =	shalt  }
0x58: {  	_ =	shalt  }
0x59: {  	_ =	shalt  }
0x5a: {  	_ =	shalt  }
0x5b: {  	_ =	shalt  }
0x5c: {  	_ =	shalt  }
0x5d: {  	_ =	shalt  }
0x5e: {  	_ =	shalt  }
0x5f: {  	_ =	shalt  }
0x60: {  	_ =	shalt  }
0x61: {  	_ =	shalt  }
0x62: {  	_ =	shalt  }
0x63: {  	_ =	shalt  }
0x64: {  	_ =	shalt  }
0x65: {  	_ =	shalt  }
0x66: {  	_ =	shalt  }
0x67: {  	_ =	shalt  }
0x68: {  	_ =	shalt  }
0x69: {  	_ =	shalt  }
0x6a: {  	_ =	shalt  }
0x6b: {  	_ =	shalt  }
0x6c: {  	_ =	shalt  }
0x6d: {  	_ =	shalt  }
0x6e: {  	_ =	shalt  }
0x6f: {  	_ =	shalt  }
0x70: {  	_ =	shalt  }
0x71: {  	_ =	shalt  }
0x72: {  	_ =	shalt  }
0x73: {  	_ =	shalt  }
0x74: {  	_ =	shalt  }
0x75: {  	_ =	shalt  }
0x76: {  	_ =	shalt  }
0x77: {  	_ =	shalt  }
0x78: {  	_ =	shalt  }
0x79: {  	_ =	shalt  }
0x7a: {  	_ =	shalt  }
0x7b: {  	_ =	shalt  }
0x7c: {  	_ =	shalt  }
0x7d: {  	_ =	shalt  }
0x7e: {  	_ =	shalt  }
0x7f: {  	_ =	shalt  }
0x80: {  	_ =	shalt  }
0x81: {  	_ =	shalt  }
0x82: {  	_ =	shalt  }
0x83: {  	_ =	shalt  }
0x84: {  	_ =	shalt  }
0x85: {  	_ =	shalt  }
0x86: {  	_ =	shalt  }
0x87: {  	_ =	shalt  }
.Lfunc_end0:
.L_simem_size_0:
called_computation.3_lowered:
.L_overlay_start_0:
0x88: {  	s2 =	sld [smem:$0x3FD9]  }
0x89: {  	s3 =	sld [smem:$0x3FFE];
	_ =	sdelay $0x1  }
0x8a: {  	s1 =	srdreg.scid  }
0x8b: {  	s0 =	sand.u32 $0x1, s1  }
0x8c: {  	s16 =	sshll.u32 s0, $0xA;
	s2 =	sadd.s32 s3, s2  }
0x8d: {  	s2 =	sadd.s32 s2, s16  }
0x8e: {  	[smem:$0x3F8C] =	sst s2  }
0x8f: {  	_ = 	snop  }
0x90: {  	(tm) =	ssettm $0x1  }
0x91: {  	s17 =	sld [smem:$0x3FFB];
	_ =	sdelay $0x3  }
0x92: {  	_ =	strace s17  }
0x93: {  	s2 =	sld [smem:$0x3FFC];
	_ =	sdelay $0x3  }
0x94: {  	_ =	strace s2  }
0x95: {  	s2 =	sld [smem:$0x3FFD];
	_ =	sdelay $0x3  }
0x96: {  	_ =	strace s2  }
0x97: {  	_ =	strace $0x8FFFFFFF  }
0x98: {  	s18 =	sld [smem:$0x3FDB];
	_ =	sdelay $0x1  }
0x99: {  	s19 =	simm.s32 $_scs_section_size  }
0x9a: {  	s4 =	simm.s32 $_size__tile_overlayer_lowered;
	s5 =	simm.s32 $_tile_overlayer_lowered  }
0x9b: {  	s22 =	simm.s32 $0x1BFF;
	s21 =	sshll.u32 s5, $0x1;
	s2 =	sadd.s32 s19, s18  }
0x9c: {  	s6 =	simm.s32 $0x0;
	s20 =	sshll.u32 s4, $0x1;
	s4 =	sadd.s32 s21, s2  }
0x9d: {  	[timem:s6], [sflag:s22] =	dma.local [hbm:s4], s20  }
0x9e: {  	_ =	swait.ge [sflag:s22], s20  }
0x9f: {  	s3 =	ssub.s32 $0x0, s20;
	[sflag:s22] =	ssyncset.done $0x0  }
0xa0: {  	[sflag:s22] =	ssyncadd.s32 s3;
	_ =	sdelay $0x1  }
0xa1: {  	s23 =	simm.s32 $0x1B8B  }
0xa2: {  	_ =	swait.ge [sflag:s23], $0x1  }
0xa3: {  	[sflag:s23] =	ssyncset.done $0x0  }
0xa4: {  	s25 =	simm.s32 $0x1B8E;
	s24 =	sld [smem:$0x3FFE];
	[sflag:s23] =	ssyncadd.s32 $0xFFFFFFFF  }
0xa5: {  	s26 =	simm.s32 $execute0_lowered;
	[smem:$0x3FD2] =	sst s25  }
0xa6: {  	s4 =	sshll.u32 s26, $0x1;
	_ =	strace $0x8000004F;
	[dreg:$0x1] =	wrdreg $0xFFFFFFFF  }
0xa7: {  	s28 =	simm.s32 $_size_execute0_lowered;
	s2 =	sadd.s32 s2, s4;
	[dreg:$0x0] =	wrdreg $0x0  }
0xa8: {  	s4 =	sshll.u32 s28, $0x1;
	[dreg:$0x2] =	wrdreg s2  }
0xa9: {  	[dreg:$0x3] =	wrdreg s4  }
0xaa: {  	[dreg:$0x4] =	wrdreg $0xC0  }
0xab: {  	_ =	task [dreg:s6], $0x5FFFF  }
0xac: {  	[dreg:$0x1] =	wrdreg $0xFFFFFFFF  }
0xad: {  	[dreg:$0x0] =	wrdreg $0x60  }
0xae: {  	[dreg:$0x2] =	wrdreg s24  }
0xaf: {  	[dreg:$0x3] =	wrdreg $0xA8000  }
0xb0: {  	[dreg:$0x4] =	wrdreg $0x9  }
0xb1: {  	_ =	task.clear_ibuf [dreg:s6], $0x5FFFF;
	_ =	strace $0x9000004F  }
0xb2: {  	s29 =	simm.s32 $0x9;
	_ =	strace $0x80000051  }
0xb3: {  	_ =	swait.ge [sflag:s29], $0x1  }
0xb4: {  	[sflag:s29] =	ssyncadd.s32 $0xFFFFFFFF  }
0xb5: {  	_ =	strace $0x90000051  }
0xb6: {  	_ =	sfence  }
0xb7: {  	s30 =	sld [smem:$0x0];
	_ =	sdelay $0x2  }
0xb8: {  	s31 =	sshll.u32 s1, $0xD;
	s1 =	sshrl.u32 s1, $0x2  }
0xb9: {  	s3 =	sand.u32 $0x4000, s31;
	s1 =	sadd.s32 s1, s30  }
0xba: {  	s0 =	sor.u32 s3, s0;
	s1 =	sshll.u32 s1, $0x11  }
0xbb: {  	s0 =	sor.u32 s1, s0  }
0xbc: {  	s0 =	sadd.s32 $0x8F2B, s0  }
0xbd: {  	[sflag:s0] =	ssyncadd.remote.s32 $0x1  }
0xbe: {  	_ =	sfence.sel $0xFFFF  }
0xbf: {  	[dreg:$0x0] =	wrdreg $0xFFFFFFFF;
	(pc) =	sbr.abs _section_cstart, $3  }
0xc0: {  	[dreg:$0x1] =	wrdreg $0xFFFFFFFF  }
0xc1: {  	_ =	task.clear_ibuf [dreg:s6], $0x2FFFF;
	_ =	strace $0x9FFFFFFF  }
0xc2: {  	(tm) =	ssettm $0x7FFFFFFF  }
0xc3: {  	_ =	shalt  }
tec
execute0_lowered:
.L_overlay_start_1:
0x0: {  	(tag) =	ssettag $0x1  }
0x1: {  	s5 =	rddreg [dreg:$0x0]  }
0x2: {  	s1 =	rddreg [dreg:$0x1]  }
0x3: {  	s0 =	rddreg [dreg:$0x2];
	s3 =	simm.s32 $0x0;
	s2 =	srdreg.scid  }
0x4: {  	s17 =	simm.s32 $0x2;
	s18 =	simm.s32 $0x4000;
	s19 =	simm.s32 $0x8000  }
0x5: {  	s20 =	simm.s32 $0x50;
	[smem:$0x7FF] =	sst s3;
	s6 =	sand.u32 $0x1, s2  }
0x6: {  	s21 =	simm.s32 $0x1;
	s2 =	stileid.u32;
	s7 =	smul.u32 $0x140000, s6  }
0x7: {  	s4 =	sadd.s32 $0x2DA00, s5;
	s8 =	smul.u32 $0x14000, s2;
	s9 =	sshll.u32 s2, $0xC  }
0x8: {  	s10 =	sshll.u32 s6, $0xB;
	s29 =	smul.u32 $0x50000, s2;
	s6 =	ssub.s32 $0x2, s6  }
0x9: {  	_ =	strace $0x80000050;
	s9 =	sor.u32 s10, s9;
	s30 =	sshrl.u32 s6, $0x1  }
0xa: {  	s7 =	sadd.s32 s8, s7;
	s9 =	sadd.s32 s9, s5;
	s31 =	sshrl.u32 s29, $0x2  }
0xb: {  	s16 =	ssub.s32 s6, s30;
	s7 =	sshrl.u32 s7, $0x3;
	s6 =	sadd.s32 s31, s1  }
0xc: {  	s16 =	smax.u32 s16, $0x1;
	s15 =	sadd.s32 s7, s5;
	s5 =	sadd.s32 $0x1DA00, s9  }
0xd: {  	s7 =	sadd.s32 $0xDA00, s9;
	s8 =	sadd.s32 $0x2800, s6;
	s9 =	sadd.s32 $0x5000, s6  }
0xe: {  	s10 =	sadd.s32 $0x7800, s6;
	s11 =	sadd.s32 $0xA000, s6;
	s12 =	sadd.s32 $0xC800, s6  }
0xf: {  	v0 =	vimm.f32 $0.0e+00;
	s13 =	sadd.s32 $0xF000, s6;
	s14 =	sadd.s32 $0x11800, s6;
	s15 =	sadd.s32 $0x7BE00, s15  }
.LBB2_1:
0x10: {  	s22 =	simm.s32 $0x0;
	s23 =	simm.s32 $0x200  }
.LBB2_2:
0x11: {  	p0 =	sne.s32 s23, $0x9E00;
	[tilespmem:s22+$0x8070] =	vst v0  }
0x12: {  	[tilespmem:s22+$0x8000] =	vst v0  }
0x13: {  	[tilespmem:s22+$0x8010] =	vst v0  }
.Ltmp0:
0x14: {  	[tilespmem:s22+$0x8020] =	vst v0;
	(pc) =	sbr.rel @p0 .LBB2_2-.Ltmp0, $4  }
0x15: {  	[tilespmem:s22+$0x8030] =	vst v0  }
0x16: {  	[tilespmem:s22+$0x8040] =	vst v0  }
0x17: {  	[tilespmem:s22+$0x8050] =	vst v0  }
0x18: {  	[tilespmem:s22+$0x8060] =	vst v0;
	s22 =	sshra.s32 s23, $0x2;
	s23 =	sadd.s32 $0x200, s23  }
0x19: {  	[tilespmem:s22+$0x8070] =	vst v0  }
0x1a: {  	[tilespmem:s22+$0x8000] =	vst v0  }
0x1b: {  	[tilespmem:s22+$0x8010] =	vst v0  }
0x1c: {  	[tilespmem:s22+$0x8020] =	vst v0  }
0x1d: {  	[tilespmem:s22+$0x8030] =	vst v0  }
0x1e: {  	[tilespmem:s22+$0x8040] =	vst v0  }
0x1f: {  	[tilespmem:s22+$0x8050] =	vst v0  }
0x20: {  	[tilespmem:s22+$0x8060] =	vst v0;
	s29 =	simm.s32 $0x0  }
0x21: {  	[tilespmem:s29], [sflag:$0x2] =	stream.linear.gather [hbm4b:s5+s29], $0x3E80, $0x38;
	[tilespmem:$0x1E800] =	vst v63  }
0x22: {  	_ =	swait.ge [sflag:s17], $0x3E80  }
0x23: {  	[sflag:s17] =	ssyncset.done $0x0  }
0x24: {  	[sflag:s17] =	ssyncadd.s32 $0xFFFFC180  }
0x25: {  	[tilespmem:s18], [sflag:$0x2] =	stream.linear.gather [hbm4b:s7+s29], $0x3E80, $0x38;
	[tilespmem:$0x1E800] =	vst v63  }
0x26: {  	_ =	swait.ge [sflag:s17], $0x3E80  }
0x27: {  	[sflag:s17] =	ssyncset.done $0x0  }
0x28: {  	[sflag:s17] =	ssyncadd.s32 $0xFFFFC180  }
0x29: {  	[spmem:s6] =	stream.linear.scatter [tilespmem:s19], [sflag:$0x2], $0x2800, $0x38;
	[tilespmem:$0x1E800] =	vst v63  }
0x2a: {  	_ =	swait.ge [sflag:s17], $0x2800  }
0x2b: {  	[sflag:s17] =	ssyncset.done $0x0  }
0x2c: {  	[sflag:s17] =	ssyncadd.s32 $0xFFFFD800  }
0x2d: {  	[spmem:s8] =	stream.linear.scatter [tilespmem:s19], [sflag:$0x2], $0x2800, $0x38;
	[tilespmem:$0x1E800] =	vst v63  }
0x2e: {  	_ =	swait.ge [sflag:s17], $0x2800  }
0x2f: {  	[sflag:s17] =	ssyncset.done $0x0  }
0x30: {  	[sflag:s17] =	ssyncadd.s32 $0xFFFFD800  }
0x31: {  	[spmem:s9] =	stream.linear.scatter [tilespmem:s19], [sflag:$0x2], $0x2800, $0x38;
	[tilespmem:$0x1E800] =	vst v63  }
0x32: {  	_ =	swait.ge [sflag:s17], $0x2800  }
0x33: {  	[sflag:s17] =	ssyncset.done $0x0  }
0x34: {  	[sflag:s17] =	ssyncadd.s32 $0xFFFFD800  }
0x35: {  	[spmem:s10] =	stream.linear.scatter [tilespmem:s19], [sflag:$0x2], $0x2800, $0x38;
	[tilespmem:$0x1E800] =	vst v63  }
0x36: {  	_ =	swait.ge [sflag:s17], $0x2800  }
0x37: {  	[sflag:s17] =	ssyncset.done $0x0  }
0x38: {  	[sflag:s17] =	ssyncadd.s32 $0xFFFFD800  }
0x39: {  	[spmem:s11] =	stream.linear.scatter [tilespmem:s19], [sflag:$0x2], $0x2800, $0x38;
	[tilespmem:$0x1E800] =	vst v63  }
0x3a: {  	_ =	swait.ge [sflag:s17], $0x2800  }
0x3b: {  	[sflag:s17] =	ssyncset.done $0x0  }
0x3c: {  	[sflag:s17] =	ssyncadd.s32 $0xFFFFD800  }
0x3d: {  	[spmem:s12] =	stream.linear.scatter [tilespmem:s19], [sflag:$0x2], $0x2800, $0x38;
	[tilespmem:$0x1E800] =	vst v63  }
0x3e: {  	_ =	swait.ge [sflag:s17], $0x2800  }
0x3f: {  	[sflag:s17] =	ssyncset.done $0x0  }
0x40: {  	[sflag:s17] =	ssyncadd.s32 $0xFFFFD800  }
0x41: {  	[spmem:s13] =	stream.linear.scatter [tilespmem:s19], [sflag:$0x2], $0x2800, $0x38;
	[tilespmem:$0x1E800] =	vst v63  }
0x42: {  	_ =	swait.ge [sflag:s17], $0x2800  }
0x43: {  	[sflag:s17] =	ssyncset.done $0x0  }
0x44: {  	[sflag:s17] =	ssyncadd.s32 $0xFFFFD800  }
0x45: {  	[spmem:s14] =	stream.linear.scatter [tilespmem:s19], [sflag:$0x2], $0x2800, $0x38;
	[tilespmem:$0x1E800] =	vst v63  }
0x46: {  	_ =	swait.ge [sflag:s17], $0x2800  }
0x47: {  	[sflag:s17] =	ssyncset.done $0x0  }
0x48: {  	[sflag:s17] =	ssyncadd.s32 $0xFFFFD800  }
0x49: {  	s30 =	simm.s32 $0x0;
	[bflag:$0x0] =	sbarrier.arrive $0xFFFF  }
0x4a: {  	[tilespmem:s19], [sflag:$0x1] =	stream.indirect.gather [hbm4b:s4+s20], $0x80, s30, s20, $0xb8;
	[tilespmem:$0x1E800] =	vst v63  }
0x4b: {  	_ =	swait.ge [sflag:s21], $0x2800  }
0x4c: {  	[sflag:s21] =	ssyncset.done $0x0  }
0x4d: {  	s31 =	simm.s32 $0x4000;
	[sflag:s21] =	ssyncadd.s32 $0xFFFFD800  }
0x4e: {  	[spmem:s1] =	stream.indirect.scatter.add.f32 [tilespmem:s19], [sflag:$0x2], $0x80, s31, s20, $0xb8;
	[tilespmem:$0x1E800] =	vst v63  }
0x4f: {  	_ =	swait.ge [sflag:s17], $0x2800  }
0x50: {  	s22 =	simm.s32 $0x200;
	s23 =	simm.s32 $0x400;
	[sflag:s17] =	ssyncset.done $0x0  }
.LBB2_4:
0x51: {  	s24 =	sshra.s32 s22, $0x2  }
0x52: {  	[sflag:s17] =	ssyncadd.s32 $0xFFFFD800;
	s22 =	smov.u32 s23;
	s25 =	sadd.s32 $0x200, s23  }
0x53: {  	[tilespmem:s19], [sflag:$0x1] =	stream.indirect.gather [hbm4b:s4+s20], $0x80, s24, s20, $0xb8;
	[tilespmem:$0x1E800] =	vst v63  }
0x54: {  	p0 =	sne.s32 s23, $0xF800;
	_ =	swait.ge [sflag:s21], $0x2800  }
.Ltmp1:
0x55: {  	[sflag:s21] =	ssyncset.done $0x0;
	(pc) =	sbr.rel @p0 .LBB2_4-.Ltmp1, $4  }
0x56: {  	s23 =	sadd.s32 $0x4000, s24;
	[sflag:s21] =	ssyncadd.s32 $0xFFFFD800  }
0x57: {  	[spmem:s1] =	stream.indirect.scatter.add.f32 [tilespmem:s19], [sflag:$0x2], $0x80, s23, s20, $0xb8;
	[tilespmem:$0x1E800] =	vst v63  }
0x58: {  	_ =	swait.ge [sflag:s17], $0x2800  }
0x59: {  	s23 =	smov.u32 s25;
	[sflag:s17] =	ssyncset.done $0x0  }
0x5a: {  	s22 =	sshra.s32 s22, $0x2;
	[sflag:s17] =	ssyncadd.s32 $0xFFFFD800  }
0x5b: {  	[tilespmem:s19], [sflag:$0x1] =	stream.indirect.gather [hbm4b:s4+s20], $0x80, s22, s20, $0xb8;
	[tilespmem:$0x1E800] =	vst v63  }
0x5c: {  	_ =	swait.ge [sflag:s21], $0x2800  }
0x5d: {  	[sflag:s21] =	ssyncset.done $0x0  }
0x5e: {  	s22 =	sadd.s32 $0x4000, s22;
	[sflag:s21] =	ssyncadd.s32 $0xFFFFD800  }
0x5f: {  	[spmem:s1] =	stream.indirect.scatter.add.f32 [tilespmem:s19], [sflag:$0x2], $0x80, s22, s20, $0xb8;
	[tilespmem:$0x1E800] =	vst v63  }
0x60: {  	_ =	swait.ge [sflag:s17], $0x2800  }
0x61: {  	s31 =	sshll.u32 s2, $0x6;
	s3 =	sadd.s32 $0x1, s3;
	[sflag:s17] =	ssyncset.done $0x0  }
0x62: {  	s23 =	sshrl.u32 s6, $0x3;
	p0 =	sne.s32 s3, s16;
	[sflag:s17] =	ssyncadd.s32 $0xFFFFD800  }
.Ltmp2:
0x63: {  	s22 =	sor.u32 $0x1C02, s31;
	[bflag:$0x0] =	sbarrier.arrive $0xFFFF;
	(pc) =	sbr.rel @p0 .LBB2_1-.Ltmp2, $4  }
0x64: {  	[hbm:s15], [sflag:s22] =	dma.local [spmem:s23], $0x2800  }
0x65: {  	_ =	swait.ge [sflag:s17], $0x2800  }
0x66: {  	[sflag:s17] =	ssyncset.done $0x0  }
0x67: {  	[sflag:s17] =	ssyncadd.s32 $0xFFFFD800  }
0x68: {  	_ =	sfence.sel $0x180000  }
0x69: {  	[bflag:$0x0] =	sbarrier.arrive $0xFFFF  }
0x6a: {  	p0 =	sne.s32 s2, $0x0;
	_ =	strace $0x90000050  }
0x6b: {  	s0 =	sadd.s32 @!p0 $0x100000, s0;
	[bflag:$0x2] =	sbarrier.arrive $0xFFFF  }
0x6c: {  	[sflag:s0] =	ssyncadd.tile.s32 @!p0 $0x1;
	_ =	shalt  }
.Lfunc_end2:
_tile_overlayer_lowered:
.L_overlay_start_2:
0x6d: {  	(tag) =	ssettag $0x2  }
0x6e: {  	s0 =	rddreg [dreg:$0x0];
	s2 =	stileid.u32  }
0x6f: {  	s1 =	rddreg [dreg:$0x1];
	p0 =	sne.s32 s2, $0x0  }
0x70: {  	s3 =	rddreg [dreg:$0x2];
	[bflag:$0x3] =	sbarrier.arrive $0xFFFF;
	s2 =	simm.s32 @!p0 $0x1C02  }
0x71: {  	[timem:s3], [sflag:s2] =	dma.local @!p0 [hbm:s0], s1  }
0x72: {  	s0 =	simm.s32 @!p0 $0x2  }
0x73: {  	_ =	swait.ge @!p0 [sflag:s0], s1  }
0x74: {  	s1 =	ssub.s32 @!p0 $0x0, s1;
	[sflag:s0] =	ssyncset.done @!p0 $0x0  }
0x75: {  	[sflag:s0] =	ssyncadd.s32 @!p0 s1  }
0x76: {  	[bflag:$0x3] =	sbarrier.arrive $0xFFFF  }
0x77: {  	_ =	shalt  }

// kernel: kernel.41.cloned.1.call-start
scs
__scs_entry_jumppad:
0x0: {  	(pc) =	sbr.rel $0x88, $3  }
0x1: {  	(tag) =	ssettag $0x0;
	lr =	simm.s32 $0x1  }
0x2: {  	[smem:$0x3F65] =	sst lr;
	_ =	strace $0xD0000000  }
0x3: {  	_ = 	snop  }
0x4: {  	_ = 	snop  }
0x5: {  	_ = 	snop  }
0x6: {  	_ = 	snop  }
0x7: {  	_ = 	snop  }
__scs_overlays_trampoline_lowered:
0x8: {  	[smem:$0x3F74] =	sst s0  }
0x9: {  	[smem:$0x3F75] =	sst s1  }
0xa: {  	[smem:$0x3F76] =	sst s2  }
0xb: {  	[smem:$0x3F77] =	sst s3  }
0xc: {  	[smem:$0x3F78] =	sst s4  }
0xd: {  	[smem:$0x3F79] =	sst s5  }
0xe: {  	[smem:$0x3F7A] =	sst s6  }
0xf: {  	[smem:$0x3F7B] =	sst s7  }
0x10: {  	[smem:$0x3F7C] =	sst s8  }
0x11: {  	[smem:$0x3F7D] =	sst s9;
	s0 =	simm.s32 @!p0 $0x0  }
0x12: {  	s1 =	sld [smem:$0x3F63];
	s0 =	simm.s32 @p0 $0x1  }
0x13: {  	[smem:$0x3F7E] =	sst s0;
	s0 =	simm.s32 @!p1 $0x0  }
0x14: {  	s2 =	sld [smem:$0x3F62];
	s0 =	simm.s32 @p1 $0x1  }
0x15: {  	[smem:$0x3F7F] =	sst s0;
	s0 =	simm.s32 @!p2 $0x0  }
0x16: {  	s3 =	sld [smem:$0x3FDB];
	s0 =	simm.s32 @p2 $0x1  }
0x17: {  	s4 =	simm.s32 $0x1BF5;
	[smem:$0x3F81] =	sst s0  }
0x18: {  	s0 =	sld [smem:$0x3F64];
	_ =	swait.ge [sflag:s4], $0x0  }
0x19: {  	s7 =	sld [smem:$0x3F65]  }
0x1a: {  	s8 =	sadd.s32 $0xFFFFE003, lr  }
0x1b: {  	s9 =	sadd.s32 $0xFFFFFEF7, lr;
	s5 =	simm.s32 $0xFFFFFFFF;
	p2 =	slt.u32 s8, $0xFFFFF086  }
0x1c: {  	p1 =	slt.u32 s9, $0xF7A;
	s5 =	simm.s32 @!p2 $0x0  }
0x1d: {  	s5 =	simm.s32 @p1 $0x1;
	p0 =	seq.s32 s7, s2  }
0x1e: {  	s7 =	smul.u32 @!p0 $0xF7A, s2;
	p2 =	seq.s32 @!p0 s5, $0x0  }
0x1f: {  	s9 =	smul.u32 $0xF7A, s1;
	s8 =	simm.s32 @!p0 $0x1BF5;
	p2 =	por !p2, p0  }
0x20: {  	[sflag:s8] =	ssyncset.s32 @!p0 $0xFFFFF086;
	s6 =	sadd.s32 @!p0 s3, s7;
	s7 =	simm.s32 @!p0 $0x108  }
0x21: {  	s3 =	sadd.s32 s3, s9;
	s6 =	sadd.s32 @!p0 $0x88, s6;
	s7 =	simm.s32 @p2 $0x1082  }
0x22: {  	[simem:s7], [sflag:s8] =	dma.local @!p0 [hbm:s6], $0xF7A  }
0x23: {  	s9 =	sor.u32 $0xD0000000, s2;
	s6 =	simm.s32 $0x108;
	_ =	swait.ge @!p0 [sflag:s8], $0x0  }
0x24: {  	s3 =	sadd.s32 $0x88, s3;
	s6 =	simm.s32 @!p1 $0x1082;
	[sflag:s4] =	ssyncset.s32 $0xFFFFF086  }
0x25: {  	[simem:s6], [sflag:s4] =	dma.local [hbm:s3], $0xF7A  }
0x26: {  	[smem:$0x3F65] =	sst s1;
	(tag) =	ssettag s2;
	_ =	strace s9  }
0x27: {  	s1 =	sld [smem:$0x3F75]  }
0x28: {  	s2 =	sld [smem:$0x3F76]  }
0x29: {  	s4 =	sld [smem:$0x3F78]  }
0x2a: {  	p0 =	seq.s32 s5, $0x0;
	s5 =	sld [smem:$0x3F79]  }
0x2b: {  	s6 =	sld [smem:$0x3F7A]  }
0x2c: {  	s7 =	sld [smem:$0x3F7B]  }
0x2d: {  	s3 =	simm.s32 $0x108;
	s8 =	sld [smem:$0x3F7C]  }
0x2e: {  	s3 =	simm.s32 @!p0 $0x1082;
	s9 =	sld [smem:$0x3F7D]  }
0x2f: {  	lr =	sadd.s32 s0, s3;
	s0 =	sld [smem:$0x3F74]  }
0x30: {  	s3 =	sld [smem:$0x3F77]  }
0x31: {  	[smem:$0x3F80] =	sst s10  }
0x32: {  	s10 =	sld [smem:$0x3F7E];
	_ =	sdelay $0x3  }
0x33: {  	p0 =	seq.s32 s10, $0x1;
	s10 =	sld [smem:$0x3F80];
	_ =	sdelay $0x3  }
0x34: {  	[smem:$0x3F80] =	sst s10  }
0x35: {  	s10 =	sld [smem:$0x3F7F];
	_ =	sdelay $0x3  }
0x36: {  	p1 =	seq.s32 s10, $0x1;
	s10 =	sld [smem:$0x3F80];
	_ =	sdelay $0x3  }
0x37: {  	[smem:$0x3F80] =	sst s10  }
0x38: {  	s10 =	sld [smem:$0x3F81]  }
0x39: {  	_ = 	snop;
	(pc) =	sbr.ind lr, $3  }
0x3a: {  	_ = 	snop  }
0x3b: {  	_ = 	snop  }
0x3c: {  	p2 =	seq.s32 s10, $0x1;
	s10 =	sld [smem:$0x3F80]  }
0x3d: {  	_ =	shalt  }
0x3e: {  	_ =	shalt  }
0x3f: {  	_ =	shalt  }
0x40: {  	_ =	shalt  }
0x41: {  	_ =	shalt  }
0x42: {  	_ =	shalt  }
0x43: {  	_ =	shalt  }
0x44: {  	_ =	shalt  }
0x45: {  	_ =	shalt  }
0x46: {  	_ =	shalt  }
0x47: {  	_ =	shalt  }
0x48: {  	_ =	shalt  }
0x49: {  	_ =	shalt  }
0x4a: {  	_ =	shalt  }
0x4b: {  	_ =	shalt  }
0x4c: {  	_ =	shalt  }
0x4d: {  	_ =	shalt  }
0x4e: {  	_ =	shalt  }
0x4f: {  	_ =	shalt  }
0x50: {  	_ =	shalt  }
0x51: {  	_ =	shalt  }
0x52: {  	_ =	shalt  }
0x53: {  	_ =	shalt  }
0x54: {  	_ =	shalt  }
0x55: {  	_ =	shalt  }
0x56: {  	_ =	shalt  }
0x57: {  	_ =	shalt  }
0x58: {  	_ =	shalt  }
0x59: {  	_ =	shalt  }
0x5a: {  	_ =	shalt  }
0x5b: {  	_ =	shalt  }
0x5c: {  	_ =	shalt  }
0x5d: {  	_ =	shalt  }
0x5e: {  	_ =	shalt  }
0x5f: {  	_ =	shalt  }
0x60: {  	_ =	shalt  }
0x61: {  	_ =	shalt  }
0x62: {  	_ =	shalt  }
0x63: {  	_ =	shalt  }
0x64: {  	_ =	shalt  }
0x65: {  	_ =	shalt  }
0x66: {  	_ =	shalt  }
0x67: {  	_ =	shalt  }
0x68: {  	_ =	shalt  }
0x69: {  	_ =	shalt  }
0x6a: {  	_ =	shalt  }
0x6b: {  	_ =	shalt  }
0x6c: {  	_ =	shalt  }
0x6d: {  	_ =	shalt  }
0x6e: {  	_ =	shalt  }
0x6f: {  	_ =	shalt  }
0x70: {  	_ =	shalt  }
0x71: {  	_ =	shalt  }
0x72: {  	_ =	shalt  }
0x73: {  	_ =	shalt  }
0x74: {  	_ =	shalt  }
0x75: {  	_ =	shalt  }
0x76: {  	_ =	shalt  }
0x77: {  	_ =	shalt  }
0x78: {  	_ =	shalt  }
0x79: {  	_ =	shalt  }
0x7a: {  	_ =	shalt  }
0x7b: {  	_ =	shalt  }
0x7c: {  	_ =	shalt  }
0x7d: {  	_ =	shalt  }
0x7e: {  	_ =	shalt  }
0x7f: {  	_ =	shalt  }
0x80: {  	_ =	shalt  }
0x81: {  	_ =	shalt  }
0x82: {  	_ =	shalt  }
0x83: {  	_ =	shalt  }
0x84: {  	_ =	shalt  }
0x85: {  	_ =	shalt  }
0x86: {  	_ =	shalt  }
0x87: {  	_ =	shalt  }
.Lfunc_end0:
.L_simem_size_0:
called_computation.4_lowered:
.L_overlay_start_0:
0x88: {  	s2 =	sld [smem:$0x3FD9]  }
0x89: {  	s3 =	sld [smem:$0x3FFE];
	_ =	sdelay $0x1  }
0x8a: {  	s1 =	srdreg.scid  }
0x8b: {  	s0 =	sand.u32 $0x1, s1  }
0x8c: {  	s16 =	sshll.u32 s0, $0xA;
	s2 =	sadd.s32 s3, s2  }
0x8d: {  	s2 =	sadd.s32 s2, s16  }
0x8e: {  	[smem:$0x3F8C] =	sst s2  }
0x8f: {  	_ = 	snop  }
0x90: {  	(tm) =	ssettm $0x1  }
0x91: {  	s17 =	sld [smem:$0x3FFB];
	_ =	sdelay $0x3  }
0x92: {  	_ =	strace s17  }
0x93: {  	s2 =	sld [smem:$0x3FFC];
	_ =	sdelay $0x3  }
0x94: {  	_ =	strace s2  }
0x95: {  	s2 =	sld [smem:$0x3FFD];
	_ =	sdelay $0x3  }
0x96: {  	_ =	strace s2  }
0x97: {  	_ =	strace $0x8FFFFFFF  }
0x98: {  	s18 =	sld [smem:$0x3FDB];
	_ =	sdelay $0x1  }
0x99: {  	s19 =	simm.s32 $_scs_section_size  }
0x9a: {  	s4 =	simm.s32 $_size__tile_overlayer_lowered;
	s5 =	simm.s32 $_tile_overlayer_lowered  }
0x9b: {  	s22 =	simm.s32 $0x1BFF;
	s21 =	sshll.u32 s5, $0x1;
	s2 =	sadd.s32 s19, s18  }
0x9c: {  	s6 =	simm.s32 $0x0;
	s20 =	sshll.u32 s4, $0x1;
	s4 =	sadd.s32 s21, s2  }
0x9d: {  	[timem:s6], [sflag:s22] =	dma.local [hbm:s4], s20  }
0x9e: {  	_ =	swait.ge [sflag:s22], s20  }
0x9f: {  	s3 =	ssub.s32 $0x0, s20;
	[sflag:s22] =	ssyncset.done $0x0  }
0xa0: {  	[sflag:s22] =	ssyncadd.s32 s3;
	_ =	sdelay $0x1  }
0xa1: {  	s23 =	simm.s32 $0x1B8B  }
0xa2: {  	_ =	swait.ge [sflag:s23], $0x1  }
0xa3: {  	[sflag:s23] =	ssyncset.done $0x0  }
0xa4: {  	s25 =	simm.s32 $0x1B8E;
	s24 =	sld [smem:$0x3FFE];
	[sflag:s23] =	ssyncadd.s32 $0xFFFFFFFF  }
0xa5: {  	s26 =	simm.s32 $execute0_lowered;
	[smem:$0x3FD2] =	sst s25  }
0xa6: {  	s4 =	sshll.u32 s26, $0x1;
	_ =	strace $0x80000052;
	[dreg:$0x1] =	wrdreg $0xFFFFFFFF  }
0xa7: {  	s28 =	simm.s32 $_size_execute0_lowered;
	s2 =	sadd.s32 s2, s4;
	[dreg:$0x0] =	wrdreg $0x0  }
0xa8: {  	s4 =	sshll.u32 s28, $0x1;
	[dreg:$0x2] =	wrdreg s2  }
0xa9: {  	[dreg:$0x3] =	wrdreg s4  }
0xaa: {  	[dreg:$0x4] =	wrdreg $0xC0  }
0xab: {  	_ =	task [dreg:s6], $0x5FFFF  }
0xac: {  	[dreg:$0x1] =	wrdreg $0xFFFFFFFF  }
0xad: {  	[dreg:$0x0] =	wrdreg $0x60  }
0xae: {  	[dreg:$0x2] =	wrdreg s24  }
0xaf: {  	[dreg:$0x3] =	wrdreg $0xA8000  }
0xb0: {  	[dreg:$0x4] =	wrdreg $0x9  }
0xb1: {  	_ =	task.clear_ibuf [dreg:s6], $0x5FFFF;
	_ =	strace $0x90000052  }
0xb2: {  	s29 =	simm.s32 $0x9;
	_ =	strace $0x80000054  }
0xb3: {  	_ =	swait.ge [sflag:s29], $0x1  }
0xb4: {  	[sflag:s29] =	ssyncadd.s32 $0xFFFFFFFF  }
0xb5: {  	_ =	strace $0x90000054  }
0xb6: {  	_ =	sfence  }
0xb7: {  	s30 =	sld [smem:$0x0];
	_ =	sdelay $0x2  }
0xb8: {  	s31 =	sshll.u32 s1, $0xD;
	s1 =	sshrl.u32 s1, $0x2  }
0xb9: {  	s3 =	sand.u32 $0x4000, s31;
	s1 =	sadd.s32 s1, s30  }
0xba: {  	s0 =	sor.u32 s3, s0;
	s1 =	sshll.u32 s1, $0x11  }
0xbb: {  	s0 =	sor.u32 s1, s0  }
0xbc: {  	s0 =	sadd.s32 $0x8F2B, s0  }
0xbd: {  	[sflag:s0] =	ssyncadd.remote.s32 $0x1  }
0xbe: {  	_ =	sfence.sel $0xFFFF  }
0xbf: {  	[dreg:$0x0] =	wrdreg $0xFFFFFFFF;
	(pc) =	sbr.abs _section_cstart, $3  }
0xc0: {  	[dreg:$0x1] =	wrdreg $0xFFFFFFFF  }
0xc1: {  	_ =	task.clear_ibuf [dreg:s6], $0x2FFFF;
	_ =	strace $0x9FFFFFFF  }
0xc2: {  	(tm) =	ssettm $0x7FFFFFFF  }
0xc3: {  	_ =	shalt  }
tec
execute0_lowered:
.L_overlay_start_1:
0x0: {  	(tag) =	ssettag $0x1  }
0x1: {  	s5 =	rddreg [dreg:$0x0]  }
0x2: {  	s1 =	rddreg [dreg:$0x1]  }
0x3: {  	s0 =	rddreg [dreg:$0x2];
	s3 =	simm.s32 $0x0;
	s2 =	srdreg.scid  }
0x4: {  	s17 =	simm.s32 $0x2;
	s18 =	simm.s32 $0x4000;
	s19 =	simm.s32 $0x8000  }
0x5: {  	s20 =	simm.s32 $0x50;
	[smem:$0x7FF] =	sst s3;
	s6 =	sand.u32 $0x1, s2  }
0x6: {  	s21 =	simm.s32 $0x1;
	s2 =	stileid.u32;
	s7 =	smul.u32 $0x140000, s6  }
0x7: {  	s4 =	sadd.s32 $0x2DA00, s5;
	s8 =	smul.u32 $0x14000, s2;
	s9 =	sshll.u32 s2, $0xC  }
0x8: {  	s10 =	sshll.u32 s6, $0xB;
	s29 =	smul.u32 $0x50000, s2;
	s6 =	ssub.s32 $0x2, s6  }
0x9: {  	_ =	strace $0x80000053;
	s9 =	sor.u32 s10, s9;
	s30 =	sshrl.u32 s6, $0x1  }
0xa: {  	s7 =	sadd.s32 s8, s7;
	s9 =	sadd.s32 s9, s5;
	s31 =	sshrl.u32 s29, $0x2  }
0xb: {  	s16 =	ssub.s32 s6, s30;
	s7 =	sshrl.u32 s7, $0x3;
	s6 =	sadd.s32 s31, s1  }
0xc: {  	s16 =	smax.u32 s16, $0x1;
	s15 =	sadd.s32 s7, s5;
	s5 =	sadd.s32 $0x1DA00, s9  }
0xd: {  	s7 =	sadd.s32 $0xDA00, s9;
	s8 =	sadd.s32 $0x2800, s6;
	s9 =	sadd.s32 $0x5000, s6  }
0xe: {  	s10 =	sadd.s32 $0x7800, s6;
	s11 =	sadd.s32 $0xA000, s6;
	s12 =	sadd.s32 $0xC800, s6  }
0xf: {  	v0 =	vimm.f32 $0.0e+00;
	s13 =	sadd.s32 $0xF000, s6;
	s14 =	sadd.s32 $0x11800, s6;
	s15 =	sadd.s32 $0x7BE00, s15  }
.LBB2_1:
0x10: {  	s22 =	simm.s32 $0x0;
	s23 =	simm.s32 $0x200  }
.LBB2_2:
0x11: {  	p0 =	sne.s32 s23, $0x9E00;
	[tilespmem:s22+$0x8070] =	vst v0  }
0x12: {  	[tilespmem:s22+$0x8000] =	vst v0  }
0x13: {  	[tilespmem:s22+$0x8010] =	vst v0  }
.Ltmp0:
0x14: {  	[tilespmem:s22+$0x8020] =	vst v0;
	(pc) =	sbr.rel @p0 .LBB2_2-.Ltmp0, $4  }
0x15: {  	[tilespmem:s22+$0x8030] =	vst v0  }
0x16: {  	[tilespmem:s22+$0x8040] =	vst v0  }
0x17: {  	[tilespmem:s22+$0x8050] =	vst v0  }
0x18: {  	[tilespmem:s22+$0x8060] =	vst v0;
	s22 =	sshra.s32 s23, $0x2;
	s23 =	sadd.s32 $0x200, s23  }
0x19: {  	[tilespmem:s22+$0x8070] =	vst v0  }
0x1a: {  	[tilespmem:s22+$0x8000] =	vst v0  }
0x1b: {  	[tilespmem:s22+$0x8010] =	vst v0  }
0x1c: {  	[tilespmem:s22+$0x8020] =	vst v0  }
0x1d: {  	[tilespmem:s22+$0x8030] =	vst v0  }
0x1e: {  	[tilespmem:s22+$0x8040] =	vst v0  }
0x1f: {  	[tilespmem:s22+$0x8050] =	vst v0  }
0x20: {  	[tilespmem:s22+$0x8060] =	vst v0;
	s29 =	simm.s32 $0x0  }
0x21: {  	[tilespmem:s29], [sflag:$0x2] =	stream.linear.gather [hbm4b:s5+s29], $0x3E80, $0x38;
	[tilespmem:$0x1E800] =	vst v63  }
0x22: {  	_ =	swait.ge [sflag:s17], $0x3E80  }
0x23: {  	[sflag:s17] =	ssyncset.done $0x0  }
0x24: {  	[sflag:s17] =	ssyncadd.s32 $0xFFFFC180  }
0x25: {  	[tilespmem:s18], [sflag:$0x2] =	stream.linear.gather [hbm4b:s7+s29], $0x3E80, $0x38;
	[tilespmem:$0x1E800] =	vst v63  }
0x26: {  	_ =	swait.ge [sflag:s17], $0x3E80  }
0x27: {  	[sflag:s17] =	ssyncset.done $0x0  }
0x28: {  	[sflag:s17] =	ssyncadd.s32 $0xFFFFC180  }
0x29: {  	[spmem:s6] =	stream.linear.scatter [tilespmem:s19], [sflag:$0x2], $0x2800, $0x38;
	[tilespmem:$0x1E800] =	vst v63  }
0x2a: {  	_ =	swait.ge [sflag:s17], $0x2800  }
0x2b: {  	[sflag:s17] =	ssyncset.done $0x0  }
0x2c: {  	[sflag:s17] =	ssyncadd.s32 $0xFFFFD800  }
0x2d: {  	[spmem:s8] =	stream.linear.scatter [tilespmem:s19], [sflag:$0x2], $0x2800, $0x38;
	[tilespmem:$0x1E800] =	vst v63  }
0x2e: {  	_ =	swait.ge [sflag:s17], $0x2800  }
0x2f: {  	[sflag:s17] =	ssyncset.done $0x0  }
0x30: {  	[sflag:s17] =	ssyncadd.s32 $0xFFFFD800  }
0x31: {  	[spmem:s9] =	stream.linear.scatter [tilespmem:s19], [sflag:$0x2], $0x2800, $0x38;
	[tilespmem:$0x1E800] =	vst v63  }
0x32: {  	_ =	swait.ge [sflag:s17], $0x2800  }
0x33: {  	[sflag:s17] =	ssyncset.done $0x0  }
0x34: {  	[sflag:s17] =	ssyncadd.s32 $0xFFFFD800  }
0x35: {  	[spmem:s10] =	stream.linear.scatter [tilespmem:s19], [sflag:$0x2], $0x2800, $0x38;
	[tilespmem:$0x1E800] =	vst v63  }
0x36: {  	_ =	swait.ge [sflag:s17], $0x2800  }
0x37: {  	[sflag:s17] =	ssyncset.done $0x0  }
0x38: {  	[sflag:s17] =	ssyncadd.s32 $0xFFFFD800  }
0x39: {  	[spmem:s11] =	stream.linear.scatter [tilespmem:s19], [sflag:$0x2], $0x2800, $0x38;
	[tilespmem:$0x1E800] =	vst v63  }
0x3a: {  	_ =	swait.ge [sflag:s17], $0x2800  }
0x3b: {  	[sflag:s17] =	ssyncset.done $0x0  }
0x3c: {  	[sflag:s17] =	ssyncadd.s32 $0xFFFFD800  }
0x3d: {  	[spmem:s12] =	stream.linear.scatter [tilespmem:s19], [sflag:$0x2], $0x2800, $0x38;
	[tilespmem:$0x1E800] =	vst v63  }
0x3e: {  	_ =	swait.ge [sflag:s17], $0x2800  }
0x3f: {  	[sflag:s17] =	ssyncset.done $0x0  }
0x40: {  	[sflag:s17] =	ssyncadd.s32 $0xFFFFD800  }
0x41: {  	[spmem:s13] =	stream.linear.scatter [tilespmem:s19], [sflag:$0x2], $0x2800, $0x38;
	[tilespmem:$0x1E800] =	vst v63  }
0x42: {  	_ =	swait.ge [sflag:s17], $0x2800  }
0x43: {  	[sflag:s17] =	ssyncset.done $0x0  }
0x44: {  	[sflag:s17] =	ssyncadd.s32 $0xFFFFD800  }
0x45: {  	[spmem:s14] =	stream.linear.scatter [tilespmem:s19], [sflag:$0x2], $0x2800, $0x38;
	[tilespmem:$0x1E800] =	vst v63  }
0x46: {  	_ =	swait.ge [sflag:s17], $0x2800  }
0x47: {  	[sflag:s17] =	ssyncset.done $0x0  }
0x48: {  	[sflag:s17] =	ssyncadd.s32 $0xFFFFD800  }
0x49: {  	s30 =	simm.s32 $0x0;
	[bflag:$0x0] =	sbarrier.arrive $0xFFFF  }
0x4a: {  	[tilespmem:s19], [sflag:$0x1] =	stream.indirect.gather [hbm4b:s4+s20], $0x80, s30, s20, $0xb8;
	[tilespmem:$0x1E800] =	vst v63  }
0x4b: {  	_ =	swait.ge [sflag:s21], $0x2800  }
0x4c: {  	[sflag:s21] =	ssyncset.done $0x0  }
0x4d: {  	s31 =	simm.s32 $0x4000;
	[sflag:s21] =	ssyncadd.s32 $0xFFFFD800  }
0x4e: {  	[spmem:s1] =	stream.indirect.scatter.add.f32 [tilespmem:s19], [sflag:$0x2], $0x80, s31, s20, $0xb8;
	[tilespmem:$0x1E800] =	vst v63  }
0x4f: {  	_ =	swait.ge [sflag:s17], $0x2800  }
0x50: {  	s22 =	simm.s32 $0x200;
	s23 =	simm.s32 $0x400;
	[sflag:s17] =	ssyncset.done $0x0  }
.LBB2_4:
0x51: {  	s24 =	sshra.s32 s22, $0x2  }
0x52: {  	[sflag:s17] =	ssyncadd.s32 $0xFFFFD800;
	s22 =	smov.u32 s23;
	s25 =	sadd.s32 $0x200, s23  }
0x53: {  	[tilespmem:s19], [sflag:$0x1] =	stream.indirect.gather [hbm4b:s4+s20], $0x80, s24, s20, $0xb8;
	[tilespmem:$0x1E800] =	vst v63  }
0x54: {  	p0 =	sne.s32 s23, $0xF800;
	_ =	swait.ge [sflag:s21], $0x2800  }
.Ltmp1:
0x55: {  	[sflag:s21] =	ssyncset.done $0x0;
	(pc) =	sbr.rel @p0 .LBB2_4-.Ltmp1, $4  }
0x56: {  	s23 =	sadd.s32 $0x4000, s24;
	[sflag:s21] =	ssyncadd.s32 $0xFFFFD800  }
0x57: {  	[spmem:s1] =	stream.indirect.scatter.add.f32 [tilespmem:s19], [sflag:$0x2], $0x80, s23, s20, $0xb8;
	[tilespmem:$0x1E800] =	vst v63  }
0x58: {  	_ =	swait.ge [sflag:s17], $0x2800  }
0x59: {  	s23 =	smov.u32 s25;
	[sflag:s17] =	ssyncset.done $0x0  }
0x5a: {  	s22 =	sshra.s32 s22, $0x2;
	[sflag:s17] =	ssyncadd.s32 $0xFFFFD800  }
0x5b: {  	[tilespmem:s19], [sflag:$0x1] =	stream.indirect.gather [hbm4b:s4+s20], $0x80, s22, s20, $0xb8;
	[tilespmem:$0x1E800] =	vst v63  }
0x5c: {  	_ =	swait.ge [sflag:s21], $0x2800  }
0x5d: {  	[sflag:s21] =	ssyncset.done $0x0  }
0x5e: {  	s22 =	sadd.s32 $0x4000, s22;
	[sflag:s21] =	ssyncadd.s32 $0xFFFFD800  }
0x5f: {  	[spmem:s1] =	stream.indirect.scatter.add.f32 [tilespmem:s19], [sflag:$0x2], $0x80, s22, s20, $0xb8;
	[tilespmem:$0x1E800] =	vst v63  }
0x60: {  	_ =	swait.ge [sflag:s17], $0x2800  }
0x61: {  	s31 =	sshll.u32 s2, $0x6;
	s3 =	sadd.s32 $0x1, s3;
	[sflag:s17] =	ssyncset.done $0x0  }
0x62: {  	s23 =	sshrl.u32 s6, $0x3;
	p0 =	sne.s32 s3, s16;
	[sflag:s17] =	ssyncadd.s32 $0xFFFFD800  }
.Ltmp2:
0x63: {  	s22 =	sor.u32 $0x1C02, s31;
	[bflag:$0x0] =	sbarrier.arrive $0xFFFF;
	(pc) =	sbr.rel @p0 .LBB2_1-.Ltmp2, $4  }
0x64: {  	[hbm:s15], [sflag:s22] =	dma.local [spmem:s23], $0x2800  }
0x65: {  	_ =	swait.ge [sflag:s17], $0x2800  }
0x66: {  	[sflag:s17] =	ssyncset.done $0x0  }
0x67: {  	[sflag:s17] =	ssyncadd.s32 $0xFFFFD800  }
0x68: {  	_ =	sfence.sel $0x180000  }
0x69: {  	[bflag:$0x0] =	sbarrier.arrive $0xFFFF  }
0x6a: {  	p0 =	sne.s32 s2, $0x0;
	_ =	strace $0x90000053  }
0x6b: {  	s0 =	sadd.s32 @!p0 $0x100000, s0;
	[bflag:$0x2] =	sbarrier.arrive $0xFFFF  }
0x6c: {  	[sflag:s0] =	ssyncadd.tile.s32 @!p0 $0x1;
	_ =	shalt  }
.Lfunc_end2:
_tile_overlayer_lowered:
.L_overlay_start_2:
0x6d: {  	(tag) =	ssettag $0x2  }
0x6e: {  	s0 =	rddreg [dreg:$0x0];
	s2 =	stileid.u32  }
0x6f: {  	s1 =	rddreg [dreg:$0x1];
	p0 =	sne.s32 s2, $0x0  }
0x70: {  	s3 =	rddreg [dreg:$0x2];
	[bflag:$0x3] =	sbarrier.arrive $0xFFFF;
	s2 =	simm.s32 @!p0 $0x1C02  }
0x71: {  	[timem:s3], [sflag:s2] =	dma.local @!p0 [hbm:s0], s1  }
0x72: {  	s0 =	simm.s32 @!p0 $0x2  }
0x73: {  	_ =	swait.ge @!p0 [sflag:s0], s1  }
0x74: {  	s1 =	ssub.s32 @!p0 $0x0, s1;
	[sflag:s0] =	ssyncset.done @!p0 $0x0  }
0x75: {  	[sflag:s0] =	ssyncadd.s32 @!p0 s1  }
0x76: {  	[bflag:$0x3] =	sbarrier.arrive $0xFFFF  }
0x77: {  	_ =	shalt  }

// kernel: kernel.44.cloned.1.call-start
scs
__scs_entry_jumppad:
0x0: {  	(pc) =	sbr.rel $0x88, $3  }
0x1: {  	(tag) =	ssettag $0x0;
	lr =	simm.s32 $0x1  }
0x2: {  	[smem:$0x3F65] =	sst lr;
	_ =	strace $0xD0000000  }
0x3: {  	_ = 	snop  }
0x4: {  	_ = 	snop  }
0x5: {  	_ = 	snop  }
0x6: {  	_ = 	snop  }
0x7: {  	_ = 	snop  }
__scs_overlays_trampoline_lowered:
0x8: {  	[smem:$0x3F74] =	sst s0  }
0x9: {  	[smem:$0x3F75] =	sst s1  }
0xa: {  	[smem:$0x3F76] =	sst s2  }
0xb: {  	[smem:$0x3F77] =	sst s3  }
0xc: {  	[smem:$0x3F78] =	sst s4  }
0xd: {  	[smem:$0x3F79] =	sst s5  }
0xe: {  	[smem:$0x3F7A] =	sst s6  }
0xf: {  	[smem:$0x3F7B] =	sst s7  }
0x10: {  	[smem:$0x3F7C] =	sst s8  }
0x11: {  	[smem:$0x3F7D] =	sst s9;
	s0 =	simm.s32 @!p0 $0x0  }
0x12: {  	s1 =	sld [smem:$0x3F63];
	s0 =	simm.s32 @p0 $0x1  }
0x13: {  	[smem:$0x3F7E] =	sst s0;
	s0 =	simm.s32 @!p1 $0x0  }
0x14: {  	s2 =	sld [smem:$0x3F62];
	s0 =	simm.s32 @p1 $0x1  }
0x15: {  	[smem:$0x3F7F] =	sst s0;
	s0 =	simm.s32 @!p2 $0x0  }
0x16: {  	s3 =	sld [smem:$0x3FDB];
	s0 =	simm.s32 @p2 $0x1  }
0x17: {  	s4 =	simm.s32 $0x1BF5;
	[smem:$0x3F81] =	sst s0  }
0x18: {  	s0 =	sld [smem:$0x3F64];
	_ =	swait.ge [sflag:s4], $0x0  }
0x19: {  	s7 =	sld [smem:$0x3F65]  }
0x1a: {  	s8 =	sadd.s32 $0xFFFFE003, lr  }
0x1b: {  	s9 =	sadd.s32 $0xFFFFFEF7, lr;
	s5 =	simm.s32 $0xFFFFFFFF;
	p2 =	slt.u32 s8, $0xFFFFF086  }
0x1c: {  	p1 =	slt.u32 s9, $0xF7A;
	s5 =	simm.s32 @!p2 $0x0  }
0x1d: {  	s5 =	simm.s32 @p1 $0x1;
	p0 =	seq.s32 s7, s2  }
0x1e: {  	s7 =	smul.u32 @!p0 $0xF7A, s2;
	p2 =	seq.s32 @!p0 s5, $0x0  }
0x1f: {  	s9 =	smul.u32 $0xF7A, s1;
	s8 =	simm.s32 @!p0 $0x1BF5;
	p2 =	por !p2, p0  }
0x20: {  	[sflag:s8] =	ssyncset.s32 @!p0 $0xFFFFF086;
	s6 =	sadd.s32 @!p0 s3, s7;
	s7 =	simm.s32 @!p0 $0x108  }
0x21: {  	s3 =	sadd.s32 s3, s9;
	s6 =	sadd.s32 @!p0 $0x88, s6;
	s7 =	simm.s32 @p2 $0x1082  }
0x22: {  	[simem:s7], [sflag:s8] =	dma.local @!p0 [hbm:s6], $0xF7A  }
0x23: {  	s9 =	sor.u32 $0xD0000000, s2;
	s6 =	simm.s32 $0x108;
	_ =	swait.ge @!p0 [sflag:s8], $0x0  }
0x24: {  	s3 =	sadd.s32 $0x88, s3;
	s6 =	simm.s32 @!p1 $0x1082;
	[sflag:s4] =	ssyncset.s32 $0xFFFFF086  }
0x25: {  	[simem:s6], [sflag:s4] =	dma.local [hbm:s3], $0xF7A  }
0x26: {  	[smem:$0x3F65] =	sst s1;
	(tag) =	ssettag s2;
	_ =	strace s9  }
0x27: {  	s1 =	sld [smem:$0x3F75]  }
0x28: {  	s2 =	sld [smem:$0x3F76]  }
0x29: {  	s4 =	sld [smem:$0x3F78]  }
0x2a: {  	p0 =	seq.s32 s5, $0x0;
	s5 =	sld [smem:$0x3F79]  }
0x2b: {  	s6 =	sld [smem:$0x3F7A]  }
0x2c: {  	s7 =	sld [smem:$0x3F7B]  }
0x2d: {  	s3 =	simm.s32 $0x108;
	s8 =	sld [smem:$0x3F7C]  }
0x2e: {  	s3 =	simm.s32 @!p0 $0x1082;
	s9 =	sld [smem:$0x3F7D]  }
0x2f: {  	lr =	sadd.s32 s0, s3;
	s0 =	sld [smem:$0x3F74]  }
0x30: {  	s3 =	sld [smem:$0x3F77]  }
0x31: {  	[smem:$0x3F80] =	sst s10  }
0x32: {  	s10 =	sld [smem:$0x3F7E];
	_ =	sdelay $0x3  }
0x33: {  	p0 =	seq.s32 s10, $0x1;
	s10 =	sld [smem:$0x3F80];
	_ =	sdelay $0x3  }
0x34: {  	[smem:$0x3F80] =	sst s10  }
0x35: {  	s10 =	sld [smem:$0x3F7F];
	_ =	sdelay $0x3  }
0x36: {  	p1 =	seq.s32 s10, $0x1;
	s10 =	sld [smem:$0x3F80];
	_ =	sdelay $0x3  }
0x37: {  	[smem:$0x3F80] =	sst s10  }
0x38: {  	s10 =	sld [smem:$0x3F81]  }
0x39: {  	_ = 	snop;
	(pc) =	sbr.ind lr, $3  }
0x3a: {  	_ = 	snop  }
0x3b: {  	_ = 	snop  }
0x3c: {  	p2 =	seq.s32 s10, $0x1;
	s10 =	sld [smem:$0x3F80]  }
0x3d: {  	_ =	shalt  }
0x3e: {  	_ =	shalt  }
0x3f: {  	_ =	shalt  }
0x40: {  	_ =	shalt  }
0x41: {  	_ =	shalt  }
0x42: {  	_ =	shalt  }
0x43: {  	_ =	shalt  }
0x44: {  	_ =	shalt  }
0x45: {  	_ =	shalt  }
0x46: {  	_ =	shalt  }
0x47: {  	_ =	shalt  }
0x48: {  	_ =	shalt  }
0x49: {  	_ =	shalt  }
0x4a: {  	_ =	shalt  }
0x4b: {  	_ =	shalt  }
0x4c: {  	_ =	shalt  }
0x4d: {  	_ =	shalt  }
0x4e: {  	_ =	shalt  }
0x4f: {  	_ =	shalt  }
0x50: {  	_ =	shalt  }
0x51: {  	_ =	shalt  }
0x52: {  	_ =	shalt  }
0x53: {  	_ =	shalt  }
0x54: {  	_ =	shalt  }
0x55: {  	_ =	shalt  }
0x56: {  	_ =	shalt  }
0x57: {  	_ =	shalt  }
0x58: {  	_ =	shalt  }
0x59: {  	_ =	shalt  }
0x5a: {  	_ =	shalt  }
0x5b: {  	_ =	shalt  }
0x5c: {  	_ =	shalt  }
0x5d: {  	_ =	shalt  }
0x5e: {  	_ =	shalt  }
0x5f: {  	_ =	shalt  }
0x60: {  	_ =	shalt  }
0x61: {  	_ =	shalt  }
0x62: {  	_ =	shalt  }
0x63: {  	_ =	shalt  }
0x64: {  	_ =	shalt  }
0x65: {  	_ =	shalt  }
0x66: {  	_ =	shalt  }
0x67: {  	_ =	shalt  }
0x68: {  	_ =	shalt  }
0x69: {  	_ =	shalt  }
0x6a: {  	_ =	shalt  }
0x6b: {  	_ =	shalt  }
0x6c: {  	_ =	shalt  }
0x6d: {  	_ =	shalt  }
0x6e: {  	_ =	shalt  }
0x6f: {  	_ =	shalt  }
0x70: {  	_ =	shalt  }
0x71: {  	_ =	shalt  }
0x72: {  	_ =	shalt  }
0x73: {  	_ =	shalt  }
0x74: {  	_ =	shalt  }
0x75: {  	_ =	shalt  }
0x76: {  	_ =	shalt  }
0x77: {  	_ =	shalt  }
0x78: {  	_ =	shalt  }
0x79: {  	_ =	shalt  }
0x7a: {  	_ =	shalt  }
0x7b: {  	_ =	shalt  }
0x7c: {  	_ =	shalt  }
0x7d: {  	_ =	shalt  }
0x7e: {  	_ =	shalt  }
0x7f: {  	_ =	shalt  }
0x80: {  	_ =	shalt  }
0x81: {  	_ =	shalt  }
0x82: {  	_ =	shalt  }
0x83: {  	_ =	shalt  }
0x84: {  	_ =	shalt  }
0x85: {  	_ =	shalt  }
0x86: {  	_ =	shalt  }
0x87: {  	_ =	shalt  }
.Lfunc_end0:
.L_simem_size_0:
called_computation.5_lowered:
.L_overlay_start_0:
0x88: {  	s2 =	sld [smem:$0x3FD9]  }
0x89: {  	s3 =	sld [smem:$0x3FFE];
	_ =	sdelay $0x1  }
0x8a: {  	s1 =	srdreg.scid  }
0x8b: {  	s0 =	sand.u32 $0x1, s1  }
0x8c: {  	s16 =	sshll.u32 s0, $0xA;
	s2 =	sadd.s32 s3, s2  }
0x8d: {  	s2 =	sadd.s32 s2, s16  }
0x8e: {  	[smem:$0x3F8C] =	sst s2  }
0x8f: {  	_ = 	snop  }
0x90: {  	(tm) =	ssettm $0x1  }
0x91: {  	s17 =	sld [smem:$0x3FFB];
	_ =	sdelay $0x3  }
0x92: {  	_ =	strace s17  }
0x93: {  	s2 =	sld [smem:$0x3FFC];
	_ =	sdelay $0x3  }
0x94: {  	_ =	strace s2  }
0x95: {  	s2 =	sld [smem:$0x3FFD];
	_ =	sdelay $0x3  }
0x96: {  	_ =	strace s2  }
0x97: {  	_ =	strace $0x8FFFFFFF  }
0x98: {  	s18 =	sld [smem:$0x3FDB];
	_ =	sdelay $0x1  }
0x99: {  	s19 =	simm.s32 $_scs_section_size  }
0x9a: {  	s4 =	simm.s32 $_size__tile_overlayer_lowered;
	s5 =	simm.s32 $_tile_overlayer_lowered  }
0x9b: {  	s22 =	simm.s32 $0x1BFF;
	s21 =	sshll.u32 s5, $0x1;
	s2 =	sadd.s32 s19, s18  }
0x9c: {  	s6 =	simm.s32 $0x0;
	s20 =	sshll.u32 s4, $0x1;
	s4 =	sadd.s32 s21, s2  }
0x9d: {  	[timem:s6], [sflag:s22] =	dma.local [hbm:s4], s20  }
0x9e: {  	_ =	swait.ge [sflag:s22], s20  }
0x9f: {  	s3 =	ssub.s32 $0x0, s20;
	[sflag:s22] =	ssyncset.done $0x0  }
0xa0: {  	[sflag:s22] =	ssyncadd.s32 s3;
	_ =	sdelay $0x1  }
0xa1: {  	s23 =	simm.s32 $0x1B8B  }
0xa2: {  	_ =	swait.ge [sflag:s23], $0x1  }
0xa3: {  	[sflag:s23] =	ssyncset.done $0x0  }
0xa4: {  	s25 =	simm.s32 $0x1B8E;
	s24 =	sld [smem:$0x3FFE];
	[sflag:s23] =	ssyncadd.s32 $0xFFFFFFFF  }
0xa5: {  	s26 =	simm.s32 $execute0_lowered;
	[smem:$0x3FD2] =	sst s25  }
0xa6: {  	s4 =	sshll.u32 s26, $0x1;
	_ =	strace $0x80000055;
	[dreg:$0x1] =	wrdreg $0xFFFFFFFF  }
0xa7: {  	s28 =	simm.s32 $_size_execute0_lowered;
	s2 =	sadd.s32 s2, s4;
	[dreg:$0x0] =	wrdreg $0x0  }
0xa8: {  	s4 =	sshll.u32 s28, $0x1;
	[dreg:$0x2] =	wrdreg s2  }
0xa9: {  	[dreg:$0x3] =	wrdreg s4  }
0xaa: {  	[dreg:$0x4] =	wrdreg $0xC0  }
0xab: {  	_ =	task [dreg:s6], $0x5FFFF  }
0xac: {  	[dreg:$0x1] =	wrdreg $0xFFFFFFFF  }
0xad: {  	[dreg:$0x0] =	wrdreg $0x60  }
0xae: {  	[dreg:$0x2] =	wrdreg s24  }
0xaf: {  	[dreg:$0x3] =	wrdreg $0xA8000  }
0xb0: {  	[dreg:$0x4] =	wrdreg $0x9  }
0xb1: {  	_ =	task.clear_ibuf [dreg:s6], $0x5FFFF;
	_ =	strace $0x90000055  }
0xb2: {  	s29 =	simm.s32 $0x9;
	_ =	strace $0x80000057  }
0xb3: {  	_ =	swait.ge [sflag:s29], $0x1  }
0xb4: {  	[sflag:s29] =	ssyncadd.s32 $0xFFFFFFFF  }
0xb5: {  	_ =	strace $0x90000057  }
0xb6: {  	_ =	sfence  }
0xb7: {  	s30 =	sld [smem:$0x0];
	_ =	sdelay $0x2  }
0xb8: {  	s31 =	sshll.u32 s1, $0xD;
	s1 =	sshrl.u32 s1, $0x2  }
0xb9: {  	s3 =	sand.u32 $0x4000, s31;
	s1 =	sadd.s32 s1, s30  }
0xba: {  	s0 =	sor.u32 s3, s0;
	s1 =	sshll.u32 s1, $0x11  }
0xbb: {  	s0 =	sor.u32 s1, s0  }
0xbc: {  	s0 =	sadd.s32 $0x8F2B, s0  }
0xbd: {  	[sflag:s0] =	ssyncadd.remote.s32 $0x1  }
0xbe: {  	_ =	sfence.sel $0xFFFF  }
0xbf: {  	[dreg:$0x0] =	wrdreg $0xFFFFFFFF;
	(pc) =	sbr.abs _section_cstart, $3  }
0xc0: {  	[dreg:$0x1] =	wrdreg $0xFFFFFFFF  }
0xc1: {  	_ =	task.clear_ibuf [dreg:s6], $0x2FFFF;
	_ =	strace $0x9FFFFFFF  }
0xc2: {  	(tm) =	ssettm $0x7FFFFFFF  }
0xc3: {  	_ =	shalt  }
tec
execute0_lowered:
.L_overlay_start_1:
0x0: {  	(tag) =	ssettag $0x1  }
0x1: {  	s5 =	rddreg [dreg:$0x0]  }
0x2: {  	s1 =	rddreg [dreg:$0x1]  }
0x3: {  	s0 =	rddreg [dreg:$0x2];
	s3 =	simm.s32 $0x0;
	s2 =	srdreg.scid  }
0x4: {  	s17 =	simm.s32 $0x2;
	s18 =	simm.s32 $0x4000;
	s19 =	simm.s32 $0x8000  }
0x5: {  	s20 =	simm.s32 $0x50;
	[smem:$0x7FF] =	sst s3;
	s6 =	sand.u32 $0x1, s2  }
0x6: {  	s21 =	simm.s32 $0x1;
	s2 =	stileid.u32;
	s7 =	smul.u32 $0x140000, s6  }
0x7: {  	s4 =	sadd.s32 $0x2DA00, s5;
	s8 =	smul.u32 $0x14000, s2;
	s9 =	sshll.u32 s2, $0xC  }
0x8: {  	s10 =	sshll.u32 s6, $0xB;
	s29 =	smul.u32 $0x50000, s2;
	s6 =	ssub.s32 $0x2, s6  }
0x9: {  	_ =	strace $0x80000056;
	s9 =	sor.u32 s10, s9;
	s30 =	sshrl.u32 s6, $0x1  }
0xa: {  	s7 =	sadd.s32 s8, s7;
	s9 =	sadd.s32 s9, s5;
	s31 =	sshrl.u32 s29, $0x2  }
0xb: {  	s16 =	ssub.s32 s6, s30;
	s7 =	sshrl.u32 s7, $0x3;
	s6 =	sadd.s32 s31, s1  }
0xc: {  	s16 =	smax.u32 s16, $0x1;
	s15 =	sadd.s32 s7, s5;
	s5 =	sadd.s32 $0x1DA00, s9  }
0xd: {  	s7 =	sadd.s32 $0xDA00, s9;
	s8 =	sadd.s32 $0x2800, s6;
	s9 =	sadd.s32 $0x5000, s6  }
0xe: {  	s10 =	sadd.s32 $0x7800, s6;
	s11 =	sadd.s32 $0xA000, s6;
	s12 =	sadd.s32 $0xC800, s6  }
0xf: {  	v0 =	vimm.f32 $0.0e+00;
	s13 =	sadd.s32 $0xF000, s6;
	s14 =	sadd.s32 $0x11800, s6;
	s15 =	sadd.s32 $0x7BE00, s15  }
.LBB2_1:
0x10: {  	s22 =	simm.s32 $0x0;
	s23 =	simm.s32 $0x200  }
.LBB2_2:
0x11: {  	p0 =	sne.s32 s23, $0x9E00;
	[tilespmem:s22+$0x8070] =	vst v0  }
0x12: {  	[tilespmem:s22+$0x8000] =	vst v0  }
0x13: {  	[tilespmem:s22+$0x8010] =	vst v0  }
.Ltmp0:
0x14: {  	[tilespmem:s22+$0x8020] =	vst v0;
	(pc) =	sbr.rel @p0 .LBB2_2-.Ltmp0, $4  }
0x15: {  	[tilespmem:s22+$0x8030] =	vst v0  }
0x16: {  	[tilespmem:s22+$0x8040] =	vst v0  }
0x17: {  	[tilespmem:s22+$0x8050] =	vst v0  }
0x18: {  	[tilespmem:s22+$0x8060] =	vst v0;
	s22 =	sshra.s32 s23, $0x2;
	s23 =	sadd.s32 $0x200, s23  }
0x19: {  	[tilespmem:s22+$0x8070] =	vst v0  }
0x1a: {  	[tilespmem:s22+$0x8000] =	vst v0  }
0x1b: {  	[tilespmem:s22+$0x8010] =	vst v0  }
0x1c: {  	[tilespmem:s22+$0x8020] =	vst v0  }
0x1d: {  	[tilespmem:s22+$0x8030] =	vst v0  }
0x1e: {  	[tilespmem:s22+$0x8040] =	vst v0  }
0x1f: {  	[tilespmem:s22+$0x8050] =	vst v0  }
0x20: {  	[tilespmem:s22+$0x8060] =	vst v0;
	s29 =	simm.s32 $0x0  }
0x21: {  	[tilespmem:s29], [sflag:$0x2] =	stream.linear.gather [hbm4b:s5+s29], $0x3E80, $0x38;
	[tilespmem:$0x1E800] =	vst v63  }
0x22: {  	_ =	swait.ge [sflag:s17], $0x3E80  }
0x23: {  	[sflag:s17] =	ssyncset.done $0x0  }
0x24: {  	[sflag:s17] =	ssyncadd.s32 $0xFFFFC180  }
0x25: {  	[tilespmem:s18], [sflag:$0x2] =	stream.linear.gather [hbm4b:s7+s29], $0x3E80, $0x38;
	[tilespmem:$0x1E800] =	vst v63  }
0x26: {  	_ =	swait.ge [sflag:s17], $0x3E80  }
0x27: {  	[sflag:s17] =	ssyncset.done $0x0  }
0x28: {  	[sflag:s17] =	ssyncadd.s32 $0xFFFFC180  }
0x29: {  	[spmem:s6] =	stream.linear.scatter [tilespmem:s19], [sflag:$0x2], $0x2800, $0x38;
	[tilespmem:$0x1E800] =	vst v63  }
0x2a: {  	_ =	swait.ge [sflag:s17], $0x2800  }
0x2b: {  	[sflag:s17] =	ssyncset.done $0x0  }
0x2c: {  	[sflag:s17] =	ssyncadd.s32 $0xFFFFD800  }
0x2d: {  	[spmem:s8] =	stream.linear.scatter [tilespmem:s19], [sflag:$0x2], $0x2800, $0x38;
	[tilespmem:$0x1E800] =	vst v63  }
0x2e: {  	_ =	swait.ge [sflag:s17], $0x2800  }
0x2f: {  	[sflag:s17] =	ssyncset.done $0x0  }
0x30: {  	[sflag:s17] =	ssyncadd.s32 $0xFFFFD800  }
0x31: {  	[spmem:s9] =	stream.linear.scatter [tilespmem:s19], [sflag:$0x2], $0x2800, $0x38;
	[tilespmem:$0x1E800] =	vst v63  }
0x32: {  	_ =	swait.ge [sflag:s17], $0x2800  }
0x33: {  	[sflag:s17] =	ssyncset.done $0x0  }
0x34: {  	[sflag:s17] =	ssyncadd.s32 $0xFFFFD800  }
0x35: {  	[spmem:s10] =	stream.linear.scatter [tilespmem:s19], [sflag:$0x2], $0x2800, $0x38;
	[tilespmem:$0x1E800] =	vst v63  }
0x36: {  	_ =	swait.ge [sflag:s17], $0x2800  }
0x37: {  	[sflag:s17] =	ssyncset.done $0x0  }
0x38: {  	[sflag:s17] =	ssyncadd.s32 $0xFFFFD800  }
0x39: {  	[spmem:s11] =	stream.linear.scatter [tilespmem:s19], [sflag:$0x2], $0x2800, $0x38;
	[tilespmem:$0x1E800] =	vst v63  }
0x3a: {  	_ =	swait.ge [sflag:s17], $0x2800  }
0x3b: {  	[sflag:s17] =	ssyncset.done $0x0  }
0x3c: {  	[sflag:s17] =	ssyncadd.s32 $0xFFFFD800  }
0x3d: {  	[spmem:s12] =	stream.linear.scatter [tilespmem:s19], [sflag:$0x2], $0x2800, $0x38;
	[tilespmem:$0x1E800] =	vst v63  }
0x3e: {  	_ =	swait.ge [sflag:s17], $0x2800  }
0x3f: {  	[sflag:s17] =	ssyncset.done $0x0  }
0x40: {  	[sflag:s17] =	ssyncadd.s32 $0xFFFFD800  }
0x41: {  	[spmem:s13] =	stream.linear.scatter [tilespmem:s19], [sflag:$0x2], $0x2800, $0x38;
	[tilespmem:$0x1E800] =	vst v63  }
0x42: {  	_ =	swait.ge [sflag:s17], $0x2800  }
0x43: {  	[sflag:s17] =	ssyncset.done $0x0  }
0x44: {  	[sflag:s17] =	ssyncadd.s32 $0xFFFFD800  }
0x45: {  	[spmem:s14] =	stream.linear.scatter [tilespmem:s19], [sflag:$0x2], $0x2800, $0x38;
	[tilespmem:$0x1E800] =	vst v63  }
0x46: {  	_ =	swait.ge [sflag:s17], $0x2800  }
0x47: {  	[sflag:s17] =	ssyncset.done $0x0  }
0x48: {  	[sflag:s17] =	ssyncadd.s32 $0xFFFFD800  }
0x49: {  	s30 =	simm.s32 $0x0;
	[bflag:$0x0] =	sbarrier.arrive $0xFFFF  }
0x4a: {  	[tilespmem:s19], [sflag:$0x1] =	stream.indirect.gather [hbm4b:s4+s20], $0x80, s30, s20, $0xb8;
	[tilespmem:$0x1E800] =	vst v63  }
0x4b: {  	_ =	swait.ge [sflag:s21], $0x2800  }
0x4c: {  	[sflag:s21] =	ssyncset.done $0x0  }
0x4d: {  	s31 =	simm.s32 $0x4000;
	[sflag:s21] =	ssyncadd.s32 $0xFFFFD800  }
0x4e: {  	[spmem:s1] =	stream.indirect.scatter.add.f32 [tilespmem:s19], [sflag:$0x2], $0x80, s31, s20, $0xb8;
	[tilespmem:$0x1E800] =	vst v63  }
0x4f: {  	_ =	swait.ge [sflag:s17], $0x2800  }
0x50: {  	s22 =	simm.s32 $0x200;
	s23 =	simm.s32 $0x400;
	[sflag:s17] =	ssyncset.done $0x0  }
.LBB2_4:
0x51: {  	s24 =	sshra.s32 s22, $0x2  }
0x52: {  	[sflag:s17] =	ssyncadd.s32 $0xFFFFD800;
	s22 =	smov.u32 s23;
	s25 =	sadd.s32 $0x200, s23  }
0x53: {  	[tilespmem:s19], [sflag:$0x1] =	stream.indirect.gather [hbm4b:s4+s20], $0x80, s24, s20, $0xb8;
	[tilespmem:$0x1E800] =	vst v63  }
0x54: {  	p0 =	sne.s32 s23, $0xF800;
	_ =	swait.ge [sflag:s21], $0x2800  }
.Ltmp1:
0x55: {  	[sflag:s21] =	ssyncset.done $0x0;
	(pc) =	sbr.rel @p0 .LBB2_4-.Ltmp1, $4  }
0x56: {  	s23 =	sadd.s32 $0x4000, s24;
	[sflag:s21] =	ssyncadd.s32 $0xFFFFD800  }
0x57: {  	[spmem:s1] =	stream.indirect.scatter.add.f32 [tilespmem:s19], [sflag:$0x2], $0x80, s23, s20, $0xb8;
	[tilespmem:$0x1E800] =	vst v63  }
0x58: {  	_ =	swait.ge [sflag:s17], $0x2800  }
0x59: {  	s23 =	smov.u32 s25;
	[sflag:s17] =	ssyncset.done $0x0  }
0x5a: {  	s22 =	sshra.s32 s22, $0x2;
	[sflag:s17] =	ssyncadd.s32 $0xFFFFD800  }
0x5b: {  	[tilespmem:s19], [sflag:$0x1] =	stream.indirect.gather [hbm4b:s4+s20], $0x80, s22, s20, $0xb8;
	[tilespmem:$0x1E800] =	vst v63  }
0x5c: {  	_ =	swait.ge [sflag:s21], $0x2800  }
0x5d: {  	[sflag:s21] =	ssyncset.done $0x0  }
0x5e: {  	s22 =	sadd.s32 $0x4000, s22;
	[sflag:s21] =	ssyncadd.s32 $0xFFFFD800  }
0x5f: {  	[spmem:s1] =	stream.indirect.scatter.add.f32 [tilespmem:s19], [sflag:$0x2], $0x80, s22, s20, $0xb8;
	[tilespmem:$0x1E800] =	vst v63  }
0x60: {  	_ =	swait.ge [sflag:s17], $0x2800  }
0x61: {  	s31 =	sshll.u32 s2, $0x6;
	s3 =	sadd.s32 $0x1, s3;
	[sflag:s17] =	ssyncset.done $0x0  }
0x62: {  	s23 =	sshrl.u32 s6, $0x3;
	p0 =	sne.s32 s3, s16;
	[sflag:s17] =	ssyncadd.s32 $0xFFFFD800  }
.Ltmp2:
0x63: {  	s22 =	sor.u32 $0x1C02, s31;
	[bflag:$0x0] =	sbarrier.arrive $0xFFFF;
	(pc) =	sbr.rel @p0 .LBB2_1-.Ltmp2, $4  }
0x64: {  	[hbm:s15], [sflag:s22] =	dma.local [spmem:s23], $0x2800  }
0x65: {  	_ =	swait.ge [sflag:s17], $0x2800  }
0x66: {  	[sflag:s17] =	ssyncset.done $0x0  }
0x67: {  	[sflag:s17] =	ssyncadd.s32 $0xFFFFD800  }
0x68: {  	_ =	sfence.sel $0x180000  }
0x69: {  	[bflag:$0x0] =	sbarrier.arrive $0xFFFF  }
0x6a: {  	p0 =	sne.s32 s2, $0x0;
	_ =	strace $0x90000056  }
0x6b: {  	s0 =	sadd.s32 @!p0 $0x100000, s0;
	[bflag:$0x2] =	sbarrier.arrive $0xFFFF  }
0x6c: {  	[sflag:s0] =	ssyncadd.tile.s32 @!p0 $0x1;
	_ =	shalt  }
.Lfunc_end2:
_tile_overlayer_lowered:
.L_overlay_start_2:
0x6d: {  	(tag) =	ssettag $0x2  }
0x6e: {  	s0 =	rddreg [dreg:$0x0];
	s2 =	stileid.u32  }
0x6f: {  	s1 =	rddreg [dreg:$0x1];
	p0 =	sne.s32 s2, $0x0  }
0x70: {  	s3 =	rddreg [dreg:$0x2];
	[bflag:$0x3] =	sbarrier.arrive $0xFFFF;
	s2 =	simm.s32 @!p0 $0x1C02  }
0x71: {  	[timem:s3], [sflag:s2] =	dma.local @!p0 [hbm:s0], s1  }
0x72: {  	s0 =	simm.s32 @!p0 $0x2  }
0x73: {  	_ =	swait.ge @!p0 [sflag:s0], s1  }
0x74: {  	s1 =	ssub.s32 @!p0 $0x0, s1;
	[sflag:s0] =	ssyncset.done @!p0 $0x0  }
0x75: {  	[sflag:s0] =	ssyncadd.s32 @!p0 s1  }
0x76: {  	[bflag:$0x3] =	sbarrier.arrive $0xFFFF  }
0x77: {  	_ =	shalt  }

// kernel: kernel.47.cloned.1.call-start
scs
__scs_entry_jumppad:
0x0: {  	(pc) =	sbr.rel $0x88, $3  }
0x1: {  	(tag) =	ssettag $0x0;
	lr =	simm.s32 $0x1  }
0x2: {  	[smem:$0x3F65] =	sst lr;
	_ =	strace $0xD0000000  }
0x3: {  	_ = 	snop  }
0x4: {  	_ = 	snop  }
0x5: {  	_ = 	snop  }
0x6: {  	_ = 	snop  }
0x7: {  	_ = 	snop  }
__scs_overlays_trampoline_lowered:
0x8: {  	[smem:$0x3F74] =	sst s0  }
0x9: {  	[smem:$0x3F75] =	sst s1  }
0xa: {  	[smem:$0x3F76] =	sst s2  }
0xb: {  	[smem:$0x3F77] =	sst s3  }
0xc: {  	[smem:$0x3F78] =	sst s4  }
0xd: {  	[smem:$0x3F79] =	sst s5  }
0xe: {  	[smem:$0x3F7A] =	sst s6  }
0xf: {  	[smem:$0x3F7B] =	sst s7  }
0x10: {  	[smem:$0x3F7C] =	sst s8  }
0x11: {  	[smem:$0x3F7D] =	sst s9;
	s0 =	simm.s32 @!p0 $0x0  }
0x12: {  	s1 =	sld [smem:$0x3F63];
	s0 =	simm.s32 @p0 $0x1  }
0x13: {  	[smem:$0x3F7E] =	sst s0;
	s0 =	simm.s32 @!p1 $0x0  }
0x14: {  	s2 =	sld [smem:$0x3F62];
	s0 =	simm.s32 @p1 $0x1  }
0x15: {  	[smem:$0x3F7F] =	sst s0;
	s0 =	simm.s32 @!p2 $0x0  }
0x16: {  	s3 =	sld [smem:$0x3FDB];
	s0 =	simm.s32 @p2 $0x1  }
0x17: {  	s4 =	simm.s32 $0x1BF5;
	[smem:$0x3F81] =	sst s0  }
0x18: {  	s0 =	sld [smem:$0x3F64];
	_ =	swait.ge [sflag:s4], $0x0  }
0x19: {  	s7 =	sld [smem:$0x3F65]  }
0x1a: {  	s8 =	sadd.s32 $0xFFFFE003, lr  }
0x1b: {  	s9 =	sadd.s32 $0xFFFFFEF7, lr;
	s5 =	simm.s32 $0xFFFFFFFF;
	p2 =	slt.u32 s8, $0xFFFFF086  }
0x1c: {  	p1 =	slt.u32 s9, $0xF7A;
	s5 =	simm.s32 @!p2 $0x0  }
0x1d: {  	s5 =	simm.s32 @p1 $0x1;
	p0 =	seq.s32 s7, s2  }
0x1e: {  	s7 =	smul.u32 @!p0 $0xF7A, s2;
	p2 =	seq.s32 @!p0 s5, $0x0  }
0x1f: {  	s9 =	smul.u32 $0xF7A, s1;
	s8 =	simm.s32 @!p0 $0x1BF5;
	p2 =	por !p2, p0  }
0x20: {  	[sflag:s8] =	ssyncset.s32 @!p0 $0xFFFFF086;
	s6 =	sadd.s32 @!p0 s3, s7;
	s7 =	simm.s32 @!p0 $0x108  }
0x21: {  	s3 =	sadd.s32 s3, s9;
	s6 =	sadd.s32 @!p0 $0x88, s6;
	s7 =	simm.s32 @p2 $0x1082  }
0x22: {  	[simem:s7], [sflag:s8] =	dma.local @!p0 [hbm:s6], $0xF7A  }
0x23: {  	s9 =	sor.u32 $0xD0000000, s2;
	s6 =	simm.s32 $0x108;
	_ =	swait.ge @!p0 [sflag:s8], $0x0  }
0x24: {  	s3 =	sadd.s32 $0x88, s3;
	s6 =	simm.s32 @!p1 $0x1082;
	[sflag:s4] =	ssyncset.s32 $0xFFFFF086  }
0x25: {  	[simem:s6], [sflag:s4] =	dma.local [hbm:s3], $0xF7A  }
0x26: {  	[smem:$0x3F65] =	sst s1;
	(tag) =	ssettag s2;
	_ =	strace s9  }
0x27: {  	s1 =	sld [smem:$0x3F75]  }
0x28: {  	s2 =	sld [smem:$0x3F76]  }
0x29: {  	s4 =	sld [smem:$0x3F78]  }
0x2a: {  	p0 =	seq.s32 s5, $0x0;
	s5 =	sld [smem:$0x3F79]  }
0x2b: {  	s6 =	sld [smem:$0x3F7A]  }
0x2c: {  	s7 =	sld [smem:$0x3F7B]  }
0x2d: {  	s3 =	simm.s32 $0x108;
	s8 =	sld [smem:$0x3F7C]  }
0x2e: {  	s3 =	simm.s32 @!p0 $0x1082;
	s9 =	sld [smem:$0x3F7D]  }
0x2f: {  	lr =	sadd.s32 s0, s3;
	s0 =	sld [smem:$0x3F74]  }
0x30: {  	s3 =	sld [smem:$0x3F77]  }
0x31: {  	[smem:$0x3F80] =	sst s10  }
0x32: {  	s10 =	sld [smem:$0x3F7E];
	_ =	sdelay $0x3  }
0x33: {  	p0 =	seq.s32 s10, $0x1;
	s10 =	sld [smem:$0x3F80];
	_ =	sdelay $0x3  }
0x34: {  	[smem:$0x3F80] =	sst s10  }
0x35: {  	s10 =	sld [smem:$0x3F7F];
	_ =	sdelay $0x3  }
0x36: {  	p1 =	seq.s32 s10, $0x1;
	s10 =	sld [smem:$0x3F80];
	_ =	sdelay $0x3  }
0x37: {  	[smem:$0x3F80] =	sst s10  }
0x38: {  	s10 =	sld [smem:$0x3F81]  }
0x39: {  	_ = 	snop;
	(pc) =	sbr.ind lr, $3  }
0x3a: {  	_ = 	snop  }
0x3b: {  	_ = 	snop  }
0x3c: {  	p2 =	seq.s32 s10, $0x1;
	s10 =	sld [smem:$0x3F80]  }
0x3d: {  	_ =	shalt  }
0x3e: {  	_ =	shalt  }
0x3f: {  	_ =	shalt  }
0x40: {  	_ =	shalt  }
0x41: {  	_ =	shalt  }
0x42: {  	_ =	shalt  }
0x43: {  	_ =	shalt  }
0x44: {  	_ =	shalt  }
0x45: {  	_ =	shalt  }
0x46: {  	_ =	shalt  }
0x47: {  	_ =	shalt  }
0x48: {  	_ =	shalt  }
0x49: {  	_ =	shalt  }
0x4a: {  	_ =	shalt  }
0x4b: {  	_ =	shalt  }
0x4c: {  	_ =	shalt  }
0x4d: {  	_ =	shalt  }
0x4e: {  	_ =	shalt  }
0x4f: {  	_ =	shalt  }
0x50: {  	_ =	shalt  }
0x51: {  	_ =	shalt  }
0x52: {  	_ =	shalt  }
0x53: {  	_ =	shalt  }
0x54: {  	_ =	shalt  }
0x55: {  	_ =	shalt  }
0x56: {  	_ =	shalt  }
0x57: {  	_ =	shalt  }
0x58: {  	_ =	shalt  }
0x59: {  	_ =	shalt  }
0x5a: {  	_ =	shalt  }
0x5b: {  	_ =	shalt  }
0x5c: {  	_ =	shalt  }
0x5d: {  	_ =	shalt  }
0x5e: {  	_ =	shalt  }
0x5f: {  	_ =	shalt  }
0x60: {  	_ =	shalt  }
0x61: {  	_ =	shalt  }
0x62: {  	_ =	shalt  }
0x63: {  	_ =	shalt  }
0x64: {  	_ =	shalt  }
0x65: {  	_ =	shalt  }
0x66: {  	_ =	shalt  }
0x67: {  	_ =	shalt  }
0x68: {  	_ =	shalt  }
0x69: {  	_ =	shalt  }
0x6a: {  	_ =	shalt  }
0x6b: {  	_ =	shalt  }
0x6c: {  	_ =	shalt  }
0x6d: {  	_ =	shalt  }
0x6e: {  	_ =	shalt  }
0x6f: {  	_ =	shalt  }
0x70: {  	_ =	shalt  }
0x71: {  	_ =	shalt  }
0x72: {  	_ =	shalt  }
0x73: {  	_ =	shalt  }
0x74: {  	_ =	shalt  }
0x75: {  	_ =	shalt  }
0x76: {  	_ =	shalt  }
0x77: {  	_ =	shalt  }
0x78: {  	_ =	shalt  }
0x79: {  	_ =	shalt  }
0x7a: {  	_ =	shalt  }
0x7b: {  	_ =	shalt  }
0x7c: {  	_ =	shalt  }
0x7d: {  	_ =	shalt  }
0x7e: {  	_ =	shalt  }
0x7f: {  	_ =	shalt  }
0x80: {  	_ =	shalt  }
0x81: {  	_ =	shalt  }
0x82: {  	_ =	shalt  }
0x83: {  	_ =	shalt  }
0x84: {  	_ =	shalt  }
0x85: {  	_ =	shalt  }
0x86: {  	_ =	shalt  }
0x87: {  	_ =	shalt  }
.Lfunc_end0:
.L_simem_size_0:
called_computation.6_lowered:
.L_overlay_start_0:
0x88: {  	s2 =	sld [smem:$0x3FD9]  }
0x89: {  	s3 =	sld [smem:$0x3FFE];
	_ =	sdelay $0x1  }
0x8a: {  	s1 =	srdreg.scid  }
0x8b: {  	s0 =	sand.u32 $0x1, s1  }
0x8c: {  	s16 =	sshll.u32 s0, $0xA;
	s2 =	sadd.s32 s3, s2  }
0x8d: {  	s2 =	sadd.s32 s2, s16  }
0x8e: {  	[smem:$0x3F8C] =	sst s2  }
0x8f: {  	_ = 	snop  }
0x90: {  	(tm) =	ssettm $0x1  }
0x91: {  	s17 =	sld [smem:$0x3FFB];
	_ =	sdelay $0x3  }
0x92: {  	_ =	strace s17  }
0x93: {  	s2 =	sld [smem:$0x3FFC];
	_ =	sdelay $0x3  }
0x94: {  	_ =	strace s2  }
0x95: {  	s2 =	sld [smem:$0x3FFD];
	_ =	sdelay $0x3  }
0x96: {  	_ =	strace s2  }
0x97: {  	_ =	strace $0x8FFFFFFF  }
0x98: {  	s18 =	sld [smem:$0x3FDB];
	_ =	sdelay $0x1  }
0x99: {  	s19 =	simm.s32 $_scs_section_size  }
0x9a: {  	s4 =	simm.s32 $_size__tile_overlayer_lowered;
	s5 =	simm.s32 $_tile_overlayer_lowered  }
0x9b: {  	s22 =	simm.s32 $0x1BFF;
	s21 =	sshll.u32 s5, $0x1;
	s2 =	sadd.s32 s19, s18  }
0x9c: {  	s6 =	simm.s32 $0x0;
	s20 =	sshll.u32 s4, $0x1;
	s4 =	sadd.s32 s21, s2  }
0x9d: {  	[timem:s6], [sflag:s22] =	dma.local [hbm:s4], s20  }
0x9e: {  	_ =	swait.ge [sflag:s22], s20  }
0x9f: {  	s3 =	ssub.s32 $0x0, s20;
	[sflag:s22] =	ssyncset.done $0x0  }
0xa0: {  	[sflag:s22] =	ssyncadd.s32 s3;
	_ =	sdelay $0x1  }
0xa1: {  	s23 =	simm.s32 $0x1B8B  }
0xa2: {  	_ =	swait.ge [sflag:s23], $0x1  }
0xa3: {  	[sflag:s23] =	ssyncset.done $0x0  }
0xa4: {  	s25 =	simm.s32 $0x1B8E;
	s24 =	sld [smem:$0x3FFE];
	[sflag:s23] =	ssyncadd.s32 $0xFFFFFFFF  }
0xa5: {  	s26 =	simm.s32 $execute0_lowered;
	[smem:$0x3FD2] =	sst s25  }
0xa6: {  	s4 =	sshll.u32 s26, $0x1;
	_ =	strace $0x80000058;
	[dreg:$0x1] =	wrdreg $0xFFFFFFFF  }
0xa7: {  	s28 =	simm.s32 $_size_execute0_lowered;
	s2 =	sadd.s32 s2, s4;
	[dreg:$0x0] =	wrdreg $0x0  }
0xa8: {  	s4 =	sshll.u32 s28, $0x1;
	[dreg:$0x2] =	wrdreg s2  }
0xa9: {  	[dreg:$0x3] =	wrdreg s4  }
0xaa: {  	[dreg:$0x4] =	wrdreg $0xC0  }
0xab: {  	_ =	task [dreg:s6], $0x5FFFF  }
0xac: {  	[dreg:$0x1] =	wrdreg $0xFFFFFFFF  }
0xad: {  	[dreg:$0x0] =	wrdreg $0x60  }
0xae: {  	[dreg:$0x2] =	wrdreg s24  }
0xaf: {  	[dreg:$0x3] =	wrdreg $0xA8000  }
0xb0: {  	[dreg:$0x4] =	wrdreg $0x9  }
0xb1: {  	_ =	task.clear_ibuf [dreg:s6], $0x5FFFF;
	_ =	strace $0x90000058  }
0xb2: {  	s29 =	simm.s32 $0x9;
	_ =	strace $0x8000005A  }
0xb3: {  	_ =	swait.ge [sflag:s29], $0x1  }
0xb4: {  	[sflag:s29] =	ssyncadd.s32 $0xFFFFFFFF  }
0xb5: {  	_ =	strace $0x9000005A  }
0xb6: {  	_ =	sfence  }
0xb7: {  	s30 =	sld [smem:$0x0];
	_ =	sdelay $0x2  }
0xb8: {  	s31 =	sshll.u32 s1, $0xD;
	s1 =	sshrl.u32 s1, $0x2  }
0xb9: {  	s3 =	sand.u32 $0x4000, s31;
	s1 =	sadd.s32 s1, s30  }
0xba: {  	s0 =	sor.u32 s3, s0;
	s1 =	sshll.u32 s1, $0x11  }
0xbb: {  	s0 =	sor.u32 s1, s0  }
0xbc: {  	s0 =	sadd.s32 $0x8F2B, s0  }
0xbd: {  	[sflag:s0] =	ssyncadd.remote.s32 $0x1  }
0xbe: {  	_ =	sfence.sel $0xFFFF  }
0xbf: {  	[dreg:$0x0] =	wrdreg $0xFFFFFFFF;
	(pc) =	sbr.abs _section_cstart, $3  }
0xc0: {  	[dreg:$0x1] =	wrdreg $0xFFFFFFFF  }
0xc1: {  	_ =	task.clear_ibuf [dreg:s6], $0x2FFFF;
	_ =	strace $0x9FFFFFFF  }
0xc2: {  	(tm) =	ssettm $0x7FFFFFFF  }
0xc3: {  	_ =	shalt  }
tec
execute0_lowered:
.L_overlay_start_1:
0x0: {  	(tag) =	ssettag $0x1  }
0x1: {  	s5 =	rddreg [dreg:$0x0]  }
0x2: {  	s1 =	rddreg [dreg:$0x1]  }
0x3: {  	s0 =	rddreg [dreg:$0x2];
	s3 =	simm.s32 $0x0;
	s2 =	srdreg.scid  }
0x4: {  	s17 =	simm.s32 $0x2;
	s18 =	simm.s32 $0x4000;
	s19 =	simm.s32 $0x8000  }
0x5: {  	s20 =	simm.s32 $0x50;
	[smem:$0x7FF] =	sst s3;
	s6 =	sand.u32 $0x1, s2  }
0x6: {  	s21 =	simm.s32 $0x1;
	s2 =	stileid.u32;
	s7 =	smul.u32 $0x140000, s6  }
0x7: {  	s4 =	sadd.s32 $0x2DA00, s5;
	s8 =	smul.u32 $0x14000, s2;
	s9 =	sshll.u32 s2, $0xC  }
0x8: {  	s10 =	sshll.u32 s6, $0xB;
	s29 =	smul.u32 $0x50000, s2;
	s6 =	ssub.s32 $0x2, s6  }
0x9: {  	_ =	strace $0x80000059;
	s9 =	sor.u32 s10, s9;
	s30 =	sshrl.u32 s6, $0x1  }
0xa: {  	s7 =	sadd.s32 s8, s7;
	s9 =	sadd.s32 s9, s5;
	s31 =	sshrl.u32 s29, $0x2  }
0xb: {  	s16 =	ssub.s32 s6, s30;
	s7 =	sshrl.u32 s7, $0x3;
	s6 =	sadd.s32 s31, s1  }
0xc: {  	s16 =	smax.u32 s16, $0x1;
	s15 =	sadd.s32 s7, s5;
	s5 =	sadd.s32 $0x1DA00, s9  }
0xd: {  	s7 =	sadd.s32 $0xDA00, s9;
	s8 =	sadd.s32 $0x2800, s6;
	s9 =	sadd.s32 $0x5000, s6  }
0xe: {  	s10 =	sadd.s32 $0x7800, s6;
	s11 =	sadd.s32 $0xA000, s6;
	s12 =	sadd.s32 $0xC800, s6  }
0xf: {  	v0 =	vimm.f32 $0.0e+00;
	s13 =	sadd.s32 $0xF000, s6;
	s14 =	sadd.s32 $0x11800, s6;
	s15 =	sadd.s32 $0x7BE00, s15  }
.LBB2_1:
0x10: {  	s22 =	simm.s32 $0x0;
	s23 =	simm.s32 $0x200  }
.LBB2_2:
0x11: {  	p0 =	sne.s32 s23, $0x9E00;
	[tilespmem:s22+$0x8070] =	vst v0  }
0x12: {  	[tilespmem:s22+$0x8000] =	vst v0  }
0x13: {  	[tilespmem:s22+$0x8010] =	vst v0  }
.Ltmp0:
0x14: {  	[tilespmem:s22+$0x8020] =	vst v0;
	(pc) =	sbr.rel @p0 .LBB2_2-.Ltmp0, $4  }
0x15: {  	[tilespmem:s22+$0x8030] =	vst v0  }
0x16: {  	[tilespmem:s22+$0x8040] =	vst v0  }
0x17: {  	[tilespmem:s22+$0x8050] =	vst v0  }
0x18: {  	[tilespmem:s22+$0x8060] =	vst v0;
	s22 =	sshra.s32 s23, $0x2;
	s23 =	sadd.s32 $0x200, s23  }
0x19: {  	[tilespmem:s22+$0x8070] =	vst v0  }
0x1a: {  	[tilespmem:s22+$0x8000] =	vst v0  }
0x1b: {  	[tilespmem:s22+$0x8010] =	vst v0  }
0x1c: {  	[tilespmem:s22+$0x8020] =	vst v0  }
0x1d: {  	[tilespmem:s22+$0x8030] =	vst v0  }
0x1e: {  	[tilespmem:s22+$0x8040] =	vst v0  }
0x1f: {  	[tilespmem:s22+$0x8050] =	vst v0  }
0x20: {  	[tilespmem:s22+$0x8060] =	vst v0;
	s29 =	simm.s32 $0x0  }
0x21: {  	[tilespmem:s29], [sflag:$0x2] =	stream.linear.gather [hbm4b:s5+s29], $0x3E80, $0x38;
	[tilespmem:$0x1E800] =	vst v63  }
0x22: {  	_ =	swait.ge [sflag:s17], $0x3E80  }
0x23: {  	[sflag:s17] =	ssyncset.done $0x0  }
0x24: {  	[sflag:s17] =	ssyncadd.s32 $0xFFFFC180  }
0x25: {  	[tilespmem:s18], [sflag:$0x2] =	stream.linear.gather [hbm4b:s7+s29], $0x3E80, $0x38;
	[tilespmem:$0x1E800] =	vst v63  }
0x26: {  	_ =	swait.ge [sflag:s17], $0x3E80  }
0x27: {  	[sflag:s17] =	ssyncset.done $0x0  }
0x28: {  	[sflag:s17] =	ssyncadd.s32 $0xFFFFC180  }
0x29: {  	[spmem:s6] =	stream.linear.scatter [tilespmem:s19], [sflag:$0x2], $0x2800, $0x38;
	[tilespmem:$0x1E800] =	vst v63  }
0x2a: {  	_ =	swait.ge [sflag:s17], $0x2800  }
0x2b: {  	[sflag:s17] =	ssyncset.done $0x0  }
0x2c: {  	[sflag:s17] =	ssyncadd.s32 $0xFFFFD800  }
0x2d: {  	[spmem:s8] =	stream.linear.scatter [tilespmem:s19], [sflag:$0x2], $0x2800, $0x38;
	[tilespmem:$0x1E800] =	vst v63  }
0x2e: {  	_ =	swait.ge [sflag:s17], $0x2800  }
0x2f: {  	[sflag:s17] =	ssyncset.done $0x0  }
0x30: {  	[sflag:s17] =	ssyncadd.s32 $0xFFFFD800  }
0x31: {  	[spmem:s9] =	stream.linear.scatter [tilespmem:s19], [sflag:$0x2], $0x2800, $0x38;
	[tilespmem:$0x1E800] =	vst v63  }
0x32: {  	_ =	swait.ge [sflag:s17], $0x2800  }
0x33: {  	[sflag:s17] =	ssyncset.done $0x0  }
0x34: {  	[sflag:s17] =	ssyncadd.s32 $0xFFFFD800  }
0x35: {  	[spmem:s10] =	stream.linear.scatter [tilespmem:s19], [sflag:$0x2], $0x2800, $0x38;
	[tilespmem:$0x1E800] =	vst v63  }
0x36: {  	_ =	swait.ge [sflag:s17], $0x2800  }
0x37: {  	[sflag:s17] =	ssyncset.done $0x0  }
0x38: {  	[sflag:s17] =	ssyncadd.s32 $0xFFFFD800  }
0x39: {  	[spmem:s11] =	stream.linear.scatter [tilespmem:s19], [sflag:$0x2], $0x2800, $0x38;
	[tilespmem:$0x1E800] =	vst v63  }
0x3a: {  	_ =	swait.ge [sflag:s17], $0x2800  }
0x3b: {  	[sflag:s17] =	ssyncset.done $0x0  }
0x3c: {  	[sflag:s17] =	ssyncadd.s32 $0xFFFFD800  }
0x3d: {  	[spmem:s12] =	stream.linear.scatter [tilespmem:s19], [sflag:$0x2], $0x2800, $0x38;
	[tilespmem:$0x1E800] =	vst v63  }
0x3e: {  	_ =	swait.ge [sflag:s17], $0x2800  }
0x3f: {  	[sflag:s17] =	ssyncset.done $0x0  }
0x40: {  	[sflag:s17] =	ssyncadd.s32 $0xFFFFD800  }
0x41: {  	[spmem:s13] =	stream.linear.scatter [tilespmem:s19], [sflag:$0x2], $0x2800, $0x38;
	[tilespmem:$0x1E800] =	vst v63  }
0x42: {  	_ =	swait.ge [sflag:s17], $0x2800  }
0x43: {  	[sflag:s17] =	ssyncset.done $0x0  }
0x44: {  	[sflag:s17] =	ssyncadd.s32 $0xFFFFD800  }
0x45: {  	[spmem:s14] =	stream.linear.scatter [tilespmem:s19], [sflag:$0x2], $0x2800, $0x38;
	[tilespmem:$0x1E800] =	vst v63  }
0x46: {  	_ =	swait.ge [sflag:s17], $0x2800  }
0x47: {  	[sflag:s17] =	ssyncset.done $0x0  }
0x48: {  	[sflag:s17] =	ssyncadd.s32 $0xFFFFD800  }
0x49: {  	s30 =	simm.s32 $0x0;
	[bflag:$0x0] =	sbarrier.arrive $0xFFFF  }
0x4a: {  	[tilespmem:s19], [sflag:$0x1] =	stream.indirect.gather [hbm4b:s4+s20], $0x80, s30, s20, $0xb8;
	[tilespmem:$0x1E800] =	vst v63  }
0x4b: {  	_ =	swait.ge [sflag:s21], $0x2800  }
0x4c: {  	[sflag:s21] =	ssyncset.done $0x0  }
0x4d: {  	s31 =	simm.s32 $0x4000;
	[sflag:s21] =	ssyncadd.s32 $0xFFFFD800  }
0x4e: {  	[spmem:s1] =	stream.indirect.scatter.add.f32 [tilespmem:s19], [sflag:$0x2], $0x80, s31, s20, $0xb8;
	[tilespmem:$0x1E800] =	vst v63  }
0x4f: {  	_ =	swait.ge [sflag:s17], $0x2800  }
0x50: {  	s22 =	simm.s32 $0x200;
	s23 =	simm.s32 $0x400;
	[sflag:s17] =	ssyncset.done $0x0  }
.LBB2_4:
0x51: {  	s24 =	sshra.s32 s22, $0x2  }
0x52: {  	[sflag:s17] =	ssyncadd.s32 $0xFFFFD800;
	s22 =	smov.u32 s23;
	s25 =	sadd.s32 $0x200, s23  }
0x53: {  	[tilespmem:s19], [sflag:$0x1] =	stream.indirect.gather [hbm4b:s4+s20], $0x80, s24, s20, $0xb8;
	[tilespmem:$0x1E800] =	vst v63  }
0x54: {  	p0 =	sne.s32 s23, $0xF800;
	_ =	swait.ge [sflag:s21], $0x2800  }
.Ltmp1:
0x55: {  	[sflag:s21] =	ssyncset.done $0x0;
	(pc) =	sbr.rel @p0 .LBB2_4-.Ltmp1, $4  }
0x56: {  	s23 =	sadd.s32 $0x4000, s24;
	[sflag:s21] =	ssyncadd.s32 $0xFFFFD800  }
0x57: {  	[spmem:s1] =	stream.indirect.scatter.add.f32 [tilespmem:s19], [sflag:$0x2], $0x80, s23, s20, $0xb8;
	[tilespmem:$0x1E800] =	vst v63  }
0x58: {  	_ =	swait.ge [sflag:s17], $0x2800  }
0x59: {  	s23 =	smov.u32 s25;
	[sflag:s17] =	ssyncset.done $0x0  }
0x5a: {  	s22 =	sshra.s32 s22, $0x2;
	[sflag:s17] =	ssyncadd.s32 $0xFFFFD800  }
0x5b: {  	[tilespmem:s19], [sflag:$0x1] =	stream.indirect.gather [hbm4b:s4+s20], $0x80, s22, s20, $0xb8;
	[tilespmem:$0x1E800] =	vst v63  }
0x5c: {  	_ =	swait.ge [sflag:s21], $0x2800  }
0x5d: {  	[sflag:s21] =	ssyncset.done $0x0  }
0x5e: {  	s22 =	sadd.s32 $0x4000, s22;
	[sflag:s21] =	ssyncadd.s32 $0xFFFFD800  }
0x5f: {  	[spmem:s1] =	stream.indirect.scatter.add.f32 [tilespmem:s19], [sflag:$0x2], $0x80, s22, s20, $0xb8;
	[tilespmem:$0x1E800] =	vst v63  }
0x60: {  	_ =	swait.ge [sflag:s17], $0x2800  }
0x61: {  	s31 =	sshll.u32 s2, $0x6;
	s3 =	sadd.s32 $0x1, s3;
	[sflag:s17] =	ssyncset.done $0x0  }
0x62: {  	s23 =	sshrl.u32 s6, $0x3;
	p0 =	sne.s32 s3, s16;
	[sflag:s17] =	ssyncadd.s32 $0xFFFFD800  }
.Ltmp2:
0x63: {  	s22 =	sor.u32 $0x1C02, s31;
	[bflag:$0x0] =	sbarrier.arrive $0xFFFF;
	(pc) =	sbr.rel @p0 .LBB2_1-.Ltmp2, $4  }
0x64: {  	[hbm:s15], [sflag:s22] =	dma.local [spmem:s23], $0x2800  }
0x65: {  	_ =	swait.ge [sflag:s17], $0x2800  }
0x66: {  	[sflag:s17] =	ssyncset.done $0x0  }
0x67: {  	[sflag:s17] =	ssyncadd.s32 $0xFFFFD800  }
0x68: {  	_ =	sfence.sel $0x180000  }
0x69: {  	[bflag:$0x0] =	sbarrier.arrive $0xFFFF  }
0x6a: {  	p0 =	sne.s32 s2, $0x0;
	_ =	strace $0x90000059  }
0x6b: {  	s0 =	sadd.s32 @!p0 $0x100000, s0;
	[bflag:$0x2] =	sbarrier.arrive $0xFFFF  }
0x6c: {  	[sflag:s0] =	ssyncadd.tile.s32 @!p0 $0x1;
	_ =	shalt  }
.Lfunc_end2:
_tile_overlayer_lowered:
.L_overlay_start_2:
0x6d: {  	(tag) =	ssettag $0x2  }
0x6e: {  	s0 =	rddreg [dreg:$0x0];
	s2 =	stileid.u32  }
0x6f: {  	s1 =	rddreg [dreg:$0x1];
	p0 =	sne.s32 s2, $0x0  }
0x70: {  	s3 =	rddreg [dreg:$0x2];
	[bflag:$0x3] =	sbarrier.arrive $0xFFFF;
	s2 =	simm.s32 @!p0 $0x1C02  }
0x71: {  	[timem:s3], [sflag:s2] =	dma.local @!p0 [hbm:s0], s1  }
0x72: {  	s0 =	simm.s32 @!p0 $0x2  }
0x73: {  	_ =	swait.ge @!p0 [sflag:s0], s1  }
0x74: {  	s1 =	ssub.s32 @!p0 $0x0, s1;
	[sflag:s0] =	ssyncset.done @!p0 $0x0  }
0x75: {  	[sflag:s0] =	ssyncadd.s32 @!p0 s1  }
0x76: {  	[bflag:$0x3] =	sbarrier.arrive $0xFFFF  }
0x77: {  	_ =	shalt  }

// kernel: kernel.50.cloned.1.call-start
scs
__scs_entry_jumppad:
0x0: {  	(pc) =	sbr.rel $0x88, $3  }
0x1: {  	(tag) =	ssettag $0x0;
	lr =	simm.s32 $0x1  }
0x2: {  	[smem:$0x3F65] =	sst lr;
	_ =	strace $0xD0000000  }
0x3: {  	_ = 	snop  }
0x4: {  	_ = 	snop  }
0x5: {  	_ = 	snop  }
0x6: {  	_ = 	snop  }
0x7: {  	_ = 	snop  }
__scs_overlays_trampoline_lowered:
0x8: {  	[smem:$0x3F74] =	sst s0  }
0x9: {  	[smem:$0x3F75] =	sst s1  }
0xa: {  	[smem:$0x3F76] =	sst s2  }
0xb: {  	[smem:$0x3F77] =	sst s3  }
0xc: {  	[smem:$0x3F78] =	sst s4  }
0xd: {  	[smem:$0x3F79] =	sst s5  }
0xe: {  	[smem:$0x3F7A] =	sst s6  }
0xf: {  	[smem:$0x3F7B] =	sst s7  }
0x10: {  	[smem:$0x3F7C] =	sst s8  }
0x11: {  	[smem:$0x3F7D] =	sst s9;
	s0 =	simm.s32 @!p0 $0x0  }
0x12: {  	s1 =	sld [smem:$0x3F63];
	s0 =	simm.s32 @p0 $0x1  }
0x13: {  	[smem:$0x3F7E] =	sst s0;
	s0 =	simm.s32 @!p1 $0x0  }
0x14: {  	s2 =	sld [smem:$0x3F62];
	s0 =	simm.s32 @p1 $0x1  }
0x15: {  	[smem:$0x3F7F] =	sst s0;
	s0 =	simm.s32 @!p2 $0x0  }
0x16: {  	s3 =	sld [smem:$0x3FDB];
	s0 =	simm.s32 @p2 $0x1  }
0x17: {  	s4 =	simm.s32 $0x1BF5;
	[smem:$0x3F81] =	sst s0  }
0x18: {  	s0 =	sld [smem:$0x3F64];
	_ =	swait.ge [sflag:s4], $0x0  }
0x19: {  	s7 =	sld [smem:$0x3F65]  }
0x1a: {  	s8 =	sadd.s32 $0xFFFFE003, lr  }
0x1b: {  	s9 =	sadd.s32 $0xFFFFFEF7, lr;
	s5 =	simm.s32 $0xFFFFFFFF;
	p2 =	slt.u32 s8, $0xFFFFF086  }
0x1c: {  	p1 =	slt.u32 s9, $0xF7A;
	s5 =	simm.s32 @!p2 $0x0  }
0x1d: {  	s5 =	simm.s32 @p1 $0x1;
	p0 =	seq.s32 s7, s2  }
0x1e: {  	s7 =	smul.u32 @!p0 $0xF7A, s2;
	p2 =	seq.s32 @!p0 s5, $0x0  }
0x1f: {  	s9 =	smul.u32 $0xF7A, s1;
	s8 =	simm.s32 @!p0 $0x1BF5;
	p2 =	por !p2, p0  }
0x20: {  	[sflag:s8] =	ssyncset.s32 @!p0 $0xFFFFF086;
	s6 =	sadd.s32 @!p0 s3, s7;
	s7 =	simm.s32 @!p0 $0x108  }
0x21: {  	s3 =	sadd.s32 s3, s9;
	s6 =	sadd.s32 @!p0 $0x88, s6;
	s7 =	simm.s32 @p2 $0x1082  }
0x22: {  	[simem:s7], [sflag:s8] =	dma.local @!p0 [hbm:s6], $0xF7A  }
0x23: {  	s9 =	sor.u32 $0xD0000000, s2;
	s6 =	simm.s32 $0x108;
	_ =	swait.ge @!p0 [sflag:s8], $0x0  }
0x24: {  	s3 =	sadd.s32 $0x88, s3;
	s6 =	simm.s32 @!p1 $0x1082;
	[sflag:s4] =	ssyncset.s32 $0xFFFFF086  }
0x25: {  	[simem:s6], [sflag:s4] =	dma.local [hbm:s3], $0xF7A  }
0x26: {  	[smem:$0x3F65] =	sst s1;
	(tag) =	ssettag s2;
	_ =	strace s9  }
0x27: {  	s1 =	sld [smem:$0x3F75]  }
0x28: {  	s2 =	sld [smem:$0x3F76]  }
0x29: {  	s4 =	sld [smem:$0x3F78]  }
0x2a: {  	p0 =	seq.s32 s5, $0x0;
	s5 =	sld [smem:$0x3F79]  }
0x2b: {  	s6 =	sld [smem:$0x3F7A]  }
0x2c: {  	s7 =	sld [smem:$0x3F7B]  }
0x2d: {  	s3 =	simm.s32 $0x108;
	s8 =	sld [smem:$0x3F7C]  }
0x2e: {  	s3 =	simm.s32 @!p0 $0x1082;
	s9 =	sld [smem:$0x3F7D]  }
0x2f: {  	lr =	sadd.s32 s0, s3;
	s0 =	sld [smem:$0x3F74]  }
0x30: {  	s3 =	sld [smem:$0x3F77]  }
0x31: {  	[smem:$0x3F80] =	sst s10  }
0x32: {  	s10 =	sld [smem:$0x3F7E];
	_ =	sdelay $0x3  }
0x33: {  	p0 =	seq.s32 s10, $0x1;
	s10 =	sld [smem:$0x3F80];
	_ =	sdelay $0x3  }
0x34: {  	[smem:$0x3F80] =	sst s10  }
0x35: {  	s10 =	sld [smem:$0x3F7F];
	_ =	sdelay $0x3  }
0x36: {  	p1 =	seq.s32 s10, $0x1;
	s10 =	sld [smem:$0x3F80];
	_ =	sdelay $0x3  }
0x37: {  	[smem:$0x3F80] =	sst s10  }
0x38: {  	s10 =	sld [smem:$0x3F81]  }
0x39: {  	_ = 	snop;
	(pc) =	sbr.ind lr, $3  }
0x3a: {  	_ = 	snop  }
0x3b: {  	_ = 	snop  }
0x3c: {  	p2 =	seq.s32 s10, $0x1;
	s10 =	sld [smem:$0x3F80]  }
0x3d: {  	_ =	shalt  }
0x3e: {  	_ =	shalt  }
0x3f: {  	_ =	shalt  }
0x40: {  	_ =	shalt  }
0x41: {  	_ =	shalt  }
0x42: {  	_ =	shalt  }
0x43: {  	_ =	shalt  }
0x44: {  	_ =	shalt  }
0x45: {  	_ =	shalt  }
0x46: {  	_ =	shalt  }
0x47: {  	_ =	shalt  }
0x48: {  	_ =	shalt  }
0x49: {  	_ =	shalt  }
0x4a: {  	_ =	shalt  }
0x4b: {  	_ =	shalt  }
0x4c: {  	_ =	shalt  }
0x4d: {  	_ =	shalt  }
0x4e: {  	_ =	shalt  }
0x4f: {  	_ =	shalt  }
0x50: {  	_ =	shalt  }
0x51: {  	_ =	shalt  }
0x52: {  	_ =	shalt  }
0x53: {  	_ =	shalt  }
0x54: {  	_ =	shalt  }
0x55: {  	_ =	shalt  }
0x56: {  	_ =	shalt  }
0x57: {  	_ =	shalt  }
0x58: {  	_ =	shalt  }
0x59: {  	_ =	shalt  }
0x5a: {  	_ =	shalt  }
0x5b: {  	_ =	shalt  }
0x5c: {  	_ =	shalt  }
0x5d: {  	_ =	shalt  }
0x5e: {  	_ =	shalt  }
0x5f: {  	_ =	shalt  }
0x60: {  	_ =	shalt  }
0x61: {  	_ =	shalt  }
0x62: {  	_ =	shalt  }
0x63: {  	_ =	shalt  }
0x64: {  	_ =	shalt  }
0x65: {  	_ =	shalt  }
0x66: {  	_ =	shalt  }
0x67: {  	_ =	shalt  }
0x68: {  	_ =	shalt  }
0x69: {  	_ =	shalt  }
0x6a: {  	_ =	shalt  }
0x6b: {  	_ =	shalt  }
0x6c: {  	_ =	shalt  }
0x6d: {  	_ =	shalt  }
0x6e: {  	_ =	shalt  }
0x6f: {  	_ =	shalt  }
0x70: {  	_ =	shalt  }
0x71: {  	_ =	shalt  }
0x72: {  	_ =	shalt  }
0x73: {  	_ =	shalt  }
0x74: {  	_ =	shalt  }
0x75: {  	_ =	shalt  }
0x76: {  	_ =	shalt  }
0x77: {  	_ =	shalt  }
0x78: {  	_ =	shalt  }
0x79: {  	_ =	shalt  }
0x7a: {  	_ =	shalt  }
0x7b: {  	_ =	shalt  }
0x7c: {  	_ =	shalt  }
0x7d: {  	_ =	shalt  }
0x7e: {  	_ =	shalt  }
0x7f: {  	_ =	shalt  }
0x80: {  	_ =	shalt  }
0x81: {  	_ =	shalt  }
0x82: {  	_ =	shalt  }
0x83: {  	_ =	shalt  }
0x84: {  	_ =	shalt  }
0x85: {  	_ =	shalt  }
0x86: {  	_ =	shalt  }
0x87: {  	_ =	shalt  }
.Lfunc_end0:
.L_simem_size_0:
called_computation.7_lowered:
.L_overlay_start_0:
0x88: {  	s2 =	sld [smem:$0x3FD9]  }
0x89: {  	s3 =	sld [smem:$0x3FFE];
	_ =	sdelay $0x1  }
0x8a: {  	s1 =	srdreg.scid  }
0x8b: {  	s0 =	sand.u32 $0x1, s1  }
0x8c: {  	s16 =	sshll.u32 s0, $0xA;
	s2 =	sadd.s32 s3, s2  }
0x8d: {  	s2 =	sadd.s32 s2, s16  }
0x8e: {  	[smem:$0x3F8C] =	sst s2  }
0x8f: {  	_ = 	snop  }
0x90: {  	(tm) =	ssettm $0x1  }
0x91: {  	s17 =	sld [smem:$0x3FFB];
	_ =	sdelay $0x3  }
0x92: {  	_ =	strace s17  }
0x93: {  	s2 =	sld [smem:$0x3FFC];
	_ =	sdelay $0x3  }
0x94: {  	_ =	strace s2  }
0x95: {  	s2 =	sld [smem:$0x3FFD];
	_ =	sdelay $0x3  }
0x96: {  	_ =	strace s2  }
0x97: {  	_ =	strace $0x8FFFFFFF  }
0x98: {  	s18 =	sld [smem:$0x3FDB];
	_ =	sdelay $0x1  }
0x99: {  	s19 =	simm.s32 $_scs_section_size  }
0x9a: {  	s4 =	simm.s32 $_size__tile_overlayer_lowered;
	s5 =	simm.s32 $_tile_overlayer_lowered  }
0x9b: {  	s22 =	simm.s32 $0x1BFF;
	s21 =	sshll.u32 s5, $0x1;
	s2 =	sadd.s32 s19, s18  }
0x9c: {  	s6 =	simm.s32 $0x0;
	s20 =	sshll.u32 s4, $0x1;
	s4 =	sadd.s32 s21, s2  }
0x9d: {  	[timem:s6], [sflag:s22] =	dma.local [hbm:s4], s20  }
0x9e: {  	_ =	swait.ge [sflag:s22], s20  }
0x9f: {  	s3 =	ssub.s32 $0x0, s20;
	[sflag:s22] =	ssyncset.done $0x0  }
0xa0: {  	[sflag:s22] =	ssyncadd.s32 s3;
	_ =	sdelay $0x1  }
0xa1: {  	s23 =	simm.s32 $0x1B8B  }
0xa2: {  	_ =	swait.ge [sflag:s23], $0x1  }
0xa3: {  	[sflag:s23] =	ssyncset.done $0x0  }
0xa4: {  	s25 =	simm.s32 $0x1B8E;
	s24 =	sld [smem:$0x3FFE];
	[sflag:s23] =	ssyncadd.s32 $0xFFFFFFFF  }
0xa5: {  	s26 =	simm.s32 $execute0_lowered;
	[smem:$0x3FD2] =	sst s25  }
0xa6: {  	s4 =	sshll.u32 s26, $0x1;
	_ =	strace $0x8000005B;
	[dreg:$0x1] =	wrdreg $0xFFFFFFFF  }
0xa7: {  	s28 =	simm.s32 $_size_execute0_lowered;
	s2 =	sadd.s32 s2, s4;
	[dreg:$0x0] =	wrdreg $0x0  }
0xa8: {  	s4 =	sshll.u32 s28, $0x1;
	[dreg:$0x2] =	wrdreg s2  }
0xa9: {  	[dreg:$0x3] =	wrdreg s4  }
0xaa: {  	[dreg:$0x4] =	wrdreg $0xC0  }
0xab: {  	_ =	task [dreg:s6], $0x5FFFF  }
0xac: {  	[dreg:$0x1] =	wrdreg $0xFFFFFFFF  }
0xad: {  	[dreg:$0x0] =	wrdreg $0x60  }
0xae: {  	[dreg:$0x2] =	wrdreg s24  }
0xaf: {  	[dreg:$0x3] =	wrdreg $0xA8000  }
0xb0: {  	[dreg:$0x4] =	wrdreg $0x9  }
0xb1: {  	_ =	task.clear_ibuf [dreg:s6], $0x5FFFF;
	_ =	strace $0x9000005B  }
0xb2: {  	s29 =	simm.s32 $0x9;
	_ =	strace $0x8000005D  }
0xb3: {  	_ =	swait.ge [sflag:s29], $0x1  }
0xb4: {  	[sflag:s29] =	ssyncadd.s32 $0xFFFFFFFF  }
0xb5: {  	_ =	strace $0x9000005D  }
0xb6: {  	_ =	sfence  }
0xb7: {  	s30 =	sld [smem:$0x0];
	_ =	sdelay $0x2  }
0xb8: {  	s31 =	sshll.u32 s1, $0xD;
	s1 =	sshrl.u32 s1, $0x2  }
0xb9: {  	s3 =	sand.u32 $0x4000, s31;
	s1 =	sadd.s32 s1, s30  }
0xba: {  	s0 =	sor.u32 s3, s0;
	s1 =	sshll.u32 s1, $0x11  }
0xbb: {  	s0 =	sor.u32 s1, s0  }
0xbc: {  	s0 =	sadd.s32 $0x8F2B, s0  }
0xbd: {  	[sflag:s0] =	ssyncadd.remote.s32 $0x1  }
0xbe: {  	_ =	sfence.sel $0xFFFF  }
0xbf: {  	[dreg:$0x0] =	wrdreg $0xFFFFFFFF;
	(pc) =	sbr.abs _section_cstart, $3  }
0xc0: {  	[dreg:$0x1] =	wrdreg $0xFFFFFFFF  }
0xc1: {  	_ =	task.clear_ibuf [dreg:s6], $0x2FFFF;
	_ =	strace $0x9FFFFFFF  }
0xc2: {  	(tm) =	ssettm $0x7FFFFFFF  }
0xc3: {  	_ =	shalt  }
tec
execute0_lowered:
.L_overlay_start_1:
0x0: {  	(tag) =	ssettag $0x1  }
0x1: {  	s5 =	rddreg [dreg:$0x0]  }
0x2: {  	s1 =	rddreg [dreg:$0x1]  }
0x3: {  	s0 =	rddreg [dreg:$0x2];
	s3 =	simm.s32 $0x0;
	s2 =	srdreg.scid  }
0x4: {  	s17 =	simm.s32 $0x2;
	s18 =	simm.s32 $0x4000;
	s19 =	simm.s32 $0x8000  }
0x5: {  	s20 =	simm.s32 $0x50;
	[smem:$0x7FF] =	sst s3;
	s6 =	sand.u32 $0x1, s2  }
0x6: {  	s21 =	simm.s32 $0x1;
	s2 =	stileid.u32;
	s7 =	smul.u32 $0x140000, s6  }
0x7: {  	s4 =	sadd.s32 $0x2DA00, s5;
	s8 =	smul.u32 $0x14000, s2;
	s9 =	sshll.u32 s2, $0xC  }
0x8: {  	s10 =	sshll.u32 s6, $0xB;
	s29 =	smul.u32 $0x50000, s2;
	s6 =	ssub.s32 $0x2, s6  }
0x9: {  	_ =	strace $0x8000005C;
	s9 =	sor.u32 s10, s9;
	s30 =	sshrl.u32 s6, $0x1  }
0xa: {  	s7 =	sadd.s32 s8, s7;
	s9 =	sadd.s32 s9, s5;
	s31 =	sshrl.u32 s29, $0x2  }
0xb: {  	s16 =	ssub.s32 s6, s30;
	s7 =	sshrl.u32 s7, $0x3;
	s6 =	sadd.s32 s31, s1  }
0xc: {  	s16 =	smax.u32 s16, $0x1;
	s15 =	sadd.s32 s7, s5;
	s5 =	sadd.s32 $0x1DA00, s9  }
0xd: {  	s7 =	sadd.s32 $0xDA00, s9;
	s8 =	sadd.s32 $0x2800, s6;
	s9 =	sadd.s32 $0x5000, s6  }
0xe: {  	s10 =	sadd.s32 $0x7800, s6;
	s11 =	sadd.s32 $0xA000, s6;
	s12 =	sadd.s32 $0xC800, s6  }
0xf: {  	v0 =	vimm.f32 $0.0e+00;
	s13 =	sadd.s32 $0xF000, s6;
	s14 =	sadd.s32 $0x11800, s6;
	s15 =	sadd.s32 $0x54C00, s15  }
.LBB2_1:
0x10: {  	s22 =	simm.s32 $0x0;
	s23 =	simm.s32 $0x200  }
.LBB2_2:
0x11: {  	p0 =	sne.s32 s23, $0x9E00;
	[tilespmem:s22+$0x8070] =	vst v0  }
0x12: {  	[tilespmem:s22+$0x8000] =	vst v0  }
0x13: {  	[tilespmem:s22+$0x8010] =	vst v0  }
.Ltmp0:
0x14: {  	[tilespmem:s22+$0x8020] =	vst v0;
	(pc) =	sbr.rel @p0 .LBB2_2-.Ltmp0, $4  }
0x15: {  	[tilespmem:s22+$0x8030] =	vst v0  }
0x16: {  	[tilespmem:s22+$0x8040] =	vst v0  }
0x17: {  	[tilespmem:s22+$0x8050] =	vst v0  }
0x18: {  	[tilespmem:s22+$0x8060] =	vst v0;
	s22 =	sshra.s32 s23, $0x2;
	s23 =	sadd.s32 $0x200, s23  }
0x19: {  	[tilespmem:s22+$0x8070] =	vst v0  }
0x1a: {  	[tilespmem:s22+$0x8000] =	vst v0  }
0x1b: {  	[tilespmem:s22+$0x8010] =	vst v0  }
0x1c: {  	[tilespmem:s22+$0x8020] =	vst v0  }
0x1d: {  	[tilespmem:s22+$0x8030] =	vst v0  }
0x1e: {  	[tilespmem:s22+$0x8040] =	vst v0  }
0x1f: {  	[tilespmem:s22+$0x8050] =	vst v0  }
0x20: {  	[tilespmem:s22+$0x8060] =	vst v0;
	s29 =	simm.s32 $0x0  }
0x21: {  	[tilespmem:s29], [sflag:$0x2] =	stream.linear.gather [hbm4b:s5+s29], $0x3E80, $0x38;
	[tilespmem:$0x1E800] =	vst v63  }
0x22: {  	_ =	swait.ge [sflag:s17], $0x3E80  }
0x23: {  	[sflag:s17] =	ssyncset.done $0x0  }
0x24: {  	[sflag:s17] =	ssyncadd.s32 $0xFFFFC180  }
0x25: {  	[tilespmem:s18], [sflag:$0x2] =	stream.linear.gather [hbm4b:s7+s29], $0x3E80, $0x38;
	[tilespmem:$0x1E800] =	vst v63  }
0x26: {  	_ =	swait.ge [sflag:s17], $0x3E80  }
0x27: {  	[sflag:s17] =	ssyncset.done $0x0  }
0x28: {  	[sflag:s17] =	ssyncadd.s32 $0xFFFFC180  }
0x29: {  	[spmem:s6] =	stream.linear.scatter [tilespmem:s19], [sflag:$0x2], $0x2800, $0x38;
	[tilespmem:$0x1E800] =	vst v63  }
0x2a: {  	_ =	swait.ge [sflag:s17], $0x2800  }
0x2b: {  	[sflag:s17] =	ssyncset.done $0x0  }
0x2c: {  	[sflag:s17] =	ssyncadd.s32 $0xFFFFD800  }
0x2d: {  	[spmem:s8] =	stream.linear.scatter [tilespmem:s19], [sflag:$0x2], $0x2800, $0x38;
	[tilespmem:$0x1E800] =	vst v63  }
0x2e: {  	_ =	swait.ge [sflag:s17], $0x2800  }
0x2f: {  	[sflag:s17] =	ssyncset.done $0x0  }
0x30: {  	[sflag:s17] =	ssyncadd.s32 $0xFFFFD800  }
0x31: {  	[spmem:s9] =	stream.linear.scatter [tilespmem:s19], [sflag:$0x2], $0x2800, $0x38;
	[tilespmem:$0x1E800] =	vst v63  }
0x32: {  	_ =	swait.ge [sflag:s17], $0x2800  }
0x33: {  	[sflag:s17] =	ssyncset.done $0x0  }
0x34: {  	[sflag:s17] =	ssyncadd.s32 $0xFFFFD800  }
0x35: {  	[spmem:s10] =	stream.linear.scatter [tilespmem:s19], [sflag:$0x2], $0x2800, $0x38;
	[tilespmem:$0x1E800] =	vst v63  }
0x36: {  	_ =	swait.ge [sflag:s17], $0x2800  }
0x37: {  	[sflag:s17] =	ssyncset.done $0x0  }
0x38: {  	[sflag:s17] =	ssyncadd.s32 $0xFFFFD800  }
0x39: {  	[spmem:s11] =	stream.linear.scatter [tilespmem:s19], [sflag:$0x2], $0x2800, $0x38;
	[tilespmem:$0x1E800] =	vst v63  }
0x3a: {  	_ =	swait.ge [sflag:s17], $0x2800  }
0x3b: {  	[sflag:s17] =	ssyncset.done $0x0  }
0x3c: {  	[sflag:s17] =	ssyncadd.s32 $0xFFFFD800  }
0x3d: {  	[spmem:s12] =	stream.linear.scatter [tilespmem:s19], [sflag:$0x2], $0x2800, $0x38;
	[tilespmem:$0x1E800] =	vst v63  }
0x3e: {  	_ =	swait.ge [sflag:s17], $0x2800  }
0x3f: {  	[sflag:s17] =	ssyncset.done $0x0  }
0x40: {  	[sflag:s17] =	ssyncadd.s32 $0xFFFFD800  }
0x41: {  	[spmem:s13] =	stream.linear.scatter [tilespmem:s19], [sflag:$0x2], $0x2800, $0x38;
	[tilespmem:$0x1E800] =	vst v63  }
0x42: {  	_ =	swait.ge [sflag:s17], $0x2800  }
0x43: {  	[sflag:s17] =	ssyncset.done $0x0  }
0x44: {  	[sflag:s17] =	ssyncadd.s32 $0xFFFFD800  }
0x45: {  	[spmem:s14] =	stream.linear.scatter [tilespmem:s19], [sflag:$0x2], $0x2800, $0x38;
	[tilespmem:$0x1E800] =	vst v63  }
0x46: {  	_ =	swait.ge [sflag:s17], $0x2800  }
0x47: {  	[sflag:s17] =	ssyncset.done $0x0  }
0x48: {  	[sflag:s17] =	ssyncadd.s32 $0xFFFFD800  }
0x49: {  	s30 =	simm.s32 $0x0;
	[bflag:$0x0] =	sbarrier.arrive $0xFFFF  }
0x4a: {  	[tilespmem:s19], [sflag:$0x1] =	stream.indirect.gather [hbm4b:s4+s20], $0x80, s30, s20, $0xb8;
	[tilespmem:$0x1E800] =	vst v63  }
0x4b: {  	_ =	swait.ge [sflag:s21], $0x2800  }
0x4c: {  	[sflag:s21] =	ssyncset.done $0x0  }
0x4d: {  	s31 =	simm.s32 $0x4000;
	[sflag:s21] =	ssyncadd.s32 $0xFFFFD800  }
0x4e: {  	[spmem:s1] =	stream.indirect.scatter.add.f32 [tilespmem:s19], [sflag:$0x2], $0x80, s31, s20, $0xb8;
	[tilespmem:$0x1E800] =	vst v63  }
0x4f: {  	_ =	swait.ge [sflag:s17], $0x2800  }
0x50: {  	s22 =	simm.s32 $0x200;
	s23 =	simm.s32 $0x400;
	[sflag:s17] =	ssyncset.done $0x0  }
.LBB2_4:
0x51: {  	s24 =	sshra.s32 s22, $0x2  }
0x52: {  	[sflag:s17] =	ssyncadd.s32 $0xFFFFD800;
	s22 =	smov.u32 s23;
	s25 =	sadd.s32 $0x200, s23  }
0x53: {  	[tilespmem:s19], [sflag:$0x1] =	stream.indirect.gather [hbm4b:s4+s20], $0x80, s24, s20, $0xb8;
	[tilespmem:$0x1E800] =	vst v63  }
0x54: {  	p0 =	sne.s32 s23, $0xF800;
	_ =	swait.ge [sflag:s21], $0x2800  }
.Ltmp1:
0x55: {  	[sflag:s21] =	ssyncset.done $0x0;
	(pc) =	sbr.rel @p0 .LBB2_4-.Ltmp1, $4  }
0x56: {  	s23 =	sadd.s32 $0x4000, s24;
	[sflag:s21] =	ssyncadd.s32 $0xFFFFD800  }
0x57: {  	[spmem:s1] =	stream.indirect.scatter.add.f32 [tilespmem:s19], [sflag:$0x2], $0x80, s23, s20, $0xb8;
	[tilespmem:$0x1E800] =	vst v63  }
0x58: {  	_ =	swait.ge [sflag:s17], $0x2800  }
0x59: {  	s23 =	smov.u32 s25;
	[sflag:s17] =	ssyncset.done $0x0  }
0x5a: {  	s22 =	sshra.s32 s22, $0x2;
	[sflag:s17] =	ssyncadd.s32 $0xFFFFD800  }
0x5b: {  	[tilespmem:s19], [sflag:$0x1] =	stream.indirect.gather [hbm4b:s4+s20], $0x80, s22, s20, $0xb8;
	[tilespmem:$0x1E800] =	vst v63  }
0x5c: {  	_ =	swait.ge [sflag:s21], $0x2800  }
0x5d: {  	[sflag:s21] =	ssyncset.done $0x0  }
0x5e: {  	s22 =	sadd.s32 $0x4000, s22;
	[sflag:s21] =	ssyncadd.s32 $0xFFFFD800  }
0x5f: {  	[spmem:s1] =	stream.indirect.scatter.add.f32 [tilespmem:s19], [sflag:$0x2], $0x80, s22, s20, $0xb8;
	[tilespmem:$0x1E800] =	vst v63  }
0x60: {  	_ =	swait.ge [sflag:s17], $0x2800  }
0x61: {  	s31 =	sshll.u32 s2, $0x6;
	s3 =	sadd.s32 $0x1, s3;
	[sflag:s17] =	ssyncset.done $0x0  }
0x62: {  	s23 =	sshrl.u32 s6, $0x3;
	p0 =	sne.s32 s3, s16;
	[sflag:s17] =	ssyncadd.s32 $0xFFFFD800  }
.Ltmp2:
0x63: {  	s22 =	sor.u32 $0x1C02, s31;
	[bflag:$0x0] =	sbarrier.arrive $0xFFFF;
	(pc) =	sbr.rel @p0 .LBB2_1-.Ltmp2, $4  }
0x64: {  	[hbm:s15], [sflag:s22] =	dma.local [spmem:s23], $0x2800  }
0x65: {  	_ =	swait.ge [sflag:s17], $0x2800  }
0x66: {  	[sflag:s17] =	ssyncset.done $0x0  }
0x67: {  	[sflag:s17] =	ssyncadd.s32 $0xFFFFD800  }
0x68: {  	_ =	sfence.sel $0x180000  }
0x69: {  	[bflag:$0x0] =	sbarrier.arrive $0xFFFF  }
0x6a: {  	p0 =	sne.s32 s2, $0x0;
	_ =	strace $0x9000005C  }
0x6b: {  	s0 =	sadd.s32 @!p0 $0x100000, s0;
	[bflag:$0x2] =	sbarrier.arrive $0xFFFF  }
0x6c: {  	[sflag:s0] =	ssyncadd.tile.s32 @!p0 $0x1;
	_ =	shalt  }
.Lfunc_end2:
_tile_overlayer_lowered:
.L_overlay_start_2:
0x6d: {  	(tag) =	ssettag $0x2  }
0x6e: {  	s0 =	rddreg [dreg:$0x0];
	s2 =	stileid.u32  }
0x6f: {  	s1 =	rddreg [dreg:$0x1];
	p0 =	sne.s32 s2, $0x0  }
0x70: {  	s3 =	rddreg [dreg:$0x2];
	[bflag:$0x3] =	sbarrier.arrive $0xFFFF;
	s2 =	simm.s32 @!p0 $0x1C02  }
0x71: {  	[timem:s3], [sflag:s2] =	dma.local @!p0 [hbm:s0], s1  }
0x72: {  	s0 =	simm.s32 @!p0 $0x2  }
0x73: {  	_ =	swait.ge @!p0 [sflag:s0], s1  }
0x74: {  	s1 =	ssub.s32 @!p0 $0x0, s1;
	[sflag:s0] =	ssyncset.done @!p0 $0x0  }
0x75: {  	[sflag:s0] =	ssyncadd.s32 @!p0 s1  }
0x76: {  	[bflag:$0x3] =	sbarrier.arrive $0xFFFF  }
0x77: {  	_ =	shalt  }

// kernel: kernel.53.cloned.1.call-start
scs
__scs_entry_jumppad:
0x0: {  	(pc) =	sbr.rel $0x88, $3  }
0x1: {  	(tag) =	ssettag $0x0;
	lr =	simm.s32 $0x1  }
0x2: {  	[smem:$0x3F65] =	sst lr;
	_ =	strace $0xD0000000  }
0x3: {  	_ = 	snop  }
0x4: {  	_ = 	snop  }
0x5: {  	_ = 	snop  }
0x6: {  	_ = 	snop  }
0x7: {  	_ = 	snop  }
__scs_overlays_trampoline_lowered:
0x8: {  	[smem:$0x3F74] =	sst s0  }
0x9: {  	[smem:$0x3F75] =	sst s1  }
0xa: {  	[smem:$0x3F76] =	sst s2  }
0xb: {  	[smem:$0x3F77] =	sst s3  }
0xc: {  	[smem:$0x3F78] =	sst s4  }
0xd: {  	[smem:$0x3F79] =	sst s5  }
0xe: {  	[smem:$0x3F7A] =	sst s6  }
0xf: {  	[smem:$0x3F7B] =	sst s7  }
0x10: {  	[smem:$0x3F7C] =	sst s8  }
0x11: {  	[smem:$0x3F7D] =	sst s9;
	s0 =	simm.s32 @!p0 $0x0  }
0x12: {  	s1 =	sld [smem:$0x3F63];
	s0 =	simm.s32 @p0 $0x1  }
0x13: {  	[smem:$0x3F7E] =	sst s0;
	s0 =	simm.s32 @!p1 $0x0  }
0x14: {  	s2 =	sld [smem:$0x3F62];
	s0 =	simm.s32 @p1 $0x1  }
0x15: {  	[smem:$0x3F7F] =	sst s0;
	s0 =	simm.s32 @!p2 $0x0  }
0x16: {  	s3 =	sld [smem:$0x3FDB];
	s0 =	simm.s32 @p2 $0x1  }
0x17: {  	s4 =	simm.s32 $0x1BF5;
	[smem:$0x3F81] =	sst s0  }
0x18: {  	s0 =	sld [smem:$0x3F64];
	_ =	swait.ge [sflag:s4], $0x0  }
0x19: {  	s7 =	sld [smem:$0x3F65]  }
0x1a: {  	s8 =	sadd.s32 $0xFFFFE003, lr  }
0x1b: {  	s9 =	sadd.s32 $0xFFFFFEF7, lr;
	s5 =	simm.s32 $0xFFFFFFFF;
	p2 =	slt.u32 s8, $0xFFFFF086  }
0x1c: {  	p1 =	slt.u32 s9, $0xF7A;
	s5 =	simm.s32 @!p2 $0x0  }
0x1d: {  	s5 =	simm.s32 @p1 $0x1;
	p0 =	seq.s32 s7, s2  }
0x1e: {  	s7 =	smul.u32 @!p0 $0xF7A, s2;
	p2 =	seq.s32 @!p0 s5, $0x0  }
0x1f: {  	s9 =	smul.u32 $0xF7A, s1;
	s8 =	simm.s32 @!p0 $0x1BF5;
	p2 =	por !p2, p0  }
0x20: {  	[sflag:s8] =	ssyncset.s32 @!p0 $0xFFFFF086;
	s6 =	sadd.s32 @!p0 s3, s7;
	s7 =	simm.s32 @!p0 $0x108  }
0x21: {  	s3 =	sadd.s32 s3, s9;
	s6 =	sadd.s32 @!p0 $0x88, s6;
	s7 =	simm.s32 @p2 $0x1082  }
0x22: {  	[simem:s7], [sflag:s8] =	dma.local @!p0 [hbm:s6], $0xF7A  }
0x23: {  	s9 =	sor.u32 $0xD0000000, s2;
	s6 =	simm.s32 $0x108;
	_ =	swait.ge @!p0 [sflag:s8], $0x0  }
0x24: {  	s3 =	sadd.s32 $0x88, s3;
	s6 =	simm.s32 @!p1 $0x1082;
	[sflag:s4] =	ssyncset.s32 $0xFFFFF086  }
0x25: {  	[simem:s6], [sflag:s4] =	dma.local [hbm:s3], $0xF7A  }
0x26: {  	[smem:$0x3F65] =	sst s1;
	(tag) =	ssettag s2;
	_ =	strace s9  }
0x27: {  	s1 =	sld [smem:$0x3F75]  }
0x28: {  	s2 =	sld [smem:$0x3F76]  }
0x29: {  	s4 =	sld [smem:$0x3F78]  }
0x2a: {  	p0 =	seq.s32 s5, $0x0;
	s5 =	sld [smem:$0x3F79]  }
0x2b: {  	s6 =	sld [smem:$0x3F7A]  }
0x2c: {  	s7 =	sld [smem:$0x3F7B]  }
0x2d: {  	s3 =	simm.s32 $0x108;
	s8 =	sld [smem:$0x3F7C]  }
0x2e: {  	s3 =	simm.s32 @!p0 $0x1082;
	s9 =	sld [smem:$0x3F7D]  }
0x2f: {  	lr =	sadd.s32 s0, s3;
	s0 =	sld [smem:$0x3F74]  }
0x30: {  	s3 =	sld [smem:$0x3F77]  }
0x31: {  	[smem:$0x3F80] =	sst s10  }
0x32: {  	s10 =	sld [smem:$0x3F7E];
	_ =	sdelay $0x3  }
0x33: {  	p0 =	seq.s32 s10, $0x1;
	s10 =	sld [smem:$0x3F80];
	_ =	sdelay $0x3  }
0x34: {  	[smem:$0x3F80] =	sst s10  }
0x35: {  	s10 =	sld [smem:$0x3F7F];
	_ =	sdelay $0x3  }
0x36: {  	p1 =	seq.s32 s10, $0x1;
	s10 =	sld [smem:$0x3F80];
	_ =	sdelay $0x3  }
0x37: {  	[smem:$0x3F80] =	sst s10  }
0x38: {  	s10 =	sld [smem:$0x3F81]  }
0x39: {  	_ = 	snop;
	(pc) =	sbr.ind lr, $3  }
0x3a: {  	_ = 	snop  }
0x3b: {  	_ = 	snop  }
0x3c: {  	p2 =	seq.s32 s10, $0x1;
	s10 =	sld [smem:$0x3F80]  }
0x3d: {  	_ =	shalt  }
0x3e: {  	_ =	shalt  }
0x3f: {  	_ =	shalt  }
0x40: {  	_ =	shalt  }
0x41: {  	_ =	shalt  }
0x42: {  	_ =	shalt  }
0x43: {  	_ =	shalt  }
0x44: {  	_ =	shalt  }
0x45: {  	_ =	shalt  }
0x46: {  	_ =	shalt  }
0x47: {  	_ =	shalt  }
0x48: {  	_ =	shalt  }
0x49: {  	_ =	shalt  }
0x4a: {  	_ =	shalt  }
0x4b: {  	_ =	shalt  }
0x4c: {  	_ =	shalt  }
0x4d: {  	_ =	shalt  }
0x4e: {  	_ =	shalt  }
0x4f: {  	_ =	shalt  }
0x50: {  	_ =	shalt  }
0x51: {  	_ =	shalt  }
0x52: {  	_ =	shalt  }
0x53: {  	_ =	shalt  }
0x54: {  	_ =	shalt  }
0x55: {  	_ =	shalt  }
0x56: {  	_ =	shalt  }
0x57: {  	_ =	shalt  }
0x58: {  	_ =	shalt  }
0x59: {  	_ =	shalt  }
0x5a: {  	_ =	shalt  }
0x5b: {  	_ =	shalt  }
0x5c: {  	_ =	shalt  }
0x5d: {  	_ =	shalt  }
0x5e: {  	_ =	shalt  }
0x5f: {  	_ =	shalt  }
0x60: {  	_ =	shalt  }
0x61: {  	_ =	shalt  }
0x62: {  	_ =	shalt  }
0x63: {  	_ =	shalt  }
0x64: {  	_ =	shalt  }
0x65: {  	_ =	shalt  }
0x66: {  	_ =	shalt  }
0x67: {  	_ =	shalt  }
0x68: {  	_ =	shalt  }
0x69: {  	_ =	shalt  }
0x6a: {  	_ =	shalt  }
0x6b: {  	_ =	shalt  }
0x6c: {  	_ =	shalt  }
0x6d: {  	_ =	shalt  }
0x6e: {  	_ =	shalt  }
0x6f: {  	_ =	shalt  }
0x70: {  	_ =	shalt  }
0x71: {  	_ =	shalt  }
0x72: {  	_ =	shalt  }
0x73: {  	_ =	shalt  }
0x74: {  	_ =	shalt  }
0x75: {  	_ =	shalt  }
0x76: {  	_ =	shalt  }
0x77: {  	_ =	shalt  }
0x78: {  	_ =	shalt  }
0x79: {  	_ =	shalt  }
0x7a: {  	_ =	shalt  }
0x7b: {  	_ =	shalt  }
0x7c: {  	_ =	shalt  }
0x7d: {  	_ =	shalt  }
0x7e: {  	_ =	shalt  }
0x7f: {  	_ =	shalt  }
0x80: {  	_ =	shalt  }
0x81: {  	_ =	shalt  }
0x82: {  	_ =	shalt  }
0x83: {  	_ =	shalt  }
0x84: {  	_ =	shalt  }
0x85: {  	_ =	shalt  }
0x86: {  	_ =	shalt  }
0x87: {  	_ =	shalt  }
.Lfunc_end0:
.L_simem_size_0:
called_computation.8_lowered:
.L_overlay_start_0:
0x88: {  	s2 =	sld [smem:$0x3FD9]  }
0x89: {  	s3 =	sld [smem:$0x3FFE];
	_ =	sdelay $0x1  }
0x8a: {  	s1 =	srdreg.scid  }
0x8b: {  	s0 =	sand.u32 $0x1, s1  }
0x8c: {  	s16 =	sshll.u32 s0, $0xA;
	s2 =	sadd.s32 s3, s2  }
0x8d: {  	s2 =	sadd.s32 s2, s16  }
0x8e: {  	[smem:$0x3F8C] =	sst s2  }
0x8f: {  	_ = 	snop  }
0x90: {  	(tm) =	ssettm $0x1  }
0x91: {  	s17 =	sld [smem:$0x3FFB];
	_ =	sdelay $0x3  }
0x92: {  	_ =	strace s17  }
0x93: {  	s2 =	sld [smem:$0x3FFC];
	_ =	sdelay $0x3  }
0x94: {  	_ =	strace s2  }
0x95: {  	s2 =	sld [smem:$0x3FFD];
	_ =	sdelay $0x3  }
0x96: {  	_ =	strace s2  }
0x97: {  	_ =	strace $0x8FFFFFFF  }
0x98: {  	s18 =	sld [smem:$0x3FDB];
	_ =	sdelay $0x1  }
0x99: {  	s19 =	simm.s32 $_scs_section_size  }
0x9a: {  	s4 =	simm.s32 $_size__tile_overlayer_lowered;
	s5 =	simm.s32 $_tile_overlayer_lowered  }
0x9b: {  	s22 =	simm.s32 $0x1BFF;
	s21 =	sshll.u32 s5, $0x1;
	s2 =	sadd.s32 s19, s18  }
0x9c: {  	s6 =	simm.s32 $0x0;
	s20 =	sshll.u32 s4, $0x1;
	s4 =	sadd.s32 s21, s2  }
0x9d: {  	[timem:s6], [sflag:s22] =	dma.local [hbm:s4], s20  }
0x9e: {  	_ =	swait.ge [sflag:s22], s20  }
0x9f: {  	s3 =	ssub.s32 $0x0, s20;
	[sflag:s22] =	ssyncset.done $0x0  }
0xa0: {  	[sflag:s22] =	ssyncadd.s32 s3;
	_ =	sdelay $0x1  }
0xa1: {  	s23 =	simm.s32 $0x1B8B  }
0xa2: {  	_ =	swait.ge [sflag:s23], $0x1  }
0xa3: {  	[sflag:s23] =	ssyncset.done $0x0  }
0xa4: {  	s25 =	simm.s32 $0x1B8E;
	s24 =	sld [smem:$0x3FFE];
	[sflag:s23] =	ssyncadd.s32 $0xFFFFFFFF  }
0xa5: {  	s26 =	simm.s32 $execute0_lowered;
	[smem:$0x3FD2] =	sst s25  }
0xa6: {  	s4 =	sshll.u32 s26, $0x1;
	_ =	strace $0x8000005E;
	[dreg:$0x1] =	wrdreg $0xFFFFFFFF  }
0xa7: {  	s28 =	simm.s32 $_size_execute0_lowered;
	s2 =	sadd.s32 s2, s4;
	[dreg:$0x0] =	wrdreg $0x0  }
0xa8: {  	s4 =	sshll.u32 s28, $0x1;
	[dreg:$0x2] =	wrdreg s2  }
0xa9: {  	[dreg:$0x3] =	wrdreg s4  }
0xaa: {  	[dreg:$0x4] =	wrdreg $0xC0  }
0xab: {  	_ =	task [dreg:s6], $0x5FFFF  }
0xac: {  	[dreg:$0x1] =	wrdreg $0xFFFFFFFF  }
0xad: {  	[dreg:$0x0] =	wrdreg $0x60  }
0xae: {  	[dreg:$0x2] =	wrdreg s24  }
0xaf: {  	[dreg:$0x3] =	wrdreg $0xA8000  }
0xb0: {  	[dreg:$0x4] =	wrdreg $0x9  }
0xb1: {  	_ =	task.clear_ibuf [dreg:s6], $0x5FFFF;
	_ =	strace $0x9000005E  }
0xb2: {  	s29 =	simm.s32 $0x9;
	_ =	strace $0x80000060  }
0xb3: {  	_ =	swait.ge [sflag:s29], $0x1  }
0xb4: {  	[sflag:s29] =	ssyncadd.s32 $0xFFFFFFFF  }
0xb5: {  	_ =	strace $0x90000060  }
0xb6: {  	_ =	sfence  }
0xb7: {  	s30 =	sld [smem:$0x0];
	_ =	sdelay $0x2  }
0xb8: {  	s31 =	sshll.u32 s1, $0xD;
	s1 =	sshrl.u32 s1, $0x2  }
0xb9: {  	s3 =	sand.u32 $0x4000, s31;
	s1 =	sadd.s32 s1, s30  }
0xba: {  	s0 =	sor.u32 s3, s0;
	s1 =	sshll.u32 s1, $0x11  }
0xbb: {  	s0 =	sor.u32 s1, s0  }
0xbc: {  	s0 =	sadd.s32 $0x8F2B, s0  }
0xbd: {  	[sflag:s0] =	ssyncadd.remote.s32 $0x1  }
0xbe: {  	_ =	sfence.sel $0xFFFF  }
0xbf: {  	[dreg:$0x0] =	wrdreg $0xFFFFFFFF;
	(pc) =	sbr.abs _section_cstart, $3  }
0xc0: {  	[dreg:$0x1] =	wrdreg $0xFFFFFFFF  }
0xc1: {  	_ =	task.clear_ibuf [dreg:s6], $0x2FFFF;
	_ =	strace $0x9FFFFFFF  }
0xc2: {  	(tm) =	ssettm $0x7FFFFFFF  }
0xc3: {  	_ =	shalt  }
tec
execute0_lowered:
.L_overlay_start_1:
0x0: {  	(tag) =	ssettag $0x1  }
0x1: {  	s5 =	rddreg [dreg:$0x0]  }
0x2: {  	s1 =	rddreg [dreg:$0x1]  }
0x3: {  	s0 =	rddreg [dreg:$0x2];
	s3 =	simm.s32 $0x0;
	s2 =	srdreg.scid  }
0x4: {  	s17 =	simm.s32 $0x2;
	s18 =	simm.s32 $0x4000;
	s19 =	simm.s32 $0x8000  }
0x5: {  	s20 =	simm.s32 $0x50;
	[smem:$0x7FF] =	sst s3;
	s6 =	sand.u32 $0x1, s2  }
0x6: {  	s21 =	simm.s32 $0x1;
	s2 =	stileid.u32;
	s7 =	smul.u32 $0x140000, s6  }
0x7: {  	s4 =	sadd.s32 $0x2DA00, s5;
	s8 =	smul.u32 $0x14000, s2;
	s9 =	sshll.u32 s2, $0xC  }
0x8: {  	s10 =	sshll.u32 s6, $0xB;
	s29 =	smul.u32 $0x50000, s2;
	s6 =	ssub.s32 $0x2, s6  }
0x9: {  	_ =	strace $0x8000005F;
	s9 =	sor.u32 s10, s9;
	s30 =	sshrl.u32 s6, $0x1  }
0xa: {  	s7 =	sadd.s32 s8, s7;
	s9 =	sadd.s32 s9, s5;
	s31 =	sshrl.u32 s29, $0x2  }
0xb: {  	s16 =	ssub.s32 s6, s30;
	s7 =	sshrl.u32 s7, $0x3;
	s6 =	sadd.s32 s31, s1  }
0xc: {  	s16 =	smax.u32 s16, $0x1;
	s15 =	sadd.s32 s7, s5;
	s5 =	sadd.s32 $0x1DA00, s9  }
0xd: {  	s7 =	sadd.s32 $0xDA00, s9;
	s8 =	sadd.s32 $0x2800, s6;
	s9 =	sadd.s32 $0x5000, s6  }
0xe: {  	s10 =	sadd.s32 $0x7800, s6;
	s11 =	sadd.s32 $0xA000, s6;
	s12 =	sadd.s32 $0xC800, s6  }
0xf: {  	v0 =	vimm.f32 $0.0e+00;
	s13 =	sadd.s32 $0xF000, s6;
	s14 =	sadd.s32 $0x11800, s6;
	s15 =	sadd.s32 $0x54C00, s15  }
.LBB2_1:
0x10: {  	s22 =	simm.s32 $0x0;
	s23 =	simm.s32 $0x200  }
.LBB2_2:
0x11: {  	p0 =	sne.s32 s23, $0x9E00;
	[tilespmem:s22+$0x8070] =	vst v0  }
0x12: {  	[tilespmem:s22+$0x8000] =	vst v0  }
0x13: {  	[tilespmem:s22+$0x8010] =	vst v0  }
.Ltmp0:
0x14: {  	[tilespmem:s22+$0x8020] =	vst v0;
	(pc) =	sbr.rel @p0 .LBB2_2-.Ltmp0, $4  }
0x15: {  	[tilespmem:s22+$0x8030] =	vst v0  }
0x16: {  	[tilespmem:s22+$0x8040] =	vst v0  }
0x17: {  	[tilespmem:s22+$0x8050] =	vst v0  }
0x18: {  	[tilespmem:s22+$0x8060] =	vst v0;
	s22 =	sshra.s32 s23, $0x2;
	s23 =	sadd.s32 $0x200, s23  }
0x19: {  	[tilespmem:s22+$0x8070] =	vst v0  }
0x1a: {  	[tilespmem:s22+$0x8000] =	vst v0  }
0x1b: {  	[tilespmem:s22+$0x8010] =	vst v0  }
0x1c: {  	[tilespmem:s22+$0x8020] =	vst v0  }
0x1d: {  	[tilespmem:s22+$0x8030] =	vst v0  }
0x1e: {  	[tilespmem:s22+$0x8040] =	vst v0  }
0x1f: {  	[tilespmem:s22+$0x8050] =	vst v0  }
0x20: {  	[tilespmem:s22+$0x8060] =	vst v0;
	s29 =	simm.s32 $0x0  }
0x21: {  	[tilespmem:s29], [sflag:$0x2] =	stream.linear.gather [hbm4b:s5+s29], $0x3E80, $0x38;
	[tilespmem:$0x1E800] =	vst v63  }
0x22: {  	_ =	swait.ge [sflag:s17], $0x3E80  }
0x23: {  	[sflag:s17] =	ssyncset.done $0x0  }
0x24: {  	[sflag:s17] =	ssyncadd.s32 $0xFFFFC180  }
0x25: {  	[tilespmem:s18], [sflag:$0x2] =	stream.linear.gather [hbm4b:s7+s29], $0x3E80, $0x38;
	[tilespmem:$0x1E800] =	vst v63  }
0x26: {  	_ =	swait.ge [sflag:s17], $0x3E80  }
0x27: {  	[sflag:s17] =	ssyncset.done $0x0  }
0x28: {  	[sflag:s17] =	ssyncadd.s32 $0xFFFFC180  }
0x29: {  	[spmem:s6] =	stream.linear.scatter [tilespmem:s19], [sflag:$0x2], $0x2800, $0x38;
	[tilespmem:$0x1E800] =	vst v63  }
0x2a: {  	_ =	swait.ge [sflag:s17], $0x2800  }
0x2b: {  	[sflag:s17] =	ssyncset.done $0x0  }
0x2c: {  	[sflag:s17] =	ssyncadd.s32 $0xFFFFD800  }
0x2d: {  	[spmem:s8] =	stream.linear.scatter [tilespmem:s19], [sflag:$0x2], $0x2800, $0x38;
	[tilespmem:$0x1E800] =	vst v63  }
0x2e: {  	_ =	swait.ge [sflag:s17], $0x2800  }
0x2f: {  	[sflag:s17] =	ssyncset.done $0x0  }
0x30: {  	[sflag:s17] =	ssyncadd.s32 $0xFFFFD800  }
0x31: {  	[spmem:s9] =	stream.linear.scatter [tilespmem:s19], [sflag:$0x2], $0x2800, $0x38;
	[tilespmem:$0x1E800] =	vst v63  }
0x32: {  	_ =	swait.ge [sflag:s17], $0x2800  }
0x33: {  	[sflag:s17] =	ssyncset.done $0x0  }
0x34: {  	[sflag:s17] =	ssyncadd.s32 $0xFFFFD800  }
0x35: {  	[spmem:s10] =	stream.linear.scatter [tilespmem:s19], [sflag:$0x2], $0x2800, $0x38;
	[tilespmem:$0x1E800] =	vst v63  }
0x36: {  	_ =	swait.ge [sflag:s17], $0x2800  }
0x37: {  	[sflag:s17] =	ssyncset.done $0x0  }
0x38: {  	[sflag:s17] =	ssyncadd.s32 $0xFFFFD800  }
0x39: {  	[spmem:s11] =	stream.linear.scatter [tilespmem:s19], [sflag:$0x2], $0x2800, $0x38;
	[tilespmem:$0x1E800] =	vst v63  }
0x3a: {  	_ =	swait.ge [sflag:s17], $0x2800  }
0x3b: {  	[sflag:s17] =	ssyncset.done $0x0  }
0x3c: {  	[sflag:s17] =	ssyncadd.s32 $0xFFFFD800  }
0x3d: {  	[spmem:s12] =	stream.linear.scatter [tilespmem:s19], [sflag:$0x2], $0x2800, $0x38;
	[tilespmem:$0x1E800] =	vst v63  }
0x3e: {  	_ =	swait.ge [sflag:s17], $0x2800  }
0x3f: {  	[sflag:s17] =	ssyncset.done $0x0  }
0x40: {  	[sflag:s17] =	ssyncadd.s32 $0xFFFFD800  }
0x41: {  	[spmem:s13] =	stream.linear.scatter [tilespmem:s19], [sflag:$0x2], $0x2800, $0x38;
	[tilespmem:$0x1E800] =	vst v63  }
0x42: {  	_ =	swait.ge [sflag:s17], $0x2800  }
0x43: {  	[sflag:s17] =	ssyncset.done $0x0  }
0x44: {  	[sflag:s17] =	ssyncadd.s32 $0xFFFFD800  }
0x45: {  	[spmem:s14] =	stream.linear.scatter [tilespmem:s19], [sflag:$0x2], $0x2800, $0x38;
	[tilespmem:$0x1E800] =	vst v63  }
0x46: {  	_ =	swait.ge [sflag:s17], $0x2800  }
0x47: {  	[sflag:s17] =	ssyncset.done $0x0  }
0x48: {  	[sflag:s17] =	ssyncadd.s32 $0xFFFFD800  }
0x49: {  	s30 =	simm.s32 $0x0;
	[bflag:$0x0] =	sbarrier.arrive $0xFFFF  }
0x4a: {  	[tilespmem:s19], [sflag:$0x1] =	stream.indirect.gather [hbm4b:s4+s20], $0x80, s30, s20, $0xb8;
	[tilespmem:$0x1E800] =	vst v63  }
0x4b: {  	_ =	swait.ge [sflag:s21], $0x2800  }
0x4c: {  	[sflag:s21] =	ssyncset.done $0x0  }
0x4d: {  	s31 =	simm.s32 $0x4000;
	[sflag:s21] =	ssyncadd.s32 $0xFFFFD800  }
0x4e: {  	[spmem:s1] =	stream.indirect.scatter.add.f32 [tilespmem:s19], [sflag:$0x2], $0x80, s31, s20, $0xb8;
	[tilespmem:$0x1E800] =	vst v63  }
0x4f: {  	_ =	swait.ge [sflag:s17], $0x2800  }
0x50: {  	s22 =	simm.s32 $0x200;
	s23 =	simm.s32 $0x400;
	[sflag:s17] =	ssyncset.done $0x0  }
.LBB2_4:
0x51: {  	s24 =	sshra.s32 s22, $0x2  }
0x52: {  	[sflag:s17] =	ssyncadd.s32 $0xFFFFD800;
	s22 =	smov.u32 s23;
	s25 =	sadd.s32 $0x200, s23  }
0x53: {  	[tilespmem:s19], [sflag:$0x1] =	stream.indirect.gather [hbm4b:s4+s20], $0x80, s24, s20, $0xb8;
	[tilespmem:$0x1E800] =	vst v63  }
0x54: {  	p0 =	sne.s32 s23, $0xF800;
	_ =	swait.ge [sflag:s21], $0x2800  }
.Ltmp1:
0x55: {  	[sflag:s21] =	ssyncset.done $0x0;
	(pc) =	sbr.rel @p0 .LBB2_4-.Ltmp1, $4  }
0x56: {  	s23 =	sadd.s32 $0x4000, s24;
	[sflag:s21] =	ssyncadd.s32 $0xFFFFD800  }
0x57: {  	[spmem:s1] =	stream.indirect.scatter.add.f32 [tilespmem:s19], [sflag:$0x2], $0x80, s23, s20, $0xb8;
	[tilespmem:$0x1E800] =	vst v63  }
0x58: {  	_ =	swait.ge [sflag:s17], $0x2800  }
0x59: {  	s23 =	smov.u32 s25;
	[sflag:s17] =	ssyncset.done $0x0  }
0x5a: {  	s22 =	sshra.s32 s22, $0x2;
	[sflag:s17] =	ssyncadd.s32 $0xFFFFD800  }
0x5b: {  	[tilespmem:s19], [sflag:$0x1] =	stream.indirect.gather [hbm4b:s4+s20], $0x80, s22, s20, $0xb8;
	[tilespmem:$0x1E800] =	vst v63  }
0x5c: {  	_ =	swait.ge [sflag:s21], $0x2800  }
0x5d: {  	[sflag:s21] =	ssyncset.done $0x0  }
0x5e: {  	s22 =	sadd.s32 $0x4000, s22;
	[sflag:s21] =	ssyncadd.s32 $0xFFFFD800  }
0x5f: {  	[spmem:s1] =	stream.indirect.scatter.add.f32 [tilespmem:s19], [sflag:$0x2], $0x80, s22, s20, $0xb8;
	[tilespmem:$0x1E800] =	vst v63  }
0x60: {  	_ =	swait.ge [sflag:s17], $0x2800  }
0x61: {  	s31 =	sshll.u32 s2, $0x6;
	s3 =	sadd.s32 $0x1, s3;
	[sflag:s17] =	ssyncset.done $0x0  }
0x62: {  	s23 =	sshrl.u32 s6, $0x3;
	p0 =	sne.s32 s3, s16;
	[sflag:s17] =	ssyncadd.s32 $0xFFFFD800  }
.Ltmp2:
0x63: {  	s22 =	sor.u32 $0x1C02, s31;
	[bflag:$0x0] =	sbarrier.arrive $0xFFFF;
	(pc) =	sbr.rel @p0 .LBB2_1-.Ltmp2, $4  }
0x64: {  	[hbm:s15], [sflag:s22] =	dma.local [spmem:s23], $0x2800  }
0x65: {  	_ =	swait.ge [sflag:s17], $0x2800  }
0x66: {  	[sflag:s17] =	ssyncset.done $0x0  }
0x67: {  	[sflag:s17] =	ssyncadd.s32 $0xFFFFD800  }
0x68: {  	_ =	sfence.sel $0x180000  }
0x69: {  	[bflag:$0x0] =	sbarrier.arrive $0xFFFF  }
0x6a: {  	p0 =	sne.s32 s2, $0x0;
	_ =	strace $0x9000005F  }
0x6b: {  	s0 =	sadd.s32 @!p0 $0x100000, s0;
	[bflag:$0x2] =	sbarrier.arrive $0xFFFF  }
0x6c: {  	[sflag:s0] =	ssyncadd.tile.s32 @!p0 $0x1;
	_ =	shalt  }
.Lfunc_end2:
_tile_overlayer_lowered:
.L_overlay_start_2:
0x6d: {  	(tag) =	ssettag $0x2  }
0x6e: {  	s0 =	rddreg [dreg:$0x0];
	s2 =	stileid.u32  }
0x6f: {  	s1 =	rddreg [dreg:$0x1];
	p0 =	sne.s32 s2, $0x0  }
0x70: {  	s3 =	rddreg [dreg:$0x2];
	[bflag:$0x3] =	sbarrier.arrive $0xFFFF;
	s2 =	simm.s32 @!p0 $0x1C02  }
0x71: {  	[timem:s3], [sflag:s2] =	dma.local @!p0 [hbm:s0], s1  }
0x72: {  	s0 =	simm.s32 @!p0 $0x2  }
0x73: {  	_ =	swait.ge @!p0 [sflag:s0], s1  }
0x74: {  	s1 =	ssub.s32 @!p0 $0x0, s1;
	[sflag:s0] =	ssyncset.done @!p0 $0x0  }
0x75: {  	[sflag:s0] =	ssyncadd.s32 @!p0 s1  }
0x76: {  	[bflag:$0x3] =	sbarrier.arrive $0xFFFF  }
0x77: {  	_ =	shalt  }

</sc_bundles>
